<compile_context>
chip_gen: v7x
topology: tpu7x:2x2x1
jax: 0.10.2.dev20260603
libtpu: 0.0.44.dev20260713+nightly
codegen_flags: <defaults>
</compile_context>

<pallas_src>
import functools

import jax
import jax.numpy as jnp
from jax import lax
from jax.experimental import pallas as pl
from jax.experimental.pallas import tpu as pltpu
from jax.experimental.pallas import tpu_sc as plsc

_NC = 2
_NS = 16
_NW = _NC * _NS
_CH = 80
_GCH = 80


def _mesh():
    return plsc.VectorSubcoreMesh(core_axis_name="c", subcore_axis_name="s")


@functools.lru_cache(maxsize=None)
def _make_spmm(n, npad, d, e, with_count):
    epw = e // _NW
    nch = epw // _CH
    assert epw * _NW == e and nch * _CH == epw and nch % 2 == 1
    wr = npad // _NS
    wch = wr // _CH
    assert wch * _CH == wr and wr % 8 == 0

    out_type = [jax.ShapeDtypeStruct((_NC * npad, d), jnp.float32)]
    scratch = [
        pltpu.VMEM_SHARED((npad, d), jnp.float32),
        pltpu.VMEM((epw,), jnp.int32),
        pltpu.VMEM((nch, _CH), jnp.int32),
        pltpu.VMEM((_CH, d), jnp.float32),
        pltpu.VMEM((_CH, d), jnp.float32),
        pltpu.SemaphoreType.DMA,
        pltpu.SemaphoreType.DMA,
        pltpu.SemaphoreType.DMA,
    ]
    if with_count:
        out_type.append(jax.ShapeDtypeStruct((_NC * npad,), jnp.float32))
        scratch.append(pltpu.VMEM((_CH,), jnp.float32))
        scratch.append(pltpu.VMEM((wr,), jnp.float32))
        scratch.append(pltpu.VMEM_SHARED((npad,), jnp.float32))

    def body(feat, src2, dst3, zf, out, src_v, dst_v, rows, rows2, acc,
             sem, sem2, semw, zc=None, of=None, cnt_out=None, ones=None,
             crow=None, cacc=None):
        c = lax.axis_index("c")
        s = lax.axis_index("s")
        wid = s * _NC + c

        def g_start(jj, buf, sm):
            pltpu.async_copy(feat.at[src_v.at[pl.ds(jj * _CH, _CH)]],
                             buf, sm)

        def g_wait(buf, sm):
            pltpu.make_async_copy(feat.at[src_v.at[pl.ds(0, _CH)]],
                                  buf, sm).wait()

        pltpu.sync_copy(zf, rows)
        for t in range(wch):
            pltpu.async_copy(rows, acc.at[pl.ds(s * wr + t * _CH, _CH)],
                             semw)
        if with_count:
            pltpu.sync_copy(zc, crow)
            pltpu.async_copy(crow, cacc.at[pl.ds(s * wr, wr)], semw)
        pltpu.sync_copy(src2.at[wid], src_v)
        pltpu.sync_copy(dst3.at[wid], dst_v)
        if with_count:
            pltpu.sync_copy(of, ones)
        for t in range(wch):
            pltpu.make_async_copy(
                rows, acc.at[pl.ds(s * wr, _CH)], semw).wait()
        if with_count:
            pltpu.make_async_copy(
                crow, cacc.at[pl.ds(s * wr, wr)], semw).wait()
        plsc.subcore_barrier()

        g_start(0, rows, sem)
        g_start(1, rows2, sem2)

        def step(i, carry):
            j = 2 * i
            g_wait(rows, sem)
            pltpu.sync_copy(rows, acc.at[dst_v.at[j]], add=True)
            if with_count:
                pltpu.sync_copy(ones, cacc.at[dst_v.at[j]], add=True)
            g_start(j + 2, rows, sem)
            g_wait(rows2, sem2)
            pltpu.sync_copy(rows2, acc.at[dst_v.at[j + 1]], add=True)
            if with_count:
                pltpu.sync_copy(ones, cacc.at[dst_v.at[j + 1]], add=True)
            g_start(jnp.minimum(j + 3, nch - 1), rows2, sem2)
            return carry

        lax.fori_loop(0, nch // 2, step, 0)
        g_wait(rows, sem)
        pltpu.sync_copy(rows, acc.at[dst_v.at[nch - 1]], add=True)
        if with_count:
            pltpu.sync_copy(ones, cacc.at[dst_v.at[nch - 1]], add=True)
        g_wait(rows2, sem2)
        plsc.subcore_barrier()

        bufs = (rows, rows2)
        for t in range(wch):
            cur = bufs[t % 2]
            if t >= 2:
                pltpu.make_async_copy(
                    cur, out.at[pl.ds(c * npad, _CH)], semw).wait()
            r0 = s * wr + t * _CH
            pltpu.sync_copy(acc.at[pl.ds(r0, _CH)], cur)
            pltpu.async_copy(cur, out.at[pl.ds(c * npad + r0, _CH)], semw)
        for t in range(min(wch, 2)):
            pltpu.make_async_copy(
                rows, out.at[pl.ds(c * npad, _CH)], semw).wait()
        if with_count:
            pltpu.sync_copy(cacc.at[pl.ds(s * wr, wr)], crow)
            pltpu.sync_copy(crow, cnt_out.at[pl.ds(c * npad + s * wr, wr)])

    if with_count:
        @functools.partial(pl.kernel, out_type=out_type, mesh=_mesh(),
                           scratch_types=scratch)
        def k(feat, src2, dst3, zf, zc, of, out, cnt_out,
              acc, src_v, dst_v, rows, rows2, sem, sem2, semw,
              ones, crow, cacc):
            body(feat, src2, dst3, zf, out, src_v, dst_v, rows, rows2, acc,
                 sem, sem2, semw, zc=zc, of=of, cnt_out=cnt_out, ones=ones,
                 crow=crow, cacc=cacc)
        return k

    @functools.partial(pl.kernel, out_type=out_type, mesh=_mesh(),
                       scratch_types=scratch)
    def k(feat, src2, dst3, zf, out, acc, src_v, dst_v, rows, rows2,
          sem, sem2, semw):
        body(feat, src2, dst3, zf, out, src_v, dst_v, rows, rows2, acc,
             sem, sem2, semw)
    return k


@functools.lru_cache(maxsize=None)
def _make_rowgather(npad, d):
    per = npad // _NW
    nch = per // _GCH
    assert per * _NW == npad and nch * _GCH == per

    @functools.partial(
        pl.kernel,
        out_type=jax.ShapeDtypeStruct((npad, d), jnp.float32),
        mesh=_mesh(),
        scratch_types=[
            pltpu.VMEM((nch, _GCH), jnp.int32),
            pltpu.VMEM((_GCH, d), jnp.float32),
            pltpu.SemaphoreType.DMA,
        ])
    def k(feat, idx3, out, idx_v, rows, sem):
        c = lax.axis_index("c")
        s = lax.axis_index("s")
        wid = s * _NC + c
        pltpu.sync_copy(idx3.at[wid], idx_v)
        for j in range(nch):
            pltpu.async_copy(feat.at[idx_v.at[j]], rows, sem).wait()
            pltpu.sync_copy(rows, out.at[pl.ds(wid * per + j * _GCH, _GCH)])
    return k


@functools.lru_cache(maxsize=None)
def _make_layer(n, d, h, b=400):
    assert n % b == 0

    def body(agg_ref, cnt_ref, x_ref, wl_ref, bl_ref, wr_ref, a_ref,
             h_ref, sum_ref):
        i = pl.program_id(0)
        agg = agg_ref[0] + agg_ref[1]
        cnt = cnt_ref[...]
        denom = jnp.maximum(cnt[:, 0:1] + cnt[:, 1:2], 1.0)
        mean = agg / denom
        out = (jnp.dot(mean, wl_ref[...], preferred_element_type=jnp.float32)
               + bl_ref[...]
               + jnp.dot(x_ref[...], wr_ref[...],
                         preferred_element_type=jnp.float32))
        nrm = jnp.sqrt(jnp.sum(out * out, axis=1, keepdims=True))
        out = out / jnp.maximum(nrm, 1e-12)
        hh = jnp.where(out >= 0, out, a_ref[...] * out)
        h_ref[...] = hh

        @pl.when(i == 0)
        def _():
            sum_ref[...] = jnp.zeros_like(sum_ref)
        sum_ref[...] += jnp.sum(hh, axis=0, keepdims=True)

    return pl.pallas_call(
        body,
        grid=(n // b,),
        in_specs=[
            pl.BlockSpec((2, b, d), lambda i: (0, i, 0)),
            pl.BlockSpec((b, 2), lambda i: (i, 0)),
            pl.BlockSpec((b, d), lambda i: (i, 0)),
            pl.BlockSpec((d, h), lambda i: (0, 0)),
            pl.BlockSpec((1, h), lambda i: (0, 0)),
            pl.BlockSpec((d, h), lambda i: (0, 0)),
            pl.BlockSpec((1, h), lambda i: (0, 0)),
        ],
        out_specs=[pl.BlockSpec((b, h), lambda i: (i, 0)),
                   pl.BlockSpec((1, h), lambda i: (0, 0))],
        out_shape=[jax.ShapeDtypeStruct((n, h), jnp.float32),
                   jax.ShapeDtypeStruct((1, h), jnp.float32)],
    )


@functools.lru_cache(maxsize=None)
def _make_final(n, h, b=400):
    assert n % b == 0
    inv_n = 1.0 / n

    def body(pos_ref, neg_ref, psum_ref, wd_ref, nc_ref, out_ref):
        i = pl.program_id(0)
        summary = 1.0 / (1.0 + jnp.exp(-psum_ref[...] / nc_ref[...]))
        sv = jnp.sum(wd_ref[...] * summary, axis=1)
        ps = jnp.sum(pos_ref[...] * sv[None, :], axis=1)
        ns = jnp.sum(neg_ref[...] * sv[None, :], axis=1)

        def sp(v):
            return jnp.maximum(v, 0.0) + jnp.log(1.0 + jnp.exp(-jnp.abs(v)))

        part = (jnp.sum(sp(-ps)) + jnp.sum(sp(ns))) * inv_n

        @pl.when(i == 0)
        def _():
            out_ref[...] = jnp.zeros_like(out_ref)
        out_ref[...] += part

    return pl.pallas_call(
        body,
        grid=(n // b,),
        in_specs=[
            pl.BlockSpec((b, h), lambda i: (i, 0)),
            pl.BlockSpec((b, h), lambda i: (i, 0)),
            pl.BlockSpec((1, h), lambda i: (0, 0)),
            pl.BlockSpec((h, h), lambda i: (0, 0)),
            pl.BlockSpec((1, 1), lambda i: (0, 0)),
        ],
        out_specs=pl.BlockSpec((1, 1), lambda i: (0, 0)),
        out_shape=jax.ShapeDtypeStruct((1, 1), jnp.float32),
    )


def kernel(x, edge_index, node_cnt, Wl1, bl1, Wr1, a1, Wl2, bl2, Wr2, a2, Wd):
    n, d = x.shape
    h = Wl1.shape[1]
    e = edge_index.shape[1]

    src2 = edge_index[0].reshape(_NW, -1)
    dst3 = edge_index[1].reshape(_NW, -1, _CH)

    perm = jax.random.permutation(jax.random.key(42), n)
    unit = _NW * _GCH
    npad = ((n + unit - 1) // unit) * unit
    pad = npad - n
    perm_pad = jnp.concatenate(
        [perm.astype(jnp.int32),
         (jnp.arange(pad, dtype=jnp.int32) % n)]).reshape(_NW, -1, _GCH)

    xp = _make_rowgather(npad, d)(x, perm_pad)

    zf = jnp.zeros((_CH, d), jnp.float32)
    zc = jnp.zeros((npad // _NS,), jnp.float32)
    of = jnp.ones((_CH,), jnp.float32)

    aggx, cntf = _make_spmm(n, npad, d, e, True)(x, src2, dst3, zf, zc, of)
    (aggxp,) = _make_spmm(n, npad, d, e, False)(xp, src2, dst3, zf)
    cnt2 = jnp.transpose(cntf.reshape(2, npad))

    layer1 = _make_layer(n, d, h)
    bl1r, a1r = bl1.reshape(1, h), a1.reshape(1, h)
    h_pos, _ = layer1(aggx.reshape(2, npad, d), cnt2, x, Wl1, bl1r, Wr1, a1r)
    h_neg, _ = layer1(aggxp.reshape(2, npad, d), cnt2, xp, Wl1, bl1r, Wr1,
                      a1r)

    (aggh,) = _make_spmm(n, npad, h, e, False)(h_pos, src2, dst3, zf)
    (aggg,) = _make_spmm(n, npad, h, e, False)(h_neg, src2, dst3, zf)

    layer2 = _make_layer(n, h, h)
    bl2r, a2r = bl2.reshape(1, h), a2.reshape(1, h)
    pos, psum = layer2(aggh.reshape(2, npad, h), cnt2, h_pos, Wl2, bl2r,
                       Wr2, a2r)
    neg, _ = layer2(aggg.reshape(2, npad, h), cnt2, h_neg, Wl2, bl2r,
                    Wr2, a2r)

    ncf = jnp.asarray(node_cnt, jnp.float32).reshape(1, 1)
    loss = _make_final(n, h)(pos, neg, psum, Wd, ncf)
    return loss.reshape(())

# --- scband reference (transcript-rebuilt; emitter-appended) ---
"""Pipeline reference for scband-infomax-91173565760013 (READ-ONLY COPY).

The authoritative reference and input builder live on the scoring server;
editing this copy changes nothing except your own understanding.
"""

import jax, jax.numpy as jnp
import numpy as np

N = 10000
E = 320000
D = 128
H = 128


def _uniform(key, shape, size):
    bound = 1.0 / np.sqrt(size)
    return jax.random.uniform(key, shape, minval=-bound, maxval=bound, dtype=jnp.float32)


def setup_inputs(seed: int = 0) -> dict:
    key = jax.random.key(seed)
    ks = jax.random.split(key, 12)
    x = jax.random.normal(ks[0], (N, D), dtype=jnp.float32)
    edge_index = jax.random.randint(ks[1], (2, E), 0, N, dtype=jnp.int32)
    Wl1 = _uniform(ks[2], (D, H), H)
    bl1 = jnp.zeros((H,), dtype=jnp.float32)
    Wr1 = _uniform(ks[3], (D, H), H)
    a1 = jnp.full((H,), 0.25, dtype=jnp.float32)
    Wl2 = _uniform(ks[4], (H, H), H)
    bl2 = jnp.zeros((H,), dtype=jnp.float32)
    Wr2 = _uniform(ks[5], (H, H), H)
    a2 = jnp.full((H,), 0.25, dtype=jnp.float32)
    Wd = _uniform(ks[6], (H, H), H)
    return {"x": x, "edge_index": edge_index, "node_cnt": N,
            "Wl1": Wl1, "bl1": bl1, "Wr1": Wr1, "a1": a1,
            "Wl2": Wl2, "bl2": bl2, "Wr2": Wr2, "a2": a2, "Wd": Wd}


def _sage_conv(x, edge_index, Wl, bl, Wr, n):
    src = edge_index[0]
    dst = edge_index[1]
    msg = jnp.take(x, src, axis=0)
    agg = jax.ops.segment_sum(msg, dst, num_segments=n)
    cnt = jax.ops.segment_sum(jnp.ones((edge_index.shape[1],), jnp.float32), dst, num_segments=n)
    mean = agg / jnp.clip(cnt, 1.0)[:, None]
    out = mean @ Wl + bl + x @ Wr
    nrm = jnp.linalg.norm(out, axis=-1, keepdims=True)
    return out / jnp.clip(nrm, 1e-12)


def _prelu(x, a):
    return jnp.where(x >= 0, x, a * x)


def _encoder(x, edge_index, n, Wl1, bl1, Wr1, a1, Wl2, bl2, Wr2, a2):
    h = _prelu(_sage_conv(x, edge_index, Wl1, bl1, Wr1, n), a1)
    h = _prelu(_sage_conv(h, edge_index, Wl2, bl2, Wr2, n), a2)
    return h


def reference(x, edge_index, node_cnt, Wl1, bl1, Wr1, a1, Wl2, bl2, Wr2, a2, Wd):
    n = x.shape[0]
    perm = jax.random.permutation(jax.random.key(42), n)
    pos = _encoder(x, edge_index, n, Wl1, bl1, Wr1, a1, Wl2, bl2, Wr2, a2)
    neg = _encoder(jnp.take(x, perm, axis=0), edge_index, n, Wl1, bl1, Wr1, a1, Wl2, bl2, Wr2, a2)
    summary = jax.nn.sigmoid(pos.sum(axis=0) / jnp.asarray(node_cnt, jnp.float32))
    pos_score = pos @ (Wd @ summary)
    neg_score = neg @ (Wd @ summary)
    l1 = jnp.mean(jax.nn.softplus(-pos_score))
    l2 = jnp.mean(jax.nn.softplus(neg_score))
    return l1 + l2

if __name__ == "__main__":
    import jax
    _d = setup_inputs()
    print(jax.jit(kernel)(*tuple(_d.values())))

</pallas_src>

<mosaic_0001>
#map = affine_map<(d0, d1) -> (0, 0)>
#map1 = affine_map<(d0, d1) -> (0, 0, 0)>
module attributes {stable_mosaic.version = 14 : i64} {
  func.func @k(%arg0: i32, %arg1: i32, %arg2: memref<10240x128xf32, #tpu.memory_space<hbm>>, %arg3: memref<32x10000xi32, #tpu.memory_space<hbm>>, %arg4: memref<32x125x80xi32, #tpu.memory_space<hbm>>, %arg5: memref<80x128xf32, #tpu.memory_space<hbm>>, %arg6: memref<20480x128xf32, #tpu.memory_space<hbm>>, %arg7: memref<10240x128xf32, #tpu.memory_space<vmem_shared>>, %arg8: memref<10000xi32, #tpu.memory_space<vmem>>, %arg9: memref<125x80xi32, #tpu.memory_space<vmem>>, %arg10: memref<80x128xf32, #tpu.memory_space<vmem>>, %arg11: memref<80x128xf32, #tpu.memory_space<vmem>>, %arg12: memref<!tpu.dma_semaphore, #tpu.memory_space<semaphore_mem>>, %arg13: memref<!tpu.dma_semaphore, #tpu.memory_space<semaphore_mem>>, %arg14: memref<!tpu.dma_semaphore, #tpu.memory_space<semaphore_mem>>) attributes {dimension_semantics = [#tpu.dimension_semantics<core_parallel>, #tpu.dimension_semantics<subcore_parallel>], iteration_bounds = array<i64: 2, 16>, scalar_prefetch = 0 : i64, scratch_operands = 8 : i64, tpu.core_type = #tpu.core_type<sc_vector_subcore>, window_params = [{transform_indices = #map}, {transform_indices = #map}, {transform_indices = #map1}, {transform_indices = #map}, {transform_indices = #map}]} {
    %mul3A = arith.constant 2 : i32
    %mul3A_0 = arith.muli %arg1, %mul3A : i32
    %add3A = arith.addi %mul3A_0, %arg0 : i32
    "tpu.region"() ({
      %run_scoped3A_273 = tpu.sem_alloc : memref<!tpu.dma_semaphore, #tpu.memory_space<semaphore_mem>>
      tpu.enqueue_dma source(%arg5 : memref<80x128xf32, #tpu.memory_space<hbm>>) target(%arg10 : memref<80x128xf32, #tpu.memory_space<vmem>>) target_semaphore(%run_scoped3A_273 : memref<!tpu.dma_semaphore, #tpu.memory_space<semaphore_mem>>)
      tpu.wait_dma2 semaphore(%run_scoped3A_273 : memref<!tpu.dma_semaphore, #tpu.memory_space<semaphore_mem>>) src(%arg5 : memref<80x128xf32, #tpu.memory_space<hbm>>) dst(%arg10 : memref<80x128xf32, #tpu.memory_space<vmem>>)
      tpu.yield
    }) : () -> ()
    %mul3A_1 = arith.constant 640 : i32
    %mul3A_2 = arith.muli %arg1, %mul3A_1 : i32
    %add3A_3 = arith.constant 0 : i32
    %add3A_4 = arith.addi %mul3A_2, %add3A_3 : i32
    %dma_start3A = arith.constant 0 : i32
    %dma_start3A_5 = tpu.memref_slice %arg7[%add3A_4, %dma_start3A] : memref<10240x128xf32, #tpu.memory_space<vmem_shared>> -> memref<80x128xf32, #tpu.memory_space<vmem_shared>>
    %dma_start3A_6 = arith.constant 0 : i32
    %dma_start3A_7 = tpu.memref_slice %arg7[%add3A_4, %dma_start3A_6] : memref<10240x128xf32, #tpu.memory_space<vmem_shared>> -> memref<80x128xf32, #tpu.memory_space<vmem_shared>>
    tpu.enqueue_dma source(%arg10 : memref<80x128xf32, #tpu.memory_space<vmem>>) target(%dma_start3A_7 : memref<80x128xf32, #tpu.memory_space<vmem_shared>>) target_semaphore(%arg14 : memref<!tpu.dma_semaphore, #tpu.memory_space<semaphore_mem>>)
    %mul3A_8 = arith.constant 640 : i32
    %mul3A_9 = arith.muli %arg1, %mul3A_8 : i32
    %add3A_10 = arith.constant 80 : i32
    %add3A_11 = arith.addi %mul3A_9, %add3A_10 : i32
    %dma_start3A_12 = arith.constant 0 : i32
    %dma_start3A_13 = tpu.memref_slice %arg7[%add3A_11, %dma_start3A_12] : memref<10240x128xf32, #tpu.memory_space<vmem_shared>> -> memref<80x128xf32, #tpu.memory_space<vmem_shared>>
    %dma_start3A_14 = arith.constant 0 : i32
    %dma_start3A_15 = tpu.memref_slice %arg7[%add3A_11, %dma_start3A_14] : memref<10240x128xf32, #tpu.memory_space<vmem_shared>> -> memref<80x128xf32, #tpu.memory_space<vmem_shared>>
    tpu.enqueue_dma source(%arg10 : memref<80x128xf32, #tpu.memory_space<vmem>>) target(%dma_start3A_15 : memref<80x128xf32, #tpu.memory_space<vmem_shared>>) target_semaphore(%arg14 : memref<!tpu.dma_semaphore, #tpu.memory_space<semaphore_mem>>)
    %mul3A_16 = arith.constant 640 : i32
    %mul3A_17 = arith.muli %arg1, %mul3A_16 : i32
    %add3A_18 = arith.constant 160 : i32
    %add3A_19 = arith.addi %mul3A_17, %add3A_18 : i32
    %dma_start3A_20 = arith.constant 0 : i32
    %dma_start3A_21 = tpu.memref_slice %arg7[%add3A_19, %dma_start3A_20] : memref<10240x128xf32, #tpu.memory_space<vmem_shared>> -> memref<80x128xf32, #tpu.memory_space<vmem_shared>>
    %dma_start3A_22 = arith.constant 0 : i32
    %dma_start3A_23 = tpu.memref_slice %arg7[%add3A_19, %dma_start3A_22] : memref<10240x128xf32, #tpu.memory_space<vmem_shared>> -> memref<80x128xf32, #tpu.memory_space<vmem_shared>>
    tpu.enqueue_dma source(%arg10 : memref<80x128xf32, #tpu.memory_space<vmem>>) target(%dma_start3A_23 : memref<80x128xf32, #tpu.memory_space<vmem_shared>>) target_semaphore(%arg14 : memref<!tpu.dma_semaphore, #tpu.memory_space<semaphore_mem>>)
    %mul3A_24 = arith.constant 640 : i32
    %mul3A_25 = arith.muli %arg1, %mul3A_24 : i32
    %add3A_26 = arith.constant 240 : i32
    %add3A_27 = arith.addi %mul3A_25, %add3A_26 : i32
    %dma_start3A_28 = arith.constant 0 : i32
    %dma_start3A_29 = tpu.memref_slice %arg7[%add3A_27, %dma_start3A_28] : memref<10240x128xf32, #tpu.memory_space<vmem_shared>> -> memref<80x128xf32, #tpu.memory_space<vmem_shared>>
    %dma_start3A_30 = arith.constant 0 : i32
    %dma_start3A_31 = tpu.memref_slice %arg7[%add3A_27, %dma_start3A_30] : memref<10240x128xf32, #tpu.memory_space<vmem_shared>> -> memref<80x128xf32, #tpu.memory_space<vmem_shared>>
    tpu.enqueue_dma source(%arg10 : memref<80x128xf32, #tpu.memory_space<vmem>>) target(%dma_start3A_31 : memref<80x128xf32, #tpu.memory_space<vmem_shared>>) target_semaphore(%arg14 : memref<!tpu.dma_semaphore, #tpu.memory_space<semaphore_mem>>)
    %mul3A_32 = arith.constant 640 : i32
    %mul3A_33 = arith.muli %arg1, %mul3A_32 : i32
    %add3A_34 = arith.constant 320 : i32
    %add3A_35 = arith.addi %mul3A_33, %add3A_34 : i32
    %dma_start3A_36 = arith.constant 0 : i32
    %dma_start3A_37 = tpu.memref_slice %arg7[%add3A_35, %dma_start3A_36] : memref<10240x128xf32, #tpu.memory_space<vmem_shared>> -> memref<80x128xf32, #tpu.memory_space<vmem_shared>>
    %dma_start3A_38 = arith.constant 0 : i32
    %dma_start3A_39 = tpu.memref_slice %arg7[%add3A_35, %dma_start3A_38] : memref<10240x128xf32, #tpu.memory_space<vmem_shared>> -> memref<80x128xf32, #tpu.memory_space<vmem_shared>>
    tpu.enqueue_dma source(%arg10 : memref<80x128xf32, #tpu.memory_space<vmem>>) target(%dma_start3A_39 : memref<80x128xf32, #tpu.memory_space<vmem_shared>>) target_semaphore(%arg14 : memref<!tpu.dma_semaphore, #tpu.memory_space<semaphore_mem>>)
    %mul3A_40 = arith.constant 640 : i32
    %mul3A_41 = arith.muli %arg1, %mul3A_40 : i32
    %add3A_42 = arith.constant 400 : i32
    %add3A_43 = arith.addi %mul3A_41, %add3A_42 : i32
    %dma_start3A_44 = arith.constant 0 : i32
    %dma_start3A_45 = tpu.memref_slice %arg7[%add3A_43, %dma_start3A_44] : memref<10240x128xf32, #tpu.memory_space<vmem_shared>> -> memref<80x128xf32, #tpu.memory_space<vmem_shared>>
    %dma_start3A_46 = arith.constant 0 : i32
    %dma_start3A_47 = tpu.memref_slice %arg7[%add3A_43, %dma_start3A_46] : memref<10240x128xf32, #tpu.memory_space<vmem_shared>> -> memref<80x128xf32, #tpu.memory_space<vmem_shared>>
    tpu.enqueue_dma source(%arg10 : memref<80x128xf32, #tpu.memory_space<vmem>>) target(%dma_start3A_47 : memref<80x128xf32, #tpu.memory_space<vmem_shared>>) target_semaphore(%arg14 : memref<!tpu.dma_semaphore, #tpu.memory_space<semaphore_mem>>)
    %mul3A_48 = arith.constant 640 : i32
    %mul3A_49 = arith.muli %arg1, %mul3A_48 : i32
    %add3A_50 = arith.constant 480 : i32
    %add3A_51 = arith.addi %mul3A_49, %add3A_50 : i32
    %dma_start3A_52 = arith.constant 0 : i32
    %dma_start3A_53 = tpu.memref_slice %arg7[%add3A_51, %dma_start3A_52] : memref<10240x128xf32, #tpu.memory_space<vmem_shared>> -> memref<80x128xf32, #tpu.memory_space<vmem_shared>>
    %dma_start3A_54 = arith.constant 0 : i32
    %dma_start3A_55 = tpu.memref_slice %arg7[%add3A_51, %dma_start3A_54] : memref<10240x128xf32, #tpu.memory_space<vmem_shared>> -> memref<80x128xf32, #tpu.memory_space<vmem_shared>>
    tpu.enqueue_dma source(%arg10 : memref<80x128xf32, #tpu.memory_space<vmem>>) target(%dma_start3A_55 : memref<80x128xf32, #tpu.memory_space<vmem_shared>>) target_semaphore(%arg14 : memref<!tpu.dma_semaphore, #tpu.memory_space<semaphore_mem>>)
    %mul3A_56 = arith.constant 640 : i32
    %mul3A_57 = arith.muli %arg1, %mul3A_56 : i32
    %add3A_58 = arith.constant 560 : i32
    %add3A_59 = arith.addi %mul3A_57, %add3A_58 : i32
    %dma_start3A_60 = arith.constant 0 : i32
    %dma_start3A_61 = tpu.memref_slice %arg7[%add3A_59, %dma_start3A_60] : memref<10240x128xf32, #tpu.memory_space<vmem_shared>> -> memref<80x128xf32, #tpu.memory_space<vmem_shared>>
    %dma_start3A_62 = arith.constant 0 : i32
    %dma_start3A_63 = tpu.memref_slice %arg7[%add3A_59, %dma_start3A_62] : memref<10240x128xf32, #tpu.memory_space<vmem_shared>> -> memref<80x128xf32, #tpu.memory_space<vmem_shared>>
    tpu.enqueue_dma source(%arg10 : memref<80x128xf32, #tpu.memory_space<vmem>>) target(%dma_start3A_63 : memref<80x128xf32, #tpu.memory_space<vmem_shared>>) target_semaphore(%arg14 : memref<!tpu.dma_semaphore, #tpu.memory_space<semaphore_mem>>)
    "tpu.region"() ({
      %run_scoped3A_273 = tpu.sem_alloc : memref<!tpu.dma_semaphore, #tpu.memory_space<semaphore_mem>>
      %dma_start3A_274 = arith.constant 0 : i32
      %dma_start3A_275 = tpu.memref_slice %arg3[%add3A, %dma_start3A_274] : memref<32x10000xi32, #tpu.memory_space<hbm>> -> memref<1x10000xi32, #tpu.memory_space<hbm>>
      %dma_start3A_276 = tpu.memref_squeeze %dma_start3A_275 : memref<1x10000xi32, #tpu.memory_space<hbm>> -> memref<10000xi32, #tpu.memory_space<hbm>>
      %dma_start3A_277 = arith.constant 0 : i32
      %dma_start3A_278 = tpu.memref_slice %arg3[%add3A, %dma_start3A_277] : memref<32x10000xi32, #tpu.memory_space<hbm>> -> memref<1x10000xi32, #tpu.memory_space<hbm>>
      %dma_start3A_279 = tpu.memref_squeeze %dma_start3A_278 : memref<1x10000xi32, #tpu.memory_space<hbm>> -> memref<10000xi32, #tpu.memory_space<hbm>>
      tpu.enqueue_dma source(%dma_start3A_279 : memref<10000xi32, #tpu.memory_space<hbm>>) target(%arg8 : memref<10000xi32, #tpu.memory_space<vmem>>) target_semaphore(%run_scoped3A_273 : memref<!tpu.dma_semaphore, #tpu.memory_space<semaphore_mem>>)
      %dma_wait3A_280 = arith.constant 0 : i32
      %dma_wait3A_281 = tpu.memref_slice %arg3[%add3A, %dma_wait3A_280] : memref<32x10000xi32, #tpu.memory_space<hbm>> -> memref<1x10000xi32, #tpu.memory_space<hbm>>
      %dma_wait3A_282 = tpu.memref_squeeze %dma_wait3A_281 : memref<1x10000xi32, #tpu.memory_space<hbm>> -> memref<10000xi32, #tpu.memory_space<hbm>>
      %dma_wait3A_283 = arith.constant 0 : i32
      %dma_wait3A_284 = tpu.memref_slice %arg3[%add3A, %dma_wait3A_283] : memref<32x10000xi32, #tpu.memory_space<hbm>> -> memref<1x10000xi32, #tpu.memory_space<hbm>>
      %dma_wait3A_285 = tpu.memref_squeeze %dma_wait3A_284 : memref<1x10000xi32, #tpu.memory_space<hbm>> -> memref<10000xi32, #tpu.memory_space<hbm>>
      tpu.wait_dma2 semaphore(%run_scoped3A_273 : memref<!tpu.dma_semaphore, #tpu.memory_space<semaphore_mem>>) src(%dma_wait3A_285 : memref<10000xi32, #tpu.memory_space<hbm>>) dst(%arg8 : memref<10000xi32, #tpu.memory_space<vmem>>)
      tpu.yield
    }) : () -> ()
    "tpu.region"() ({
      %run_scoped3A_273 = tpu.sem_alloc : memref<!tpu.dma_semaphore, #tpu.memory_space<semaphore_mem>>
      %dma_start3A_274 = arith.constant 0 : i32
      %dma_start3A_275 = arith.constant 0 : i32
      %dma_start3A_276 = tpu.memref_slice %arg4[%add3A, %dma_start3A_274, %dma_start3A_275] : memref<32x125x80xi32, #tpu.memory_space<hbm>> -> memref<1x125x80xi32, #tpu.memory_space<hbm>>
      %dma_start3A_277 = tpu.memref_squeeze %dma_start3A_276 : memref<1x125x80xi32, #tpu.memory_space<hbm>> -> memref<125x80xi32, #tpu.memory_space<hbm>>
      %dma_start3A_278 = arith.constant 0 : i32
      %dma_start3A_279 = arith.constant 0 : i32
      %dma_start3A_280 = tpu.memref_slice %arg4[%add3A, %dma_start3A_278, %dma_start3A_279] : memref<32x125x80xi32, #tpu.memory_space<hbm>> -> memref<1x125x80xi32, #tpu.memory_space<hbm>>
      %dma_start3A_281 = tpu.memref_squeeze %dma_start3A_280 : memref<1x125x80xi32, #tpu.memory_space<hbm>> -> memref<125x80xi32, #tpu.memory_space<hbm>>
      tpu.enqueue_dma source(%dma_start3A_281 : memref<125x80xi32, #tpu.memory_space<hbm>>) target(%arg9 : memref<125x80xi32, #tpu.memory_space<vmem>>) target_semaphore(%run_scoped3A_273 : memref<!tpu.dma_semaphore, #tpu.memory_space<semaphore_mem>>)
      %dma_wait3A_282 = arith.constant 0 : i32
      %dma_wait3A_283 = arith.constant 0 : i32
      %dma_wait3A_284 = tpu.memref_slice %arg4[%add3A, %dma_wait3A_282, %dma_wait3A_283] : memref<32x125x80xi32, #tpu.memory_space<hbm>> -> memref<1x125x80xi32, #tpu.memory_space<hbm>>
      %dma_wait3A_285 = tpu.memref_squeeze %dma_wait3A_284 : memref<1x125x80xi32, #tpu.memory_space<hbm>> -> memref<125x80xi32, #tpu.memory_space<hbm>>
      %dma_wait3A_286 = arith.constant 0 : i32
      %dma_wait3A_287 = arith.constant 0 : i32
      %dma_wait3A_288 = tpu.memref_slice %arg4[%add3A, %dma_wait3A_286, %dma_wait3A_287] : memref<32x125x80xi32, #tpu.memory_space<hbm>> -> memref<1x125x80xi32, #tpu.memory_space<hbm>>
      %dma_wait3A_289 = tpu.memref_squeeze %dma_wait3A_288 : memref<1x125x80xi32, #tpu.memory_space<hbm>> -> memref<125x80xi32, #tpu.memory_space<hbm>>
      tpu.wait_dma2 semaphore(%run_scoped3A_273 : memref<!tpu.dma_semaphore, #tpu.memory_space<semaphore_mem>>) src(%dma_wait3A_289 : memref<125x80xi32, #tpu.memory_space<hbm>>) dst(%arg9 : memref<125x80xi32, #tpu.memory_space<vmem>>)
      tpu.yield
    }) : () -> ()
    %mul3A_64 = arith.constant 640 : i32
    %mul3A_65 = arith.muli %arg1, %mul3A_64 : i32
    %dma_wait3A = arith.constant 0 : i32
    %dma_wait3A_66 = tpu.memref_slice %arg7[%mul3A_65, %dma_wait3A] : memref<10240x128xf32, #tpu.memory_space<vmem_shared>> -> memref<80x128xf32, #tpu.memory_space<vmem_shared>>
    %dma_wait3A_67 = arith.constant 0 : i32
    %dma_wait3A_68 = tpu.memref_slice %arg7[%mul3A_65, %dma_wait3A_67] : memref<10240x128xf32, #tpu.memory_space<vmem_shared>> -> memref<80x128xf32, #tpu.memory_space<vmem_shared>>
    tpu.wait_dma2 semaphore(%arg14 : memref<!tpu.dma_semaphore, #tpu.memory_space<semaphore_mem>>) src(%arg10 : memref<80x128xf32, #tpu.memory_space<vmem>>) dst(%dma_wait3A_68 : memref<80x128xf32, #tpu.memory_space<vmem_shared>>)
    %mul3A_69 = arith.constant 640 : i32
    %mul3A_70 = arith.muli %arg1, %mul3A_69 : i32
    %dma_wait3A_71 = arith.constant 0 : i32
    %dma_wait3A_72 = tpu.memref_slice %arg7[%mul3A_70, %dma_wait3A_71] : memref<10240x128xf32, #tpu.memory_space<vmem_shared>> -> memref<80x128xf32, #tpu.memory_space<vmem_shared>>
    %dma_wait3A_73 = arith.constant 0 : i32
    %dma_wait3A_74 = tpu.memref_slice %arg7[%mul3A_70, %dma_wait3A_73] : memref<10240x128xf32, #tpu.memory_space<vmem_shared>> -> memref<80x128xf32, #tpu.memory_space<vmem_shared>>
    tpu.wait_dma2 semaphore(%arg14 : memref<!tpu.dma_semaphore, #tpu.memory_space<semaphore_mem>>) src(%arg10 : memref<80x128xf32, #tpu.memory_space<vmem>>) dst(%dma_wait3A_74 : memref<80x128xf32, #tpu.memory_space<vmem_shared>>)
    %mul3A_75 = arith.constant 640 : i32
    %mul3A_76 = arith.muli %arg1, %mul3A_75 : i32
    %dma_wait3A_77 = arith.constant 0 : i32
    %dma_wait3A_78 = tpu.memref_slice %arg7[%mul3A_76, %dma_wait3A_77] : memref<10240x128xf32, #tpu.memory_space<vmem_shared>> -> memref<80x128xf32, #tpu.memory_space<vmem_shared>>
    %dma_wait3A_79 = arith.constant 0 : i32
    %dma_wait3A_80 = tpu.memref_slice %arg7[%mul3A_76, %dma_wait3A_79] : memref<10240x128xf32, #tpu.memory_space<vmem_shared>> -> memref<80x128xf32, #tpu.memory_space<vmem_shared>>
    tpu.wait_dma2 semaphore(%arg14 : memref<!tpu.dma_semaphore, #tpu.memory_space<semaphore_mem>>) src(%arg10 : memref<80x128xf32, #tpu.memory_space<vmem>>) dst(%dma_wait3A_80 : memref<80x128xf32, #tpu.memory_space<vmem_shared>>)
    %mul3A_81 = arith.constant 640 : i32
    %mul3A_82 = arith.muli %arg1, %mul3A_81 : i32
    %dma_wait3A_83 = arith.constant 0 : i32
    %dma_wait3A_84 = tpu.memref_slice %arg7[%mul3A_82, %dma_wait3A_83] : memref<10240x128xf32, #tpu.memory_space<vmem_shared>> -> memref<80x128xf32, #tpu.memory_space<vmem_shared>>
    %dma_wait3A_85 = arith.constant 0 : i32
    %dma_wait3A_86 = tpu.memref_slice %arg7[%mul3A_82, %dma_wait3A_85] : memref<10240x128xf32, #tpu.memory_space<vmem_shared>> -> memref<80x128xf32, #tpu.memory_space<vmem_shared>>
    tpu.wait_dma2 semaphore(%arg14 : memref<!tpu.dma_semaphore, #tpu.memory_space<semaphore_mem>>) src(%arg10 : memref<80x128xf32, #tpu.memory_space<vmem>>) dst(%dma_wait3A_86 : memref<80x128xf32, #tpu.memory_space<vmem_shared>>)
    %mul3A_87 = arith.constant 640 : i32
    %mul3A_88 = arith.muli %arg1, %mul3A_87 : i32
    %dma_wait3A_89 = arith.constant 0 : i32
    %dma_wait3A_90 = tpu.memref_slice %arg7[%mul3A_88, %dma_wait3A_89] : memref<10240x128xf32, #tpu.memory_space<vmem_shared>> -> memref<80x128xf32, #tpu.memory_space<vmem_shared>>
    %dma_wait3A_91 = arith.constant 0 : i32
    %dma_wait3A_92 = tpu.memref_slice %arg7[%mul3A_88, %dma_wait3A_91] : memref<10240x128xf32, #tpu.memory_space<vmem_shared>> -> memref<80x128xf32, #tpu.memory_space<vmem_shared>>
    tpu.wait_dma2 semaphore(%arg14 : memref<!tpu.dma_semaphore, #tpu.memory_space<semaphore_mem>>) src(%arg10 : memref<80x128xf32, #tpu.memory_space<vmem>>) dst(%dma_wait3A_92 : memref<80x128xf32, #tpu.memory_space<vmem_shared>>)
    %mul3A_93 = arith.constant 640 : i32
    %mul3A_94 = arith.muli %arg1, %mul3A_93 : i32
    %dma_wait3A_95 = arith.constant 0 : i32
    %dma_wait3A_96 = tpu.memref_slice %arg7[%mul3A_94, %dma_wait3A_95] : memref<10240x128xf32, #tpu.memory_space<vmem_shared>> -> memref<80x128xf32, #tpu.memory_space<vmem_shared>>
    %dma_wait3A_97 = arith.constant 0 : i32
    %dma_wait3A_98 = tpu.memref_slice %arg7[%mul3A_94, %dma_wait3A_97] : memref<10240x128xf32, #tpu.memory_space<vmem_shared>> -> memref<80x128xf32, #tpu.memory_space<vmem_shared>>
    tpu.wait_dma2 semaphore(%arg14 : memref<!tpu.dma_semaphore, #tpu.memory_space<semaphore_mem>>) src(%arg10 : memref<80x128xf32, #tpu.memory_space<vmem>>) dst(%dma_wait3A_98 : memref<80x128xf32, #tpu.memory_space<vmem_shared>>)
    %mul3A_99 = arith.constant 640 : i32
    %mul3A_100 = arith.muli %arg1, %mul3A_99 : i32
    %dma_wait3A_101 = arith.constant 0 : i32
    %dma_wait3A_102 = tpu.memref_slice %arg7[%mul3A_100, %dma_wait3A_101] : memref<10240x128xf32, #tpu.memory_space<vmem_shared>> -> memref<80x128xf32, #tpu.memory_space<vmem_shared>>
    %dma_wait3A_103 = arith.constant 0 : i32
    %dma_wait3A_104 = tpu.memref_slice %arg7[%mul3A_100, %dma_wait3A_103] : memref<10240x128xf32, #tpu.memory_space<vmem_shared>> -> memref<80x128xf32, #tpu.memory_space<vmem_shared>>
    tpu.wait_dma2 semaphore(%arg14 : memref<!tpu.dma_semaphore, #tpu.memory_space<semaphore_mem>>) src(%arg10 : memref<80x128xf32, #tpu.memory_space<vmem>>) dst(%dma_wait3A_104 : memref<80x128xf32, #tpu.memory_space<vmem_shared>>)
    %mul3A_105 = arith.constant 640 : i32
    %mul3A_106 = arith.muli %arg1, %mul3A_105 : i32
    %dma_wait3A_107 = arith.constant 0 : i32
    %dma_wait3A_108 = tpu.memref_slice %arg7[%mul3A_106, %dma_wait3A_107] : memref<10240x128xf32, #tpu.memory_space<vmem_shared>> -> memref<80x128xf32, #tpu.memory_space<vmem_shared>>
    %dma_wait3A_109 = arith.constant 0 : i32
    %dma_wait3A_110 = tpu.memref_slice %arg7[%mul3A_106, %dma_wait3A_109] : memref<10240x128xf32, #tpu.memory_space<vmem_shared>> -> memref<80x128xf32, #tpu.memory_space<vmem_shared>>
    tpu.wait_dma2 semaphore(%arg14 : memref<!tpu.dma_semaphore, #tpu.memory_space<semaphore_mem>>) src(%arg10 : memref<80x128xf32, #tpu.memory_space<vmem>>) dst(%dma_wait3A_110 : memref<80x128xf32, #tpu.memory_space<vmem_shared>>)
    %barrier3A = arith.constant 0 : index
    tpu.barrier barrier_id(%barrier3A)
    %dma_start3A_111 = arith.constant 0 : i32
    %dma_start3A_112 = tpu.memref_slice %arg8[%dma_start3A_111] : memref<10000xi32, #tpu.memory_space<vmem>> -> memref<80xi32, #tpu.memory_space<vmem>>
    %dma_start3A_113 = arith.constant 0 : i32
    %dma_start3A_114 = arith.constant 0 : i32
    %dma_start3A_115 = tpu.memref_slice %arg2[%dma_start3A_113, %dma_start3A_114] : memref<10240x128xf32, #tpu.memory_space<hbm>> -> memref<10240x128xf32, #tpu.memory_space<hbm>>
    tpu.enqueue_indirect_dma source(%dma_start3A_115 : memref<10240x128xf32, #tpu.memory_space<hbm>>) target(%arg10 : memref<80x128xf32, #tpu.memory_space<vmem>>) offsets(%dma_start3A_112 : memref<80xi32, #tpu.memory_space<vmem>>) semaphore(%arg12 : memref<!tpu.dma_semaphore, #tpu.memory_space<semaphore_mem>>)
    %dma_start3A_116 = arith.constant 80 : i32
    %dma_start3A_117 = tpu.memref_slice %arg8[%dma_start3A_116] : memref<10000xi32, #tpu.memory_space<vmem>> -> memref<80xi32, #tpu.memory_space<vmem>>
    %dma_start3A_118 = arith.constant 0 : i32
    %dma_start3A_119 = arith.constant 0 : i32
    %dma_start3A_120 = tpu.memref_slice %arg2[%dma_start3A_118, %dma_start3A_119] : memref<10240x128xf32, #tpu.memory_space<hbm>> -> memref<10240x128xf32, #tpu.memory_space<hbm>>
    tpu.enqueue_indirect_dma source(%dma_start3A_120 : memref<10240x128xf32, #tpu.memory_space<hbm>>) target(%arg11 : memref<80x128xf32, #tpu.memory_space<vmem>>) offsets(%dma_start3A_117 : memref<80xi32, #tpu.memory_space<vmem>>) semaphore(%arg13 : memref<!tpu.dma_semaphore, #tpu.memory_space<semaphore_mem>>)
    %scan3A = arith.constant 0 : i32
    %scan3A_121 = arith.constant 0 : i32
    %scan3A_122 = arith.constant 62 : i32
    %scan3A_123 = arith.addi %scan3A_121, %scan3A_122 : i32
    %scan3A_124 = arith.constant 1 : i32
    scf.for %scan3A_273 = %scan3A_121 to %scan3A_123 step %scan3A_124  : i32 {
      %mul3A_274 = arith.constant 2 : i32
      %mul3A_275 = arith.muli %mul3A_274, %scan3A_273 : i32
      %dma_wait3A_276 = arith.constant 0 : i32
      %dma_wait3A_277 = tpu.memref_slice %arg8[%dma_wait3A_276] : memref<10000xi32, #tpu.memory_space<vmem>> -> memref<80xi32, #tpu.memory_space<vmem>>
      %dma_wait3A_278 = arith.constant 0 : i32
      %dma_wait3A_279 = arith.constant 0 : i32
      %dma_wait3A_280 = tpu.memref_slice %arg2[%dma_wait3A_278, %dma_wait3A_279] : memref<10240x128xf32, #tpu.memory_space<hbm>> -> memref<10240x128xf32, #tpu.memory_space<hbm>>
      tpu.wait_indirect_dma semaphore(%arg12 : memref<!tpu.dma_semaphore, #tpu.memory_space<semaphore_mem>>) src(%dma_wait3A_280 : memref<10240x128xf32, #tpu.memory_space<hbm>>) dst(%arg10 : memref<80x128xf32, #tpu.memory_space<vmem>>)
      "tpu.region"() ({
        %run_scoped3A_305 = tpu.sem_alloc : memref<!tpu.dma_semaphore, #tpu.memory_space<semaphore_mem>>
        %dma_start3A_306 = arith.constant 0 : i32
        %dma_start3A_307 = tpu.memref_slice %arg9[%mul3A_275, %dma_start3A_306] : memref<125x80xi32, #tpu.memory_space<vmem>> -> memref<1x80xi32, #tpu.memory_space<vmem>>
        %dma_start3A_308 = tpu.memref_squeeze %dma_start3A_307 : memref<1x80xi32, #tpu.memory_space<vmem>> -> memref<80xi32, #tpu.memory_space<vmem>>
        %dma_start3A_309 = arith.constant 0 : i32
        %dma_start3A_310 = arith.constant 0 : i32
        %dma_start3A_311 = tpu.memref_slice %arg7[%dma_start3A_309, %dma_start3A_310] : memref<10240x128xf32, #tpu.memory_space<vmem_shared>> -> memref<10240x128xf32, #tpu.memory_space<vmem_shared>>
        tpu.enqueue_indirect_dma source(%arg10 : memref<80x128xf32, #tpu.memory_space<vmem>>) target(%dma_start3A_311 : memref<10240x128xf32, #tpu.memory_space<vmem_shared>>) offsets(%dma_start3A_308 : memref<80xi32, #tpu.memory_space<vmem>>) semaphore(%run_scoped3A_305 : memref<!tpu.dma_semaphore, #tpu.memory_space<semaphore_mem>>) {add = true}
        %dma_wait3A_312 = arith.constant 0 : i32
        %dma_wait3A_313 = tpu.memref_slice %arg9[%mul3A_275, %dma_wait3A_312] : memref<125x80xi32, #tpu.memory_space<vmem>> -> memref<1x80xi32, #tpu.memory_space<vmem>>
        %dma_wait3A_314 = tpu.memref_squeeze %dma_wait3A_313 : memref<1x80xi32, #tpu.memory_space<vmem>> -> memref<80xi32, #tpu.memory_space<vmem>>
        %dma_wait3A_315 = arith.constant 0 : i32
        %dma_wait3A_316 = arith.constant 0 : i32
        %dma_wait3A_317 = tpu.memref_slice %arg7[%dma_wait3A_315, %dma_wait3A_316] : memref<10240x128xf32, #tpu.memory_space<vmem_shared>> -> memref<10240x128xf32, #tpu.memory_space<vmem_shared>>
        tpu.wait_indirect_dma semaphore(%run_scoped3A_305 : memref<!tpu.dma_semaphore, #tpu.memory_space<semaphore_mem>>) src(%arg10 : memref<80x128xf32, #tpu.memory_space<vmem>>) dst(%dma_wait3A_317 : memref<10240x128xf32, #tpu.memory_space<vmem_shared>>)
        tpu.yield
      }) : () -> ()
      %add3A_281 = arith.constant 2 : i32
      %add3A_282 = arith.addi %mul3A_275, %add3A_281 : i32
      %mul3A_283 = arith.constant 80 : i32
      %mul3A_284 = arith.muli %add3A_282, %mul3A_283 : i32
      %dma_start3A_285 = tpu.memref_slice %arg8[%mul3A_284] : memref<10000xi32, #tpu.memory_space<vmem>> -> memref<80xi32, #tpu.memory_space<vmem>>
      %dma_start3A_286 = arith.constant 0 : i32
      %dma_start3A_287 = arith.constant 0 : i32
      %dma_start3A_288 = tpu.memref_slice %arg2[%dma_start3A_286, %dma_start3A_287] : memref<10240x128xf32, #tpu.memory_space<hbm>> -> memref<10240x128xf32, #tpu.memory_space<hbm>>
      tpu.enqueue_indirect_dma source(%dma_start3A_288 : memref<10240x128xf32, #tpu.memory_space<hbm>>) target(%arg10 : memref<80x128xf32, #tpu.memory_space<vmem>>) offsets(%dma_start3A_285 : memref<80xi32, #tpu.memory_space<vmem>>) semaphore(%arg12 : memref<!tpu.dma_semaphore, #tpu.memory_space<semaphore_mem>>)
      %dma_wait3A_289 = arith.constant 0 : i32
      %dma_wait3A_290 = tpu.memref_slice %arg8[%dma_wait3A_289] : memref<10000xi32, #tpu.memory_space<vmem>> -> memref<80xi32, #tpu.memory_space<vmem>>
      %dma_wait3A_291 = arith.constant 0 : i32
      %dma_wait3A_292 = arith.constant 0 : i32
      %dma_wait3A_293 = tpu.memref_slice %arg2[%dma_wait3A_291, %dma_wait3A_292] : memref<10240x128xf32, #tpu.memory_space<hbm>> -> memref<10240x128xf32, #tpu.memory_space<hbm>>
      tpu.wait_indirect_dma semaphore(%arg13 : memref<!tpu.dma_semaphore, #tpu.memory_space<semaphore_mem>>) src(%dma_wait3A_293 : memref<10240x128xf32, #tpu.memory_space<hbm>>) dst(%arg11 : memref<80x128xf32, #tpu.memory_space<vmem>>)
      %add3A_294 = arith.constant 1 : i32
      %add3A_295 = arith.addi %mul3A_275, %add3A_294 : i32
      "tpu.region"() ({
        %run_scoped3A_305 = tpu.sem_alloc : memref<!tpu.dma_semaphore, #tpu.memory_space<semaphore_mem>>
        %dma_start3A_306 = arith.constant 0 : i32
        %dma_start3A_307 = tpu.memref_slice %arg9[%add3A_295, %dma_start3A_306] : memref<125x80xi32, #tpu.memory_space<vmem>> -> memref<1x80xi32, #tpu.memory_space<vmem>>
        %dma_start3A_308 = tpu.memref_squeeze %dma_start3A_307 : memref<1x80xi32, #tpu.memory_space<vmem>> -> memref<80xi32, #tpu.memory_space<vmem>>
        %dma_start3A_309 = arith.constant 0 : i32
        %dma_start3A_310 = arith.constant 0 : i32
        %dma_start3A_311 = tpu.memref_slice %arg7[%dma_start3A_309, %dma_start3A_310] : memref<10240x128xf32, #tpu.memory_space<vmem_shared>> -> memref<10240x128xf32, #tpu.memory_space<vmem_shared>>
        tpu.enqueue_indirect_dma source(%arg11 : memref<80x128xf32, #tpu.memory_space<vmem>>) target(%dma_start3A_311 : memref<10240x128xf32, #tpu.memory_space<vmem_shared>>) offsets(%dma_start3A_308 : memref<80xi32, #tpu.memory_space<vmem>>) semaphore(%run_scoped3A_305 : memref<!tpu.dma_semaphore, #tpu.memory_space<semaphore_mem>>) {add = true}
        %dma_wait3A_312 = arith.constant 0 : i32
        %dma_wait3A_313 = tpu.memref_slice %arg9[%add3A_295, %dma_wait3A_312] : memref<125x80xi32, #tpu.memory_space<vmem>> -> memref<1x80xi32, #tpu.memory_space<vmem>>
        %dma_wait3A_314 = tpu.memref_squeeze %dma_wait3A_313 : memref<1x80xi32, #tpu.memory_space<vmem>> -> memref<80xi32, #tpu.memory_space<vmem>>
        %dma_wait3A_315 = arith.constant 0 : i32
        %dma_wait3A_316 = arith.constant 0 : i32
        %dma_wait3A_317 = tpu.memref_slice %arg7[%dma_wait3A_315, %dma_wait3A_316] : memref<10240x128xf32, #tpu.memory_space<vmem_shared>> -> memref<10240x128xf32, #tpu.memory_space<vmem_shared>>
        tpu.wait_indirect_dma semaphore(%run_scoped3A_305 : memref<!tpu.dma_semaphore, #tpu.memory_space<semaphore_mem>>) src(%arg11 : memref<80x128xf32, #tpu.memory_space<vmem>>) dst(%dma_wait3A_317 : memref<10240x128xf32, #tpu.memory_space<vmem_shared>>)
        tpu.yield
      }) : () -> ()
      %add3A_296 = arith.constant 3 : i32
      %add3A_297 = arith.addi %mul3A_275, %add3A_296 : i32
      %min3A = arith.constant 124 : i32
      %min3A_298 = arith.minsi %add3A_297, %min3A : i32
      %mul3A_299 = arith.constant 80 : i32
      %mul3A_300 = arith.muli %min3A_298, %mul3A_299 : i32
      %dma_start3A_301 = tpu.memref_slice %arg8[%mul3A_300] : memref<10000xi32, #tpu.memory_space<vmem>> -> memref<80xi32, #tpu.memory_space<vmem>>
      %dma_start3A_302 = arith.constant 0 : i32
      %dma_start3A_303 = arith.constant 0 : i32
      %dma_start3A_304 = tpu.memref_slice %arg2[%dma_start3A_302, %dma_start3A_303] : memref<10240x128xf32, #tpu.memory_space<hbm>> -> memref<10240x128xf32, #tpu.memory_space<hbm>>
      tpu.enqueue_indirect_dma source(%dma_start3A_304 : memref<10240x128xf32, #tpu.memory_space<hbm>>) target(%arg11 : memref<80x128xf32, #tpu.memory_space<vmem>>) offsets(%dma_start3A_301 : memref<80xi32, #tpu.memory_space<vmem>>) semaphore(%arg13 : memref<!tpu.dma_semaphore, #tpu.memory_space<semaphore_mem>>)
    }
    %scan3A_125 = arith.constant 62 : i32
    %dma_wait3A_126 = arith.constant 0 : i32
    %dma_wait3A_127 = tpu.memref_slice %arg8[%dma_wait3A_126] : memref<10000xi32, #tpu.memory_space<vmem>> -> memref<80xi32, #tpu.memory_space<vmem>>
    %dma_wait3A_128 = arith.constant 0 : i32
    %dma_wait3A_129 = arith.constant 0 : i32
    %dma_wait3A_130 = tpu.memref_slice %arg2[%dma_wait3A_128, %dma_wait3A_129] : memref<10240x128xf32, #tpu.memory_space<hbm>> -> memref<10240x128xf32, #tpu.memory_space<hbm>>
    tpu.wait_indirect_dma semaphore(%arg12 : memref<!tpu.dma_semaphore, #tpu.memory_space<semaphore_mem>>) src(%dma_wait3A_130 : memref<10240x128xf32, #tpu.memory_space<hbm>>) dst(%arg10 : memref<80x128xf32, #tpu.memory_space<vmem>>)
    %run_scoped3A = arith.constant 124 : i32
    "tpu.region"() ({
      %run_scoped3A_273 = tpu.sem_alloc : memref<!tpu.dma_semaphore, #tpu.memory_space<semaphore_mem>>
      %dma_start3A_274 = arith.constant 0 : i32
      %dma_start3A_275 = tpu.memref_slice %arg9[%run_scoped3A, %dma_start3A_274] : memref<125x80xi32, #tpu.memory_space<vmem>> -> memref<1x80xi32, #tpu.memory_space<vmem>>
      %dma_start3A_276 = tpu.memref_squeeze %dma_start3A_275 : memref<1x80xi32, #tpu.memory_space<vmem>> -> memref<80xi32, #tpu.memory_space<vmem>>
      %dma_start3A_277 = arith.constant 0 : i32
      %dma_start3A_278 = arith.constant 0 : i32
      %dma_start3A_279 = tpu.memref_slice %arg7[%dma_start3A_277, %dma_start3A_278] : memref<10240x128xf32, #tpu.memory_space<vmem_shared>> -> memref<10240x128xf32, #tpu.memory_space<vmem_shared>>
      tpu.enqueue_indirect_dma source(%arg10 : memref<80x128xf32, #tpu.memory_space<vmem>>) target(%dma_start3A_279 : memref<10240x128xf32, #tpu.memory_space<vmem_shared>>) offsets(%dma_start3A_276 : memref<80xi32, #tpu.memory_space<vmem>>) semaphore(%run_scoped3A_273 : memref<!tpu.dma_semaphore, #tpu.memory_space<semaphore_mem>>) {add = true}
      %dma_wait3A_280 = arith.constant 0 : i32
      %dma_wait3A_281 = tpu.memref_slice %arg9[%run_scoped3A, %dma_wait3A_280] : memref<125x80xi32, #tpu.memory_space<vmem>> -> memref<1x80xi32, #tpu.memory_space<vmem>>
      %dma_wait3A_282 = tpu.memref_squeeze %dma_wait3A_281 : memref<1x80xi32, #tpu.memory_space<vmem>> -> memref<80xi32, #tpu.memory_space<vmem>>
      %dma_wait3A_283 = arith.constant 0 : i32
      %dma_wait3A_284 = arith.constant 0 : i32
      %dma_wait3A_285 = tpu.memref_slice %arg7[%dma_wait3A_283, %dma_wait3A_284] : memref<10240x128xf32, #tpu.memory_space<vmem_shared>> -> memref<10240x128xf32, #tpu.memory_space<vmem_shared>>
      tpu.wait_indirect_dma semaphore(%run_scoped3A_273 : memref<!tpu.dma_semaphore, #tpu.memory_space<semaphore_mem>>) src(%arg10 : memref<80x128xf32, #tpu.memory_space<vmem>>) dst(%dma_wait3A_285 : memref<10240x128xf32, #tpu.memory_space<vmem_shared>>)
      tpu.yield
    }) : () -> ()
    %dma_wait3A_131 = arith.constant 0 : i32
    %dma_wait3A_132 = tpu.memref_slice %arg8[%dma_wait3A_131] : memref<10000xi32, #tpu.memory_space<vmem>> -> memref<80xi32, #tpu.memory_space<vmem>>
    %dma_wait3A_133 = arith.constant 0 : i32
    %dma_wait3A_134 = arith.constant 0 : i32
    %dma_wait3A_135 = tpu.memref_slice %arg2[%dma_wait3A_133, %dma_wait3A_134] : memref<10240x128xf32, #tpu.memory_space<hbm>> -> memref<10240x128xf32, #tpu.memory_space<hbm>>
    tpu.wait_indirect_dma semaphore(%arg13 : memref<!tpu.dma_semaphore, #tpu.memory_space<semaphore_mem>>) src(%dma_wait3A_135 : memref<10240x128xf32, #tpu.memory_space<hbm>>) dst(%arg11 : memref<80x128xf32, #tpu.memory_space<vmem>>)
    %barrier3A_136 = arith.constant 0 : index
    tpu.barrier barrier_id(%barrier3A_136)
    %mul3A_137 = arith.constant 640 : i32
    %mul3A_138 = arith.muli %arg1, %mul3A_137 : i32
    %add3A_139 = arith.constant 0 : i32
    %add3A_140 = arith.addi %mul3A_138, %add3A_139 : i32
    "tpu.region"() ({
      %run_scoped3A_273 = tpu.sem_alloc : memref<!tpu.dma_semaphore, #tpu.memory_space<semaphore_mem>>
      %dma_start3A_274 = arith.constant 0 : i32
      %dma_start3A_275 = tpu.memref_slice %arg7[%add3A_140, %dma_start3A_274] : memref<10240x128xf32, #tpu.memory_space<vmem_shared>> -> memref<80x128xf32, #tpu.memory_space<vmem_shared>>
      %dma_start3A_276 = arith.constant 0 : i32
      %dma_start3A_277 = tpu.memref_slice %arg7[%add3A_140, %dma_start3A_276] : memref<10240x128xf32, #tpu.memory_space<vmem_shared>> -> memref<80x128xf32, #tpu.memory_space<vmem_shared>>
      tpu.enqueue_dma source(%dma_start3A_277 : memref<80x128xf32, #tpu.memory_space<vmem_shared>>) target(%arg10 : memref<80x128xf32, #tpu.memory_space<vmem>>) target_semaphore(%run_scoped3A_273 : memref<!tpu.dma_semaphore, #tpu.memory_space<semaphore_mem>>)
      %dma_wait3A_278 = arith.constant 0 : i32
      %dma_wait3A_279 = tpu.memref_slice %arg7[%add3A_140, %dma_wait3A_278] : memref<10240x128xf32, #tpu.memory_space<vmem_shared>> -> memref<80x128xf32, #tpu.memory_space<vmem_shared>>
      %dma_wait3A_280 = arith.constant 0 : i32
      %dma_wait3A_281 = tpu.memref_slice %arg7[%add3A_140, %dma_wait3A_280] : memref<10240x128xf32, #tpu.memory_space<vmem_shared>> -> memref<80x128xf32, #tpu.memory_space<vmem_shared>>
      tpu.wait_dma2 semaphore(%run_scoped3A_273 : memref<!tpu.dma_semaphore, #tpu.memory_space<semaphore_mem>>) src(%dma_wait3A_281 : memref<80x128xf32, #tpu.memory_space<vmem_shared>>) dst(%arg10 : memref<80x128xf32, #tpu.memory_space<vmem>>)
      tpu.yield
    }) : () -> ()
    %mul3A_141 = arith.constant 10240 : i32
    %mul3A_142 = arith.muli %arg0, %mul3A_141 : i32
    %add3A_143 = arith.addi %mul3A_142, %add3A_140 : i32
    %dma_start3A_144 = arith.constant 0 : i32
    %dma_start3A_145 = tpu.memref_slice %arg6[%add3A_143, %dma_start3A_144] : memref<20480x128xf32, #tpu.memory_space<hbm>> -> memref<80x128xf32, #tpu.memory_space<hbm>>
    %dma_start3A_146 = arith.constant 0 : i32
    %dma_start3A_147 = tpu.memref_slice %arg6[%add3A_143, %dma_start3A_146] : memref<20480x128xf32, #tpu.memory_space<hbm>> -> memref<80x128xf32, #tpu.memory_space<hbm>>
    tpu.enqueue_dma source(%arg10 : memref<80x128xf32, #tpu.memory_space<vmem>>) target(%dma_start3A_147 : memref<80x128xf32, #tpu.memory_space<hbm>>) target_semaphore(%arg14 : memref<!tpu.dma_semaphore, #tpu.memory_space<semaphore_mem>>)
    %mul3A_148 = arith.constant 640 : i32
    %mul3A_149 = arith.muli %arg1, %mul3A_148 : i32
    %add3A_150 = arith.constant 80 : i32
    %add3A_151 = arith.addi %mul3A_149, %add3A_150 : i32
    "tpu.region"() ({
      %run_scoped3A_273 = tpu.sem_alloc : memref<!tpu.dma_semaphore, #tpu.memory_space<semaphore_mem>>
      %dma_start3A_274 = arith.constant 0 : i32
      %dma_start3A_275 = tpu.memref_slice %arg7[%add3A_151, %dma_start3A_274] : memref<10240x128xf32, #tpu.memory_space<vmem_shared>> -> memref<80x128xf32, #tpu.memory_space<vmem_shared>>
      %dma_start3A_276 = arith.constant 0 : i32
      %dma_start3A_277 = tpu.memref_slice %arg7[%add3A_151, %dma_start3A_276] : memref<10240x128xf32, #tpu.memory_space<vmem_shared>> -> memref<80x128xf32, #tpu.memory_space<vmem_shared>>
      tpu.enqueue_dma source(%dma_start3A_277 : memref<80x128xf32, #tpu.memory_space<vmem_shared>>) target(%arg11 : memref<80x128xf32, #tpu.memory_space<vmem>>) target_semaphore(%run_scoped3A_273 : memref<!tpu.dma_semaphore, #tpu.memory_space<semaphore_mem>>)
      %dma_wait3A_278 = arith.constant 0 : i32
      %dma_wait3A_279 = tpu.memref_slice %arg7[%add3A_151, %dma_wait3A_278] : memref<10240x128xf32, #tpu.memory_space<vmem_shared>> -> memref<80x128xf32, #tpu.memory_space<vmem_shared>>
      %dma_wait3A_280 = arith.constant 0 : i32
      %dma_wait3A_281 = tpu.memref_slice %arg7[%add3A_151, %dma_wait3A_280] : memref<10240x128xf32, #tpu.memory_space<vmem_shared>> -> memref<80x128xf32, #tpu.memory_space<vmem_shared>>
      tpu.wait_dma2 semaphore(%run_scoped3A_273 : memref<!tpu.dma_semaphore, #tpu.memory_space<semaphore_mem>>) src(%dma_wait3A_281 : memref<80x128xf32, #tpu.memory_space<vmem_shared>>) dst(%arg11 : memref<80x128xf32, #tpu.memory_space<vmem>>)
      tpu.yield
    }) : () -> ()
    %mul3A_152 = arith.constant 10240 : i32
    %mul3A_153 = arith.muli %arg0, %mul3A_152 : i32
    %add3A_154 = arith.addi %mul3A_153, %add3A_151 : i32
    %dma_start3A_155 = arith.constant 0 : i32
    %dma_start3A_156 = tpu.memref_slice %arg6[%add3A_154, %dma_start3A_155] : memref<20480x128xf32, #tpu.memory_space<hbm>> -> memref<80x128xf32, #tpu.memory_space<hbm>>
    %dma_start3A_157 = arith.constant 0 : i32
    %dma_start3A_158 = tpu.memref_slice %arg6[%add3A_154, %dma_start3A_157] : memref<20480x128xf32, #tpu.memory_space<hbm>> -> memref<80x128xf32, #tpu.memory_space<hbm>>
    tpu.enqueue_dma source(%arg11 : memref<80x128xf32, #tpu.memory_space<vmem>>) target(%dma_start3A_158 : memref<80x128xf32, #tpu.memory_space<hbm>>) target_semaphore(%arg14 : memref<!tpu.dma_semaphore, #tpu.memory_space<semaphore_mem>>)
    %mul3A_159 = arith.constant 10240 : i32
    %mul3A_160 = arith.muli %arg0, %mul3A_159 : i32
    %dma_wait3A_161 = arith.constant 0 : i32
    %dma_wait3A_162 = tpu.memref_slice %arg6[%mul3A_160, %dma_wait3A_161] : memref<20480x128xf32, #tpu.memory_space<hbm>> -> memref<80x128xf32, #tpu.memory_space<hbm>>
    %dma_wait3A_163 = arith.constant 0 : i32
    %dma_wait3A_164 = tpu.memref_slice %arg6[%mul3A_160, %dma_wait3A_163] : memref<20480x128xf32, #tpu.memory_space<hbm>> -> memref<80x128xf32, #tpu.memory_space<hbm>>
    tpu.wait_dma2 semaphore(%arg14 : memref<!tpu.dma_semaphore, #tpu.memory_space<semaphore_mem>>) src(%arg10 : memref<80x128xf32, #tpu.memory_space<vmem>>) dst(%dma_wait3A_164 : memref<80x128xf32, #tpu.memory_space<hbm>>)
    %mul3A_165 = arith.constant 640 : i32
    %mul3A_166 = arith.muli %arg1, %mul3A_165 : i32
    %add3A_167 = arith.constant 160 : i32
    %add3A_168 = arith.addi %mul3A_166, %add3A_167 : i32
    "tpu.region"() ({
      %run_scoped3A_273 = tpu.sem_alloc : memref<!tpu.dma_semaphore, #tpu.memory_space<semaphore_mem>>
      %dma_start3A_274 = arith.constant 0 : i32
      %dma_start3A_275 = tpu.memref_slice %arg7[%add3A_168, %dma_start3A_274] : memref<10240x128xf32, #tpu.memory_space<vmem_shared>> -> memref<80x128xf32, #tpu.memory_space<vmem_shared>>
      %dma_start3A_276 = arith.constant 0 : i32
      %dma_start3A_277 = tpu.memref_slice %arg7[%add3A_168, %dma_start3A_276] : memref<10240x128xf32, #tpu.memory_space<vmem_shared>> -> memref<80x128xf32, #tpu.memory_space<vmem_shared>>
      tpu.enqueue_dma source(%dma_start3A_277 : memref<80x128xf32, #tpu.memory_space<vmem_shared>>) target(%arg10 : memref<80x128xf32, #tpu.memory_space<vmem>>) target_semaphore(%run_scoped3A_273 : memref<!tpu.dma_semaphore, #tpu.memory_space<semaphore_mem>>)
      %dma_wait3A_278 = arith.constant 0 : i32
      %dma_wait3A_279 = tpu.memref_slice %arg7[%add3A_168, %dma_wait3A_278] : memref<10240x128xf32, #tpu.memory_space<vmem_shared>> -> memref<80x128xf32, #tpu.memory_space<vmem_shared>>
      %dma_wait3A_280 = arith.constant 0 : i32
      %dma_wait3A_281 = tpu.memref_slice %arg7[%add3A_168, %dma_wait3A_280] : memref<10240x128xf32, #tpu.memory_space<vmem_shared>> -> memref<80x128xf32, #tpu.memory_space<vmem_shared>>
      tpu.wait_dma2 semaphore(%run_scoped3A_273 : memref<!tpu.dma_semaphore, #tpu.memory_space<semaphore_mem>>) src(%dma_wait3A_281 : memref<80x128xf32, #tpu.memory_space<vmem_shared>>) dst(%arg10 : memref<80x128xf32, #tpu.memory_space<vmem>>)
      tpu.yield
    }) : () -> ()
    %mul3A_169 = arith.constant 10240 : i32
    %mul3A_170 = arith.muli %arg0, %mul3A_169 : i32
    %add3A_171 = arith.addi %mul3A_170, %add3A_168 : i32
    %dma_start3A_172 = arith.constant 0 : i32
    %dma_start3A_173 = tpu.memref_slice %arg6[%add3A_171, %dma_start3A_172] : memref<20480x128xf32, #tpu.memory_space<hbm>> -> memref<80x128xf32, #tpu.memory_space<hbm>>
    %dma_start3A_174 = arith.constant 0 : i32
    %dma_start3A_175 = tpu.memref_slice %arg6[%add3A_171, %dma_start3A_174] : memref<20480x128xf32, #tpu.memory_space<hbm>> -> memref<80x128xf32, #tpu.memory_space<hbm>>
    tpu.enqueue_dma source(%arg10 : memref<80x128xf32, #tpu.memory_space<vmem>>) target(%dma_start3A_175 : memref<80x128xf32, #tpu.memory_space<hbm>>) target_semaphore(%arg14 : memref<!tpu.dma_semaphore, #tpu.memory_space<semaphore_mem>>)
    %mul3A_176 = arith.constant 10240 : i32
    %mul3A_177 = arith.muli %arg0, %mul3A_176 : i32
    %dma_wait3A_178 = arith.constant 0 : i32
    %dma_wait3A_179 = tpu.memref_slice %arg6[%mul3A_177, %dma_wait3A_178] : memref<20480x128xf32, #tpu.memory_space<hbm>> -> memref<80x128xf32, #tpu.memory_space<hbm>>
    %dma_wait3A_180 = arith.constant 0 : i32
    %dma_wait3A_181 = tpu.memref_slice %arg6[%mul3A_177, %dma_wait3A_180] : memref<20480x128xf32, #tpu.memory_space<hbm>> -> memref<80x128xf32, #tpu.memory_space<hbm>>
    tpu.wait_dma2 semaphore(%arg14 : memref<!tpu.dma_semaphore, #tpu.memory_space<semaphore_mem>>) src(%arg11 : memref<80x128xf32, #tpu.memory_space<vmem>>) dst(%dma_wait3A_181 : memref<80x128xf32, #tpu.memory_space<hbm>>)
    %mul3A_182 = arith.constant 640 : i32
    %mul3A_183 = arith.muli %arg1, %mul3A_182 : i32
    %add3A_184 = arith.constant 240 : i32
    %add3A_185 = arith.addi %mul3A_183, %add3A_184 : i32
    "tpu.region"() ({
      %run_scoped3A_273 = tpu.sem_alloc : memref<!tpu.dma_semaphore, #tpu.memory_space<semaphore_mem>>
      %dma_start3A_274 = arith.constant 0 : i32
      %dma_start3A_275 = tpu.memref_slice %arg7[%add3A_185, %dma_start3A_274] : memref<10240x128xf32, #tpu.memory_space<vmem_shared>> -> memref<80x128xf32, #tpu.memory_space<vmem_shared>>
      %dma_start3A_276 = arith.constant 0 : i32
      %dma_start3A_277 = tpu.memref_slice %arg7[%add3A_185, %dma_start3A_276] : memref<10240x128xf32, #tpu.memory_space<vmem_shared>> -> memref<80x128xf32, #tpu.memory_space<vmem_shared>>
      tpu.enqueue_dma source(%dma_start3A_277 : memref<80x128xf32, #tpu.memory_space<vmem_shared>>) target(%arg11 : memref<80x128xf32, #tpu.memory_space<vmem>>) target_semaphore(%run_scoped3A_273 : memref<!tpu.dma_semaphore, #tpu.memory_space<semaphore_mem>>)
      %dma_wait3A_278 = arith.constant 0 : i32
      %dma_wait3A_279 = tpu.memref_slice %arg7[%add3A_185, %dma_wait3A_278] : memref<10240x128xf32, #tpu.memory_space<vmem_shared>> -> memref<80x128xf32, #tpu.memory_space<vmem_shared>>
      %dma_wait3A_280 = arith.constant 0 : i32
      %dma_wait3A_281 = tpu.memref_slice %arg7[%add3A_185, %dma_wait3A_280] : memref<10240x128xf32, #tpu.memory_space<vmem_shared>> -> memref<80x128xf32, #tpu.memory_space<vmem_shared>>
      tpu.wait_dma2 semaphore(%run_scoped3A_273 : memref<!tpu.dma_semaphore, #tpu.memory_space<semaphore_mem>>) src(%dma_wait3A_281 : memref<80x128xf32, #tpu.memory_space<vmem_shared>>) dst(%arg11 : memref<80x128xf32, #tpu.memory_space<vmem>>)
      tpu.yield
    }) : () -> ()
    %mul3A_186 = arith.constant 10240 : i32
    %mul3A_187 = arith.muli %arg0, %mul3A_186 : i32
    %add3A_188 = arith.addi %mul3A_187, %add3A_185 : i32
    %dma_start3A_189 = arith.constant 0 : i32
    %dma_start3A_190 = tpu.memref_slice %arg6[%add3A_188, %dma_start3A_189] : memref<20480x128xf32, #tpu.memory_space<hbm>> -> memref<80x128xf32, #tpu.memory_space<hbm>>
    %dma_start3A_191 = arith.constant 0 : i32
    %dma_start3A_192 = tpu.memref_slice %arg6[%add3A_188, %dma_start3A_191] : memref<20480x128xf32, #tpu.memory_space<hbm>> -> memref<80x128xf32, #tpu.memory_space<hbm>>
    tpu.enqueue_dma source(%arg11 : memref<80x128xf32, #tpu.memory_space<vmem>>) target(%dma_start3A_192 : memref<80x128xf32, #tpu.memory_space<hbm>>) target_semaphore(%arg14 : memref<!tpu.dma_semaphore, #tpu.memory_space<semaphore_mem>>)
    %mul3A_193 = arith.constant 10240 : i32
    %mul3A_194 = arith.muli %arg0, %mul3A_193 : i32
    %dma_wait3A_195 = arith.constant 0 : i32
    %dma_wait3A_196 = tpu.memref_slice %arg6[%mul3A_194, %dma_wait3A_195] : memref<20480x128xf32, #tpu.memory_space<hbm>> -> memref<80x128xf32, #tpu.memory_space<hbm>>
    %dma_wait3A_197 = arith.constant 0 : i32
    %dma_wait3A_198 = tpu.memref_slice %arg6[%mul3A_194, %dma_wait3A_197] : memref<20480x128xf32, #tpu.memory_space<hbm>> -> memref<80x128xf32, #tpu.memory_space<hbm>>
    tpu.wait_dma2 semaphore(%arg14 : memref<!tpu.dma_semaphore, #tpu.memory_space<semaphore_mem>>) src(%arg10 : memref<80x128xf32, #tpu.memory_space<vmem>>) dst(%dma_wait3A_198 : memref<80x128xf32, #tpu.memory_space<hbm>>)
    %mul3A_199 = arith.constant 640 : i32
    %mul3A_200 = arith.muli %arg1, %mul3A_199 : i32
    %add3A_201 = arith.constant 320 : i32
    %add3A_202 = arith.addi %mul3A_200, %add3A_201 : i32
    "tpu.region"() ({
      %run_scoped3A_273 = tpu.sem_alloc : memref<!tpu.dma_semaphore, #tpu.memory_space<semaphore_mem>>
      %dma_start3A_274 = arith.constant 0 : i32
      %dma_start3A_275 = tpu.memref_slice %arg7[%add3A_202, %dma_start3A_274] : memref<10240x128xf32, #tpu.memory_space<vmem_shared>> -> memref<80x128xf32, #tpu.memory_space<vmem_shared>>
      %dma_start3A_276 = arith.constant 0 : i32
      %dma_start3A_277 = tpu.memref_slice %arg7[%add3A_202, %dma_start3A_276] : memref<10240x128xf32, #tpu.memory_space<vmem_shared>> -> memref<80x128xf32, #tpu.memory_space<vmem_shared>>
      tpu.enqueue_dma source(%dma_start3A_277 : memref<80x128xf32, #tpu.memory_space<vmem_shared>>) target(%arg10 : memref<80x128xf32, #tpu.memory_space<vmem>>) target_semaphore(%run_scoped3A_273 : memref<!tpu.dma_semaphore, #tpu.memory_space<semaphore_mem>>)
      %dma_wait3A_278 = arith.constant 0 : i32
      %dma_wait3A_279 = tpu.memref_slice %arg7[%add3A_202, %dma_wait3A_278] : memref<10240x128xf32, #tpu.memory_space<vmem_shared>> -> memref<80x128xf32, #tpu.memory_space<vmem_shared>>
      %dma_wait3A_280 = arith.constant 0 : i32
      %dma_wait3A_281 = tpu.memref_slice %arg7[%add3A_202, %dma_wait3A_280] : memref<10240x128xf32, #tpu.memory_space<vmem_shared>> -> memref<80x128xf32, #tpu.memory_space<vmem_shared>>
      tpu.wait_dma2 semaphore(%run_scoped3A_273 : memref<!tpu.dma_semaphore, #tpu.memory_space<semaphore_mem>>) src(%dma_wait3A_281 : memref<80x128xf32, #tpu.memory_space<vmem_shared>>) dst(%arg10 : memref<80x128xf32, #tpu.memory_space<vmem>>)
      tpu.yield
    }) : () -> ()
    %mul3A_203 = arith.constant 10240 : i32
    %mul3A_204 = arith.muli %arg0, %mul3A_203 : i32
    %add3A_205 = arith.addi %mul3A_204, %add3A_202 : i32
    %dma_start3A_206 = arith.constant 0 : i32
    %dma_start3A_207 = tpu.memref_slice %arg6[%add3A_205, %dma_start3A_206] : memref<20480x128xf32, #tpu.memory_space<hbm>> -> memref<80x128xf32, #tpu.memory_space<hbm>>
    %dma_start3A_208 = arith.constant 0 : i32
    %dma_start3A_209 = tpu.memref_slice %arg6[%add3A_205, %dma_start3A_208] : memref<20480x128xf32, #tpu.memory_space<hbm>> -> memref<80x128xf32, #tpu.memory_space<hbm>>
    tpu.enqueue_dma source(%arg10 : memref<80x128xf32, #tpu.memory_space<vmem>>) target(%dma_start3A_209 : memref<80x128xf32, #tpu.memory_space<hbm>>) target_semaphore(%arg14 : memref<!tpu.dma_semaphore, #tpu.memory_space<semaphore_mem>>)
    %mul3A_210 = arith.constant 10240 : i32
    %mul3A_211 = arith.muli %arg0, %mul3A_210 : i32
    %dma_wait3A_212 = arith.constant 0 : i32
    %dma_wait3A_213 = tpu.memref_slice %arg6[%mul3A_211, %dma_wait3A_212] : memref<20480x128xf32, #tpu.memory_space<hbm>> -> memref<80x128xf32, #tpu.memory_space<hbm>>
    %dma_wait3A_214 = arith.constant 0 : i32
    %dma_wait3A_215 = tpu.memref_slice %arg6[%mul3A_211, %dma_wait3A_214] : memref<20480x128xf32, #tpu.memory_space<hbm>> -> memref<80x128xf32, #tpu.memory_space<hbm>>
    tpu.wait_dma2 semaphore(%arg14 : memref<!tpu.dma_semaphore, #tpu.memory_space<semaphore_mem>>) src(%arg11 : memref<80x128xf32, #tpu.memory_space<vmem>>) dst(%dma_wait3A_215 : memref<80x128xf32, #tpu.memory_space<hbm>>)
    %mul3A_216 = arith.constant 640 : i32
    %mul3A_217 = arith.muli %arg1, %mul3A_216 : i32
    %add3A_218 = arith.constant 400 : i32
    %add3A_219 = arith.addi %mul3A_217, %add3A_218 : i32
    "tpu.region"() ({
      %run_scoped3A_273 = tpu.sem_alloc : memref<!tpu.dma_semaphore, #tpu.memory_space<semaphore_mem>>
      %dma_start3A_274 = arith.constant 0 : i32
      %dma_start3A_275 = tpu.memref_slice %arg7[%add3A_219, %dma_start3A_274] : memref<10240x128xf32, #tpu.memory_space<vmem_shared>> -> memref<80x128xf32, #tpu.memory_space<vmem_shared>>
      %dma_start3A_276 = arith.constant 0 : i32
      %dma_start3A_277 = tpu.memref_slice %arg7[%add3A_219, %dma_start3A_276] : memref<10240x128xf32, #tpu.memory_space<vmem_shared>> -> memref<80x128xf32, #tpu.memory_space<vmem_shared>>
      tpu.enqueue_dma source(%dma_start3A_277 : memref<80x128xf32, #tpu.memory_space<vmem_shared>>) target(%arg11 : memref<80x128xf32, #tpu.memory_space<vmem>>) target_semaphore(%run_scoped3A_273 : memref<!tpu.dma_semaphore, #tpu.memory_space<semaphore_mem>>)
      %dma_wait3A_278 = arith.constant 0 : i32
      %dma_wait3A_279 = tpu.memref_slice %arg7[%add3A_219, %dma_wait3A_278] : memref<10240x128xf32, #tpu.memory_space<vmem_shared>> -> memref<80x128xf32, #tpu.memory_space<vmem_shared>>
      %dma_wait3A_280 = arith.constant 0 : i32
      %dma_wait3A_281 = tpu.memref_slice %arg7[%add3A_219, %dma_wait3A_280] : memref<10240x128xf32, #tpu.memory_space<vmem_shared>> -> memref<80x128xf32, #tpu.memory_space<vmem_shared>>
      tpu.wait_dma2 semaphore(%run_scoped3A_273 : memref<!tpu.dma_semaphore, #tpu.memory_space<semaphore_mem>>) src(%dma_wait3A_281 : memref<80x128xf32, #tpu.memory_space<vmem_shared>>) dst(%arg11 : memref<80x128xf32, #tpu.memory_space<vmem>>)
      tpu.yield
    }) : () -> ()
    %mul3A_220 = arith.constant 10240 : i32
    %mul3A_221 = arith.muli %arg0, %mul3A_220 : i32
    %add3A_222 = arith.addi %mul3A_221, %add3A_219 : i32
    %dma_start3A_223 = arith.constant 0 : i32
    %dma_start3A_224 = tpu.memref_slice %arg6[%add3A_222, %dma_start3A_223] : memref<20480x128xf32, #tpu.memory_space<hbm>> -> memref<80x128xf32, #tpu.memory_space<hbm>>
    %dma_start3A_225 = arith.constant 0 : i32
    %dma_start3A_226 = tpu.memref_slice %arg6[%add3A_222, %dma_start3A_225] : memref<20480x128xf32, #tpu.memory_space<hbm>> -> memref<80x128xf32, #tpu.memory_space<hbm>>
    tpu.enqueue_dma source(%arg11 : memref<80x128xf32, #tpu.memory_space<vmem>>) target(%dma_start3A_226 : memref<80x128xf32, #tpu.memory_space<hbm>>) target_semaphore(%arg14 : memref<!tpu.dma_semaphore, #tpu.memory_space<semaphore_mem>>)
    %mul3A_227 = arith.constant 10240 : i32
    %mul3A_228 = arith.muli %arg0, %mul3A_227 : i32
    %dma_wait3A_229 = arith.constant 0 : i32
    %dma_wait3A_230 = tpu.memref_slice %arg6[%mul3A_228, %dma_wait3A_229] : memref<20480x128xf32, #tpu.memory_space<hbm>> -> memref<80x128xf32, #tpu.memory_space<hbm>>
    %dma_wait3A_231 = arith.constant 0 : i32
    %dma_wait3A_232 = tpu.memref_slice %arg6[%mul3A_228, %dma_wait3A_231] : memref<20480x128xf32, #tpu.memory_space<hbm>> -> memref<80x128xf32, #tpu.memory_space<hbm>>
    tpu.wait_dma2 semaphore(%arg14 : memref<!tpu.dma_semaphore, #tpu.memory_space<semaphore_mem>>) src(%arg10 : memref<80x128xf32, #tpu.memory_space<vmem>>) dst(%dma_wait3A_232 : memref<80x128xf32, #tpu.memory_space<hbm>>)
    %mul3A_233 = arith.constant 640 : i32
    %mul3A_234 = arith.muli %arg1, %mul3A_233 : i32
    %add3A_235 = arith.constant 480 : i32
    %add3A_236 = arith.addi %mul3A_234, %add3A_235 : i32
    "tpu.region"() ({
      %run_scoped3A_273 = tpu.sem_alloc : memref<!tpu.dma_semaphore, #tpu.memory_space<semaphore_mem>>
      %dma_start3A_274 = arith.constant 0 : i32
      %dma_start3A_275 = tpu.memref_slice %arg7[%add3A_236, %dma_start3A_274] : memref<10240x128xf32, #tpu.memory_space<vmem_shared>> -> memref<80x128xf32, #tpu.memory_space<vmem_shared>>
      %dma_start3A_276 = arith.constant 0 : i32
      %dma_start3A_277 = tpu.memref_slice %arg7[%add3A_236, %dma_start3A_276] : memref<10240x128xf32, #tpu.memory_space<vmem_shared>> -> memref<80x128xf32, #tpu.memory_space<vmem_shared>>
      tpu.enqueue_dma source(%dma_start3A_277 : memref<80x128xf32, #tpu.memory_space<vmem_shared>>) target(%arg10 : memref<80x128xf32, #tpu.memory_space<vmem>>) target_semaphore(%run_scoped3A_273 : memref<!tpu.dma_semaphore, #tpu.memory_space<semaphore_mem>>)
      %dma_wait3A_278 = arith.constant 0 : i32
      %dma_wait3A_279 = tpu.memref_slice %arg7[%add3A_236, %dma_wait3A_278] : memref<10240x128xf32, #tpu.memory_space<vmem_shared>> -> memref<80x128xf32, #tpu.memory_space<vmem_shared>>
      %dma_wait3A_280 = arith.constant 0 : i32
      %dma_wait3A_281 = tpu.memref_slice %arg7[%add3A_236, %dma_wait3A_280] : memref<10240x128xf32, #tpu.memory_space<vmem_shared>> -> memref<80x128xf32, #tpu.memory_space<vmem_shared>>
      tpu.wait_dma2 semaphore(%run_scoped3A_273 : memref<!tpu.dma_semaphore, #tpu.memory_space<semaphore_mem>>) src(%dma_wait3A_281 : memref<80x128xf32, #tpu.memory_space<vmem_shared>>) dst(%arg10 : memref<80x128xf32, #tpu.memory_space<vmem>>)
      tpu.yield
    }) : () -> ()
    %mul3A_237 = arith.constant 10240 : i32
    %mul3A_238 = arith.muli %arg0, %mul3A_237 : i32
    %add3A_239 = arith.addi %mul3A_238, %add3A_236 : i32
    %dma_start3A_240 = arith.constant 0 : i32
    %dma_start3A_241 = tpu.memref_slice %arg6[%add3A_239, %dma_start3A_240] : memref<20480x128xf32, #tpu.memory_space<hbm>> -> memref<80x128xf32, #tpu.memory_space<hbm>>
    %dma_start3A_242 = arith.constant 0 : i32
    %dma_start3A_243 = tpu.memref_slice %arg6[%add3A_239, %dma_start3A_242] : memref<20480x128xf32, #tpu.memory_space<hbm>> -> memref<80x128xf32, #tpu.memory_space<hbm>>
    tpu.enqueue_dma source(%arg10 : memref<80x128xf32, #tpu.memory_space<vmem>>) target(%dma_start3A_243 : memref<80x128xf32, #tpu.memory_space<hbm>>) target_semaphore(%arg14 : memref<!tpu.dma_semaphore, #tpu.memory_space<semaphore_mem>>)
    %mul3A_244 = arith.constant 10240 : i32
    %mul3A_245 = arith.muli %arg0, %mul3A_244 : i32
    %dma_wait3A_246 = arith.constant 0 : i32
    %dma_wait3A_247 = tpu.memref_slice %arg6[%mul3A_245, %dma_wait3A_246] : memref<20480x128xf32, #tpu.memory_space<hbm>> -> memref<80x128xf32, #tpu.memory_space<hbm>>
    %dma_wait3A_248 = arith.constant 0 : i32
    %dma_wait3A_249 = tpu.memref_slice %arg6[%mul3A_245, %dma_wait3A_248] : memref<20480x128xf32, #tpu.memory_space<hbm>> -> memref<80x128xf32, #tpu.memory_space<hbm>>
    tpu.wait_dma2 semaphore(%arg14 : memref<!tpu.dma_semaphore, #tpu.memory_space<semaphore_mem>>) src(%arg11 : memref<80x128xf32, #tpu.memory_space<vmem>>) dst(%dma_wait3A_249 : memref<80x128xf32, #tpu.memory_space<hbm>>)
    %mul3A_250 = arith.constant 640 : i32
    %mul3A_251 = arith.muli %arg1, %mul3A_250 : i32
    %add3A_252 = arith.constant 560 : i32
    %add3A_253 = arith.addi %mul3A_251, %add3A_252 : i32
    "tpu.region"() ({
      %run_scoped3A_273 = tpu.sem_alloc : memref<!tpu.dma_semaphore, #tpu.memory_space<semaphore_mem>>
      %dma_start3A_274 = arith.constant 0 : i32
      %dma_start3A_275 = tpu.memref_slice %arg7[%add3A_253, %dma_start3A_274] : memref<10240x128xf32, #tpu.memory_space<vmem_shared>> -> memref<80x128xf32, #tpu.memory_space<vmem_shared>>
      %dma_start3A_276 = arith.constant 0 : i32
      %dma_start3A_277 = tpu.memref_slice %arg7[%add3A_253, %dma_start3A_276] : memref<10240x128xf32, #tpu.memory_space<vmem_shared>> -> memref<80x128xf32, #tpu.memory_space<vmem_shared>>
      tpu.enqueue_dma source(%dma_start3A_277 : memref<80x128xf32, #tpu.memory_space<vmem_shared>>) target(%arg11 : memref<80x128xf32, #tpu.memory_space<vmem>>) target_semaphore(%run_scoped3A_273 : memref<!tpu.dma_semaphore, #tpu.memory_space<semaphore_mem>>)
      %dma_wait3A_278 = arith.constant 0 : i32
      %dma_wait3A_279 = tpu.memref_slice %arg7[%add3A_253, %dma_wait3A_278] : memref<10240x128xf32, #tpu.memory_space<vmem_shared>> -> memref<80x128xf32, #tpu.memory_space<vmem_shared>>
      %dma_wait3A_280 = arith.constant 0 : i32
      %dma_wait3A_281 = tpu.memref_slice %arg7[%add3A_253, %dma_wait3A_280] : memref<10240x128xf32, #tpu.memory_space<vmem_shared>> -> memref<80x128xf32, #tpu.memory_space<vmem_shared>>
      tpu.wait_dma2 semaphore(%run_scoped3A_273 : memref<!tpu.dma_semaphore, #tpu.memory_space<semaphore_mem>>) src(%dma_wait3A_281 : memref<80x128xf32, #tpu.memory_space<vmem_shared>>) dst(%arg11 : memref<80x128xf32, #tpu.memory_space<vmem>>)
      tpu.yield
    }) : () -> ()
    %mul3A_254 = arith.constant 10240 : i32
    %mul3A_255 = arith.muli %arg0, %mul3A_254 : i32
    %add3A_256 = arith.addi %mul3A_255, %add3A_253 : i32
    %dma_start3A_257 = arith.constant 0 : i32
    %dma_start3A_258 = tpu.memref_slice %arg6[%add3A_256, %dma_start3A_257] : memref<20480x128xf32, #tpu.memory_space<hbm>> -> memref<80x128xf32, #tpu.memory_space<hbm>>
    %dma_start3A_259 = arith.constant 0 : i32
    %dma_start3A_260 = tpu.memref_slice %arg6[%add3A_256, %dma_start3A_259] : memref<20480x128xf32, #tpu.memory_space<hbm>> -> memref<80x128xf32, #tpu.memory_space<hbm>>
    tpu.enqueue_dma source(%arg11 : memref<80x128xf32, #tpu.memory_space<vmem>>) target(%dma_start3A_260 : memref<80x128xf32, #tpu.memory_space<hbm>>) target_semaphore(%arg14 : memref<!tpu.dma_semaphore, #tpu.memory_space<semaphore_mem>>)
    %mul3A_261 = arith.constant 10240 : i32
    %mul3A_262 = arith.muli %arg0, %mul3A_261 : i32
    %dma_wait3A_263 = arith.constant 0 : i32
    %dma_wait3A_264 = tpu.memref_slice %arg6[%mul3A_262, %dma_wait3A_263] : memref<20480x128xf32, #tpu.memory_space<hbm>> -> memref<80x128xf32, #tpu.memory_space<hbm>>
    %dma_wait3A_265 = arith.constant 0 : i32
    %dma_wait3A_266 = tpu.memref_slice %arg6[%mul3A_262, %dma_wait3A_265] : memref<20480x128xf32, #tpu.memory_space<hbm>> -> memref<80x128xf32, #tpu.memory_space<hbm>>
    tpu.wait_dma2 semaphore(%arg14 : memref<!tpu.dma_semaphore, #tpu.memory_space<semaphore_mem>>) src(%arg10 : memref<80x128xf32, #tpu.memory_space<vmem>>) dst(%dma_wait3A_266 : memref<80x128xf32, #tpu.memory_space<hbm>>)
    %mul3A_267 = arith.constant 10240 : i32
    %mul3A_268 = arith.muli %arg0, %mul3A_267 : i32
    %dma_wait3A_269 = arith.constant 0 : i32
    %dma_wait3A_270 = tpu.memref_slice %arg6[%mul3A_268, %dma_wait3A_269] : memref<20480x128xf32, #tpu.memory_space<hbm>> -> memref<80x128xf32, #tpu.memory_space<hbm>>
    %dma_wait3A_271 = arith.constant 0 : i32
    %dma_wait3A_272 = tpu.memref_slice %arg6[%mul3A_268, %dma_wait3A_271] : memref<20480x128xf32, #tpu.memory_space<hbm>> -> memref<80x128xf32, #tpu.memory_space<hbm>>
    tpu.wait_dma2 semaphore(%arg14 : memref<!tpu.dma_semaphore, #tpu.memory_space<semaphore_mem>>) src(%arg10 : memref<80x128xf32, #tpu.memory_space<vmem>>) dst(%dma_wait3A_272 : memref<80x128xf32, #tpu.memory_space<hbm>>)
    return
  }
}

#map = affine_map<(d0, d1) -> (0, 0)>
#map1 = affine_map<(d0, d1) -> (0, 0, 0)>
module attributes {stable_mosaic.version = 14 : i64} {
  func.func @k(%arg0: i32, %arg1: i32, %arg2: memref<10000x128xf32, #tpu.memory_space<hbm>>, %arg3: memref<32x4x80xi32, #tpu.memory_space<hbm>>, %arg4: memref<10240x128xf32, #tpu.memory_space<hbm>>, %arg5: memref<4x80xi32, #tpu.memory_space<vmem>>, %arg6: memref<80x128xf32, #tpu.memory_space<vmem>>, %arg7: memref<!tpu.dma_semaphore, #tpu.memory_space<semaphore_mem>>) attributes {dimension_semantics = [#tpu.dimension_semantics<core_parallel>, #tpu.dimension_semantics<subcore_parallel>], iteration_bounds = array<i64: 2, 16>, scalar_prefetch = 0 : i64, scratch_operands = 3 : i64, tpu.core_type = #tpu.core_type<sc_vector_subcore>, window_params = [{transform_indices = #map}, {transform_indices = #map1}, {transform_indices = #map}]} {
    %mul3A = arith.constant 2 : i32
    %mul3A_0 = arith.muli %arg1, %mul3A : i32
    %add3A = arith.addi %mul3A_0, %arg0 : i32
    "tpu.region"() ({
      %run_scoped3A = tpu.sem_alloc : memref<!tpu.dma_semaphore, #tpu.memory_space<semaphore_mem>>
      %dma_start3A_71 = arith.constant 0 : i32
      %dma_start3A_72 = arith.constant 0 : i32
      %dma_start3A_73 = tpu.memref_slice %arg3[%add3A, %dma_start3A_71, %dma_start3A_72] : memref<32x4x80xi32, #tpu.memory_space<hbm>> -> memref<1x4x80xi32, #tpu.memory_space<hbm>>
      %dma_start3A_74 = tpu.memref_squeeze %dma_start3A_73 : memref<1x4x80xi32, #tpu.memory_space<hbm>> -> memref<4x80xi32, #tpu.memory_space<hbm>>
      %dma_start3A_75 = arith.constant 0 : i32
      %dma_start3A_76 = arith.constant 0 : i32
      %dma_start3A_77 = tpu.memref_slice %arg3[%add3A, %dma_start3A_75, %dma_start3A_76] : memref<32x4x80xi32, #tpu.memory_space<hbm>> -> memref<1x4x80xi32, #tpu.memory_space<hbm>>
      %dma_start3A_78 = tpu.memref_squeeze %dma_start3A_77 : memref<1x4x80xi32, #tpu.memory_space<hbm>> -> memref<4x80xi32, #tpu.memory_space<hbm>>
      tpu.enqueue_dma source(%dma_start3A_78 : memref<4x80xi32, #tpu.memory_space<hbm>>) target(%arg5 : memref<4x80xi32, #tpu.memory_space<vmem>>) target_semaphore(%run_scoped3A : memref<!tpu.dma_semaphore, #tpu.memory_space<semaphore_mem>>)
      %dma_wait3A_79 = arith.constant 0 : i32
      %dma_wait3A_80 = arith.constant 0 : i32
      %dma_wait3A_81 = tpu.memref_slice %arg3[%add3A, %dma_wait3A_79, %dma_wait3A_80] : memref<32x4x80xi32, #tpu.memory_space<hbm>> -> memref<1x4x80xi32, #tpu.memory_space<hbm>>
      %dma_wait3A_82 = tpu.memref_squeeze %dma_wait3A_81 : memref<1x4x80xi32, #tpu.memory_space<hbm>> -> memref<4x80xi32, #tpu.memory_space<hbm>>
      %dma_wait3A_83 = arith.constant 0 : i32
      %dma_wait3A_84 = arith.constant 0 : i32
      %dma_wait3A_85 = tpu.memref_slice %arg3[%add3A, %dma_wait3A_83, %dma_wait3A_84] : memref<32x4x80xi32, #tpu.memory_space<hbm>> -> memref<1x4x80xi32, #tpu.memory_space<hbm>>
      %dma_wait3A_86 = tpu.memref_squeeze %dma_wait3A_85 : memref<1x4x80xi32, #tpu.memory_space<hbm>> -> memref<4x80xi32, #tpu.memory_space<hbm>>
      tpu.wait_dma2 semaphore(%run_scoped3A : memref<!tpu.dma_semaphore, #tpu.memory_space<semaphore_mem>>) src(%dma_wait3A_86 : memref<4x80xi32, #tpu.memory_space<hbm>>) dst(%arg5 : memref<4x80xi32, #tpu.memory_space<vmem>>)
      tpu.yield
    }) : () -> ()
    %dma_start3A = arith.constant 0 : i32
    %dma_start3A_1 = arith.constant 0 : i32
    %dma_start3A_2 = tpu.memref_slice %arg5[%dma_start3A, %dma_start3A_1] : memref<4x80xi32, #tpu.memory_space<vmem>> -> memref<1x80xi32, #tpu.memory_space<vmem>>
    %dma_start3A_3 = tpu.memref_squeeze %dma_start3A_2 : memref<1x80xi32, #tpu.memory_space<vmem>> -> memref<80xi32, #tpu.memory_space<vmem>>
    %dma_start3A_4 = arith.constant 0 : i32
    %dma_start3A_5 = arith.constant 0 : i32
    %dma_start3A_6 = tpu.memref_slice %arg2[%dma_start3A_4, %dma_start3A_5] : memref<10000x128xf32, #tpu.memory_space<hbm>> -> memref<10000x128xf32, #tpu.memory_space<hbm>>
    tpu.enqueue_indirect_dma source(%dma_start3A_6 : memref<10000x128xf32, #tpu.memory_space<hbm>>) target(%arg6 : memref<80x128xf32, #tpu.memory_space<vmem>>) offsets(%dma_start3A_3 : memref<80xi32, #tpu.memory_space<vmem>>) semaphore(%arg7 : memref<!tpu.dma_semaphore, #tpu.memory_space<semaphore_mem>>)
    %dma_wait3A = arith.constant 0 : i32
    %dma_wait3A_7 = arith.constant 0 : i32
    %dma_wait3A_8 = tpu.memref_slice %arg5[%dma_wait3A, %dma_wait3A_7] : memref<4x80xi32, #tpu.memory_space<vmem>> -> memref<1x80xi32, #tpu.memory_space<vmem>>
    %dma_wait3A_9 = tpu.memref_squeeze %dma_wait3A_8 : memref<1x80xi32, #tpu.memory_space<vmem>> -> memref<80xi32, #tpu.memory_space<vmem>>
    %dma_wait3A_10 = arith.constant 0 : i32
    %dma_wait3A_11 = arith.constant 0 : i32
    %dma_wait3A_12 = tpu.memref_slice %arg2[%dma_wait3A_10, %dma_wait3A_11] : memref<10000x128xf32, #tpu.memory_space<hbm>> -> memref<10000x128xf32, #tpu.memory_space<hbm>>
    tpu.wait_indirect_dma semaphore(%arg7 : memref<!tpu.dma_semaphore, #tpu.memory_space<semaphore_mem>>) src(%dma_wait3A_12 : memref<10000x128xf32, #tpu.memory_space<hbm>>) dst(%arg6 : memref<80x128xf32, #tpu.memory_space<vmem>>)
    %mul3A_13 = arith.constant 320 : i32
    %mul3A_14 = arith.muli %add3A, %mul3A_13 : i32
    %add3A_15 = arith.constant 0 : i32
    %add3A_16 = arith.addi %mul3A_14, %add3A_15 : i32
    "tpu.region"() ({
      %run_scoped3A = tpu.sem_alloc : memref<!tpu.dma_semaphore, #tpu.memory_space<semaphore_mem>>
      %dma_start3A_71 = arith.constant 0 : i32
      %dma_start3A_72 = tpu.memref_slice %arg4[%add3A_16, %dma_start3A_71] : memref<10240x128xf32, #tpu.memory_space<hbm>> -> memref<80x128xf32, #tpu.memory_space<hbm>>
      %dma_start3A_73 = arith.constant 0 : i32
      %dma_start3A_74 = tpu.memref_slice %arg4[%add3A_16, %dma_start3A_73] : memref<10240x128xf32, #tpu.memory_space<hbm>> -> memref<80x128xf32, #tpu.memory_space<hbm>>
      tpu.enqueue_dma source(%arg6 : memref<80x128xf32, #tpu.memory_space<vmem>>) target(%dma_start3A_74 : memref<80x128xf32, #tpu.memory_space<hbm>>) target_semaphore(%run_scoped3A : memref<!tpu.dma_semaphore, #tpu.memory_space<semaphore_mem>>)
      %dma_wait3A_75 = arith.constant 0 : i32
      %dma_wait3A_76 = tpu.memref_slice %arg4[%add3A_16, %dma_wait3A_75] : memref<10240x128xf32, #tpu.memory_space<hbm>> -> memref<80x128xf32, #tpu.memory_space<hbm>>
      %dma_wait3A_77 = arith.constant 0 : i32
      %dma_wait3A_78 = tpu.memref_slice %arg4[%add3A_16, %dma_wait3A_77] : memref<10240x128xf32, #tpu.memory_space<hbm>> -> memref<80x128xf32, #tpu.memory_space<hbm>>
      tpu.wait_dma2 semaphore(%run_scoped3A : memref<!tpu.dma_semaphore, #tpu.memory_space<semaphore_mem>>) src(%arg6 : memref<80x128xf32, #tpu.memory_space<vmem>>) dst(%dma_wait3A_78 : memref<80x128xf32, #tpu.memory_space<hbm>>)
      tpu.yield
    }) : () -> ()
    %dma_start3A_17 = arith.constant 1 : i32
    %dma_start3A_18 = arith.constant 0 : i32
    %dma_start3A_19 = tpu.memref_slice %arg5[%dma_start3A_17, %dma_start3A_18] : memref<4x80xi32, #tpu.memory_space<vmem>> -> memref<1x80xi32, #tpu.memory_space<vmem>>
    %dma_start3A_20 = tpu.memref_squeeze %dma_start3A_19 : memref<1x80xi32, #tpu.memory_space<vmem>> -> memref<80xi32, #tpu.memory_space<vmem>>
    %dma_start3A_21 = arith.constant 0 : i32
    %dma_start3A_22 = arith.constant 0 : i32
    %dma_start3A_23 = tpu.memref_slice %arg2[%dma_start3A_21, %dma_start3A_22] : memref<10000x128xf32, #tpu.memory_space<hbm>> -> memref<10000x128xf32, #tpu.memory_space<hbm>>
    tpu.enqueue_indirect_dma source(%dma_start3A_23 : memref<10000x128xf32, #tpu.memory_space<hbm>>) target(%arg6 : memref<80x128xf32, #tpu.memory_space<vmem>>) offsets(%dma_start3A_20 : memref<80xi32, #tpu.memory_space<vmem>>) semaphore(%arg7 : memref<!tpu.dma_semaphore, #tpu.memory_space<semaphore_mem>>)
    %dma_wait3A_24 = arith.constant 1 : i32
    %dma_wait3A_25 = arith.constant 0 : i32
    %dma_wait3A_26 = tpu.memref_slice %arg5[%dma_wait3A_24, %dma_wait3A_25] : memref<4x80xi32, #tpu.memory_space<vmem>> -> memref<1x80xi32, #tpu.memory_space<vmem>>
    %dma_wait3A_27 = tpu.memref_squeeze %dma_wait3A_26 : memref<1x80xi32, #tpu.memory_space<vmem>> -> memref<80xi32, #tpu.memory_space<vmem>>
    %dma_wait3A_28 = arith.constant 0 : i32
    %dma_wait3A_29 = arith.constant 0 : i32
    %dma_wait3A_30 = tpu.memref_slice %arg2[%dma_wait3A_28, %dma_wait3A_29] : memref<10000x128xf32, #tpu.memory_space<hbm>> -> memref<10000x128xf32, #tpu.memory_space<hbm>>
    tpu.wait_indirect_dma semaphore(%arg7 : memref<!tpu.dma_semaphore, #tpu.memory_space<semaphore_mem>>) src(%dma_wait3A_30 : memref<10000x128xf32, #tpu.memory_space<hbm>>) dst(%arg6 : memref<80x128xf32, #tpu.memory_space<vmem>>)
    %mul3A_31 = arith.constant 320 : i32
    %mul3A_32 = arith.muli %add3A, %mul3A_31 : i32
    %add3A_33 = arith.constant 80 : i32
    %add3A_34 = arith.addi %mul3A_32, %add3A_33 : i32
    "tpu.region"() ({
      %run_scoped3A = tpu.sem_alloc : memref<!tpu.dma_semaphore, #tpu.memory_space<semaphore_mem>>
      %dma_start3A_71 = arith.constant 0 : i32
      %dma_start3A_72 = tpu.memref_slice %arg4[%add3A_34, %dma_start3A_71] : memref<10240x128xf32, #tpu.memory_space<hbm>> -> memref<80x128xf32, #tpu.memory_space<hbm>>
      %dma_start3A_73 = arith.constant 0 : i32
      %dma_start3A_74 = tpu.memref_slice %arg4[%add3A_34, %dma_start3A_73] : memref<10240x128xf32, #tpu.memory_space<hbm>> -> memref<80x128xf32, #tpu.memory_space<hbm>>
      tpu.enqueue_dma source(%arg6 : memref<80x128xf32, #tpu.memory_space<vmem>>) target(%dma_start3A_74 : memref<80x128xf32, #tpu.memory_space<hbm>>) target_semaphore(%run_scoped3A : memref<!tpu.dma_semaphore, #tpu.memory_space<semaphore_mem>>)
      %dma_wait3A_75 = arith.constant 0 : i32
      %dma_wait3A_76 = tpu.memref_slice %arg4[%add3A_34, %dma_wait3A_75] : memref<10240x128xf32, #tpu.memory_space<hbm>> -> memref<80x128xf32, #tpu.memory_space<hbm>>
      %dma_wait3A_77 = arith.constant 0 : i32
      %dma_wait3A_78 = tpu.memref_slice %arg4[%add3A_34, %dma_wait3A_77] : memref<10240x128xf32, #tpu.memory_space<hbm>> -> memref<80x128xf32, #tpu.memory_space<hbm>>
      tpu.wait_dma2 semaphore(%run_scoped3A : memref<!tpu.dma_semaphore, #tpu.memory_space<semaphore_mem>>) src(%arg6 : memref<80x128xf32, #tpu.memory_space<vmem>>) dst(%dma_wait3A_78 : memref<80x128xf32, #tpu.memory_space<hbm>>)
      tpu.yield
    }) : () -> ()
    %dma_start3A_35 = arith.constant 2 : i32
    %dma_start3A_36 = arith.constant 0 : i32
    %dma_start3A_37 = tpu.memref_slice %arg5[%dma_start3A_35, %dma_start3A_36] : memref<4x80xi32, #tpu.memory_space<vmem>> -> memref<1x80xi32, #tpu.memory_space<vmem>>
    %dma_start3A_38 = tpu.memref_squeeze %dma_start3A_37 : memref<1x80xi32, #tpu.memory_space<vmem>> -> memref<80xi32, #tpu.memory_space<vmem>>
    %dma_start3A_39 = arith.constant 0 : i32
    %dma_start3A_40 = arith.constant 0 : i32
    %dma_start3A_41 = tpu.memref_slice %arg2[%dma_start3A_39, %dma_start3A_40] : memref<10000x128xf32, #tpu.memory_space<hbm>> -> memref<10000x128xf32, #tpu.memory_space<hbm>>
    tpu.enqueue_indirect_dma source(%dma_start3A_41 : memref<10000x128xf32, #tpu.memory_space<hbm>>) target(%arg6 : memref<80x128xf32, #tpu.memory_space<vmem>>) offsets(%dma_start3A_38 : memref<80xi32, #tpu.memory_space<vmem>>) semaphore(%arg7 : memref<!tpu.dma_semaphore, #tpu.memory_space<semaphore_mem>>)
    %dma_wait3A_42 = arith.constant 2 : i32
    %dma_wait3A_43 = arith.constant 0 : i32
    %dma_wait3A_44 = tpu.memref_slice %arg5[%dma_wait3A_42, %dma_wait3A_43] : memref<4x80xi32, #tpu.memory_space<vmem>> -> memref<1x80xi32, #tpu.memory_space<vmem>>
    %dma_wait3A_45 = tpu.memref_squeeze %dma_wait3A_44 : memref<1x80xi32, #tpu.memory_space<vmem>> -> memref<80xi32, #tpu.memory_space<vmem>>
    %dma_wait3A_46 = arith.constant 0 : i32
    %dma_wait3A_47 = arith.constant 0 : i32
    %dma_wait3A_48 = tpu.memref_slice %arg2[%dma_wait3A_46, %dma_wait3A_47] : memref<10000x128xf32, #tpu.memory_space<hbm>> -> memref<10000x128xf32, #tpu.memory_space<hbm>>
    tpu.wait_indirect_dma semaphore(%arg7 : memref<!tpu.dma_semaphore, #tpu.memory_space<semaphore_mem>>) src(%dma_wait3A_48 : memref<10000x128xf32, #tpu.memory_space<hbm>>) dst(%arg6 : memref<80x128xf32, #tpu.memory_space<vmem>>)
    %mul3A_49 = arith.constant 320 : i32
    %mul3A_50 = arith.muli %add3A, %mul3A_49 : i32
    %add3A_51 = arith.constant 160 : i32
    %add3A_52 = arith.addi %mul3A_50, %add3A_51 : i32
    "tpu.region"() ({
      %run_scoped3A = tpu.sem_alloc : memref<!tpu.dma_semaphore, #tpu.memory_space<semaphore_mem>>
      %dma_start3A_71 = arith.constant 0 : i32
      %dma_start3A_72 = tpu.memref_slice %arg4[%add3A_52, %dma_start3A_71] : memref<10240x128xf32, #tpu.memory_space<hbm>> -> memref<80x128xf32, #tpu.memory_space<hbm>>
      %dma_start3A_73 = arith.constant 0 : i32
      %dma_start3A_74 = tpu.memref_slice %arg4[%add3A_52, %dma_start3A_73] : memref<10240x128xf32, #tpu.memory_space<hbm>> -> memref<80x128xf32, #tpu.memory_space<hbm>>
      tpu.enqueue_dma source(%arg6 : memref<80x128xf32, #tpu.memory_space<vmem>>) target(%dma_start3A_74 : memref<80x128xf32, #tpu.memory_space<hbm>>) target_semaphore(%run_scoped3A : memref<!tpu.dma_semaphore, #tpu.memory_space<semaphore_mem>>)
      %dma_wait3A_75 = arith.constant 0 : i32
      %dma_wait3A_76 = tpu.memref_slice %arg4[%add3A_52, %dma_wait3A_75] : memref<10240x128xf32, #tpu.memory_space<hbm>> -> memref<80x128xf32, #tpu.memory_space<hbm>>
      %dma_wait3A_77 = arith.constant 0 : i32
      %dma_wait3A_78 = tpu.memref_slice %arg4[%add3A_52, %dma_wait3A_77] : memref<10240x128xf32, #tpu.memory_space<hbm>> -> memref<80x128xf32, #tpu.memory_space<hbm>>
      tpu.wait_dma2 semaphore(%run_scoped3A : memref<!tpu.dma_semaphore, #tpu.memory_space<semaphore_mem>>) src(%arg6 : memref<80x128xf32, #tpu.memory_space<vmem>>) dst(%dma_wait3A_78 : memref<80x128xf32, #tpu.memory_space<hbm>>)
      tpu.yield
    }) : () -> ()
    %dma_start3A_53 = arith.constant 3 : i32
    %dma_start3A_54 = arith.constant 0 : i32
    %dma_start3A_55 = tpu.memref_slice %arg5[%dma_start3A_53, %dma_start3A_54] : memref<4x80xi32, #tpu.memory_space<vmem>> -> memref<1x80xi32, #tpu.memory_space<vmem>>
    %dma_start3A_56 = tpu.memref_squeeze %dma_start3A_55 : memref<1x80xi32, #tpu.memory_space<vmem>> -> memref<80xi32, #tpu.memory_space<vmem>>
    %dma_start3A_57 = arith.constant 0 : i32
    %dma_start3A_58 = arith.constant 0 : i32
    %dma_start3A_59 = tpu.memref_slice %arg2[%dma_start3A_57, %dma_start3A_58] : memref<10000x128xf32, #tpu.memory_space<hbm>> -> memref<10000x128xf32, #tpu.memory_space<hbm>>
    tpu.enqueue_indirect_dma source(%dma_start3A_59 : memref<10000x128xf32, #tpu.memory_space<hbm>>) target(%arg6 : memref<80x128xf32, #tpu.memory_space<vmem>>) offsets(%dma_start3A_56 : memref<80xi32, #tpu.memory_space<vmem>>) semaphore(%arg7 : memref<!tpu.dma_semaphore, #tpu.memory_space<semaphore_mem>>)
    %dma_wait3A_60 = arith.constant 3 : i32
    %dma_wait3A_61 = arith.constant 0 : i32
    %dma_wait3A_62 = tpu.memref_slice %arg5[%dma_wait3A_60, %dma_wait3A_61] : memref<4x80xi32, #tpu.memory_space<vmem>> -> memref<1x80xi32, #tpu.memory_space<vmem>>
    %dma_wait3A_63 = tpu.memref_squeeze %dma_wait3A_62 : memref<1x80xi32, #tpu.memory_space<vmem>> -> memref<80xi32, #tpu.memory_space<vmem>>
    %dma_wait3A_64 = arith.constant 0 : i32
    %dma_wait3A_65 = arith.constant 0 : i32
    %dma_wait3A_66 = tpu.memref_slice %arg2[%dma_wait3A_64, %dma_wait3A_65] : memref<10000x128xf32, #tpu.memory_space<hbm>> -> memref<10000x128xf32, #tpu.memory_space<hbm>>
    tpu.wait_indirect_dma semaphore(%arg7 : memref<!tpu.dma_semaphore, #tpu.memory_space<semaphore_mem>>) src(%dma_wait3A_66 : memref<10000x128xf32, #tpu.memory_space<hbm>>) dst(%arg6 : memref<80x128xf32, #tpu.memory_space<vmem>>)
    %mul3A_67 = arith.constant 320 : i32
    %mul3A_68 = arith.muli %add3A, %mul3A_67 : i32
    %add3A_69 = arith.constant 240 : i32
    %add3A_70 = arith.addi %mul3A_68, %add3A_69 : i32
    "tpu.region"() ({
      %run_scoped3A = tpu.sem_alloc : memref<!tpu.dma_semaphore, #tpu.memory_space<semaphore_mem>>
      %dma_start3A_71 = arith.constant 0 : i32
      %dma_start3A_72 = tpu.memref_slice %arg4[%add3A_70, %dma_start3A_71] : memref<10240x128xf32, #tpu.memory_space<hbm>> -> memref<80x128xf32, #tpu.memory_space<hbm>>
      %dma_start3A_73 = arith.constant 0 : i32
      %dma_start3A_74 = tpu.memref_slice %arg4[%add3A_70, %dma_start3A_73] : memref<10240x128xf32, #tpu.memory_space<hbm>> -> memref<80x128xf32, #tpu.memory_space<hbm>>
      tpu.enqueue_dma source(%arg6 : memref<80x128xf32, #tpu.memory_space<vmem>>) target(%dma_start3A_74 : memref<80x128xf32, #tpu.memory_space<hbm>>) target_semaphore(%run_scoped3A : memref<!tpu.dma_semaphore, #tpu.memory_space<semaphore_mem>>)
      %dma_wait3A_75 = arith.constant 0 : i32
      %dma_wait3A_76 = tpu.memref_slice %arg4[%add3A_70, %dma_wait3A_75] : memref<10240x128xf32, #tpu.memory_space<hbm>> -> memref<80x128xf32, #tpu.memory_space<hbm>>
      %dma_wait3A_77 = arith.constant 0 : i32
      %dma_wait3A_78 = tpu.memref_slice %arg4[%add3A_70, %dma_wait3A_77] : memref<10240x128xf32, #tpu.memory_space<hbm>> -> memref<80x128xf32, #tpu.memory_space<hbm>>
      tpu.wait_dma2 semaphore(%run_scoped3A : memref<!tpu.dma_semaphore, #tpu.memory_space<semaphore_mem>>) src(%arg6 : memref<80x128xf32, #tpu.memory_space<vmem>>) dst(%dma_wait3A_78 : memref<80x128xf32, #tpu.memory_space<hbm>>)
      tpu.yield
    }) : () -> ()
    return
  }
}

#map = affine_map<(d0, d1) -> (0, 0)>
#map1 = affine_map<(d0, d1) -> (0, 0, 0)>
#map2 = affine_map<(d0, d1) -> (0)>
module attributes {stable_mosaic.version = 14 : i64} {
  func.func @k(%arg0: i32, %arg1: i32, %arg2: memref<10000x128xf32, #tpu.memory_space<hbm>>, %arg3: memref<32x10000xi32, #tpu.memory_space<hbm>>, %arg4: memref<32x125x80xi32, #tpu.memory_space<hbm>>, %arg5: memref<80x128xf32, #tpu.memory_space<hbm>>, %arg6: memref<640xf32, #tpu.memory_space<hbm>>, %arg7: memref<80xf32, #tpu.memory_space<hbm>>, %arg8: memref<20480x128xf32, #tpu.memory_space<hbm>>, %arg9: memref<20480xf32, #tpu.memory_space<hbm>>, %arg10: memref<10240x128xf32, #tpu.memory_space<vmem_shared>>, %arg11: memref<10000xi32, #tpu.memory_space<vmem>>, %arg12: memref<125x80xi32, #tpu.memory_space<vmem>>, %arg13: memref<80x128xf32, #tpu.memory_space<vmem>>, %arg14: memref<80x128xf32, #tpu.memory_space<vmem>>, %arg15: memref<!tpu.dma_semaphore, #tpu.memory_space<semaphore_mem>>, %arg16: memref<!tpu.dma_semaphore, #tpu.memory_space<semaphore_mem>>, %arg17: memref<!tpu.dma_semaphore, #tpu.memory_space<semaphore_mem>>, %arg18: memref<80xf32, #tpu.memory_space<vmem>>, %arg19: memref<640xf32, #tpu.memory_space<vmem>>, %arg20: memref<10240xf32, #tpu.memory_space<vmem_shared>>) attributes {dimension_semantics = [#tpu.dimension_semantics<core_parallel>, #tpu.dimension_semantics<subcore_parallel>], iteration_bounds = array<i64: 2, 16>, scalar_prefetch = 0 : i64, scratch_operands = 11 : i64, tpu.core_type = #tpu.core_type<sc_vector_subcore>, window_params = [{transform_indices = #map}, {transform_indices = #map}, {transform_indices = #map1}, {transform_indices = #map}, {transform_indices = #map2}, {transform_indices = #map2}, {transform_indices = #map}, {transform_indices = #map2}]} {
    %mul3A = arith.constant 2 : i32
    %mul3A_0 = arith.muli %arg1, %mul3A : i32
    %add3A = arith.addi %mul3A_0, %arg0 : i32
    "tpu.region"() ({
      %run_scoped3A_289 = tpu.sem_alloc : memref<!tpu.dma_semaphore, #tpu.memory_space<semaphore_mem>>
      tpu.enqueue_dma source(%arg5 : memref<80x128xf32, #tpu.memory_space<hbm>>) target(%arg13 : memref<80x128xf32, #tpu.memory_space<vmem>>) target_semaphore(%run_scoped3A_289 : memref<!tpu.dma_semaphore, #tpu.memory_space<semaphore_mem>>)
      tpu.wait_dma2 semaphore(%run_scoped3A_289 : memref<!tpu.dma_semaphore, #tpu.memory_space<semaphore_mem>>) src(%arg5 : memref<80x128xf32, #tpu.memory_space<hbm>>) dst(%arg13 : memref<80x128xf32, #tpu.memory_space<vmem>>)
      tpu.yield
    }) : () -> ()
    %mul3A_1 = arith.constant 640 : i32
    %mul3A_2 = arith.muli %arg1, %mul3A_1 : i32
    %add3A_3 = arith.constant 0 : i32
    %add3A_4 = arith.addi %mul3A_2, %add3A_3 : i32
    %dma_start3A = arith.constant 0 : i32
    %dma_start3A_5 = tpu.memref_slice %arg10[%add3A_4, %dma_start3A] : memref<10240x128xf32, #tpu.memory_space<vmem_shared>> -> memref<80x128xf32, #tpu.memory_space<vmem_shared>>
    %dma_start3A_6 = arith.constant 0 : i32
    %dma_start3A_7 = tpu.memref_slice %arg10[%add3A_4, %dma_start3A_6] : memref<10240x128xf32, #tpu.memory_space<vmem_shared>> -> memref<80x128xf32, #tpu.memory_space<vmem_shared>>
    tpu.enqueue_dma source(%arg13 : memref<80x128xf32, #tpu.memory_space<vmem>>) target(%dma_start3A_7 : memref<80x128xf32, #tpu.memory_space<vmem_shared>>) target_semaphore(%arg17 : memref<!tpu.dma_semaphore, #tpu.memory_space<semaphore_mem>>)
    %mul3A_8 = arith.constant 640 : i32
    %mul3A_9 = arith.muli %arg1, %mul3A_8 : i32
    %add3A_10 = arith.constant 80 : i32
    %add3A_11 = arith.addi %mul3A_9, %add3A_10 : i32
    %dma_start3A_12 = arith.constant 0 : i32
    %dma_start3A_13 = tpu.memref_slice %arg10[%add3A_11, %dma_start3A_12] : memref<10240x128xf32, #tpu.memory_space<vmem_shared>> -> memref<80x128xf32, #tpu.memory_space<vmem_shared>>
    %dma_start3A_14 = arith.constant 0 : i32
    %dma_start3A_15 = tpu.memref_slice %arg10[%add3A_11, %dma_start3A_14] : memref<10240x128xf32, #tpu.memory_space<vmem_shared>> -> memref<80x128xf32, #tpu.memory_space<vmem_shared>>
    tpu.enqueue_dma source(%arg13 : memref<80x128xf32, #tpu.memory_space<vmem>>) target(%dma_start3A_15 : memref<80x128xf32, #tpu.memory_space<vmem_shared>>) target_semaphore(%arg17 : memref<!tpu.dma_semaphore, #tpu.memory_space<semaphore_mem>>)
    %mul3A_16 = arith.constant 640 : i32
    %mul3A_17 = arith.muli %arg1, %mul3A_16 : i32
    %add3A_18 = arith.constant 160 : i32
    %add3A_19 = arith.addi %mul3A_17, %add3A_18 : i32
    %dma_start3A_20 = arith.constant 0 : i32
    %dma_start3A_21 = tpu.memref_slice %arg10[%add3A_19, %dma_start3A_20] : memref<10240x128xf32, #tpu.memory_space<vmem_shared>> -> memref<80x128xf32, #tpu.memory_space<vmem_shared>>
    %dma_start3A_22 = arith.constant 0 : i32
    %dma_start3A_23 = tpu.memref_slice %arg10[%add3A_19, %dma_start3A_22] : memref<10240x128xf32, #tpu.memory_space<vmem_shared>> -> memref<80x128xf32, #tpu.memory_space<vmem_shared>>
    tpu.enqueue_dma source(%arg13 : memref<80x128xf32, #tpu.memory_space<vmem>>) target(%dma_start3A_23 : memref<80x128xf32, #tpu.memory_space<vmem_shared>>) target_semaphore(%arg17 : memref<!tpu.dma_semaphore, #tpu.memory_space<semaphore_mem>>)
    %mul3A_24 = arith.constant 640 : i32
    %mul3A_25 = arith.muli %arg1, %mul3A_24 : i32
    %add3A_26 = arith.constant 240 : i32
    %add3A_27 = arith.addi %mul3A_25, %add3A_26 : i32
    %dma_start3A_28 = arith.constant 0 : i32
    %dma_start3A_29 = tpu.memref_slice %arg10[%add3A_27, %dma_start3A_28] : memref<10240x128xf32, #tpu.memory_space<vmem_shared>> -> memref<80x128xf32, #tpu.memory_space<vmem_shared>>
    %dma_start3A_30 = arith.constant 0 : i32
    %dma_start3A_31 = tpu.memref_slice %arg10[%add3A_27, %dma_start3A_30] : memref<10240x128xf32, #tpu.memory_space<vmem_shared>> -> memref<80x128xf32, #tpu.memory_space<vmem_shared>>
    tpu.enqueue_dma source(%arg13 : memref<80x128xf32, #tpu.memory_space<vmem>>) target(%dma_start3A_31 : memref<80x128xf32, #tpu.memory_space<vmem_shared>>) target_semaphore(%arg17 : memref<!tpu.dma_semaphore, #tpu.memory_space<semaphore_mem>>)
    %mul3A_32 = arith.constant 640 : i32
    %mul3A_33 = arith.muli %arg1, %mul3A_32 : i32
    %add3A_34 = arith.constant 320 : i32
    %add3A_35 = arith.addi %mul3A_33, %add3A_34 : i32
    %dma_start3A_36 = arith.constant 0 : i32
    %dma_start3A_37 = tpu.memref_slice %arg10[%add3A_35, %dma_start3A_36] : memref<10240x128xf32, #tpu.memory_space<vmem_shared>> -> memref<80x128xf32, #tpu.memory_space<vmem_shared>>
    %dma_start3A_38 = arith.constant 0 : i32
    %dma_start3A_39 = tpu.memref_slice %arg10[%add3A_35, %dma_start3A_38] : memref<10240x128xf32, #tpu.memory_space<vmem_shared>> -> memref<80x128xf32, #tpu.memory_space<vmem_shared>>
    tpu.enqueue_dma source(%arg13 : memref<80x128xf32, #tpu.memory_space<vmem>>) target(%dma_start3A_39 : memref<80x128xf32, #tpu.memory_space<vmem_shared>>) target_semaphore(%arg17 : memref<!tpu.dma_semaphore, #tpu.memory_space<semaphore_mem>>)
    %mul3A_40 = arith.constant 640 : i32
    %mul3A_41 = arith.muli %arg1, %mul3A_40 : i32
    %add3A_42 = arith.constant 400 : i32
    %add3A_43 = arith.addi %mul3A_41, %add3A_42 : i32
    %dma_start3A_44 = arith.constant 0 : i32
    %dma_start3A_45 = tpu.memref_slice %arg10[%add3A_43, %dma_start3A_44] : memref<10240x128xf32, #tpu.memory_space<vmem_shared>> -> memref<80x128xf32, #tpu.memory_space<vmem_shared>>
    %dma_start3A_46 = arith.constant 0 : i32
    %dma_start3A_47 = tpu.memref_slice %arg10[%add3A_43, %dma_start3A_46] : memref<10240x128xf32, #tpu.memory_space<vmem_shared>> -> memref<80x128xf32, #tpu.memory_space<vmem_shared>>
    tpu.enqueue_dma source(%arg13 : memref<80x128xf32, #tpu.memory_space<vmem>>) target(%dma_start3A_47 : memref<80x128xf32, #tpu.memory_space<vmem_shared>>) target_semaphore(%arg17 : memref<!tpu.dma_semaphore, #tpu.memory_space<semaphore_mem>>)
    %mul3A_48 = arith.constant 640 : i32
    %mul3A_49 = arith.muli %arg1, %mul3A_48 : i32
    %add3A_50 = arith.constant 480 : i32
    %add3A_51 = arith.addi %mul3A_49, %add3A_50 : i32
    %dma_start3A_52 = arith.constant 0 : i32
    %dma_start3A_53 = tpu.memref_slice %arg10[%add3A_51, %dma_start3A_52] : memref<10240x128xf32, #tpu.memory_space<vmem_shared>> -> memref<80x128xf32, #tpu.memory_space<vmem_shared>>
    %dma_start3A_54 = arith.constant 0 : i32
    %dma_start3A_55 = tpu.memref_slice %arg10[%add3A_51, %dma_start3A_54] : memref<10240x128xf32, #tpu.memory_space<vmem_shared>> -> memref<80x128xf32, #tpu.memory_space<vmem_shared>>
    tpu.enqueue_dma source(%arg13 : memref<80x128xf32, #tpu.memory_space<vmem>>) target(%dma_start3A_55 : memref<80x128xf32, #tpu.memory_space<vmem_shared>>) target_semaphore(%arg17 : memref<!tpu.dma_semaphore, #tpu.memory_space<semaphore_mem>>)
    %mul3A_56 = arith.constant 640 : i32
    %mul3A_57 = arith.muli %arg1, %mul3A_56 : i32
    %add3A_58 = arith.constant 560 : i32
    %add3A_59 = arith.addi %mul3A_57, %add3A_58 : i32
    %dma_start3A_60 = arith.constant 0 : i32
    %dma_start3A_61 = tpu.memref_slice %arg10[%add3A_59, %dma_start3A_60] : memref<10240x128xf32, #tpu.memory_space<vmem_shared>> -> memref<80x128xf32, #tpu.memory_space<vmem_shared>>
    %dma_start3A_62 = arith.constant 0 : i32
    %dma_start3A_63 = tpu.memref_slice %arg10[%add3A_59, %dma_start3A_62] : memref<10240x128xf32, #tpu.memory_space<vmem_shared>> -> memref<80x128xf32, #tpu.memory_space<vmem_shared>>
    tpu.enqueue_dma source(%arg13 : memref<80x128xf32, #tpu.memory_space<vmem>>) target(%dma_start3A_63 : memref<80x128xf32, #tpu.memory_space<vmem_shared>>) target_semaphore(%arg17 : memref<!tpu.dma_semaphore, #tpu.memory_space<semaphore_mem>>)
    "tpu.region"() ({
      %run_scoped3A_289 = tpu.sem_alloc : memref<!tpu.dma_semaphore, #tpu.memory_space<semaphore_mem>>
      tpu.enqueue_dma source(%arg6 : memref<640xf32, #tpu.memory_space<hbm>>) target(%arg19 : memref<640xf32, #tpu.memory_space<vmem>>) target_semaphore(%run_scoped3A_289 : memref<!tpu.dma_semaphore, #tpu.memory_space<semaphore_mem>>)
      tpu.wait_dma2 semaphore(%run_scoped3A_289 : memref<!tpu.dma_semaphore, #tpu.memory_space<semaphore_mem>>) src(%arg6 : memref<640xf32, #tpu.memory_space<hbm>>) dst(%arg19 : memref<640xf32, #tpu.memory_space<vmem>>)
      tpu.yield
    }) : () -> ()
    %mul3A_64 = arith.constant 640 : i32
    %mul3A_65 = arith.muli %arg1, %mul3A_64 : i32
    %dma_start3A_66 = tpu.memref_slice %arg20[%mul3A_65] : memref<10240xf32, #tpu.memory_space<vmem_shared>> -> memref<640xf32, #tpu.memory_space<vmem_shared>>
    %dma_start3A_67 = tpu.memref_slice %arg20[%mul3A_65] : memref<10240xf32, #tpu.memory_space<vmem_shared>> -> memref<640xf32, #tpu.memory_space<vmem_shared>>
    tpu.enqueue_dma source(%arg19 : memref<640xf32, #tpu.memory_space<vmem>>) target(%dma_start3A_67 : memref<640xf32, #tpu.memory_space<vmem_shared>>) target_semaphore(%arg17 : memref<!tpu.dma_semaphore, #tpu.memory_space<semaphore_mem>>)
    "tpu.region"() ({
      %run_scoped3A_289 = tpu.sem_alloc : memref<!tpu.dma_semaphore, #tpu.memory_space<semaphore_mem>>
      %dma_start3A_290 = arith.constant 0 : i32
      %dma_start3A_291 = tpu.memref_slice %arg3[%add3A, %dma_start3A_290] : memref<32x10000xi32, #tpu.memory_space<hbm>> -> memref<1x10000xi32, #tpu.memory_space<hbm>>
      %dma_start3A_292 = tpu.memref_squeeze %dma_start3A_291 : memref<1x10000xi32, #tpu.memory_space<hbm>> -> memref<10000xi32, #tpu.memory_space<hbm>>
      %dma_start3A_293 = arith.constant 0 : i32
      %dma_start3A_294 = tpu.memref_slice %arg3[%add3A, %dma_start3A_293] : memref<32x10000xi32, #tpu.memory_space<hbm>> -> memref<1x10000xi32, #tpu.memory_space<hbm>>
      %dma_start3A_295 = tpu.memref_squeeze %dma_start3A_294 : memref<1x10000xi32, #tpu.memory_space<hbm>> -> memref<10000xi32, #tpu.memory_space<hbm>>
      tpu.enqueue_dma source(%dma_start3A_295 : memref<10000xi32, #tpu.memory_space<hbm>>) target(%arg11 : memref<10000xi32, #tpu.memory_space<vmem>>) target_semaphore(%run_scoped3A_289 : memref<!tpu.dma_semaphore, #tpu.memory_space<semaphore_mem>>)
      %dma_wait3A_296 = arith.constant 0 : i32
      %dma_wait3A_297 = tpu.memref_slice %arg3[%add3A, %dma_wait3A_296] : memref<32x10000xi32, #tpu.memory_space<hbm>> -> memref<1x10000xi32, #tpu.memory_space<hbm>>
      %dma_wait3A_298 = tpu.memref_squeeze %dma_wait3A_297 : memref<1x10000xi32, #tpu.memory_space<hbm>> -> memref<10000xi32, #tpu.memory_space<hbm>>
      %dma_wait3A_299 = arith.constant 0 : i32
      %dma_wait3A_300 = tpu.memref_slice %arg3[%add3A, %dma_wait3A_299] : memref<32x10000xi32, #tpu.memory_space<hbm>> -> memref<1x10000xi32, #tpu.memory_space<hbm>>
      %dma_wait3A_301 = tpu.memref_squeeze %dma_wait3A_300 : memref<1x10000xi32, #tpu.memory_space<hbm>> -> memref<10000xi32, #tpu.memory_space<hbm>>
      tpu.wait_dma2 semaphore(%run_scoped3A_289 : memref<!tpu.dma_semaphore, #tpu.memory_space<semaphore_mem>>) src(%dma_wait3A_301 : memref<10000xi32, #tpu.memory_space<hbm>>) dst(%arg11 : memref<10000xi32, #tpu.memory_space<vmem>>)
      tpu.yield
    }) : () -> ()
    "tpu.region"() ({
      %run_scoped3A_289 = tpu.sem_alloc : memref<!tpu.dma_semaphore, #tpu.memory_space<semaphore_mem>>
      %dma_start3A_290 = arith.constant 0 : i32
      %dma_start3A_291 = arith.constant 0 : i32
      %dma_start3A_292 = tpu.memref_slice %arg4[%add3A, %dma_start3A_290, %dma_start3A_291] : memref<32x125x80xi32, #tpu.memory_space<hbm>> -> memref<1x125x80xi32, #tpu.memory_space<hbm>>
      %dma_start3A_293 = tpu.memref_squeeze %dma_start3A_292 : memref<1x125x80xi32, #tpu.memory_space<hbm>> -> memref<125x80xi32, #tpu.memory_space<hbm>>
      %dma_start3A_294 = arith.constant 0 : i32
      %dma_start3A_295 = arith.constant 0 : i32
      %dma_start3A_296 = tpu.memref_slice %arg4[%add3A, %dma_start3A_294, %dma_start3A_295] : memref<32x125x80xi32, #tpu.memory_space<hbm>> -> memref<1x125x80xi32, #tpu.memory_space<hbm>>
      %dma_start3A_297 = tpu.memref_squeeze %dma_start3A_296 : memref<1x125x80xi32, #tpu.memory_space<hbm>> -> memref<125x80xi32, #tpu.memory_space<hbm>>
      tpu.enqueue_dma source(%dma_start3A_297 : memref<125x80xi32, #tpu.memory_space<hbm>>) target(%arg12 : memref<125x80xi32, #tpu.memory_space<vmem>>) target_semaphore(%run_scoped3A_289 : memref<!tpu.dma_semaphore, #tpu.memory_space<semaphore_mem>>)
      %dma_wait3A_298 = arith.constant 0 : i32
      %dma_wait3A_299 = arith.constant 0 : i32
      %dma_wait3A_300 = tpu.memref_slice %arg4[%add3A, %dma_wait3A_298, %dma_wait3A_299] : memref<32x125x80xi32, #tpu.memory_space<hbm>> -> memref<1x125x80xi32, #tpu.memory_space<hbm>>
      %dma_wait3A_301 = tpu.memref_squeeze %dma_wait3A_300 : memref<1x125x80xi32, #tpu.memory_space<hbm>> -> memref<125x80xi32, #tpu.memory_space<hbm>>
      %dma_wait3A_302 = arith.constant 0 : i32
      %dma_wait3A_303 = arith.constant 0 : i32
      %dma_wait3A_304 = tpu.memref_slice %arg4[%add3A, %dma_wait3A_302, %dma_wait3A_303] : memref<32x125x80xi32, #tpu.memory_space<hbm>> -> memref<1x125x80xi32, #tpu.memory_space<hbm>>
      %dma_wait3A_305 = tpu.memref_squeeze %dma_wait3A_304 : memref<1x125x80xi32, #tpu.memory_space<hbm>> -> memref<125x80xi32, #tpu.memory_space<hbm>>
      tpu.wait_dma2 semaphore(%run_scoped3A_289 : memref<!tpu.dma_semaphore, #tpu.memory_space<semaphore_mem>>) src(%dma_wait3A_305 : memref<125x80xi32, #tpu.memory_space<hbm>>) dst(%arg12 : memref<125x80xi32, #tpu.memory_space<vmem>>)
      tpu.yield
    }) : () -> ()
    "tpu.region"() ({
      %run_scoped3A_289 = tpu.sem_alloc : memref<!tpu.dma_semaphore, #tpu.memory_space<semaphore_mem>>
      tpu.enqueue_dma source(%arg7 : memref<80xf32, #tpu.memory_space<hbm>>) target(%arg18 : memref<80xf32, #tpu.memory_space<vmem>>) target_semaphore(%run_scoped3A_289 : memref<!tpu.dma_semaphore, #tpu.memory_space<semaphore_mem>>)
      tpu.wait_dma2 semaphore(%run_scoped3A_289 : memref<!tpu.dma_semaphore, #tpu.memory_space<semaphore_mem>>) src(%arg7 : memref<80xf32, #tpu.memory_space<hbm>>) dst(%arg18 : memref<80xf32, #tpu.memory_space<vmem>>)
      tpu.yield
    }) : () -> ()
    %mul3A_68 = arith.constant 640 : i32
    %mul3A_69 = arith.muli %arg1, %mul3A_68 : i32
    %dma_wait3A = arith.constant 0 : i32
    %dma_wait3A_70 = tpu.memref_slice %arg10[%mul3A_69, %dma_wait3A] : memref<10240x128xf32, #tpu.memory_space<vmem_shared>> -> memref<80x128xf32, #tpu.memory_space<vmem_shared>>
    %dma_wait3A_71 = arith.constant 0 : i32
    %dma_wait3A_72 = tpu.memref_slice %arg10[%mul3A_69, %dma_wait3A_71] : memref<10240x128xf32, #tpu.memory_space<vmem_shared>> -> memref<80x128xf32, #tpu.memory_space<vmem_shared>>
    tpu.wait_dma2 semaphore(%arg17 : memref<!tpu.dma_semaphore, #tpu.memory_space<semaphore_mem>>) src(%arg13 : memref<80x128xf32, #tpu.memory_space<vmem>>) dst(%dma_wait3A_72 : memref<80x128xf32, #tpu.memory_space<vmem_shared>>)
    %mul3A_73 = arith.constant 640 : i32
    %mul3A_74 = arith.muli %arg1, %mul3A_73 : i32
    %dma_wait3A_75 = arith.constant 0 : i32
    %dma_wait3A_76 = tpu.memref_slice %arg10[%mul3A_74, %dma_wait3A_75] : memref<10240x128xf32, #tpu.memory_space<vmem_shared>> -> memref<80x128xf32, #tpu.memory_space<vmem_shared>>
    %dma_wait3A_77 = arith.constant 0 : i32
    %dma_wait3A_78 = tpu.memref_slice %arg10[%mul3A_74, %dma_wait3A_77] : memref<10240x128xf32, #tpu.memory_space<vmem_shared>> -> memref<80x128xf32, #tpu.memory_space<vmem_shared>>
    tpu.wait_dma2 semaphore(%arg17 : memref<!tpu.dma_semaphore, #tpu.memory_space<semaphore_mem>>) src(%arg13 : memref<80x128xf32, #tpu.memory_space<vmem>>) dst(%dma_wait3A_78 : memref<80x128xf32, #tpu.memory_space<vmem_shared>>)
    %mul3A_79 = arith.constant 640 : i32
    %mul3A_80 = arith.muli %arg1, %mul3A_79 : i32
    %dma_wait3A_81 = arith.constant 0 : i32
    %dma_wait3A_82 = tpu.memref_slice %arg10[%mul3A_80, %dma_wait3A_81] : memref<10240x128xf32, #tpu.memory_space<vmem_shared>> -> memref<80x128xf32, #tpu.memory_space<vmem_shared>>
    %dma_wait3A_83 = arith.constant 0 : i32
    %dma_wait3A_84 = tpu.memref_slice %arg10[%mul3A_80, %dma_wait3A_83] : memref<10240x128xf32, #tpu.memory_space<vmem_shared>> -> memref<80x128xf32, #tpu.memory_space<vmem_shared>>
    tpu.wait_dma2 semaphore(%arg17 : memref<!tpu.dma_semaphore, #tpu.memory_space<semaphore_mem>>) src(%arg13 : memref<80x128xf32, #tpu.memory_space<vmem>>) dst(%dma_wait3A_84 : memref<80x128xf32, #tpu.memory_space<vmem_shared>>)
    %mul3A_85 = arith.constant 640 : i32
    %mul3A_86 = arith.muli %arg1, %mul3A_85 : i32
    %dma_wait3A_87 = arith.constant 0 : i32
    %dma_wait3A_88 = tpu.memref_slice %arg10[%mul3A_86, %dma_wait3A_87] : memref<10240x128xf32, #tpu.memory_space<vmem_shared>> -> memref<80x128xf32, #tpu.memory_space<vmem_shared>>
    %dma_wait3A_89 = arith.constant 0 : i32
    %dma_wait3A_90 = tpu.memref_slice %arg10[%mul3A_86, %dma_wait3A_89] : memref<10240x128xf32, #tpu.memory_space<vmem_shared>> -> memref<80x128xf32, #tpu.memory_space<vmem_shared>>
    tpu.wait_dma2 semaphore(%arg17 : memref<!tpu.dma_semaphore, #tpu.memory_space<semaphore_mem>>) src(%arg13 : memref<80x128xf32, #tpu.memory_space<vmem>>) dst(%dma_wait3A_90 : memref<80x128xf32, #tpu.memory_space<vmem_shared>>)
    %mul3A_91 = arith.constant 640 : i32
    %mul3A_92 = arith.muli %arg1, %mul3A_91 : i32
    %dma_wait3A_93 = arith.constant 0 : i32
    %dma_wait3A_94 = tpu.memref_slice %arg10[%mul3A_92, %dma_wait3A_93] : memref<10240x128xf32, #tpu.memory_space<vmem_shared>> -> memref<80x128xf32, #tpu.memory_space<vmem_shared>>
    %dma_wait3A_95 = arith.constant 0 : i32
    %dma_wait3A_96 = tpu.memref_slice %arg10[%mul3A_92, %dma_wait3A_95] : memref<10240x128xf32, #tpu.memory_space<vmem_shared>> -> memref<80x128xf32, #tpu.memory_space<vmem_shared>>
    tpu.wait_dma2 semaphore(%arg17 : memref<!tpu.dma_semaphore, #tpu.memory_space<semaphore_mem>>) src(%arg13 : memref<80x128xf32, #tpu.memory_space<vmem>>) dst(%dma_wait3A_96 : memref<80x128xf32, #tpu.memory_space<vmem_shared>>)
    %mul3A_97 = arith.constant 640 : i32
    %mul3A_98 = arith.muli %arg1, %mul3A_97 : i32
    %dma_wait3A_99 = arith.constant 0 : i32
    %dma_wait3A_100 = tpu.memref_slice %arg10[%mul3A_98, %dma_wait3A_99] : memref<10240x128xf32, #tpu.memory_space<vmem_shared>> -> memref<80x128xf32, #tpu.memory_space<vmem_shared>>
    %dma_wait3A_101 = arith.constant 0 : i32
    %dma_wait3A_102 = tpu.memref_slice %arg10[%mul3A_98, %dma_wait3A_101] : memref<10240x128xf32, #tpu.memory_space<vmem_shared>> -> memref<80x128xf32, #tpu.memory_space<vmem_shared>>
    tpu.wait_dma2 semaphore(%arg17 : memref<!tpu.dma_semaphore, #tpu.memory_space<semaphore_mem>>) src(%arg13 : memref<80x128xf32, #tpu.memory_space<vmem>>) dst(%dma_wait3A_102 : memref<80x128xf32, #tpu.memory_space<vmem_shared>>)
    %mul3A_103 = arith.constant 640 : i32
    %mul3A_104 = arith.muli %arg1, %mul3A_103 : i32
    %dma_wait3A_105 = arith.constant 0 : i32
    %dma_wait3A_106 = tpu.memref_slice %arg10[%mul3A_104, %dma_wait3A_105] : memref<10240x128xf32, #tpu.memory_space<vmem_shared>> -> memref<80x128xf32, #tpu.memory_space<vmem_shared>>
    %dma_wait3A_107 = arith.constant 0 : i32
    %dma_wait3A_108 = tpu.memref_slice %arg10[%mul3A_104, %dma_wait3A_107] : memref<10240x128xf32, #tpu.memory_space<vmem_shared>> -> memref<80x128xf32, #tpu.memory_space<vmem_shared>>
    tpu.wait_dma2 semaphore(%arg17 : memref<!tpu.dma_semaphore, #tpu.memory_space<semaphore_mem>>) src(%arg13 : memref<80x128xf32, #tpu.memory_space<vmem>>) dst(%dma_wait3A_108 : memref<80x128xf32, #tpu.memory_space<vmem_shared>>)
    %mul3A_109 = arith.constant 640 : i32
    %mul3A_110 = arith.muli %arg1, %mul3A_109 : i32
    %dma_wait3A_111 = arith.constant 0 : i32
    %dma_wait3A_112 = tpu.memref_slice %arg10[%mul3A_110, %dma_wait3A_111] : memref<10240x128xf32, #tpu.memory_space<vmem_shared>> -> memref<80x128xf32, #tpu.memory_space<vmem_shared>>
    %dma_wait3A_113 = arith.constant 0 : i32
    %dma_wait3A_114 = tpu.memref_slice %arg10[%mul3A_110, %dma_wait3A_113] : memref<10240x128xf32, #tpu.memory_space<vmem_shared>> -> memref<80x128xf32, #tpu.memory_space<vmem_shared>>
    tpu.wait_dma2 semaphore(%arg17 : memref<!tpu.dma_semaphore, #tpu.memory_space<semaphore_mem>>) src(%arg13 : memref<80x128xf32, #tpu.memory_space<vmem>>) dst(%dma_wait3A_114 : memref<80x128xf32, #tpu.memory_space<vmem_shared>>)
    %mul3A_115 = arith.constant 640 : i32
    %mul3A_116 = arith.muli %arg1, %mul3A_115 : i32
    %dma_wait3A_117 = tpu.memref_slice %arg20[%mul3A_116] : memref<10240xf32, #tpu.memory_space<vmem_shared>> -> memref<640xf32, #tpu.memory_space<vmem_shared>>
    %dma_wait3A_118 = tpu.memref_slice %arg20[%mul3A_116] : memref<10240xf32, #tpu.memory_space<vmem_shared>> -> memref<640xf32, #tpu.memory_space<vmem_shared>>
    tpu.wait_dma2 semaphore(%arg17 : memref<!tpu.dma_semaphore, #tpu.memory_space<semaphore_mem>>) src(%arg19 : memref<640xf32, #tpu.memory_space<vmem>>) dst(%dma_wait3A_118 : memref<640xf32, #tpu.memory_space<vmem_shared>>)
    %barrier3A = arith.constant 0 : index
    tpu.barrier barrier_id(%barrier3A)
    %dma_start3A_119 = arith.constant 0 : i32
    %dma_start3A_120 = tpu.memref_slice %arg11[%dma_start3A_119] : memref<10000xi32, #tpu.memory_space<vmem>> -> memref<80xi32, #tpu.memory_space<vmem>>
    %dma_start3A_121 = arith.constant 0 : i32
    %dma_start3A_122 = arith.constant 0 : i32
    %dma_start3A_123 = tpu.memref_slice %arg2[%dma_start3A_121, %dma_start3A_122] : memref<10000x128xf32, #tpu.memory_space<hbm>> -> memref<10000x128xf32, #tpu.memory_space<hbm>>
    tpu.enqueue_indirect_dma source(%dma_start3A_123 : memref<10000x128xf32, #tpu.memory_space<hbm>>) target(%arg13 : memref<80x128xf32, #tpu.memory_space<vmem>>) offsets(%dma_start3A_120 : memref<80xi32, #tpu.memory_space<vmem>>) semaphore(%arg15 : memref<!tpu.dma_semaphore, #tpu.memory_space<semaphore_mem>>)
    %dma_start3A_124 = arith.constant 80 : i32
    %dma_start3A_125 = tpu.memref_slice %arg11[%dma_start3A_124] : memref<10000xi32, #tpu.memory_space<vmem>> -> memref<80xi32, #tpu.memory_space<vmem>>
    %dma_start3A_126 = arith.constant 0 : i32
    %dma_start3A_127 = arith.constant 0 : i32
    %dma_start3A_128 = tpu.memref_slice %arg2[%dma_start3A_126, %dma_start3A_127] : memref<10000x128xf32, #tpu.memory_space<hbm>> -> memref<10000x128xf32, #tpu.memory_space<hbm>>
    tpu.enqueue_indirect_dma source(%dma_start3A_128 : memref<10000x128xf32, #tpu.memory_space<hbm>>) target(%arg14 : memref<80x128xf32, #tpu.memory_space<vmem>>) offsets(%dma_start3A_125 : memref<80xi32, #tpu.memory_space<vmem>>) semaphore(%arg16 : memref<!tpu.dma_semaphore, #tpu.memory_space<semaphore_mem>>)
    %scan3A = arith.constant 0 : i32
    %scan3A_129 = arith.constant 0 : i32
    %scan3A_130 = arith.constant 62 : i32
    %scan3A_131 = arith.addi %scan3A_129, %scan3A_130 : i32
    %scan3A_132 = arith.constant 1 : i32
    scf.for %scan3A_289 = %scan3A_129 to %scan3A_131 step %scan3A_132  : i32 {
      %mul3A_290 = arith.constant 2 : i32
      %mul3A_291 = arith.muli %mul3A_290, %scan3A_289 : i32
      %dma_wait3A_292 = arith.constant 0 : i32
      %dma_wait3A_293 = tpu.memref_slice %arg11[%dma_wait3A_292] : memref<10000xi32, #tpu.memory_space<vmem>> -> memref<80xi32, #tpu.memory_space<vmem>>
      %dma_wait3A_294 = arith.constant 0 : i32
      %dma_wait3A_295 = arith.constant 0 : i32
      %dma_wait3A_296 = tpu.memref_slice %arg2[%dma_wait3A_294, %dma_wait3A_295] : memref<10000x128xf32, #tpu.memory_space<hbm>> -> memref<10000x128xf32, #tpu.memory_space<hbm>>
      tpu.wait_indirect_dma semaphore(%arg15 : memref<!tpu.dma_semaphore, #tpu.memory_space<semaphore_mem>>) src(%dma_wait3A_296 : memref<10000x128xf32, #tpu.memory_space<hbm>>) dst(%arg13 : memref<80x128xf32, #tpu.memory_space<vmem>>)
      "tpu.region"() ({
        %run_scoped3A_323 = tpu.sem_alloc : memref<!tpu.dma_semaphore, #tpu.memory_space<semaphore_mem>>
        %dma_start3A_324 = arith.constant 0 : i32
        %dma_start3A_325 = tpu.memref_slice %arg12[%mul3A_291, %dma_start3A_324] : memref<125x80xi32, #tpu.memory_space<vmem>> -> memref<1x80xi32, #tpu.memory_space<vmem>>
        %dma_start3A_326 = tpu.memref_squeeze %dma_start3A_325 : memref<1x80xi32, #tpu.memory_space<vmem>> -> memref<80xi32, #tpu.memory_space<vmem>>
        %dma_start3A_327 = arith.constant 0 : i32
        %dma_start3A_328 = arith.constant 0 : i32
        %dma_start3A_329 = tpu.memref_slice %arg10[%dma_start3A_327, %dma_start3A_328] : memref<10240x128xf32, #tpu.memory_space<vmem_shared>> -> memref<10240x128xf32, #tpu.memory_space<vmem_shared>>
        tpu.enqueue_indirect_dma source(%arg13 : memref<80x128xf32, #tpu.memory_space<vmem>>) target(%dma_start3A_329 : memref<10240x128xf32, #tpu.memory_space<vmem_shared>>) offsets(%dma_start3A_326 : memref<80xi32, #tpu.memory_space<vmem>>) semaphore(%run_scoped3A_323 : memref<!tpu.dma_semaphore, #tpu.memory_space<semaphore_mem>>) {add = true}
        %dma_wait3A_330 = arith.constant 0 : i32
        %dma_wait3A_331 = tpu.memref_slice %arg12[%mul3A_291, %dma_wait3A_330] : memref<125x80xi32, #tpu.memory_space<vmem>> -> memref<1x80xi32, #tpu.memory_space<vmem>>
        %dma_wait3A_332 = tpu.memref_squeeze %dma_wait3A_331 : memref<1x80xi32, #tpu.memory_space<vmem>> -> memref<80xi32, #tpu.memory_space<vmem>>
        %dma_wait3A_333 = arith.constant 0 : i32
        %dma_wait3A_334 = arith.constant 0 : i32
        %dma_wait3A_335 = tpu.memref_slice %arg10[%dma_wait3A_333, %dma_wait3A_334] : memref<10240x128xf32, #tpu.memory_space<vmem_shared>> -> memref<10240x128xf32, #tpu.memory_space<vmem_shared>>
        tpu.wait_indirect_dma semaphore(%run_scoped3A_323 : memref<!tpu.dma_semaphore, #tpu.memory_space<semaphore_mem>>) src(%arg13 : memref<80x128xf32, #tpu.memory_space<vmem>>) dst(%dma_wait3A_335 : memref<10240x128xf32, #tpu.memory_space<vmem_shared>>)
        tpu.yield
      }) : () -> ()
      "tpu.region"() ({
        %run_scoped3A_323 = tpu.sem_alloc : memref<!tpu.dma_semaphore, #tpu.memory_space<semaphore_mem>>
        %dma_start3A_324 = arith.constant 0 : i32
        %dma_start3A_325 = tpu.memref_slice %arg12[%mul3A_291, %dma_start3A_324] : memref<125x80xi32, #tpu.memory_space<vmem>> -> memref<1x80xi32, #tpu.memory_space<vmem>>
        %dma_start3A_326 = tpu.memref_squeeze %dma_start3A_325 : memref<1x80xi32, #tpu.memory_space<vmem>> -> memref<80xi32, #tpu.memory_space<vmem>>
        %dma_start3A_327 = arith.constant 0 : i32
        %dma_start3A_328 = tpu.memref_slice %arg20[%dma_start3A_327] : memref<10240xf32, #tpu.memory_space<vmem_shared>> -> memref<10240xf32, #tpu.memory_space<vmem_shared>>
        tpu.enqueue_indirect_dma source(%arg18 : memref<80xf32, #tpu.memory_space<vmem>>) target(%dma_start3A_328 : memref<10240xf32, #tpu.memory_space<vmem_shared>>) offsets(%dma_start3A_326 : memref<80xi32, #tpu.memory_space<vmem>>) semaphore(%run_scoped3A_323 : memref<!tpu.dma_semaphore, #tpu.memory_space<semaphore_mem>>) {add = true}
        %dma_wait3A_329 = arith.constant 0 : i32
        %dma_wait3A_330 = tpu.memref_slice %arg12[%mul3A_291, %dma_wait3A_329] : memref<125x80xi32, #tpu.memory_space<vmem>> -> memref<1x80xi32, #tpu.memory_space<vmem>>
        %dma_wait3A_331 = tpu.memref_squeeze %dma_wait3A_330 : memref<1x80xi32, #tpu.memory_space<vmem>> -> memref<80xi32, #tpu.memory_space<vmem>>
        %dma_wait3A_332 = arith.constant 0 : i32
        %dma_wait3A_333 = tpu.memref_slice %arg20[%dma_wait3A_332] : memref<10240xf32, #tpu.memory_space<vmem_shared>> -> memref<10240xf32, #tpu.memory_space<vmem_shared>>
        tpu.wait_indirect_dma semaphore(%run_scoped3A_323 : memref<!tpu.dma_semaphore, #tpu.memory_space<semaphore_mem>>) src(%arg18 : memref<80xf32, #tpu.memory_space<vmem>>) dst(%dma_wait3A_333 : memref<10240xf32, #tpu.memory_space<vmem_shared>>)
        tpu.yield
      }) : () -> ()
      %add3A_297 = arith.constant 2 : i32
      %add3A_298 = arith.addi %mul3A_291, %add3A_297 : i32
      %mul3A_299 = arith.constant 80 : i32
      %mul3A_300 = arith.muli %add3A_298, %mul3A_299 : i32
      %dma_start3A_301 = tpu.memref_slice %arg11[%mul3A_300] : memref<10000xi32, #tpu.memory_space<vmem>> -> memref<80xi32, #tpu.memory_space<vmem>>
      %dma_start3A_302 = arith.constant 0 : i32
      %dma_start3A_303 = arith.constant 0 : i32
      %dma_start3A_304 = tpu.memref_slice %arg2[%dma_start3A_302, %dma_start3A_303] : memref<10000x128xf32, #tpu.memory_space<hbm>> -> memref<10000x128xf32, #tpu.memory_space<hbm>>
      tpu.enqueue_indirect_dma source(%dma_start3A_304 : memref<10000x128xf32, #tpu.memory_space<hbm>>) target(%arg13 : memref<80x128xf32, #tpu.memory_space<vmem>>) offsets(%dma_start3A_301 : memref<80xi32, #tpu.memory_space<vmem>>) semaphore(%arg15 : memref<!tpu.dma_semaphore, #tpu.memory_space<semaphore_mem>>)
      %dma_wait3A_305 = arith.constant 0 : i32
      %dma_wait3A_306 = tpu.memref_slice %arg11[%dma_wait3A_305] : memref<10000xi32, #tpu.memory_space<vmem>> -> memref<80xi32, #tpu.memory_space<vmem>>
      %dma_wait3A_307 = arith.constant 0 : i32
      %dma_wait3A_308 = arith.constant 0 : i32
      %dma_wait3A_309 = tpu.memref_slice %arg2[%dma_wait3A_307, %dma_wait3A_308] : memref<10000x128xf32, #tpu.memory_space<hbm>> -> memref<10000x128xf32, #tpu.memory_space<hbm>>
      tpu.wait_indirect_dma semaphore(%arg16 : memref<!tpu.dma_semaphore, #tpu.memory_space<semaphore_mem>>) src(%dma_wait3A_309 : memref<10000x128xf32, #tpu.memory_space<hbm>>) dst(%arg14 : memref<80x128xf32, #tpu.memory_space<vmem>>)
      %add3A_310 = arith.constant 1 : i32
      %add3A_311 = arith.addi %mul3A_291, %add3A_310 : i32
      "tpu.region"() ({
        %run_scoped3A_323 = tpu.sem_alloc : memref<!tpu.dma_semaphore, #tpu.memory_space<semaphore_mem>>
        %dma_start3A_324 = arith.constant 0 : i32
        %dma_start3A_325 = tpu.memref_slice %arg12[%add3A_311, %dma_start3A_324] : memref<125x80xi32, #tpu.memory_space<vmem>> -> memref<1x80xi32, #tpu.memory_space<vmem>>
        %dma_start3A_326 = tpu.memref_squeeze %dma_start3A_325 : memref<1x80xi32, #tpu.memory_space<vmem>> -> memref<80xi32, #tpu.memory_space<vmem>>
        %dma_start3A_327 = arith.constant 0 : i32
        %dma_start3A_328 = arith.constant 0 : i32
        %dma_start3A_329 = tpu.memref_slice %arg10[%dma_start3A_327, %dma_start3A_328] : memref<10240x128xf32, #tpu.memory_space<vmem_shared>> -> memref<10240x128xf32, #tpu.memory_space<vmem_shared>>
        tpu.enqueue_indirect_dma source(%arg14 : memref<80x128xf32, #tpu.memory_space<vmem>>) target(%dma_start3A_329 : memref<10240x128xf32, #tpu.memory_space<vmem_shared>>) offsets(%dma_start3A_326 : memref<80xi32, #tpu.memory_space<vmem>>) semaphore(%run_scoped3A_323 : memref<!tpu.dma_semaphore, #tpu.memory_space<semaphore_mem>>) {add = true}
        %dma_wait3A_330 = arith.constant 0 : i32
        %dma_wait3A_331 = tpu.memref_slice %arg12[%add3A_311, %dma_wait3A_330] : memref<125x80xi32, #tpu.memory_space<vmem>> -> memref<1x80xi32, #tpu.memory_space<vmem>>
        %dma_wait3A_332 = tpu.memref_squeeze %dma_wait3A_331 : memref<1x80xi32, #tpu.memory_space<vmem>> -> memref<80xi32, #tpu.memory_space<vmem>>
        %dma_wait3A_333 = arith.constant 0 : i32
        %dma_wait3A_334 = arith.constant 0 : i32
        %dma_wait3A_335 = tpu.memref_slice %arg10[%dma_wait3A_333, %dma_wait3A_334] : memref<10240x128xf32, #tpu.memory_space<vmem_shared>> -> memref<10240x128xf32, #tpu.memory_space<vmem_shared>>
        tpu.wait_indirect_dma semaphore(%run_scoped3A_323 : memref<!tpu.dma_semaphore, #tpu.memory_space<semaphore_mem>>) src(%arg14 : memref<80x128xf32, #tpu.memory_space<vmem>>) dst(%dma_wait3A_335 : memref<10240x128xf32, #tpu.memory_space<vmem_shared>>)
        tpu.yield
      }) : () -> ()
      %add3A_312 = arith.constant 1 : i32
      %add3A_313 = arith.addi %mul3A_291, %add3A_312 : i32
      "tpu.region"() ({
        %run_scoped3A_323 = tpu.sem_alloc : memref<!tpu.dma_semaphore, #tpu.memory_space<semaphore_mem>>
        %dma_start3A_324 = arith.constant 0 : i32
        %dma_start3A_325 = tpu.memref_slice %arg12[%add3A_313, %dma_start3A_324] : memref<125x80xi32, #tpu.memory_space<vmem>> -> memref<1x80xi32, #tpu.memory_space<vmem>>
        %dma_start3A_326 = tpu.memref_squeeze %dma_start3A_325 : memref<1x80xi32, #tpu.memory_space<vmem>> -> memref<80xi32, #tpu.memory_space<vmem>>
        %dma_start3A_327 = arith.constant 0 : i32
        %dma_start3A_328 = tpu.memref_slice %arg20[%dma_start3A_327] : memref<10240xf32, #tpu.memory_space<vmem_shared>> -> memref<10240xf32, #tpu.memory_space<vmem_shared>>
        tpu.enqueue_indirect_dma source(%arg18 : memref<80xf32, #tpu.memory_space<vmem>>) target(%dma_start3A_328 : memref<10240xf32, #tpu.memory_space<vmem_shared>>) offsets(%dma_start3A_326 : memref<80xi32, #tpu.memory_space<vmem>>) semaphore(%run_scoped3A_323 : memref<!tpu.dma_semaphore, #tpu.memory_space<semaphore_mem>>) {add = true}
        %dma_wait3A_329 = arith.constant 0 : i32
        %dma_wait3A_330 = tpu.memref_slice %arg12[%add3A_313, %dma_wait3A_329] : memref<125x80xi32, #tpu.memory_space<vmem>> -> memref<1x80xi32, #tpu.memory_space<vmem>>
        %dma_wait3A_331 = tpu.memref_squeeze %dma_wait3A_330 : memref<1x80xi32, #tpu.memory_space<vmem>> -> memref<80xi32, #tpu.memory_space<vmem>>
        %dma_wait3A_332 = arith.constant 0 : i32
        %dma_wait3A_333 = tpu.memref_slice %arg20[%dma_wait3A_332] : memref<10240xf32, #tpu.memory_space<vmem_shared>> -> memref<10240xf32, #tpu.memory_space<vmem_shared>>
        tpu.wait_indirect_dma semaphore(%run_scoped3A_323 : memref<!tpu.dma_semaphore, #tpu.memory_space<semaphore_mem>>) src(%arg18 : memref<80xf32, #tpu.memory_space<vmem>>) dst(%dma_wait3A_333 : memref<10240xf32, #tpu.memory_space<vmem_shared>>)
        tpu.yield
      }) : () -> ()
      %add3A_314 = arith.constant 3 : i32
      %add3A_315 = arith.addi %mul3A_291, %add3A_314 : i32
      %min3A = arith.constant 124 : i32
      %min3A_316 = arith.minsi %add3A_315, %min3A : i32
      %mul3A_317 = arith.constant 80 : i32
      %mul3A_318 = arith.muli %min3A_316, %mul3A_317 : i32
      %dma_start3A_319 = tpu.memref_slice %arg11[%mul3A_318] : memref<10000xi32, #tpu.memory_space<vmem>> -> memref<80xi32, #tpu.memory_space<vmem>>
      %dma_start3A_320 = arith.constant 0 : i32
      %dma_start3A_321 = arith.constant 0 : i32
      %dma_start3A_322 = tpu.memref_slice %arg2[%dma_start3A_320, %dma_start3A_321] : memref<10000x128xf32, #tpu.memory_space<hbm>> -> memref<10000x128xf32, #tpu.memory_space<hbm>>
      tpu.enqueue_indirect_dma source(%dma_start3A_322 : memref<10000x128xf32, #tpu.memory_space<hbm>>) target(%arg14 : memref<80x128xf32, #tpu.memory_space<vmem>>) offsets(%dma_start3A_319 : memref<80xi32, #tpu.memory_space<vmem>>) semaphore(%arg16 : memref<!tpu.dma_semaphore, #tpu.memory_space<semaphore_mem>>)
    }
    %scan3A_133 = arith.constant 62 : i32
    %dma_wait3A_134 = arith.constant 0 : i32
    %dma_wait3A_135 = tpu.memref_slice %arg11[%dma_wait3A_134] : memref<10000xi32, #tpu.memory_space<vmem>> -> memref<80xi32, #tpu.memory_space<vmem>>
    %dma_wait3A_136 = arith.constant 0 : i32
    %dma_wait3A_137 = arith.constant 0 : i32
    %dma_wait3A_138 = tpu.memref_slice %arg2[%dma_wait3A_136, %dma_wait3A_137] : memref<10000x128xf32, #tpu.memory_space<hbm>> -> memref<10000x128xf32, #tpu.memory_space<hbm>>
    tpu.wait_indirect_dma semaphore(%arg15 : memref<!tpu.dma_semaphore, #tpu.memory_space<semaphore_mem>>) src(%dma_wait3A_138 : memref<10000x128xf32, #tpu.memory_space<hbm>>) dst(%arg13 : memref<80x128xf32, #tpu.memory_space<vmem>>)
    %run_scoped3A = arith.constant 124 : i32
    "tpu.region"() ({
      %run_scoped3A_289 = tpu.sem_alloc : memref<!tpu.dma_semaphore, #tpu.memory_space<semaphore_mem>>
      %dma_start3A_290 = arith.constant 0 : i32
      %dma_start3A_291 = tpu.memref_slice %arg12[%run_scoped3A, %dma_start3A_290] : memref<125x80xi32, #tpu.memory_space<vmem>> -> memref<1x80xi32, #tpu.memory_space<vmem>>
      %dma_start3A_292 = tpu.memref_squeeze %dma_start3A_291 : memref<1x80xi32, #tpu.memory_space<vmem>> -> memref<80xi32, #tpu.memory_space<vmem>>
      %dma_start3A_293 = arith.constant 0 : i32
      %dma_start3A_294 = arith.constant 0 : i32
      %dma_start3A_295 = tpu.memref_slice %arg10[%dma_start3A_293, %dma_start3A_294] : memref<10240x128xf32, #tpu.memory_space<vmem_shared>> -> memref<10240x128xf32, #tpu.memory_space<vmem_shared>>
      tpu.enqueue_indirect_dma source(%arg13 : memref<80x128xf32, #tpu.memory_space<vmem>>) target(%dma_start3A_295 : memref<10240x128xf32, #tpu.memory_space<vmem_shared>>) offsets(%dma_start3A_292 : memref<80xi32, #tpu.memory_space<vmem>>) semaphore(%run_scoped3A_289 : memref<!tpu.dma_semaphore, #tpu.memory_space<semaphore_mem>>) {add = true}
      %dma_wait3A_296 = arith.constant 0 : i32
      %dma_wait3A_297 = tpu.memref_slice %arg12[%run_scoped3A, %dma_wait3A_296] : memref<125x80xi32, #tpu.memory_space<vmem>> -> memref<1x80xi32, #tpu.memory_space<vmem>>
      %dma_wait3A_298 = tpu.memref_squeeze %dma_wait3A_297 : memref<1x80xi32, #tpu.memory_space<vmem>> -> memref<80xi32, #tpu.memory_space<vmem>>
      %dma_wait3A_299 = arith.constant 0 : i32
      %dma_wait3A_300 = arith.constant 0 : i32
      %dma_wait3A_301 = tpu.memref_slice %arg10[%dma_wait3A_299, %dma_wait3A_300] : memref<10240x128xf32, #tpu.memory_space<vmem_shared>> -> memref<10240x128xf32, #tpu.memory_space<vmem_shared>>
      tpu.wait_indirect_dma semaphore(%run_scoped3A_289 : memref<!tpu.dma_semaphore, #tpu.memory_space<semaphore_mem>>) src(%arg13 : memref<80x128xf32, #tpu.memory_space<vmem>>) dst(%dma_wait3A_301 : memref<10240x128xf32, #tpu.memory_space<vmem_shared>>)
      tpu.yield
    }) : () -> ()
    %run_scoped3A_139 = arith.constant 124 : i32
    "tpu.region"() ({
      %run_scoped3A_289 = tpu.sem_alloc : memref<!tpu.dma_semaphore, #tpu.memory_space<semaphore_mem>>
      %dma_start3A_290 = arith.constant 0 : i32
      %dma_start3A_291 = tpu.memref_slice %arg12[%run_scoped3A_139, %dma_start3A_290] : memref<125x80xi32, #tpu.memory_space<vmem>> -> memref<1x80xi32, #tpu.memory_space<vmem>>
      %dma_start3A_292 = tpu.memref_squeeze %dma_start3A_291 : memref<1x80xi32, #tpu.memory_space<vmem>> -> memref<80xi32, #tpu.memory_space<vmem>>
      %dma_start3A_293 = arith.constant 0 : i32
      %dma_start3A_294 = tpu.memref_slice %arg20[%dma_start3A_293] : memref<10240xf32, #tpu.memory_space<vmem_shared>> -> memref<10240xf32, #tpu.memory_space<vmem_shared>>
      tpu.enqueue_indirect_dma source(%arg18 : memref<80xf32, #tpu.memory_space<vmem>>) target(%dma_start3A_294 : memref<10240xf32, #tpu.memory_space<vmem_shared>>) offsets(%dma_start3A_292 : memref<80xi32, #tpu.memory_space<vmem>>) semaphore(%run_scoped3A_289 : memref<!tpu.dma_semaphore, #tpu.memory_space<semaphore_mem>>) {add = true}
      %dma_wait3A_295 = arith.constant 0 : i32
      %dma_wait3A_296 = tpu.memref_slice %arg12[%run_scoped3A_139, %dma_wait3A_295] : memref<125x80xi32, #tpu.memory_space<vmem>> -> memref<1x80xi32, #tpu.memory_space<vmem>>
      %dma_wait3A_297 = tpu.memref_squeeze %dma_wait3A_296 : memref<1x80xi32, #tpu.memory_space<vmem>> -> memref<80xi32, #tpu.memory_space<vmem>>
      %dma_wait3A_298 = arith.constant 0 : i32
      %dma_wait3A_299 = tpu.memref_slice %arg20[%dma_wait3A_298] : memref<10240xf32, #tpu.memory_space<vmem_shared>> -> memref<10240xf32, #tpu.memory_space<vmem_shared>>
      tpu.wait_indirect_dma semaphore(%run_scoped3A_289 : memref<!tpu.dma_semaphore, #tpu.memory_space<semaphore_mem>>) src(%arg18 : memref<80xf32, #tpu.memory_space<vmem>>) dst(%dma_wait3A_299 : memref<10240xf32, #tpu.memory_space<vmem_shared>>)
      tpu.yield
    }) : () -> ()
    %dma_wait3A_140 = arith.constant 0 : i32
    %dma_wait3A_141 = tpu.memref_slice %arg11[%dma_wait3A_140] : memref<10000xi32, #tpu.memory_space<vmem>> -> memref<80xi32, #tpu.memory_space<vmem>>
    %dma_wait3A_142 = arith.constant 0 : i32
    %dma_wait3A_143 = arith.constant 0 : i32
    %dma_wait3A_144 = tpu.memref_slice %arg2[%dma_wait3A_142, %dma_wait3A_143] : memref<10000x128xf32, #tpu.memory_space<hbm>> -> memref<10000x128xf32, #tpu.memory_space<hbm>>
    tpu.wait_indirect_dma semaphore(%arg16 : memref<!tpu.dma_semaphore, #tpu.memory_space<semaphore_mem>>) src(%dma_wait3A_144 : memref<10000x128xf32, #tpu.memory_space<hbm>>) dst(%arg14 : memref<80x128xf32, #tpu.memory_space<vmem>>)
    %barrier3A_145 = arith.constant 0 : index
    tpu.barrier barrier_id(%barrier3A_145)
    %mul3A_146 = arith.constant 640 : i32
    %mul3A_147 = arith.muli %arg1, %mul3A_146 : i32
    %add3A_148 = arith.constant 0 : i32
    %add3A_149 = arith.addi %mul3A_147, %add3A_148 : i32
    "tpu.region"() ({
      %run_scoped3A_289 = tpu.sem_alloc : memref<!tpu.dma_semaphore, #tpu.memory_space<semaphore_mem>>
      %dma_start3A_290 = arith.constant 0 : i32
      %dma_start3A_291 = tpu.memref_slice %arg10[%add3A_149, %dma_start3A_290] : memref<10240x128xf32, #tpu.memory_space<vmem_shared>> -> memref<80x128xf32, #tpu.memory_space<vmem_shared>>
      %dma_start3A_292 = arith.constant 0 : i32
      %dma_start3A_293 = tpu.memref_slice %arg10[%add3A_149, %dma_start3A_292] : memref<10240x128xf32, #tpu.memory_space<vmem_shared>> -> memref<80x128xf32, #tpu.memory_space<vmem_shared>>
      tpu.enqueue_dma source(%dma_start3A_293 : memref<80x128xf32, #tpu.memory_space<vmem_shared>>) target(%arg13 : memref<80x128xf32, #tpu.memory_space<vmem>>) target_semaphore(%run_scoped3A_289 : memref<!tpu.dma_semaphore, #tpu.memory_space<semaphore_mem>>)
      %dma_wait3A_294 = arith.constant 0 : i32
      %dma_wait3A_295 = tpu.memref_slice %arg10[%add3A_149, %dma_wait3A_294] : memref<10240x128xf32, #tpu.memory_space<vmem_shared>> -> memref<80x128xf32, #tpu.memory_space<vmem_shared>>
      %dma_wait3A_296 = arith.constant 0 : i32
      %dma_wait3A_297 = tpu.memref_slice %arg10[%add3A_149, %dma_wait3A_296] : memref<10240x128xf32, #tpu.memory_space<vmem_shared>> -> memref<80x128xf32, #tpu.memory_space<vmem_shared>>
      tpu.wait_dma2 semaphore(%run_scoped3A_289 : memref<!tpu.dma_semaphore, #tpu.memory_space<semaphore_mem>>) src(%dma_wait3A_297 : memref<80x128xf32, #tpu.memory_space<vmem_shared>>) dst(%arg13 : memref<80x128xf32, #tpu.memory_space<vmem>>)
      tpu.yield
    }) : () -> ()
    %mul3A_150 = arith.constant 10240 : i32
    %mul3A_151 = arith.muli %arg0, %mul3A_150 : i32
    %add3A_152 = arith.addi %mul3A_151, %add3A_149 : i32
    %dma_start3A_153 = arith.constant 0 : i32
    %dma_start3A_154 = tpu.memref_slice %arg8[%add3A_152, %dma_start3A_153] : memref<20480x128xf32, #tpu.memory_space<hbm>> -> memref<80x128xf32, #tpu.memory_space<hbm>>
    %dma_start3A_155 = arith.constant 0 : i32
    %dma_start3A_156 = tpu.memref_slice %arg8[%add3A_152, %dma_start3A_155] : memref<20480x128xf32, #tpu.memory_space<hbm>> -> memref<80x128xf32, #tpu.memory_space<hbm>>
    tpu.enqueue_dma source(%arg13 : memref<80x128xf32, #tpu.memory_space<vmem>>) target(%dma_start3A_156 : memref<80x128xf32, #tpu.memory_space<hbm>>) target_semaphore(%arg17 : memref<!tpu.dma_semaphore, #tpu.memory_space<semaphore_mem>>)
    %mul3A_157 = arith.constant 640 : i32
    %mul3A_158 = arith.muli %arg1, %mul3A_157 : i32
    %add3A_159 = arith.constant 80 : i32
    %add3A_160 = arith.addi %mul3A_158, %add3A_159 : i32
    "tpu.region"() ({
      %run_scoped3A_289 = tpu.sem_alloc : memref<!tpu.dma_semaphore, #tpu.memory_space<semaphore_mem>>
      %dma_start3A_290 = arith.constant 0 : i32
      %dma_start3A_291 = tpu.memref_slice %arg10[%add3A_160, %dma_start3A_290] : memref<10240x128xf32, #tpu.memory_space<vmem_shared>> -> memref<80x128xf32, #tpu.memory_space<vmem_shared>>
      %dma_start3A_292 = arith.constant 0 : i32
      %dma_start3A_293 = tpu.memref_slice %arg10[%add3A_160, %dma_start3A_292] : memref<10240x128xf32, #tpu.memory_space<vmem_shared>> -> memref<80x128xf32, #tpu.memory_space<vmem_shared>>
      tpu.enqueue_dma source(%dma_start3A_293 : memref<80x128xf32, #tpu.memory_space<vmem_shared>>) target(%arg14 : memref<80x128xf32, #tpu.memory_space<vmem>>) target_semaphore(%run_scoped3A_289 : memref<!tpu.dma_semaphore, #tpu.memory_space<semaphore_mem>>)
      %dma_wait3A_294 = arith.constant 0 : i32
      %dma_wait3A_295 = tpu.memref_slice %arg10[%add3A_160, %dma_wait3A_294] : memref<10240x128xf32, #tpu.memory_space<vmem_shared>> -> memref<80x128xf32, #tpu.memory_space<vmem_shared>>
      %dma_wait3A_296 = arith.constant 0 : i32
      %dma_wait3A_297 = tpu.memref_slice %arg10[%add3A_160, %dma_wait3A_296] : memref<10240x128xf32, #tpu.memory_space<vmem_shared>> -> memref<80x128xf32, #tpu.memory_space<vmem_shared>>
      tpu.wait_dma2 semaphore(%run_scoped3A_289 : memref<!tpu.dma_semaphore, #tpu.memory_space<semaphore_mem>>) src(%dma_wait3A_297 : memref<80x128xf32, #tpu.memory_space<vmem_shared>>) dst(%arg14 : memref<80x128xf32, #tpu.memory_space<vmem>>)
      tpu.yield
    }) : () -> ()
    %mul3A_161 = arith.constant 10240 : i32
    %mul3A_162 = arith.muli %arg0, %mul3A_161 : i32
    %add3A_163 = arith.addi %mul3A_162, %add3A_160 : i32
    %dma_start3A_164 = arith.constant 0 : i32
    %dma_start3A_165 = tpu.memref_slice %arg8[%add3A_163, %dma_start3A_164] : memref<20480x128xf32, #tpu.memory_space<hbm>> -> memref<80x128xf32, #tpu.memory_space<hbm>>
    %dma_start3A_166 = arith.constant 0 : i32
    %dma_start3A_167 = tpu.memref_slice %arg8[%add3A_163, %dma_start3A_166] : memref<20480x128xf32, #tpu.memory_space<hbm>> -> memref<80x128xf32, #tpu.memory_space<hbm>>
    tpu.enqueue_dma source(%arg14 : memref<80x128xf32, #tpu.memory_space<vmem>>) target(%dma_start3A_167 : memref<80x128xf32, #tpu.memory_space<hbm>>) target_semaphore(%arg17 : memref<!tpu.dma_semaphore, #tpu.memory_space<semaphore_mem>>)
    %mul3A_168 = arith.constant 10240 : i32
    %mul3A_169 = arith.muli %arg0, %mul3A_168 : i32
    %dma_wait3A_170 = arith.constant 0 : i32
    %dma_wait3A_171 = tpu.memref_slice %arg8[%mul3A_169, %dma_wait3A_170] : memref<20480x128xf32, #tpu.memory_space<hbm>> -> memref<80x128xf32, #tpu.memory_space<hbm>>
    %dma_wait3A_172 = arith.constant 0 : i32
    %dma_wait3A_173 = tpu.memref_slice %arg8[%mul3A_169, %dma_wait3A_172] : memref<20480x128xf32, #tpu.memory_space<hbm>> -> memref<80x128xf32, #tpu.memory_space<hbm>>
    tpu.wait_dma2 semaphore(%arg17 : memref<!tpu.dma_semaphore, #tpu.memory_space<semaphore_mem>>) src(%arg13 : memref<80x128xf32, #tpu.memory_space<vmem>>) dst(%dma_wait3A_173 : memref<80x128xf32, #tpu.memory_space<hbm>>)
    %mul3A_174 = arith.constant 640 : i32
    %mul3A_175 = arith.muli %arg1, %mul3A_174 : i32
    %add3A_176 = arith.constant 160 : i32
    %add3A_177 = arith.addi %mul3A_175, %add3A_176 : i32
    "tpu.region"() ({
      %run_scoped3A_289 = tpu.sem_alloc : memref<!tpu.dma_semaphore, #tpu.memory_space<semaphore_mem>>
      %dma_start3A_290 = arith.constant 0 : i32
      %dma_start3A_291 = tpu.memref_slice %arg10[%add3A_177, %dma_start3A_290] : memref<10240x128xf32, #tpu.memory_space<vmem_shared>> -> memref<80x128xf32, #tpu.memory_space<vmem_shared>>
      %dma_start3A_292 = arith.constant 0 : i32
      %dma_start3A_293 = tpu.memref_slice %arg10[%add3A_177, %dma_start3A_292] : memref<10240x128xf32, #tpu.memory_space<vmem_shared>> -> memref<80x128xf32, #tpu.memory_space<vmem_shared>>
      tpu.enqueue_dma source(%dma_start3A_293 : memref<80x128xf32, #tpu.memory_space<vmem_shared>>) target(%arg13 : memref<80x128xf32, #tpu.memory_space<vmem>>) target_semaphore(%run_scoped3A_289 : memref<!tpu.dma_semaphore, #tpu.memory_space<semaphore_mem>>)
      %dma_wait3A_294 = arith.constant 0 : i32
      %dma_wait3A_295 = tpu.memref_slice %arg10[%add3A_177, %dma_wait3A_294] : memref<10240x128xf32, #tpu.memory_space<vmem_shared>> -> memref<80x128xf32, #tpu.memory_space<vmem_shared>>
      %dma_wait3A_296 = arith.constant 0 : i32
      %dma_wait3A_297 = tpu.memref_slice %arg10[%add3A_177, %dma_wait3A_296] : memref<10240x128xf32, #tpu.memory_space<vmem_shared>> -> memref<80x128xf32, #tpu.memory_space<vmem_shared>>
      tpu.wait_dma2 semaphore(%run_scoped3A_289 : memref<!tpu.dma_semaphore, #tpu.memory_space<semaphore_mem>>) src(%dma_wait3A_297 : memref<80x128xf32, #tpu.memory_space<vmem_shared>>) dst(%arg13 : memref<80x128xf32, #tpu.memory_space<vmem>>)
      tpu.yield
    }) : () -> ()
    %mul3A_178 = arith.constant 10240 : i32
    %mul3A_179 = arith.muli %arg0, %mul3A_178 : i32
    %add3A_180 = arith.addi %mul3A_179, %add3A_177 : i32
    %dma_start3A_181 = arith.constant 0 : i32
    %dma_start3A_182 = tpu.memref_slice %arg8[%add3A_180, %dma_start3A_181] : memref<20480x128xf32, #tpu.memory_space<hbm>> -> memref<80x128xf32, #tpu.memory_space<hbm>>
    %dma_start3A_183 = arith.constant 0 : i32
    %dma_start3A_184 = tpu.memref_slice %arg8[%add3A_180, %dma_start3A_183] : memref<20480x128xf32, #tpu.memory_space<hbm>> -> memref<80x128xf32, #tpu.memory_space<hbm>>
    tpu.enqueue_dma source(%arg13 : memref<80x128xf32, #tpu.memory_space<vmem>>) target(%dma_start3A_184 : memref<80x128xf32, #tpu.memory_space<hbm>>) target_semaphore(%arg17 : memref<!tpu.dma_semaphore, #tpu.memory_space<semaphore_mem>>)
    %mul3A_185 = arith.constant 10240 : i32
    %mul3A_186 = arith.muli %arg0, %mul3A_185 : i32
    %dma_wait3A_187 = arith.constant 0 : i32
    %dma_wait3A_188 = tpu.memref_slice %arg8[%mul3A_186, %dma_wait3A_187] : memref<20480x128xf32, #tpu.memory_space<hbm>> -> memref<80x128xf32, #tpu.memory_space<hbm>>
    %dma_wait3A_189 = arith.constant 0 : i32
    %dma_wait3A_190 = tpu.memref_slice %arg8[%mul3A_186, %dma_wait3A_189] : memref<20480x128xf32, #tpu.memory_space<hbm>> -> memref<80x128xf32, #tpu.memory_space<hbm>>
    tpu.wait_dma2 semaphore(%arg17 : memref<!tpu.dma_semaphore, #tpu.memory_space<semaphore_mem>>) src(%arg14 : memref<80x128xf32, #tpu.memory_space<vmem>>) dst(%dma_wait3A_190 : memref<80x128xf32, #tpu.memory_space<hbm>>)
    %mul3A_191 = arith.constant 640 : i32
    %mul3A_192 = arith.muli %arg1, %mul3A_191 : i32
    %add3A_193 = arith.constant 240 : i32
    %add3A_194 = arith.addi %mul3A_192, %add3A_193 : i32
    "tpu.region"() ({
      %run_scoped3A_289 = tpu.sem_alloc : memref<!tpu.dma_semaphore, #tpu.memory_space<semaphore_mem>>
      %dma_start3A_290 = arith.constant 0 : i32
      %dma_start3A_291 = tpu.memref_slice %arg10[%add3A_194, %dma_start3A_290] : memref<10240x128xf32, #tpu.memory_space<vmem_shared>> -> memref<80x128xf32, #tpu.memory_space<vmem_shared>>
      %dma_start3A_292 = arith.constant 0 : i32
      %dma_start3A_293 = tpu.memref_slice %arg10[%add3A_194, %dma_start3A_292] : memref<10240x128xf32, #tpu.memory_space<vmem_shared>> -> memref<80x128xf32, #tpu.memory_space<vmem_shared>>
      tpu.enqueue_dma source(%dma_start3A_293 : memref<80x128xf32, #tpu.memory_space<vmem_shared>>) target(%arg14 : memref<80x128xf32, #tpu.memory_space<vmem>>) target_semaphore(%run_scoped3A_289 : memref<!tpu.dma_semaphore, #tpu.memory_space<semaphore_mem>>)
      %dma_wait3A_294 = arith.constant 0 : i32
      %dma_wait3A_295 = tpu.memref_slice %arg10[%add3A_194, %dma_wait3A_294] : memref<10240x128xf32, #tpu.memory_space<vmem_shared>> -> memref<80x128xf32, #tpu.memory_space<vmem_shared>>
      %dma_wait3A_296 = arith.constant 0 : i32
      %dma_wait3A_297 = tpu.memref_slice %arg10[%add3A_194, %dma_wait3A_296] : memref<10240x128xf32, #tpu.memory_space<vmem_shared>> -> memref<80x128xf32, #tpu.memory_space<vmem_shared>>
      tpu.wait_dma2 semaphore(%run_scoped3A_289 : memref<!tpu.dma_semaphore, #tpu.memory_space<semaphore_mem>>) src(%dma_wait3A_297 : memref<80x128xf32, #tpu.memory_space<vmem_shared>>) dst(%arg14 : memref<80x128xf32, #tpu.memory_space<vmem>>)
      tpu.yield
    }) : () -> ()
    %mul3A_195 = arith.constant 10240 : i32
    %mul3A_196 = arith.muli %arg0, %mul3A_195 : i32
    %add3A_197 = arith.addi %mul3A_196, %add3A_194 : i32
    %dma_start3A_198 = arith.constant 0 : i32
    %dma_start3A_199 = tpu.memref_slice %arg8[%add3A_197, %dma_start3A_198] : memref<20480x128xf32, #tpu.memory_space<hbm>> -> memref<80x128xf32, #tpu.memory_space<hbm>>
    %dma_start3A_200 = arith.constant 0 : i32
    %dma_start3A_201 = tpu.memref_slice %arg8[%add3A_197, %dma_start3A_200] : memref<20480x128xf32, #tpu.memory_space<hbm>> -> memref<80x128xf32, #tpu.memory_space<hbm>>
    tpu.enqueue_dma source(%arg14 : memref<80x128xf32, #tpu.memory_space<vmem>>) target(%dma_start3A_201 : memref<80x128xf32, #tpu.memory_space<hbm>>) target_semaphore(%arg17 : memref<!tpu.dma_semaphore, #tpu.memory_space<semaphore_mem>>)
    %mul3A_202 = arith.constant 10240 : i32
    %mul3A_203 = arith.muli %arg0, %mul3A_202 : i32
    %dma_wait3A_204 = arith.constant 0 : i32
    %dma_wait3A_205 = tpu.memref_slice %arg8[%mul3A_203, %dma_wait3A_204] : memref<20480x128xf32, #tpu.memory_space<hbm>> -> memref<80x128xf32, #tpu.memory_space<hbm>>
    %dma_wait3A_206 = arith.constant 0 : i32
    %dma_wait3A_207 = tpu.memref_slice %arg8[%mul3A_203, %dma_wait3A_206] : memref<20480x128xf32, #tpu.memory_space<hbm>> -> memref<80x128xf32, #tpu.memory_space<hbm>>
    tpu.wait_dma2 semaphore(%arg17 : memref<!tpu.dma_semaphore, #tpu.memory_space<semaphore_mem>>) src(%arg13 : memref<80x128xf32, #tpu.memory_space<vmem>>) dst(%dma_wait3A_207 : memref<80x128xf32, #tpu.memory_space<hbm>>)
    %mul3A_208 = arith.constant 640 : i32
    %mul3A_209 = arith.muli %arg1, %mul3A_208 : i32
    %add3A_210 = arith.constant 320 : i32
    %add3A_211 = arith.addi %mul3A_209, %add3A_210 : i32
    "tpu.region"() ({
      %run_scoped3A_289 = tpu.sem_alloc : memref<!tpu.dma_semaphore, #tpu.memory_space<semaphore_mem>>
      %dma_start3A_290 = arith.constant 0 : i32
      %dma_start3A_291 = tpu.memref_slice %arg10[%add3A_211, %dma_start3A_290] : memref<10240x128xf32, #tpu.memory_space<vmem_shared>> -> memref<80x128xf32, #tpu.memory_space<vmem_shared>>
      %dma_start3A_292 = arith.constant 0 : i32
      %dma_start3A_293 = tpu.memref_slice %arg10[%add3A_211, %dma_start3A_292] : memref<10240x128xf32, #tpu.memory_space<vmem_shared>> -> memref<80x128xf32, #tpu.memory_space<vmem_shared>>
      tpu.enqueue_dma source(%dma_start3A_293 : memref<80x128xf32, #tpu.memory_space<vmem_shared>>) target(%arg13 : memref<80x128xf32, #tpu.memory_space<vmem>>) target_semaphore(%run_scoped3A_289 : memref<!tpu.dma_semaphore, #tpu.memory_space<semaphore_mem>>)
      %dma_wait3A_294 = arith.constant 0 : i32
      %dma_wait3A_295 = tpu.memref_slice %arg10[%add3A_211, %dma_wait3A_294] : memref<10240x128xf32, #tpu.memory_space<vmem_shared>> -> memref<80x128xf32, #tpu.memory_space<vmem_shared>>
      %dma_wait3A_296 = arith.constant 0 : i32
      %dma_wait3A_297 = tpu.memref_slice %arg10[%add3A_211, %dma_wait3A_296] : memref<10240x128xf32, #tpu.memory_space<vmem_shared>> -> memref<80x128xf32, #tpu.memory_space<vmem_shared>>
      tpu.wait_dma2 semaphore(%run_scoped3A_289 : memref<!tpu.dma_semaphore, #tpu.memory_space<semaphore_mem>>) src(%dma_wait3A_297 : memref<80x128xf32, #tpu.memory_space<vmem_shared>>) dst(%arg13 : memref<80x128xf32, #tpu.memory_space<vmem>>)
      tpu.yield
    }) : () -> ()
    %mul3A_212 = arith.constant 10240 : i32
    %mul3A_213 = arith.muli %arg0, %mul3A_212 : i32
    %add3A_214 = arith.addi %mul3A_213, %add3A_211 : i32
    %dma_start3A_215 = arith.constant 0 : i32
    %dma_start3A_216 = tpu.memref_slice %arg8[%add3A_214, %dma_start3A_215] : memref<20480x128xf32, #tpu.memory_space<hbm>> -> memref<80x128xf32, #tpu.memory_space<hbm>>
    %dma_start3A_217 = arith.constant 0 : i32
    %dma_start3A_218 = tpu.memref_slice %arg8[%add3A_214, %dma_start3A_217] : memref<20480x128xf32, #tpu.memory_space<hbm>> -> memref<80x128xf32, #tpu.memory_space<hbm>>
    tpu.enqueue_dma source(%arg13 : memref<80x128xf32, #tpu.memory_space<vmem>>) target(%dma_start3A_218 : memref<80x128xf32, #tpu.memory_space<hbm>>) target_semaphore(%arg17 : memref<!tpu.dma_semaphore, #tpu.memory_space<semaphore_mem>>)
    %mul3A_219 = arith.constant 10240 : i32
    %mul3A_220 = arith.muli %arg0, %mul3A_219 : i32
    %dma_wait3A_221 = arith.constant 0 : i32
    %dma_wait3A_222 = tpu.memref_slice %arg8[%mul3A_220, %dma_wait3A_221] : memref<20480x128xf32, #tpu.memory_space<hbm>> -> memref<80x128xf32, #tpu.memory_space<hbm>>
    %dma_wait3A_223 = arith.constant 0 : i32
    %dma_wait3A_224 = tpu.memref_slice %arg8[%mul3A_220, %dma_wait3A_223] : memref<20480x128xf32, #tpu.memory_space<hbm>> -> memref<80x128xf32, #tpu.memory_space<hbm>>
    tpu.wait_dma2 semaphore(%arg17 : memref<!tpu.dma_semaphore, #tpu.memory_space<semaphore_mem>>) src(%arg14 : memref<80x128xf32, #tpu.memory_space<vmem>>) dst(%dma_wait3A_224 : memref<80x128xf32, #tpu.memory_space<hbm>>)
    %mul3A_225 = arith.constant 640 : i32
    %mul3A_226 = arith.muli %arg1, %mul3A_225 : i32
    %add3A_227 = arith.constant 400 : i32
    %add3A_228 = arith.addi %mul3A_226, %add3A_227 : i32
    "tpu.region"() ({
      %run_scoped3A_289 = tpu.sem_alloc : memref<!tpu.dma_semaphore, #tpu.memory_space<semaphore_mem>>
      %dma_start3A_290 = arith.constant 0 : i32
      %dma_start3A_291 = tpu.memref_slice %arg10[%add3A_228, %dma_start3A_290] : memref<10240x128xf32, #tpu.memory_space<vmem_shared>> -> memref<80x128xf32, #tpu.memory_space<vmem_shared>>
      %dma_start3A_292 = arith.constant 0 : i32
      %dma_start3A_293 = tpu.memref_slice %arg10[%add3A_228, %dma_start3A_292] : memref<10240x128xf32, #tpu.memory_space<vmem_shared>> -> memref<80x128xf32, #tpu.memory_space<vmem_shared>>
      tpu.enqueue_dma source(%dma_start3A_293 : memref<80x128xf32, #tpu.memory_space<vmem_shared>>) target(%arg14 : memref<80x128xf32, #tpu.memory_space<vmem>>) target_semaphore(%run_scoped3A_289 : memref<!tpu.dma_semaphore, #tpu.memory_space<semaphore_mem>>)
      %dma_wait3A_294 = arith.constant 0 : i32
      %dma_wait3A_295 = tpu.memref_slice %arg10[%add3A_228, %dma_wait3A_294] : memref<10240x128xf32, #tpu.memory_space<vmem_shared>> -> memref<80x128xf32, #tpu.memory_space<vmem_shared>>
      %dma_wait3A_296 = arith.constant 0 : i32
      %dma_wait3A_297 = tpu.memref_slice %arg10[%add3A_228, %dma_wait3A_296] : memref<10240x128xf32, #tpu.memory_space<vmem_shared>> -> memref<80x128xf32, #tpu.memory_space<vmem_shared>>
      tpu.wait_dma2 semaphore(%run_scoped3A_289 : memref<!tpu.dma_semaphore, #tpu.memory_space<semaphore_mem>>) src(%dma_wait3A_297 : memref<80x128xf32, #tpu.memory_space<vmem_shared>>) dst(%arg14 : memref<80x128xf32, #tpu.memory_space<vmem>>)
      tpu.yield
    }) : () -> ()
    %mul3A_229 = arith.constant 10240 : i32
    %mul3A_230 = arith.muli %arg0, %mul3A_229 : i32
    %add3A_231 = arith.addi %mul3A_230, %add3A_228 : i32
    %dma_start3A_232 = arith.constant 0 : i32
    %dma_start3A_233 = tpu.memref_slice %arg8[%add3A_231, %dma_start3A_232] : memref<20480x128xf32, #tpu.memory_space<hbm>> -> memref<80x128xf32, #tpu.memory_space<hbm>>
    %dma_start3A_234 = arith.constant 0 : i32
    %dma_start3A_235 = tpu.memref_slice %arg8[%add3A_231, %dma_start3A_234] : memref<20480x128xf32, #tpu.memory_space<hbm>> -> memref<80x128xf32, #tpu.memory_space<hbm>>
    tpu.enqueue_dma source(%arg14 : memref<80x128xf32, #tpu.memory_space<vmem>>) target(%dma_start3A_235 : memref<80x128xf32, #tpu.memory_space<hbm>>) target_semaphore(%arg17 : memref<!tpu.dma_semaphore, #tpu.memory_space<semaphore_mem>>)
    %mul3A_236 = arith.constant 10240 : i32
    %mul3A_237 = arith.muli %arg0, %mul3A_236 : i32
    %dma_wait3A_238 = arith.constant 0 : i32
    %dma_wait3A_239 = tpu.memref_slice %arg8[%mul3A_237, %dma_wait3A_238] : memref<20480x128xf32, #tpu.memory_space<hbm>> -> memref<80x128xf32, #tpu.memory_space<hbm>>
    %dma_wait3A_240 = arith.constant 0 : i32
    %dma_wait3A_241 = tpu.memref_slice %arg8[%mul3A_237, %dma_wait3A_240] : memref<20480x128xf32, #tpu.memory_space<hbm>> -> memref<80x128xf32, #tpu.memory_space<hbm>>
    tpu.wait_dma2 semaphore(%arg17 : memref<!tpu.dma_semaphore, #tpu.memory_space<semaphore_mem>>) src(%arg13 : memref<80x128xf32, #tpu.memory_space<vmem>>) dst(%dma_wait3A_241 : memref<80x128xf32, #tpu.memory_space<hbm>>)
    %mul3A_242 = arith.constant 640 : i32
    %mul3A_243 = arith.muli %arg1, %mul3A_242 : i32
    %add3A_244 = arith.constant 480 : i32
    %add3A_245 = arith.addi %mul3A_243, %add3A_244 : i32
    "tpu.region"() ({
      %run_scoped3A_289 = tpu.sem_alloc : memref<!tpu.dma_semaphore, #tpu.memory_space<semaphore_mem>>
      %dma_start3A_290 = arith.constant 0 : i32
      %dma_start3A_291 = tpu.memref_slice %arg10[%add3A_245, %dma_start3A_290] : memref<10240x128xf32, #tpu.memory_space<vmem_shared>> -> memref<80x128xf32, #tpu.memory_space<vmem_shared>>
      %dma_start3A_292 = arith.constant 0 : i32
      %dma_start3A_293 = tpu.memref_slice %arg10[%add3A_245, %dma_start3A_292] : memref<10240x128xf32, #tpu.memory_space<vmem_shared>> -> memref<80x128xf32, #tpu.memory_space<vmem_shared>>
      tpu.enqueue_dma source(%dma_start3A_293 : memref<80x128xf32, #tpu.memory_space<vmem_shared>>) target(%arg13 : memref<80x128xf32, #tpu.memory_space<vmem>>) target_semaphore(%run_scoped3A_289 : memref<!tpu.dma_semaphore, #tpu.memory_space<semaphore_mem>>)
      %dma_wait3A_294 = arith.constant 0 : i32
      %dma_wait3A_295 = tpu.memref_slice %arg10[%add3A_245, %dma_wait3A_294] : memref<10240x128xf32, #tpu.memory_space<vmem_shared>> -> memref<80x128xf32, #tpu.memory_space<vmem_shared>>
      %dma_wait3A_296 = arith.constant 0 : i32
      %dma_wait3A_297 = tpu.memref_slice %arg10[%add3A_245, %dma_wait3A_296] : memref<10240x128xf32, #tpu.memory_space<vmem_shared>> -> memref<80x128xf32, #tpu.memory_space<vmem_shared>>
      tpu.wait_dma2 semaphore(%run_scoped3A_289 : memref<!tpu.dma_semaphore, #tpu.memory_space<semaphore_mem>>) src(%dma_wait3A_297 : memref<80x128xf32, #tpu.memory_space<vmem_shared>>) dst(%arg13 : memref<80x128xf32, #tpu.memory_space<vmem>>)
      tpu.yield
    }) : () -> ()
    %mul3A_246 = arith.constant 10240 : i32
    %mul3A_247 = arith.muli %arg0, %mul3A_246 : i32
    %add3A_248 = arith.addi %mul3A_247, %add3A_245 : i32
    %dma_start3A_249 = arith.constant 0 : i32
    %dma_start3A_250 = tpu.memref_slice %arg8[%add3A_248, %dma_start3A_249] : memref<20480x128xf32, #tpu.memory_space<hbm>> -> memref<80x128xf32, #tpu.memory_space<hbm>>
    %dma_start3A_251 = arith.constant 0 : i32
    %dma_start3A_252 = tpu.memref_slice %arg8[%add3A_248, %dma_start3A_251] : memref<20480x128xf32, #tpu.memory_space<hbm>> -> memref<80x128xf32, #tpu.memory_space<hbm>>
    tpu.enqueue_dma source(%arg13 : memref<80x128xf32, #tpu.memory_space<vmem>>) target(%dma_start3A_252 : memref<80x128xf32, #tpu.memory_space<hbm>>) target_semaphore(%arg17 : memref<!tpu.dma_semaphore, #tpu.memory_space<semaphore_mem>>)
    %mul3A_253 = arith.constant 10240 : i32
    %mul3A_254 = arith.muli %arg0, %mul3A_253 : i32
    %dma_wait3A_255 = arith.constant 0 : i32
    %dma_wait3A_256 = tpu.memref_slice %arg8[%mul3A_254, %dma_wait3A_255] : memref<20480x128xf32, #tpu.memory_space<hbm>> -> memref<80x128xf32, #tpu.memory_space<hbm>>
    %dma_wait3A_257 = arith.constant 0 : i32
    %dma_wait3A_258 = tpu.memref_slice %arg8[%mul3A_254, %dma_wait3A_257] : memref<20480x128xf32, #tpu.memory_space<hbm>> -> memref<80x128xf32, #tpu.memory_space<hbm>>
    tpu.wait_dma2 semaphore(%arg17 : memref<!tpu.dma_semaphore, #tpu.memory_space<semaphore_mem>>) src(%arg14 : memref<80x128xf32, #tpu.memory_space<vmem>>) dst(%dma_wait3A_258 : memref<80x128xf32, #tpu.memory_space<hbm>>)
    %mul3A_259 = arith.constant 640 : i32
    %mul3A_260 = arith.muli %arg1, %mul3A_259 : i32
    %add3A_261 = arith.constant 560 : i32
    %add3A_262 = arith.addi %mul3A_260, %add3A_261 : i32
    "tpu.region"() ({
      %run_scoped3A_289 = tpu.sem_alloc : memref<!tpu.dma_semaphore, #tpu.memory_space<semaphore_mem>>
      %dma_start3A_290 = arith.constant 0 : i32
      %dma_start3A_291 = tpu.memref_slice %arg10[%add3A_262, %dma_start3A_290] : memref<10240x128xf32, #tpu.memory_space<vmem_shared>> -> memref<80x128xf32, #tpu.memory_space<vmem_shared>>
      %dma_start3A_292 = arith.constant 0 : i32
      %dma_start3A_293 = tpu.memref_slice %arg10[%add3A_262, %dma_start3A_292] : memref<10240x128xf32, #tpu.memory_space<vmem_shared>> -> memref<80x128xf32, #tpu.memory_space<vmem_shared>>
      tpu.enqueue_dma source(%dma_start3A_293 : memref<80x128xf32, #tpu.memory_space<vmem_shared>>) target(%arg14 : memref<80x128xf32, #tpu.memory_space<vmem>>) target_semaphore(%run_scoped3A_289 : memref<!tpu.dma_semaphore, #tpu.memory_space<semaphore_mem>>)
      %dma_wait3A_294 = arith.constant 0 : i32
      %dma_wait3A_295 = tpu.memref_slice %arg10[%add3A_262, %dma_wait3A_294] : memref<10240x128xf32, #tpu.memory_space<vmem_shared>> -> memref<80x128xf32, #tpu.memory_space<vmem_shared>>
      %dma_wait3A_296 = arith.constant 0 : i32
      %dma_wait3A_297 = tpu.memref_slice %arg10[%add3A_262, %dma_wait3A_296] : memref<10240x128xf32, #tpu.memory_space<vmem_shared>> -> memref<80x128xf32, #tpu.memory_space<vmem_shared>>
      tpu.wait_dma2 semaphore(%run_scoped3A_289 : memref<!tpu.dma_semaphore, #tpu.memory_space<semaphore_mem>>) src(%dma_wait3A_297 : memref<80x128xf32, #tpu.memory_space<vmem_shared>>) dst(%arg14 : memref<80x128xf32, #tpu.memory_space<vmem>>)
      tpu.yield
    }) : () -> ()
    %mul3A_263 = arith.constant 10240 : i32
    %mul3A_264 = arith.muli %arg0, %mul3A_263 : i32
    %add3A_265 = arith.addi %mul3A_264, %add3A_262 : i32
    %dma_start3A_266 = arith.constant 0 : i32
    %dma_start3A_267 = tpu.memref_slice %arg8[%add3A_265, %dma_start3A_266] : memref<20480x128xf32, #tpu.memory_space<hbm>> -> memref<80x128xf32, #tpu.memory_space<hbm>>
    %dma_start3A_268 = arith.constant 0 : i32
    %dma_start3A_269 = tpu.memref_slice %arg8[%add3A_265, %dma_start3A_268] : memref<20480x128xf32, #tpu.memory_space<hbm>> -> memref<80x128xf32, #tpu.memory_space<hbm>>
    tpu.enqueue_dma source(%arg14 : memref<80x128xf32, #tpu.memory_space<vmem>>) target(%dma_start3A_269 : memref<80x128xf32, #tpu.memory_space<hbm>>) target_semaphore(%arg17 : memref<!tpu.dma_semaphore, #tpu.memory_space<semaphore_mem>>)
    %mul3A_270 = arith.constant 10240 : i32
    %mul3A_271 = arith.muli %arg0, %mul3A_270 : i32
    %dma_wait3A_272 = arith.constant 0 : i32
    %dma_wait3A_273 = tpu.memref_slice %arg8[%mul3A_271, %dma_wait3A_272] : memref<20480x128xf32, #tpu.memory_space<hbm>> -> memref<80x128xf32, #tpu.memory_space<hbm>>
    %dma_wait3A_274 = arith.constant 0 : i32
    %dma_wait3A_275 = tpu.memref_slice %arg8[%mul3A_271, %dma_wait3A_274] : memref<20480x128xf32, #tpu.memory_space<hbm>> -> memref<80x128xf32, #tpu.memory_space<hbm>>
    tpu.wait_dma2 semaphore(%arg17 : memref<!tpu.dma_semaphore, #tpu.memory_space<semaphore_mem>>) src(%arg13 : memref<80x128xf32, #tpu.memory_space<vmem>>) dst(%dma_wait3A_275 : memref<80x128xf32, #tpu.memory_space<hbm>>)
    %mul3A_276 = arith.constant 10240 : i32
    %mul3A_277 = arith.muli %arg0, %mul3A_276 : i32
    %dma_wait3A_278 = arith.constant 0 : i32
    %dma_wait3A_279 = tpu.memref_slice %arg8[%mul3A_277, %dma_wait3A_278] : memref<20480x128xf32, #tpu.memory_space<hbm>> -> memref<80x128xf32, #tpu.memory_space<hbm>>
    %dma_wait3A_280 = arith.constant 0 : i32
    %dma_wait3A_281 = tpu.memref_slice %arg8[%mul3A_277, %dma_wait3A_280] : memref<20480x128xf32, #tpu.memory_space<hbm>> -> memref<80x128xf32, #tpu.memory_space<hbm>>
    tpu.wait_dma2 semaphore(%arg17 : memref<!tpu.dma_semaphore, #tpu.memory_space<semaphore_mem>>) src(%arg13 : memref<80x128xf32, #tpu.memory_space<vmem>>) dst(%dma_wait3A_281 : memref<80x128xf32, #tpu.memory_space<hbm>>)
    %mul3A_282 = arith.constant 640 : i32
    %mul3A_283 = arith.muli %arg1, %mul3A_282 : i32
    "tpu.region"() ({
      %run_scoped3A_289 = tpu.sem_alloc : memref<!tpu.dma_semaphore, #tpu.memory_space<semaphore_mem>>
      %dma_start3A_290 = tpu.memref_slice %arg20[%mul3A_283] : memref<10240xf32, #tpu.memory_space<vmem_shared>> -> memref<640xf32, #tpu.memory_space<vmem_shared>>
      %dma_start3A_291 = tpu.memref_slice %arg20[%mul3A_283] : memref<10240xf32, #tpu.memory_space<vmem_shared>> -> memref<640xf32, #tpu.memory_space<vmem_shared>>
      tpu.enqueue_dma source(%dma_start3A_291 : memref<640xf32, #tpu.memory_space<vmem_shared>>) target(%arg19 : memref<640xf32, #tpu.memory_space<vmem>>) target_semaphore(%run_scoped3A_289 : memref<!tpu.dma_semaphore, #tpu.memory_space<semaphore_mem>>)
      %dma_wait3A_292 = tpu.memref_slice %arg20[%mul3A_283] : memref<10240xf32, #tpu.memory_space<vmem_shared>> -> memref<640xf32, #tpu.memory_space<vmem_shared>>
      %dma_wait3A_293 = tpu.memref_slice %arg20[%mul3A_283] : memref<10240xf32, #tpu.memory_space<vmem_shared>> -> memref<640xf32, #tpu.memory_space<vmem_shared>>
      tpu.wait_dma2 semaphore(%run_scoped3A_289 : memref<!tpu.dma_semaphore, #tpu.memory_space<semaphore_mem>>) src(%dma_wait3A_293 : memref<640xf32, #tpu.memory_space<vmem_shared>>) dst(%arg19 : memref<640xf32, #tpu.memory_space<vmem>>)
      tpu.yield
    }) : () -> ()
    %mul3A_284 = arith.constant 10240 : i32
    %mul3A_285 = arith.muli %arg0, %mul3A_284 : i32
    %mul3A_286 = arith.constant 640 : i32
    %mul3A_287 = arith.muli %arg1, %mul3A_286 : i32
    %add3A_288 = arith.addi %mul3A_285, %mul3A_287 : i32
    "tpu.region"() ({
      %run_scoped3A_289 = tpu.sem_alloc : memref<!tpu.dma_semaphore, #tpu.memory_space<semaphore_mem>>
      %dma_start3A_290 = tpu.memref_slice %arg9[%add3A_288] : memref<20480xf32, #tpu.memory_space<hbm>> -> memref<640xf32, #tpu.memory_space<hbm>>
      %dma_start3A_291 = tpu.memref_slice %arg9[%add3A_288] : memref<20480xf32, #tpu.memory_space<hbm>> -> memref<640xf32, #tpu.memory_space<hbm>>
      tpu.enqueue_dma source(%arg19 : memref<640xf32, #tpu.memory_space<vmem>>) target(%dma_start3A_291 : memref<640xf32, #tpu.memory_space<hbm>>) target_semaphore(%run_scoped3A_289 : memref<!tpu.dma_semaphore, #tpu.memory_space<semaphore_mem>>)
      %dma_wait3A_292 = tpu.memref_slice %arg9[%add3A_288] : memref<20480xf32, #tpu.memory_space<hbm>> -> memref<640xf32, #tpu.memory_space<hbm>>
      %dma_wait3A_293 = tpu.memref_slice %arg9[%add3A_288] : memref<20480xf32, #tpu.memory_space<hbm>> -> memref<640xf32, #tpu.memory_space<hbm>>
      tpu.wait_dma2 semaphore(%run_scoped3A_289 : memref<!tpu.dma_semaphore, #tpu.memory_space<semaphore_mem>>) src(%arg19 : memref<640xf32, #tpu.memory_space<vmem>>) dst(%dma_wait3A_293 : memref<640xf32, #tpu.memory_space<hbm>>)
      tpu.yield
    }) : () -> ()
    return
  }
}

#map = affine_map<(d0, d1) -> (0, 0)>
#map1 = affine_map<(d0, d1) -> (0, 0, 0)>
module attributes {stable_mosaic.version = 14 : i64} {
  func.func @k(%arg0: i32, %arg1: i32, %arg2: memref<10000x128xf32, #tpu.memory_space<hbm>>, %arg3: memref<32x10000xi32, #tpu.memory_space<hbm>>, %arg4: memref<32x125x80xi32, #tpu.memory_space<hbm>>, %arg5: memref<80x128xf32, #tpu.memory_space<hbm>>, %arg6: memref<20480x128xf32, #tpu.memory_space<hbm>>, %arg7: memref<10240x128xf32, #tpu.memory_space<vmem_shared>>, %arg8: memref<10000xi32, #tpu.memory_space<vmem>>, %arg9: memref<125x80xi32, #tpu.memory_space<vmem>>, %arg10: memref<80x128xf32, #tpu.memory_space<vmem>>, %arg11: memref<80x128xf32, #tpu.memory_space<vmem>>, %arg12: memref<!tpu.dma_semaphore, #tpu.memory_space<semaphore_mem>>, %arg13: memref<!tpu.dma_semaphore, #tpu.memory_space<semaphore_mem>>, %arg14: memref<!tpu.dma_semaphore, #tpu.memory_space<semaphore_mem>>) attributes {dimension_semantics = [#tpu.dimension_semantics<core_parallel>, #tpu.dimension_semantics<subcore_parallel>], iteration_bounds = array<i64: 2, 16>, scalar_prefetch = 0 : i64, scratch_operands = 8 : i64, tpu.core_type = #tpu.core_type<sc_vector_subcore>, window_params = [{transform_indices = #map}, {transform_indices = #map}, {transform_indices = #map1}, {transform_indices = #map}, {transform_indices = #map}]} {
    %mul3A = arith.constant 2 : i32
    %mul3A_0 = arith.muli %arg1, %mul3A : i32
    %add3A = arith.addi %mul3A_0, %arg0 : i32
    "tpu.region"() ({
      %run_scoped3A_273 = tpu.sem_alloc : memref<!tpu.dma_semaphore, #tpu.memory_space<semaphore_mem>>
      tpu.enqueue_dma source(%arg5 : memref<80x128xf32, #tpu.memory_space<hbm>>) target(%arg10 : memref<80x128xf32, #tpu.memory_space<vmem>>) target_semaphore(%run_scoped3A_273 : memref<!tpu.dma_semaphore, #tpu.memory_space<semaphore_mem>>)
      tpu.wait_dma2 semaphore(%run_scoped3A_273 : memref<!tpu.dma_semaphore, #tpu.memory_space<semaphore_mem>>) src(%arg5 : memref<80x128xf32, #tpu.memory_space<hbm>>) dst(%arg10 : memref<80x128xf32, #tpu.memory_space<vmem>>)
      tpu.yield
    }) : () -> ()
    %mul3A_1 = arith.constant 640 : i32
    %mul3A_2 = arith.muli %arg1, %mul3A_1 : i32
    %add3A_3 = arith.constant 0 : i32
    %add3A_4 = arith.addi %mul3A_2, %add3A_3 : i32
    %dma_start3A = arith.constant 0 : i32
    %dma_start3A_5 = tpu.memref_slice %arg7[%add3A_4, %dma_start3A] : memref<10240x128xf32, #tpu.memory_space<vmem_shared>> -> memref<80x128xf32, #tpu.memory_space<vmem_shared>>
    %dma_start3A_6 = arith.constant 0 : i32
    %dma_start3A_7 = tpu.memref_slice %arg7[%add3A_4, %dma_start3A_6] : memref<10240x128xf32, #tpu.memory_space<vmem_shared>> -> memref<80x128xf32, #tpu.memory_space<vmem_shared>>
    tpu.enqueue_dma source(%arg10 : memref<80x128xf32, #tpu.memory_space<vmem>>) target(%dma_start3A_7 : memref<80x128xf32, #tpu.memory_space<vmem_shared>>) target_semaphore(%arg14 : memref<!tpu.dma_semaphore, #tpu.memory_space<semaphore_mem>>)
    %mul3A_8 = arith.constant 640 : i32
    %mul3A_9 = arith.muli %arg1, %mul3A_8 : i32
    %add3A_10 = arith.constant 80 : i32
    %add3A_11 = arith.addi %mul3A_9, %add3A_10 : i32
    %dma_start3A_12 = arith.constant 0 : i32
    %dma_start3A_13 = tpu.memref_slice %arg7[%add3A_11, %dma_start3A_12] : memref<10240x128xf32, #tpu.memory_space<vmem_shared>> -> memref<80x128xf32, #tpu.memory_space<vmem_shared>>
    %dma_start3A_14 = arith.constant 0 : i32
    %dma_start3A_15 = tpu.memref_slice %arg7[%add3A_11, %dma_start3A_14] : memref<10240x128xf32, #tpu.memory_space<vmem_shared>> -> memref<80x128xf32, #tpu.memory_space<vmem_shared>>
    tpu.enqueue_dma source(%arg10 : memref<80x128xf32, #tpu.memory_space<vmem>>) target(%dma_start3A_15 : memref<80x128xf32, #tpu.memory_space<vmem_shared>>) target_semaphore(%arg14 : memref<!tpu.dma_semaphore, #tpu.memory_space<semaphore_mem>>)
    %mul3A_16 = arith.constant 640 : i32
    %mul3A_17 = arith.muli %arg1, %mul3A_16 : i32
    %add3A_18 = arith.constant 160 : i32
    %add3A_19 = arith.addi %mul3A_17, %add3A_18 : i32
    %dma_start3A_20 = arith.constant 0 : i32
    %dma_start3A_21 = tpu.memref_slice %arg7[%add3A_19, %dma_start3A_20] : memref<10240x128xf32, #tpu.memory_space<vmem_shared>> -> memref<80x128xf32, #tpu.memory_space<vmem_shared>>
    %dma_start3A_22 = arith.constant 0 : i32
    %dma_start3A_23 = tpu.memref_slice %arg7[%add3A_19, %dma_start3A_22] : memref<10240x128xf32, #tpu.memory_space<vmem_shared>> -> memref<80x128xf32, #tpu.memory_space<vmem_shared>>
    tpu.enqueue_dma source(%arg10 : memref<80x128xf32, #tpu.memory_space<vmem>>) target(%dma_start3A_23 : memref<80x128xf32, #tpu.memory_space<vmem_shared>>) target_semaphore(%arg14 : memref<!tpu.dma_semaphore, #tpu.memory_space<semaphore_mem>>)
    %mul3A_24 = arith.constant 640 : i32
    %mul3A_25 = arith.muli %arg1, %mul3A_24 : i32
    %add3A_26 = arith.constant 240 : i32
    %add3A_27 = arith.addi %mul3A_25, %add3A_26 : i32
    %dma_start3A_28 = arith.constant 0 : i32
    %dma_start3A_29 = tpu.memref_slice %arg7[%add3A_27, %dma_start3A_28] : memref<10240x128xf32, #tpu.memory_space<vmem_shared>> -> memref<80x128xf32, #tpu.memory_space<vmem_shared>>
    %dma_start3A_30 = arith.constant 0 : i32
    %dma_start3A_31 = tpu.memref_slice %arg7[%add3A_27, %dma_start3A_30] : memref<10240x128xf32, #tpu.memory_space<vmem_shared>> -> memref<80x128xf32, #tpu.memory_space<vmem_shared>>
    tpu.enqueue_dma source(%arg10 : memref<80x128xf32, #tpu.memory_space<vmem>>) target(%dma_start3A_31 : memref<80x128xf32, #tpu.memory_space<vmem_shared>>) target_semaphore(%arg14 : memref<!tpu.dma_semaphore, #tpu.memory_space<semaphore_mem>>)
    %mul3A_32 = arith.constant 640 : i32
    %mul3A_33 = arith.muli %arg1, %mul3A_32 : i32
    %add3A_34 = arith.constant 320 : i32
    %add3A_35 = arith.addi %mul3A_33, %add3A_34 : i32
    %dma_start3A_36 = arith.constant 0 : i32
    %dma_start3A_37 = tpu.memref_slice %arg7[%add3A_35, %dma_start3A_36] : memref<10240x128xf32, #tpu.memory_space<vmem_shared>> -> memref<80x128xf32, #tpu.memory_space<vmem_shared>>
    %dma_start3A_38 = arith.constant 0 : i32
    %dma_start3A_39 = tpu.memref_slice %arg7[%add3A_35, %dma_start3A_38] : memref<10240x128xf32, #tpu.memory_space<vmem_shared>> -> memref<80x128xf32, #tpu.memory_space<vmem_shared>>
    tpu.enqueue_dma source(%arg10 : memref<80x128xf32, #tpu.memory_space<vmem>>) target(%dma_start3A_39 : memref<80x128xf32, #tpu.memory_space<vmem_shared>>) target_semaphore(%arg14 : memref<!tpu.dma_semaphore, #tpu.memory_space<semaphore_mem>>)
    %mul3A_40 = arith.constant 640 : i32
    %mul3A_41 = arith.muli %arg1, %mul3A_40 : i32
    %add3A_42 = arith.constant 400 : i32
    %add3A_43 = arith.addi %mul3A_41, %add3A_42 : i32
    %dma_start3A_44 = arith.constant 0 : i32
    %dma_start3A_45 = tpu.memref_slice %arg7[%add3A_43, %dma_start3A_44] : memref<10240x128xf32, #tpu.memory_space<vmem_shared>> -> memref<80x128xf32, #tpu.memory_space<vmem_shared>>
    %dma_start3A_46 = arith.constant 0 : i32
    %dma_start3A_47 = tpu.memref_slice %arg7[%add3A_43, %dma_start3A_46] : memref<10240x128xf32, #tpu.memory_space<vmem_shared>> -> memref<80x128xf32, #tpu.memory_space<vmem_shared>>
    tpu.enqueue_dma source(%arg10 : memref<80x128xf32, #tpu.memory_space<vmem>>) target(%dma_start3A_47 : memref<80x128xf32, #tpu.memory_space<vmem_shared>>) target_semaphore(%arg14 : memref<!tpu.dma_semaphore, #tpu.memory_space<semaphore_mem>>)
    %mul3A_48 = arith.constant 640 : i32
    %mul3A_49 = arith.muli %arg1, %mul3A_48 : i32
    %add3A_50 = arith.constant 480 : i32
    %add3A_51 = arith.addi %mul3A_49, %add3A_50 : i32
    %dma_start3A_52 = arith.constant 0 : i32
    %dma_start3A_53 = tpu.memref_slice %arg7[%add3A_51, %dma_start3A_52] : memref<10240x128xf32, #tpu.memory_space<vmem_shared>> -> memref<80x128xf32, #tpu.memory_space<vmem_shared>>
    %dma_start3A_54 = arith.constant 0 : i32
    %dma_start3A_55 = tpu.memref_slice %arg7[%add3A_51, %dma_start3A_54] : memref<10240x128xf32, #tpu.memory_space<vmem_shared>> -> memref<80x128xf32, #tpu.memory_space<vmem_shared>>
    tpu.enqueue_dma source(%arg10 : memref<80x128xf32, #tpu.memory_space<vmem>>) target(%dma_start3A_55 : memref<80x128xf32, #tpu.memory_space<vmem_shared>>) target_semaphore(%arg14 : memref<!tpu.dma_semaphore, #tpu.memory_space<semaphore_mem>>)
    %mul3A_56 = arith.constant 640 : i32
    %mul3A_57 = arith.muli %arg1, %mul3A_56 : i32
    %add3A_58 = arith.constant 560 : i32
    %add3A_59 = arith.addi %mul3A_57, %add3A_58 : i32
    %dma_start3A_60 = arith.constant 0 : i32
    %dma_start3A_61 = tpu.memref_slice %arg7[%add3A_59, %dma_start3A_60] : memref<10240x128xf32, #tpu.memory_space<vmem_shared>> -> memref<80x128xf32, #tpu.memory_space<vmem_shared>>
    %dma_start3A_62 = arith.constant 0 : i32
    %dma_start3A_63 = tpu.memref_slice %arg7[%add3A_59, %dma_start3A_62] : memref<10240x128xf32, #tpu.memory_space<vmem_shared>> -> memref<80x128xf32, #tpu.memory_space<vmem_shared>>
    tpu.enqueue_dma source(%arg10 : memref<80x128xf32, #tpu.memory_space<vmem>>) target(%dma_start3A_63 : memref<80x128xf32, #tpu.memory_space<vmem_shared>>) target_semaphore(%arg14 : memref<!tpu.dma_semaphore, #tpu.memory_space<semaphore_mem>>)
    "tpu.region"() ({
      %run_scoped3A_273 = tpu.sem_alloc : memref<!tpu.dma_semaphore, #tpu.memory_space<semaphore_mem>>
      %dma_start3A_274 = arith.constant 0 : i32
      %dma_start3A_275 = tpu.memref_slice %arg3[%add3A, %dma_start3A_274] : memref<32x10000xi32, #tpu.memory_space<hbm>> -> memref<1x10000xi32, #tpu.memory_space<hbm>>
      %dma_start3A_276 = tpu.memref_squeeze %dma_start3A_275 : memref<1x10000xi32, #tpu.memory_space<hbm>> -> memref<10000xi32, #tpu.memory_space<hbm>>
      %dma_start3A_277 = arith.constant 0 : i32
      %dma_start3A_278 = tpu.memref_slice %arg3[%add3A, %dma_start3A_277] : memref<32x10000xi32, #tpu.memory_space<hbm>> -> memref<1x10000xi32, #tpu.memory_space<hbm>>
      %dma_start3A_279 = tpu.memref_squeeze %dma_start3A_278 : memref<1x10000xi32, #tpu.memory_space<hbm>> -> memref<10000xi32, #tpu.memory_space<hbm>>
      tpu.enqueue_dma source(%dma_start3A_279 : memref<10000xi32, #tpu.memory_space<hbm>>) target(%arg8 : memref<10000xi32, #tpu.memory_space<vmem>>) target_semaphore(%run_scoped3A_273 : memref<!tpu.dma_semaphore, #tpu.memory_space<semaphore_mem>>)
      %dma_wait3A_280 = arith.constant 0 : i32
      %dma_wait3A_281 = tpu.memref_slice %arg3[%add3A, %dma_wait3A_280] : memref<32x10000xi32, #tpu.memory_space<hbm>> -> memref<1x10000xi32, #tpu.memory_space<hbm>>
      %dma_wait3A_282 = tpu.memref_squeeze %dma_wait3A_281 : memref<1x10000xi32, #tpu.memory_space<hbm>> -> memref<10000xi32, #tpu.memory_space<hbm>>
      %dma_wait3A_283 = arith.constant 0 : i32
      %dma_wait3A_284 = tpu.memref_slice %arg3[%add3A, %dma_wait3A_283] : memref<32x10000xi32, #tpu.memory_space<hbm>> -> memref<1x10000xi32, #tpu.memory_space<hbm>>
      %dma_wait3A_285 = tpu.memref_squeeze %dma_wait3A_284 : memref<1x10000xi32, #tpu.memory_space<hbm>> -> memref<10000xi32, #tpu.memory_space<hbm>>
      tpu.wait_dma2 semaphore(%run_scoped3A_273 : memref<!tpu.dma_semaphore, #tpu.memory_space<semaphore_mem>>) src(%dma_wait3A_285 : memref<10000xi32, #tpu.memory_space<hbm>>) dst(%arg8 : memref<10000xi32, #tpu.memory_space<vmem>>)
      tpu.yield
    }) : () -> ()
    "tpu.region"() ({
      %run_scoped3A_273 = tpu.sem_alloc : memref<!tpu.dma_semaphore, #tpu.memory_space<semaphore_mem>>
      %dma_start3A_274 = arith.constant 0 : i32
      %dma_start3A_275 = arith.constant 0 : i32
      %dma_start3A_276 = tpu.memref_slice %arg4[%add3A, %dma_start3A_274, %dma_start3A_275] : memref<32x125x80xi32, #tpu.memory_space<hbm>> -> memref<1x125x80xi32, #tpu.memory_space<hbm>>
      %dma_start3A_277 = tpu.memref_squeeze %dma_start3A_276 : memref<1x125x80xi32, #tpu.memory_space<hbm>> -> memref<125x80xi32, #tpu.memory_space<hbm>>
      %dma_start3A_278 = arith.constant 0 : i32
      %dma_start3A_279 = arith.constant 0 : i32
      %dma_start3A_280 = tpu.memref_slice %arg4[%add3A, %dma_start3A_278, %dma_start3A_279] : memref<32x125x80xi32, #tpu.memory_space<hbm>> -> memref<1x125x80xi32, #tpu.memory_space<hbm>>
      %dma_start3A_281 = tpu.memref_squeeze %dma_start3A_280 : memref<1x125x80xi32, #tpu.memory_space<hbm>> -> memref<125x80xi32, #tpu.memory_space<hbm>>
      tpu.enqueue_dma source(%dma_start3A_281 : memref<125x80xi32, #tpu.memory_space<hbm>>) target(%arg9 : memref<125x80xi32, #tpu.memory_space<vmem>>) target_semaphore(%run_scoped3A_273 : memref<!tpu.dma_semaphore, #tpu.memory_space<semaphore_mem>>)
      %dma_wait3A_282 = arith.constant 0 : i32
      %dma_wait3A_283 = arith.constant 0 : i32
      %dma_wait3A_284 = tpu.memref_slice %arg4[%add3A, %dma_wait3A_282, %dma_wait3A_283] : memref<32x125x80xi32, #tpu.memory_space<hbm>> -> memref<1x125x80xi32, #tpu.memory_space<hbm>>
      %dma_wait3A_285 = tpu.memref_squeeze %dma_wait3A_284 : memref<1x125x80xi32, #tpu.memory_space<hbm>> -> memref<125x80xi32, #tpu.memory_space<hbm>>
      %dma_wait3A_286 = arith.constant 0 : i32
      %dma_wait3A_287 = arith.constant 0 : i32
      %dma_wait3A_288 = tpu.memref_slice %arg4[%add3A, %dma_wait3A_286, %dma_wait3A_287] : memref<32x125x80xi32, #tpu.memory_space<hbm>> -> memref<1x125x80xi32, #tpu.memory_space<hbm>>
      %dma_wait3A_289 = tpu.memref_squeeze %dma_wait3A_288 : memref<1x125x80xi32, #tpu.memory_space<hbm>> -> memref<125x80xi32, #tpu.memory_space<hbm>>
      tpu.wait_dma2 semaphore(%run_scoped3A_273 : memref<!tpu.dma_semaphore, #tpu.memory_space<semaphore_mem>>) src(%dma_wait3A_289 : memref<125x80xi32, #tpu.memory_space<hbm>>) dst(%arg9 : memref<125x80xi32, #tpu.memory_space<vmem>>)
      tpu.yield
    }) : () -> ()
    %mul3A_64 = arith.constant 640 : i32
    %mul3A_65 = arith.muli %arg1, %mul3A_64 : i32
    %dma_wait3A = arith.constant 0 : i32
    %dma_wait3A_66 = tpu.memref_slice %arg7[%mul3A_65, %dma_wait3A] : memref<10240x128xf32, #tpu.memory_space<vmem_shared>> -> memref<80x128xf32, #tpu.memory_space<vmem_shared>>
    %dma_wait3A_67 = arith.constant 0 : i32
    %dma_wait3A_68 = tpu.memref_slice %arg7[%mul3A_65, %dma_wait3A_67] : memref<10240x128xf32, #tpu.memory_space<vmem_shared>> -> memref<80x128xf32, #tpu.memory_space<vmem_shared>>
    tpu.wait_dma2 semaphore(%arg14 : memref<!tpu.dma_semaphore, #tpu.memory_space<semaphore_mem>>) src(%arg10 : memref<80x128xf32, #tpu.memory_space<vmem>>) dst(%dma_wait3A_68 : memref<80x128xf32, #tpu.memory_space<vmem_shared>>)
    %mul3A_69 = arith.constant 640 : i32
    %mul3A_70 = arith.muli %arg1, %mul3A_69 : i32
    %dma_wait3A_71 = arith.constant 0 : i32
    %dma_wait3A_72 = tpu.memref_slice %arg7[%mul3A_70, %dma_wait3A_71] : memref<10240x128xf32, #tpu.memory_space<vmem_shared>> -> memref<80x128xf32, #tpu.memory_space<vmem_shared>>
    %dma_wait3A_73 = arith.constant 0 : i32
    %dma_wait3A_74 = tpu.memref_slice %arg7[%mul3A_70, %dma_wait3A_73] : memref<10240x128xf32, #tpu.memory_space<vmem_shared>> -> memref<80x128xf32, #tpu.memory_space<vmem_shared>>
    tpu.wait_dma2 semaphore(%arg14 : memref<!tpu.dma_semaphore, #tpu.memory_space<semaphore_mem>>) src(%arg10 : memref<80x128xf32, #tpu.memory_space<vmem>>) dst(%dma_wait3A_74 : memref<80x128xf32, #tpu.memory_space<vmem_shared>>)
    %mul3A_75 = arith.constant 640 : i32
    %mul3A_76 = arith.muli %arg1, %mul3A_75 : i32
    %dma_wait3A_77 = arith.constant 0 : i32
    %dma_wait3A_78 = tpu.memref_slice %arg7[%mul3A_76, %dma_wait3A_77] : memref<10240x128xf32, #tpu.memory_space<vmem_shared>> -> memref<80x128xf32, #tpu.memory_space<vmem_shared>>
    %dma_wait3A_79 = arith.constant 0 : i32
    %dma_wait3A_80 = tpu.memref_slice %arg7[%mul3A_76, %dma_wait3A_79] : memref<10240x128xf32, #tpu.memory_space<vmem_shared>> -> memref<80x128xf32, #tpu.memory_space<vmem_shared>>
    tpu.wait_dma2 semaphore(%arg14 : memref<!tpu.dma_semaphore, #tpu.memory_space<semaphore_mem>>) src(%arg10 : memref<80x128xf32, #tpu.memory_space<vmem>>) dst(%dma_wait3A_80 : memref<80x128xf32, #tpu.memory_space<vmem_shared>>)
    %mul3A_81 = arith.constant 640 : i32
    %mul3A_82 = arith.muli %arg1, %mul3A_81 : i32
    %dma_wait3A_83 = arith.constant 0 : i32
    %dma_wait3A_84 = tpu.memref_slice %arg7[%mul3A_82, %dma_wait3A_83] : memref<10240x128xf32, #tpu.memory_space<vmem_shared>> -> memref<80x128xf32, #tpu.memory_space<vmem_shared>>
    %dma_wait3A_85 = arith.constant 0 : i32
    %dma_wait3A_86 = tpu.memref_slice %arg7[%mul3A_82, %dma_wait3A_85] : memref<10240x128xf32, #tpu.memory_space<vmem_shared>> -> memref<80x128xf32, #tpu.memory_space<vmem_shared>>
    tpu.wait_dma2 semaphore(%arg14 : memref<!tpu.dma_semaphore, #tpu.memory_space<semaphore_mem>>) src(%arg10 : memref<80x128xf32, #tpu.memory_space<vmem>>) dst(%dma_wait3A_86 : memref<80x128xf32, #tpu.memory_space<vmem_shared>>)
    %mul3A_87 = arith.constant 640 : i32
    %mul3A_88 = arith.muli %arg1, %mul3A_87 : i32
    %dma_wait3A_89 = arith.constant 0 : i32
    %dma_wait3A_90 = tpu.memref_slice %arg7[%mul3A_88, %dma_wait3A_89] : memref<10240x128xf32, #tpu.memory_space<vmem_shared>> -> memref<80x128xf32, #tpu.memory_space<vmem_shared>>
    %dma_wait3A_91 = arith.constant 0 : i32
    %dma_wait3A_92 = tpu.memref_slice %arg7[%mul3A_88, %dma_wait3A_91] : memref<10240x128xf32, #tpu.memory_space<vmem_shared>> -> memref<80x128xf32, #tpu.memory_space<vmem_shared>>
    tpu.wait_dma2 semaphore(%arg14 : memref<!tpu.dma_semaphore, #tpu.memory_space<semaphore_mem>>) src(%arg10 : memref<80x128xf32, #tpu.memory_space<vmem>>) dst(%dma_wait3A_92 : memref<80x128xf32, #tpu.memory_space<vmem_shared>>)
    %mul3A_93 = arith.constant 640 : i32
    %mul3A_94 = arith.muli %arg1, %mul3A_93 : i32
    %dma_wait3A_95 = arith.constant 0 : i32
    %dma_wait3A_96 = tpu.memref_slice %arg7[%mul3A_94, %dma_wait3A_95] : memref<10240x128xf32, #tpu.memory_space<vmem_shared>> -> memref<80x128xf32, #tpu.memory_space<vmem_shared>>
    %dma_wait3A_97 = arith.constant 0 : i32
    %dma_wait3A_98 = tpu.memref_slice %arg7[%mul3A_94, %dma_wait3A_97] : memref<10240x128xf32, #tpu.memory_space<vmem_shared>> -> memref<80x128xf32, #tpu.memory_space<vmem_shared>>
    tpu.wait_dma2 semaphore(%arg14 : memref<!tpu.dma_semaphore, #tpu.memory_space<semaphore_mem>>) src(%arg10 : memref<80x128xf32, #tpu.memory_space<vmem>>) dst(%dma_wait3A_98 : memref<80x128xf32, #tpu.memory_space<vmem_shared>>)
    %mul3A_99 = arith.constant 640 : i32
    %mul3A_100 = arith.muli %arg1, %mul3A_99 : i32
    %dma_wait3A_101 = arith.constant 0 : i32
    %dma_wait3A_102 = tpu.memref_slice %arg7[%mul3A_100, %dma_wait3A_101] : memref<10240x128xf32, #tpu.memory_space<vmem_shared>> -> memref<80x128xf32, #tpu.memory_space<vmem_shared>>
    %dma_wait3A_103 = arith.constant 0 : i32
    %dma_wait3A_104 = tpu.memref_slice %arg7[%mul3A_100, %dma_wait3A_103] : memref<10240x128xf32, #tpu.memory_space<vmem_shared>> -> memref<80x128xf32, #tpu.memory_space<vmem_shared>>
    tpu.wait_dma2 semaphore(%arg14 : memref<!tpu.dma_semaphore, #tpu.memory_space<semaphore_mem>>) src(%arg10 : memref<80x128xf32, #tpu.memory_space<vmem>>) dst(%dma_wait3A_104 : memref<80x128xf32, #tpu.memory_space<vmem_shared>>)
    %mul3A_105 = arith.constant 640 : i32
    %mul3A_106 = arith.muli %arg1, %mul3A_105 : i32
    %dma_wait3A_107 = arith.constant 0 : i32
    %dma_wait3A_108 = tpu.memref_slice %arg7[%mul3A_106, %dma_wait3A_107] : memref<10240x128xf32, #tpu.memory_space<vmem_shared>> -> memref<80x128xf32, #tpu.memory_space<vmem_shared>>
    %dma_wait3A_109 = arith.constant 0 : i32
    %dma_wait3A_110 = tpu.memref_slice %arg7[%mul3A_106, %dma_wait3A_109] : memref<10240x128xf32, #tpu.memory_space<vmem_shared>> -> memref<80x128xf32, #tpu.memory_space<vmem_shared>>
    tpu.wait_dma2 semaphore(%arg14 : memref<!tpu.dma_semaphore, #tpu.memory_space<semaphore_mem>>) src(%arg10 : memref<80x128xf32, #tpu.memory_space<vmem>>) dst(%dma_wait3A_110 : memref<80x128xf32, #tpu.memory_space<vmem_shared>>)
    %barrier3A = arith.constant 0 : index
    tpu.barrier barrier_id(%barrier3A)
    %dma_start3A_111 = arith.constant 0 : i32
    %dma_start3A_112 = tpu.memref_slice %arg8[%dma_start3A_111] : memref<10000xi32, #tpu.memory_space<vmem>> -> memref<80xi32, #tpu.memory_space<vmem>>
    %dma_start3A_113 = arith.constant 0 : i32
    %dma_start3A_114 = arith.constant 0 : i32
    %dma_start3A_115 = tpu.memref_slice %arg2[%dma_start3A_113, %dma_start3A_114] : memref<10000x128xf32, #tpu.memory_space<hbm>> -> memref<10000x128xf32, #tpu.memory_space<hbm>>
    tpu.enqueue_indirect_dma source(%dma_start3A_115 : memref<10000x128xf32, #tpu.memory_space<hbm>>) target(%arg10 : memref<80x128xf32, #tpu.memory_space<vmem>>) offsets(%dma_start3A_112 : memref<80xi32, #tpu.memory_space<vmem>>) semaphore(%arg12 : memref<!tpu.dma_semaphore, #tpu.memory_space<semaphore_mem>>)
    %dma_start3A_116 = arith.constant 80 : i32
    %dma_start3A_117 = tpu.memref_slice %arg8[%dma_start3A_116] : memref<10000xi32, #tpu.memory_space<vmem>> -> memref<80xi32, #tpu.memory_space<vmem>>
    %dma_start3A_118 = arith.constant 0 : i32
    %dma_start3A_119 = arith.constant 0 : i32
    %dma_start3A_120 = tpu.memref_slice %arg2[%dma_start3A_118, %dma_start3A_119] : memref<10000x128xf32, #tpu.memory_space<hbm>> -> memref<10000x128xf32, #tpu.memory_space<hbm>>
    tpu.enqueue_indirect_dma source(%dma_start3A_120 : memref<10000x128xf32, #tpu.memory_space<hbm>>) target(%arg11 : memref<80x128xf32, #tpu.memory_space<vmem>>) offsets(%dma_start3A_117 : memref<80xi32, #tpu.memory_space<vmem>>) semaphore(%arg13 : memref<!tpu.dma_semaphore, #tpu.memory_space<semaphore_mem>>)
    %scan3A = arith.constant 0 : i32
    %scan3A_121 = arith.constant 0 : i32
    %scan3A_122 = arith.constant 62 : i32
    %scan3A_123 = arith.addi %scan3A_121, %scan3A_122 : i32
    %scan3A_124 = arith.constant 1 : i32
    scf.for %scan3A_273 = %scan3A_121 to %scan3A_123 step %scan3A_124  : i32 {
      %mul3A_274 = arith.constant 2 : i32
      %mul3A_275 = arith.muli %mul3A_274, %scan3A_273 : i32
      %dma_wait3A_276 = arith.constant 0 : i32
      %dma_wait3A_277 = tpu.memref_slice %arg8[%dma_wait3A_276] : memref<10000xi32, #tpu.memory_space<vmem>> -> memref<80xi32, #tpu.memory_space<vmem>>
      %dma_wait3A_278 = arith.constant 0 : i32
      %dma_wait3A_279 = arith.constant 0 : i32
      %dma_wait3A_280 = tpu.memref_slice %arg2[%dma_wait3A_278, %dma_wait3A_279] : memref<10000x128xf32, #tpu.memory_space<hbm>> -> memref<10000x128xf32, #tpu.memory_space<hbm>>
      tpu.wait_indirect_dma semaphore(%arg12 : memref<!tpu.dma_semaphore, #tpu.memory_space<semaphore_mem>>) src(%dma_wait3A_280 : memref<10000x128xf32, #tpu.memory_space<hbm>>) dst(%arg10 : memref<80x128xf32, #tpu.memory_space<vmem>>)
      "tpu.region"() ({
        %run_scoped3A_305 = tpu.sem_alloc : memref<!tpu.dma_semaphore, #tpu.memory_space<semaphore_mem>>
        %dma_start3A_306 = arith.constant 0 : i32
        %dma_start3A_307 = tpu.memref_slice %arg9[%mul3A_275, %dma_start3A_306] : memref<125x80xi32, #tpu.memory_space<vmem>> -> memref<1x80xi32, #tpu.memory_space<vmem>>
        %dma_start3A_308 = tpu.memref_squeeze %dma_start3A_307 : memref<1x80xi32, #tpu.memory_space<vmem>> -> memref<80xi32, #tpu.memory_space<vmem>>
        %dma_start3A_309 = arith.constant 0 : i32
        %dma_start3A_310 = arith.constant 0 : i32
        %dma_start3A_311 = tpu.memref_slice %arg7[%dma_start3A_309, %dma_start3A_310] : memref<10240x128xf32, #tpu.memory_space<vmem_shared>> -> memref<10240x128xf32, #tpu.memory_space<vmem_shared>>
        tpu.enqueue_indirect_dma source(%arg10 : memref<80x128xf32, #tpu.memory_space<vmem>>) target(%dma_start3A_311 : memref<10240x128xf32, #tpu.memory_space<vmem_shared>>) offsets(%dma_start3A_308 : memref<80xi32, #tpu.memory_space<vmem>>) semaphore(%run_scoped3A_305 : memref<!tpu.dma_semaphore, #tpu.memory_space<semaphore_mem>>) {add = true}
        %dma_wait3A_312 = arith.constant 0 : i32
        %dma_wait3A_313 = tpu.memref_slice %arg9[%mul3A_275, %dma_wait3A_312] : memref<125x80xi32, #tpu.memory_space<vmem>> -> memref<1x80xi32, #tpu.memory_space<vmem>>
        %dma_wait3A_314 = tpu.memref_squeeze %dma_wait3A_313 : memref<1x80xi32, #tpu.memory_space<vmem>> -> memref<80xi32, #tpu.memory_space<vmem>>
        %dma_wait3A_315 = arith.constant 0 : i32
        %dma_wait3A_316 = arith.constant 0 : i32
        %dma_wait3A_317 = tpu.memref_slice %arg7[%dma_wait3A_315, %dma_wait3A_316] : memref<10240x128xf32, #tpu.memory_space<vmem_shared>> -> memref<10240x128xf32, #tpu.memory_space<vmem_shared>>
        tpu.wait_indirect_dma semaphore(%run_scoped3A_305 : memref<!tpu.dma_semaphore, #tpu.memory_space<semaphore_mem>>) src(%arg10 : memref<80x128xf32, #tpu.memory_space<vmem>>) dst(%dma_wait3A_317 : memref<10240x128xf32, #tpu.memory_space<vmem_shared>>)
        tpu.yield
      }) : () -> ()
      %add3A_281 = arith.constant 2 : i32
      %add3A_282 = arith.addi %mul3A_275, %add3A_281 : i32
      %mul3A_283 = arith.constant 80 : i32
      %mul3A_284 = arith.muli %add3A_282, %mul3A_283 : i32
      %dma_start3A_285 = tpu.memref_slice %arg8[%mul3A_284] : memref<10000xi32, #tpu.memory_space<vmem>> -> memref<80xi32, #tpu.memory_space<vmem>>
      %dma_start3A_286 = arith.constant 0 : i32
      %dma_start3A_287 = arith.constant 0 : i32
      %dma_start3A_288 = tpu.memref_slice %arg2[%dma_start3A_286, %dma_start3A_287] : memref<10000x128xf32, #tpu.memory_space<hbm>> -> memref<10000x128xf32, #tpu.memory_space<hbm>>
      tpu.enqueue_indirect_dma source(%dma_start3A_288 : memref<10000x128xf32, #tpu.memory_space<hbm>>) target(%arg10 : memref<80x128xf32, #tpu.memory_space<vmem>>) offsets(%dma_start3A_285 : memref<80xi32, #tpu.memory_space<vmem>>) semaphore(%arg12 : memref<!tpu.dma_semaphore, #tpu.memory_space<semaphore_mem>>)
      %dma_wait3A_289 = arith.constant 0 : i32
      %dma_wait3A_290 = tpu.memref_slice %arg8[%dma_wait3A_289] : memref<10000xi32, #tpu.memory_space<vmem>> -> memref<80xi32, #tpu.memory_space<vmem>>
      %dma_wait3A_291 = arith.constant 0 : i32
      %dma_wait3A_292 = arith.constant 0 : i32
      %dma_wait3A_293 = tpu.memref_slice %arg2[%dma_wait3A_291, %dma_wait3A_292] : memref<10000x128xf32, #tpu.memory_space<hbm>> -> memref<10000x128xf32, #tpu.memory_space<hbm>>
      tpu.wait_indirect_dma semaphore(%arg13 : memref<!tpu.dma_semaphore, #tpu.memory_space<semaphore_mem>>) src(%dma_wait3A_293 : memref<10000x128xf32, #tpu.memory_space<hbm>>) dst(%arg11 : memref<80x128xf32, #tpu.memory_space<vmem>>)
      %add3A_294 = arith.constant 1 : i32
      %add3A_295 = arith.addi %mul3A_275, %add3A_294 : i32
      "tpu.region"() ({
        %run_scoped3A_305 = tpu.sem_alloc : memref<!tpu.dma_semaphore, #tpu.memory_space<semaphore_mem>>
        %dma_start3A_306 = arith.constant 0 : i32
        %dma_start3A_307 = tpu.memref_slice %arg9[%add3A_295, %dma_start3A_306] : memref<125x80xi32, #tpu.memory_space<vmem>> -> memref<1x80xi32, #tpu.memory_space<vmem>>
        %dma_start3A_308 = tpu.memref_squeeze %dma_start3A_307 : memref<1x80xi32, #tpu.memory_space<vmem>> -> memref<80xi32, #tpu.memory_space<vmem>>
        %dma_start3A_309 = arith.constant 0 : i32
        %dma_start3A_310 = arith.constant 0 : i32
        %dma_start3A_311 = tpu.memref_slice %arg7[%dma_start3A_309, %dma_start3A_310] : memref<10240x128xf32, #tpu.memory_space<vmem_shared>> -> memref<10240x128xf32, #tpu.memory_space<vmem_shared>>
        tpu.enqueue_indirect_dma source(%arg11 : memref<80x128xf32, #tpu.memory_space<vmem>>) target(%dma_start3A_311 : memref<10240x128xf32, #tpu.memory_space<vmem_shared>>) offsets(%dma_start3A_308 : memref<80xi32, #tpu.memory_space<vmem>>) semaphore(%run_scoped3A_305 : memref<!tpu.dma_semaphore, #tpu.memory_space<semaphore_mem>>) {add = true}
        %dma_wait3A_312 = arith.constant 0 : i32
        %dma_wait3A_313 = tpu.memref_slice %arg9[%add3A_295, %dma_wait3A_312] : memref<125x80xi32, #tpu.memory_space<vmem>> -> memref<1x80xi32, #tpu.memory_space<vmem>>
        %dma_wait3A_314 = tpu.memref_squeeze %dma_wait3A_313 : memref<1x80xi32, #tpu.memory_space<vmem>> -> memref<80xi32, #tpu.memory_space<vmem>>
        %dma_wait3A_315 = arith.constant 0 : i32
        %dma_wait3A_316 = arith.constant 0 : i32
        %dma_wait3A_317 = tpu.memref_slice %arg7[%dma_wait3A_315, %dma_wait3A_316] : memref<10240x128xf32, #tpu.memory_space<vmem_shared>> -> memref<10240x128xf32, #tpu.memory_space<vmem_shared>>
        tpu.wait_indirect_dma semaphore(%run_scoped3A_305 : memref<!tpu.dma_semaphore, #tpu.memory_space<semaphore_mem>>) src(%arg11 : memref<80x128xf32, #tpu.memory_space<vmem>>) dst(%dma_wait3A_317 : memref<10240x128xf32, #tpu.memory_space<vmem_shared>>)
        tpu.yield
      }) : () -> ()
      %add3A_296 = arith.constant 3 : i32
      %add3A_297 = arith.addi %mul3A_275, %add3A_296 : i32
      %min3A = arith.constant 124 : i32
      %min3A_298 = arith.minsi %add3A_297, %min3A : i32
      %mul3A_299 = arith.constant 80 : i32
      %mul3A_300 = arith.muli %min3A_298, %mul3A_299 : i32
      %dma_start3A_301 = tpu.memref_slice %arg8[%mul3A_300] : memref<10000xi32, #tpu.memory_space<vmem>> -> memref<80xi32, #tpu.memory_space<vmem>>
      %dma_start3A_302 = arith.constant 0 : i32
      %dma_start3A_303 = arith.constant 0 : i32
      %dma_start3A_304 = tpu.memref_slice %arg2[%dma_start3A_302, %dma_start3A_303] : memref<10000x128xf32, #tpu.memory_space<hbm>> -> memref<10000x128xf32, #tpu.memory_space<hbm>>
      tpu.enqueue_indirect_dma source(%dma_start3A_304 : memref<10000x128xf32, #tpu.memory_space<hbm>>) target(%arg11 : memref<80x128xf32, #tpu.memory_space<vmem>>) offsets(%dma_start3A_301 : memref<80xi32, #tpu.memory_space<vmem>>) semaphore(%arg13 : memref<!tpu.dma_semaphore, #tpu.memory_space<semaphore_mem>>)
    }
    %scan3A_125 = arith.constant 62 : i32
    %dma_wait3A_126 = arith.constant 0 : i32
    %dma_wait3A_127 = tpu.memref_slice %arg8[%dma_wait3A_126] : memref<10000xi32, #tpu.memory_space<vmem>> -> memref<80xi32, #tpu.memory_space<vmem>>
    %dma_wait3A_128 = arith.constant 0 : i32
    %dma_wait3A_129 = arith.constant 0 : i32
    %dma_wait3A_130 = tpu.memref_slice %arg2[%dma_wait3A_128, %dma_wait3A_129] : memref<10000x128xf32, #tpu.memory_space<hbm>> -> memref<10000x128xf32, #tpu.memory_space<hbm>>
    tpu.wait_indirect_dma semaphore(%arg12 : memref<!tpu.dma_semaphore, #tpu.memory_space<semaphore_mem>>) src(%dma_wait3A_130 : memref<10000x128xf32, #tpu.memory_space<hbm>>) dst(%arg10 : memref<80x128xf32, #tpu.memory_space<vmem>>)
    %run_scoped3A = arith.constant 124 : i32
    "tpu.region"() ({
      %run_scoped3A_273 = tpu.sem_alloc : memref<!tpu.dma_semaphore, #tpu.memory_space<semaphore_mem>>
      %dma_start3A_274 = arith.constant 0 : i32
      %dma_start3A_275 = tpu.memref_slice %arg9[%run_scoped3A, %dma_start3A_274] : memref<125x80xi32, #tpu.memory_space<vmem>> -> memref<1x80xi32, #tpu.memory_space<vmem>>
      %dma_start3A_276 = tpu.memref_squeeze %dma_start3A_275 : memref<1x80xi32, #tpu.memory_space<vmem>> -> memref<80xi32, #tpu.memory_space<vmem>>
      %dma_start3A_277 = arith.constant 0 : i32
      %dma_start3A_278 = arith.constant 0 : i32
      %dma_start3A_279 = tpu.memref_slice %arg7[%dma_start3A_277, %dma_start3A_278] : memref<10240x128xf32, #tpu.memory_space<vmem_shared>> -> memref<10240x128xf32, #tpu.memory_space<vmem_shared>>
      tpu.enqueue_indirect_dma source(%arg10 : memref<80x128xf32, #tpu.memory_space<vmem>>) target(%dma_start3A_279 : memref<10240x128xf32, #tpu.memory_space<vmem_shared>>) offsets(%dma_start3A_276 : memref<80xi32, #tpu.memory_space<vmem>>) semaphore(%run_scoped3A_273 : memref<!tpu.dma_semaphore, #tpu.memory_space<semaphore_mem>>) {add = true}
      %dma_wait3A_280 = arith.constant 0 : i32
      %dma_wait3A_281 = tpu.memref_slice %arg9[%run_scoped3A, %dma_wait3A_280] : memref<125x80xi32, #tpu.memory_space<vmem>> -> memref<1x80xi32, #tpu.memory_space<vmem>>
      %dma_wait3A_282 = tpu.memref_squeeze %dma_wait3A_281 : memref<1x80xi32, #tpu.memory_space<vmem>> -> memref<80xi32, #tpu.memory_space<vmem>>
      %dma_wait3A_283 = arith.constant 0 : i32
      %dma_wait3A_284 = arith.constant 0 : i32
      %dma_wait3A_285 = tpu.memref_slice %arg7[%dma_wait3A_283, %dma_wait3A_284] : memref<10240x128xf32, #tpu.memory_space<vmem_shared>> -> memref<10240x128xf32, #tpu.memory_space<vmem_shared>>
      tpu.wait_indirect_dma semaphore(%run_scoped3A_273 : memref<!tpu.dma_semaphore, #tpu.memory_space<semaphore_mem>>) src(%arg10 : memref<80x128xf32, #tpu.memory_space<vmem>>) dst(%dma_wait3A_285 : memref<10240x128xf32, #tpu.memory_space<vmem_shared>>)
      tpu.yield
    }) : () -> ()
    %dma_wait3A_131 = arith.constant 0 : i32
    %dma_wait3A_132 = tpu.memref_slice %arg8[%dma_wait3A_131] : memref<10000xi32, #tpu.memory_space<vmem>> -> memref<80xi32, #tpu.memory_space<vmem>>
    %dma_wait3A_133 = arith.constant 0 : i32
    %dma_wait3A_134 = arith.constant 0 : i32
    %dma_wait3A_135 = tpu.memref_slice %arg2[%dma_wait3A_133, %dma_wait3A_134] : memref<10000x128xf32, #tpu.memory_space<hbm>> -> memref<10000x128xf32, #tpu.memory_space<hbm>>
    tpu.wait_indirect_dma semaphore(%arg13 : memref<!tpu.dma_semaphore, #tpu.memory_space<semaphore_mem>>) src(%dma_wait3A_135 : memref<10000x128xf32, #tpu.memory_space<hbm>>) dst(%arg11 : memref<80x128xf32, #tpu.memory_space<vmem>>)
    %barrier3A_136 = arith.constant 0 : index
    tpu.barrier barrier_id(%barrier3A_136)
    %mul3A_137 = arith.constant 640 : i32
    %mul3A_138 = arith.muli %arg1, %mul3A_137 : i32
    %add3A_139 = arith.constant 0 : i32
    %add3A_140 = arith.addi %mul3A_138, %add3A_139 : i32
    "tpu.region"() ({
      %run_scoped3A_273 = tpu.sem_alloc : memref<!tpu.dma_semaphore, #tpu.memory_space<semaphore_mem>>
      %dma_start3A_274 = arith.constant 0 : i32
      %dma_start3A_275 = tpu.memref_slice %arg7[%add3A_140, %dma_start3A_274] : memref<10240x128xf32, #tpu.memory_space<vmem_shared>> -> memref<80x128xf32, #tpu.memory_space<vmem_shared>>
      %dma_start3A_276 = arith.constant 0 : i32
      %dma_start3A_277 = tpu.memref_slice %arg7[%add3A_140, %dma_start3A_276] : memref<10240x128xf32, #tpu.memory_space<vmem_shared>> -> memref<80x128xf32, #tpu.memory_space<vmem_shared>>
      tpu.enqueue_dma source(%dma_start3A_277 : memref<80x128xf32, #tpu.memory_space<vmem_shared>>) target(%arg10 : memref<80x128xf32, #tpu.memory_space<vmem>>) target_semaphore(%run_scoped3A_273 : memref<!tpu.dma_semaphore, #tpu.memory_space<semaphore_mem>>)
      %dma_wait3A_278 = arith.constant 0 : i32
      %dma_wait3A_279 = tpu.memref_slice %arg7[%add3A_140, %dma_wait3A_278] : memref<10240x128xf32, #tpu.memory_space<vmem_shared>> -> memref<80x128xf32, #tpu.memory_space<vmem_shared>>
      %dma_wait3A_280 = arith.constant 0 : i32
      %dma_wait3A_281 = tpu.memref_slice %arg7[%add3A_140, %dma_wait3A_280] : memref<10240x128xf32, #tpu.memory_space<vmem_shared>> -> memref<80x128xf32, #tpu.memory_space<vmem_shared>>
      tpu.wait_dma2 semaphore(%run_scoped3A_273 : memref<!tpu.dma_semaphore, #tpu.memory_space<semaphore_mem>>) src(%dma_wait3A_281 : memref<80x128xf32, #tpu.memory_space<vmem_shared>>) dst(%arg10 : memref<80x128xf32, #tpu.memory_space<vmem>>)
      tpu.yield
    }) : () -> ()
    %mul3A_141 = arith.constant 10240 : i32
    %mul3A_142 = arith.muli %arg0, %mul3A_141 : i32
    %add3A_143 = arith.addi %mul3A_142, %add3A_140 : i32
    %dma_start3A_144 = arith.constant 0 : i32
    %dma_start3A_145 = tpu.memref_slice %arg6[%add3A_143, %dma_start3A_144] : memref<20480x128xf32, #tpu.memory_space<hbm>> -> memref<80x128xf32, #tpu.memory_space<hbm>>
    %dma_start3A_146 = arith.constant 0 : i32
    %dma_start3A_147 = tpu.memref_slice %arg6[%add3A_143, %dma_start3A_146] : memref<20480x128xf32, #tpu.memory_space<hbm>> -> memref<80x128xf32, #tpu.memory_space<hbm>>
    tpu.enqueue_dma source(%arg10 : memref<80x128xf32, #tpu.memory_space<vmem>>) target(%dma_start3A_147 : memref<80x128xf32, #tpu.memory_space<hbm>>) target_semaphore(%arg14 : memref<!tpu.dma_semaphore, #tpu.memory_space<semaphore_mem>>)
    %mul3A_148 = arith.constant 640 : i32
    %mul3A_149 = arith.muli %arg1, %mul3A_148 : i32
    %add3A_150 = arith.constant 80 : i32
    %add3A_151 = arith.addi %mul3A_149, %add3A_150 : i32
    "tpu.region"() ({
      %run_scoped3A_273 = tpu.sem_alloc : memref<!tpu.dma_semaphore, #tpu.memory_space<semaphore_mem>>
      %dma_start3A_274 = arith.constant 0 : i32
      %dma_start3A_275 = tpu.memref_slice %arg7[%add3A_151, %dma_start3A_274] : memref<10240x128xf32, #tpu.memory_space<vmem_shared>> -> memref<80x128xf32, #tpu.memory_space<vmem_shared>>
      %dma_start3A_276 = arith.constant 0 : i32
      %dma_start3A_277 = tpu.memref_slice %arg7[%add3A_151, %dma_start3A_276] : memref<10240x128xf32, #tpu.memory_space<vmem_shared>> -> memref<80x128xf32, #tpu.memory_space<vmem_shared>>
      tpu.enqueue_dma source(%dma_start3A_277 : memref<80x128xf32, #tpu.memory_space<vmem_shared>>) target(%arg11 : memref<80x128xf32, #tpu.memory_space<vmem>>) target_semaphore(%run_scoped3A_273 : memref<!tpu.dma_semaphore, #tpu.memory_space<semaphore_mem>>)
      %dma_wait3A_278 = arith.constant 0 : i32
      %dma_wait3A_279 = tpu.memref_slice %arg7[%add3A_151, %dma_wait3A_278] : memref<10240x128xf32, #tpu.memory_space<vmem_shared>> -> memref<80x128xf32, #tpu.memory_space<vmem_shared>>
      %dma_wait3A_280 = arith.constant 0 : i32
      %dma_wait3A_281 = tpu.memref_slice %arg7[%add3A_151, %dma_wait3A_280] : memref<10240x128xf32, #tpu.memory_space<vmem_shared>> -> memref<80x128xf32, #tpu.memory_space<vmem_shared>>
      tpu.wait_dma2 semaphore(%run_scoped3A_273 : memref<!tpu.dma_semaphore, #tpu.memory_space<semaphore_mem>>) src(%dma_wait3A_281 : memref<80x128xf32, #tpu.memory_space<vmem_shared>>) dst(%arg11 : memref<80x128xf32, #tpu.memory_space<vmem>>)
      tpu.yield
    }) : () -> ()
    %mul3A_152 = arith.constant 10240 : i32
    %mul3A_153 = arith.muli %arg0, %mul3A_152 : i32
    %add3A_154 = arith.addi %mul3A_153, %add3A_151 : i32
    %dma_start3A_155 = arith.constant 0 : i32
    %dma_start3A_156 = tpu.memref_slice %arg6[%add3A_154, %dma_start3A_155] : memref<20480x128xf32, #tpu.memory_space<hbm>> -> memref<80x128xf32, #tpu.memory_space<hbm>>
    %dma_start3A_157 = arith.constant 0 : i32
    %dma_start3A_158 = tpu.memref_slice %arg6[%add3A_154, %dma_start3A_157] : memref<20480x128xf32, #tpu.memory_space<hbm>> -> memref<80x128xf32, #tpu.memory_space<hbm>>
    tpu.enqueue_dma source(%arg11 : memref<80x128xf32, #tpu.memory_space<vmem>>) target(%dma_start3A_158 : memref<80x128xf32, #tpu.memory_space<hbm>>) target_semaphore(%arg14 : memref<!tpu.dma_semaphore, #tpu.memory_space<semaphore_mem>>)
    %mul3A_159 = arith.constant 10240 : i32
    %mul3A_160 = arith.muli %arg0, %mul3A_159 : i32
    %dma_wait3A_161 = arith.constant 0 : i32
    %dma_wait3A_162 = tpu.memref_slice %arg6[%mul3A_160, %dma_wait3A_161] : memref<20480x128xf32, #tpu.memory_space<hbm>> -> memref<80x128xf32, #tpu.memory_space<hbm>>
    %dma_wait3A_163 = arith.constant 0 : i32
    %dma_wait3A_164 = tpu.memref_slice %arg6[%mul3A_160, %dma_wait3A_163] : memref<20480x128xf32, #tpu.memory_space<hbm>> -> memref<80x128xf32, #tpu.memory_space<hbm>>
    tpu.wait_dma2 semaphore(%arg14 : memref<!tpu.dma_semaphore, #tpu.memory_space<semaphore_mem>>) src(%arg10 : memref<80x128xf32, #tpu.memory_space<vmem>>) dst(%dma_wait3A_164 : memref<80x128xf32, #tpu.memory_space<hbm>>)
    %mul3A_165 = arith.constant 640 : i32
    %mul3A_166 = arith.muli %arg1, %mul3A_165 : i32
    %add3A_167 = arith.constant 160 : i32
    %add3A_168 = arith.addi %mul3A_166, %add3A_167 : i32
    "tpu.region"() ({
      %run_scoped3A_273 = tpu.sem_alloc : memref<!tpu.dma_semaphore, #tpu.memory_space<semaphore_mem>>
      %dma_start3A_274 = arith.constant 0 : i32
      %dma_start3A_275 = tpu.memref_slice %arg7[%add3A_168, %dma_start3A_274] : memref<10240x128xf32, #tpu.memory_space<vmem_shared>> -> memref<80x128xf32, #tpu.memory_space<vmem_shared>>
      %dma_start3A_276 = arith.constant 0 : i32
      %dma_start3A_277 = tpu.memref_slice %arg7[%add3A_168, %dma_start3A_276] : memref<10240x128xf32, #tpu.memory_space<vmem_shared>> -> memref<80x128xf32, #tpu.memory_space<vmem_shared>>
      tpu.enqueue_dma source(%dma_start3A_277 : memref<80x128xf32, #tpu.memory_space<vmem_shared>>) target(%arg10 : memref<80x128xf32, #tpu.memory_space<vmem>>) target_semaphore(%run_scoped3A_273 : memref<!tpu.dma_semaphore, #tpu.memory_space<semaphore_mem>>)
      %dma_wait3A_278 = arith.constant 0 : i32
      %dma_wait3A_279 = tpu.memref_slice %arg7[%add3A_168, %dma_wait3A_278] : memref<10240x128xf32, #tpu.memory_space<vmem_shared>> -> memref<80x128xf32, #tpu.memory_space<vmem_shared>>
      %dma_wait3A_280 = arith.constant 0 : i32
      %dma_wait3A_281 = tpu.memref_slice %arg7[%add3A_168, %dma_wait3A_280] : memref<10240x128xf32, #tpu.memory_space<vmem_shared>> -> memref<80x128xf32, #tpu.memory_space<vmem_shared>>
      tpu.wait_dma2 semaphore(%run_scoped3A_273 : memref<!tpu.dma_semaphore, #tpu.memory_space<semaphore_mem>>) src(%dma_wait3A_281 : memref<80x128xf32, #tpu.memory_space<vmem_shared>>) dst(%arg10 : memref<80x128xf32, #tpu.memory_space<vmem>>)
      tpu.yield
    }) : () -> ()
    %mul3A_169 = arith.constant 10240 : i32
    %mul3A_170 = arith.muli %arg0, %mul3A_169 : i32
    %add3A_171 = arith.addi %mul3A_170, %add3A_168 : i32
    %dma_start3A_172 = arith.constant 0 : i32
    %dma_start3A_173 = tpu.memref_slice %arg6[%add3A_171, %dma_start3A_172] : memref<20480x128xf32, #tpu.memory_space<hbm>> -> memref<80x128xf32, #tpu.memory_space<hbm>>
    %dma_start3A_174 = arith.constant 0 : i32
    %dma_start3A_175 = tpu.memref_slice %arg6[%add3A_171, %dma_start3A_174] : memref<20480x128xf32, #tpu.memory_space<hbm>> -> memref<80x128xf32, #tpu.memory_space<hbm>>
    tpu.enqueue_dma source(%arg10 : memref<80x128xf32, #tpu.memory_space<vmem>>) target(%dma_start3A_175 : memref<80x128xf32, #tpu.memory_space<hbm>>) target_semaphore(%arg14 : memref<!tpu.dma_semaphore, #tpu.memory_space<semaphore_mem>>)
    %mul3A_176 = arith.constant 10240 : i32
    %mul3A_177 = arith.muli %arg0, %mul3A_176 : i32
    %dma_wait3A_178 = arith.constant 0 : i32
    %dma_wait3A_179 = tpu.memref_slice %arg6[%mul3A_177, %dma_wait3A_178] : memref<20480x128xf32, #tpu.memory_space<hbm>> -> memref<80x128xf32, #tpu.memory_space<hbm>>
    %dma_wait3A_180 = arith.constant 0 : i32
    %dma_wait3A_181 = tpu.memref_slice %arg6[%mul3A_177, %dma_wait3A_180] : memref<20480x128xf32, #tpu.memory_space<hbm>> -> memref<80x128xf32, #tpu.memory_space<hbm>>
    tpu.wait_dma2 semaphore(%arg14 : memref<!tpu.dma_semaphore, #tpu.memory_space<semaphore_mem>>) src(%arg11 : memref<80x128xf32, #tpu.memory_space<vmem>>) dst(%dma_wait3A_181 : memref<80x128xf32, #tpu.memory_space<hbm>>)
    %mul3A_182 = arith.constant 640 : i32
    %mul3A_183 = arith.muli %arg1, %mul3A_182 : i32
    %add3A_184 = arith.constant 240 : i32
    %add3A_185 = arith.addi %mul3A_183, %add3A_184 : i32
    "tpu.region"() ({
      %run_scoped3A_273 = tpu.sem_alloc : memref<!tpu.dma_semaphore, #tpu.memory_space<semaphore_mem>>
      %dma_start3A_274 = arith.constant 0 : i32
      %dma_start3A_275 = tpu.memref_slice %arg7[%add3A_185, %dma_start3A_274] : memref<10240x128xf32, #tpu.memory_space<vmem_shared>> -> memref<80x128xf32, #tpu.memory_space<vmem_shared>>
      %dma_start3A_276 = arith.constant 0 : i32
      %dma_start3A_277 = tpu.memref_slice %arg7[%add3A_185, %dma_start3A_276] : memref<10240x128xf32, #tpu.memory_space<vmem_shared>> -> memref<80x128xf32, #tpu.memory_space<vmem_shared>>
      tpu.enqueue_dma source(%dma_start3A_277 : memref<80x128xf32, #tpu.memory_space<vmem_shared>>) target(%arg11 : memref<80x128xf32, #tpu.memory_space<vmem>>) target_semaphore(%run_scoped3A_273 : memref<!tpu.dma_semaphore, #tpu.memory_space<semaphore_mem>>)
      %dma_wait3A_278 = arith.constant 0 : i32
      %dma_wait3A_279 = tpu.memref_slice %arg7[%add3A_185, %dma_wait3A_278] : memref<10240x128xf32, #tpu.memory_space<vmem_shared>> -> memref<80x128xf32, #tpu.memory_space<vmem_shared>>
      %dma_wait3A_280 = arith.constant 0 : i32
      %dma_wait3A_281 = tpu.memref_slice %arg7[%add3A_185, %dma_wait3A_280] : memref<10240x128xf32, #tpu.memory_space<vmem_shared>> -> memref<80x128xf32, #tpu.memory_space<vmem_shared>>
      tpu.wait_dma2 semaphore(%run_scoped3A_273 : memref<!tpu.dma_semaphore, #tpu.memory_space<semaphore_mem>>) src(%dma_wait3A_281 : memref<80x128xf32, #tpu.memory_space<vmem_shared>>) dst(%arg11 : memref<80x128xf32, #tpu.memory_space<vmem>>)
      tpu.yield
    }) : () -> ()
    %mul3A_186 = arith.constant 10240 : i32
    %mul3A_187 = arith.muli %arg0, %mul3A_186 : i32
    %add3A_188 = arith.addi %mul3A_187, %add3A_185 : i32
    %dma_start3A_189 = arith.constant 0 : i32
    %dma_start3A_190 = tpu.memref_slice %arg6[%add3A_188, %dma_start3A_189] : memref<20480x128xf32, #tpu.memory_space<hbm>> -> memref<80x128xf32, #tpu.memory_space<hbm>>
    %dma_start3A_191 = arith.constant 0 : i32
    %dma_start3A_192 = tpu.memref_slice %arg6[%add3A_188, %dma_start3A_191] : memref<20480x128xf32, #tpu.memory_space<hbm>> -> memref<80x128xf32, #tpu.memory_space<hbm>>
    tpu.enqueue_dma source(%arg11 : memref<80x128xf32, #tpu.memory_space<vmem>>) target(%dma_start3A_192 : memref<80x128xf32, #tpu.memory_space<hbm>>) target_semaphore(%arg14 : memref<!tpu.dma_semaphore, #tpu.memory_space<semaphore_mem>>)
    %mul3A_193 = arith.constant 10240 : i32
    %mul3A_194 = arith.muli %arg0, %mul3A_193 : i32
    %dma_wait3A_195 = arith.constant 0 : i32
    %dma_wait3A_196 = tpu.memref_slice %arg6[%mul3A_194, %dma_wait3A_195] : memref<20480x128xf32, #tpu.memory_space<hbm>> -> memref<80x128xf32, #tpu.memory_space<hbm>>
    %dma_wait3A_197 = arith.constant 0 : i32
    %dma_wait3A_198 = tpu.memref_slice %arg6[%mul3A_194, %dma_wait3A_197] : memref<20480x128xf32, #tpu.memory_space<hbm>> -> memref<80x128xf32, #tpu.memory_space<hbm>>
    tpu.wait_dma2 semaphore(%arg14 : memref<!tpu.dma_semaphore, #tpu.memory_space<semaphore_mem>>) src(%arg10 : memref<80x128xf32, #tpu.memory_space<vmem>>) dst(%dma_wait3A_198 : memref<80x128xf32, #tpu.memory_space<hbm>>)
    %mul3A_199 = arith.constant 640 : i32
    %mul3A_200 = arith.muli %arg1, %mul3A_199 : i32
    %add3A_201 = arith.constant 320 : i32
    %add3A_202 = arith.addi %mul3A_200, %add3A_201 : i32
    "tpu.region"() ({
      %run_scoped3A_273 = tpu.sem_alloc : memref<!tpu.dma_semaphore, #tpu.memory_space<semaphore_mem>>
      %dma_start3A_274 = arith.constant 0 : i32
      %dma_start3A_275 = tpu.memref_slice %arg7[%add3A_202, %dma_start3A_274] : memref<10240x128xf32, #tpu.memory_space<vmem_shared>> -> memref<80x128xf32, #tpu.memory_space<vmem_shared>>
      %dma_start3A_276 = arith.constant 0 : i32
      %dma_start3A_277 = tpu.memref_slice %arg7[%add3A_202, %dma_start3A_276] : memref<10240x128xf32, #tpu.memory_space<vmem_shared>> -> memref<80x128xf32, #tpu.memory_space<vmem_shared>>
      tpu.enqueue_dma source(%dma_start3A_277 : memref<80x128xf32, #tpu.memory_space<vmem_shared>>) target(%arg10 : memref<80x128xf32, #tpu.memory_space<vmem>>) target_semaphore(%run_scoped3A_273 : memref<!tpu.dma_semaphore, #tpu.memory_space<semaphore_mem>>)
      %dma_wait3A_278 = arith.constant 0 : i32
      %dma_wait3A_279 = tpu.memref_slice %arg7[%add3A_202, %dma_wait3A_278] : memref<10240x128xf32, #tpu.memory_space<vmem_shared>> -> memref<80x128xf32, #tpu.memory_space<vmem_shared>>
      %dma_wait3A_280 = arith.constant 0 : i32
      %dma_wait3A_281 = tpu.memref_slice %arg7[%add3A_202, %dma_wait3A_280] : memref<10240x128xf32, #tpu.memory_space<vmem_shared>> -> memref<80x128xf32, #tpu.memory_space<vmem_shared>>
      tpu.wait_dma2 semaphore(%run_scoped3A_273 : memref<!tpu.dma_semaphore, #tpu.memory_space<semaphore_mem>>) src(%dma_wait3A_281 : memref<80x128xf32, #tpu.memory_space<vmem_shared>>) dst(%arg10 : memref<80x128xf32, #tpu.memory_space<vmem>>)
      tpu.yield
    }) : () -> ()
    %mul3A_203 = arith.constant 10240 : i32
    %mul3A_204 = arith.muli %arg0, %mul3A_203 : i32
    %add3A_205 = arith.addi %mul3A_204, %add3A_202 : i32
    %dma_start3A_206 = arith.constant 0 : i32
    %dma_start3A_207 = tpu.memref_slice %arg6[%add3A_205, %dma_start3A_206] : memref<20480x128xf32, #tpu.memory_space<hbm>> -> memref<80x128xf32, #tpu.memory_space<hbm>>
    %dma_start3A_208 = arith.constant 0 : i32
    %dma_start3A_209 = tpu.memref_slice %arg6[%add3A_205, %dma_start3A_208] : memref<20480x128xf32, #tpu.memory_space<hbm>> -> memref<80x128xf32, #tpu.memory_space<hbm>>
    tpu.enqueue_dma source(%arg10 : memref<80x128xf32, #tpu.memory_space<vmem>>) target(%dma_start3A_209 : memref<80x128xf32, #tpu.memory_space<hbm>>) target_semaphore(%arg14 : memref<!tpu.dma_semaphore, #tpu.memory_space<semaphore_mem>>)
    %mul3A_210 = arith.constant 10240 : i32
    %mul3A_211 = arith.muli %arg0, %mul3A_210 : i32
    %dma_wait3A_212 = arith.constant 0 : i32
    %dma_wait3A_213 = tpu.memref_slice %arg6[%mul3A_211, %dma_wait3A_212] : memref<20480x128xf32, #tpu.memory_space<hbm>> -> memref<80x128xf32, #tpu.memory_space<hbm>>
    %dma_wait3A_214 = arith.constant 0 : i32
    %dma_wait3A_215 = tpu.memref_slice %arg6[%mul3A_211, %dma_wait3A_214] : memref<20480x128xf32, #tpu.memory_space<hbm>> -> memref<80x128xf32, #tpu.memory_space<hbm>>
    tpu.wait_dma2 semaphore(%arg14 : memref<!tpu.dma_semaphore, #tpu.memory_space<semaphore_mem>>) src(%arg11 : memref<80x128xf32, #tpu.memory_space<vmem>>) dst(%dma_wait3A_215 : memref<80x128xf32, #tpu.memory_space<hbm>>)
    %mul3A_216 = arith.constant 640 : i32
    %mul3A_217 = arith.muli %arg1, %mul3A_216 : i32
    %add3A_218 = arith.constant 400 : i32
    %add3A_219 = arith.addi %mul3A_217, %add3A_218 : i32
    "tpu.region"() ({
      %run_scoped3A_273 = tpu.sem_alloc : memref<!tpu.dma_semaphore, #tpu.memory_space<semaphore_mem>>
      %dma_start3A_274 = arith.constant 0 : i32
      %dma_start3A_275 = tpu.memref_slice %arg7[%add3A_219, %dma_start3A_274] : memref<10240x128xf32, #tpu.memory_space<vmem_shared>> -> memref<80x128xf32, #tpu.memory_space<vmem_shared>>
      %dma_start3A_276 = arith.constant 0 : i32
      %dma_start3A_277 = tpu.memref_slice %arg7[%add3A_219, %dma_start3A_276] : memref<10240x128xf32, #tpu.memory_space<vmem_shared>> -> memref<80x128xf32, #tpu.memory_space<vmem_shared>>
      tpu.enqueue_dma source(%dma_start3A_277 : memref<80x128xf32, #tpu.memory_space<vmem_shared>>) target(%arg11 : memref<80x128xf32, #tpu.memory_space<vmem>>) target_semaphore(%run_scoped3A_273 : memref<!tpu.dma_semaphore, #tpu.memory_space<semaphore_mem>>)
      %dma_wait3A_278 = arith.constant 0 : i32
      %dma_wait3A_279 = tpu.memref_slice %arg7[%add3A_219, %dma_wait3A_278] : memref<10240x128xf32, #tpu.memory_space<vmem_shared>> -> memref<80x128xf32, #tpu.memory_space<vmem_shared>>
      %dma_wait3A_280 = arith.constant 0 : i32
      %dma_wait3A_281 = tpu.memref_slice %arg7[%add3A_219, %dma_wait3A_280] : memref<10240x128xf32, #tpu.memory_space<vmem_shared>> -> memref<80x128xf32, #tpu.memory_space<vmem_shared>>
      tpu.wait_dma2 semaphore(%run_scoped3A_273 : memref<!tpu.dma_semaphore, #tpu.memory_space<semaphore_mem>>) src(%dma_wait3A_281 : memref<80x128xf32, #tpu.memory_space<vmem_shared>>) dst(%arg11 : memref<80x128xf32, #tpu.memory_space<vmem>>)
      tpu.yield
    }) : () -> ()
    %mul3A_220 = arith.constant 10240 : i32
    %mul3A_221 = arith.muli %arg0, %mul3A_220 : i32
    %add3A_222 = arith.addi %mul3A_221, %add3A_219 : i32
    %dma_start3A_223 = arith.constant 0 : i32
    %dma_start3A_224 = tpu.memref_slice %arg6[%add3A_222, %dma_start3A_223] : memref<20480x128xf32, #tpu.memory_space<hbm>> -> memref<80x128xf32, #tpu.memory_space<hbm>>
    %dma_start3A_225 = arith.constant 0 : i32
    %dma_start3A_226 = tpu.memref_slice %arg6[%add3A_222, %dma_start3A_225] : memref<20480x128xf32, #tpu.memory_space<hbm>> -> memref<80x128xf32, #tpu.memory_space<hbm>>
    tpu.enqueue_dma source(%arg11 : memref<80x128xf32, #tpu.memory_space<vmem>>) target(%dma_start3A_226 : memref<80x128xf32, #tpu.memory_space<hbm>>) target_semaphore(%arg14 : memref<!tpu.dma_semaphore, #tpu.memory_space<semaphore_mem>>)
    %mul3A_227 = arith.constant 10240 : i32
    %mul3A_228 = arith.muli %arg0, %mul3A_227 : i32
    %dma_wait3A_229 = arith.constant 0 : i32
    %dma_wait3A_230 = tpu.memref_slice %arg6[%mul3A_228, %dma_wait3A_229] : memref<20480x128xf32, #tpu.memory_space<hbm>> -> memref<80x128xf32, #tpu.memory_space<hbm>>
    %dma_wait3A_231 = arith.constant 0 : i32
    %dma_wait3A_232 = tpu.memref_slice %arg6[%mul3A_228, %dma_wait3A_231] : memref<20480x128xf32, #tpu.memory_space<hbm>> -> memref<80x128xf32, #tpu.memory_space<hbm>>
    tpu.wait_dma2 semaphore(%arg14 : memref<!tpu.dma_semaphore, #tpu.memory_space<semaphore_mem>>) src(%arg10 : memref<80x128xf32, #tpu.memory_space<vmem>>) dst(%dma_wait3A_232 : memref<80x128xf32, #tpu.memory_space<hbm>>)
    %mul3A_233 = arith.constant 640 : i32
    %mul3A_234 = arith.muli %arg1, %mul3A_233 : i32
    %add3A_235 = arith.constant 480 : i32
    %add3A_236 = arith.addi %mul3A_234, %add3A_235 : i32
    "tpu.region"() ({
      %run_scoped3A_273 = tpu.sem_alloc : memref<!tpu.dma_semaphore, #tpu.memory_space<semaphore_mem>>
      %dma_start3A_274 = arith.constant 0 : i32
      %dma_start3A_275 = tpu.memref_slice %arg7[%add3A_236, %dma_start3A_274] : memref<10240x128xf32, #tpu.memory_space<vmem_shared>> -> memref<80x128xf32, #tpu.memory_space<vmem_shared>>
      %dma_start3A_276 = arith.constant 0 : i32
      %dma_start3A_277 = tpu.memref_slice %arg7[%add3A_236, %dma_start3A_276] : memref<10240x128xf32, #tpu.memory_space<vmem_shared>> -> memref<80x128xf32, #tpu.memory_space<vmem_shared>>
      tpu.enqueue_dma source(%dma_start3A_277 : memref<80x128xf32, #tpu.memory_space<vmem_shared>>) target(%arg10 : memref<80x128xf32, #tpu.memory_space<vmem>>) target_semaphore(%run_scoped3A_273 : memref<!tpu.dma_semaphore, #tpu.memory_space<semaphore_mem>>)
      %dma_wait3A_278 = arith.constant 0 : i32
      %dma_wait3A_279 = tpu.memref_slice %arg7[%add3A_236, %dma_wait3A_278] : memref<10240x128xf32, #tpu.memory_space<vmem_shared>> -> memref<80x128xf32, #tpu.memory_space<vmem_shared>>
      %dma_wait3A_280 = arith.constant 0 : i32
      %dma_wait3A_281 = tpu.memref_slice %arg7[%add3A_236, %dma_wait3A_280] : memref<10240x128xf32, #tpu.memory_space<vmem_shared>> -> memref<80x128xf32, #tpu.memory_space<vmem_shared>>
      tpu.wait_dma2 semaphore(%run_scoped3A_273 : memref<!tpu.dma_semaphore, #tpu.memory_space<semaphore_mem>>) src(%dma_wait3A_281 : memref<80x128xf32, #tpu.memory_space<vmem_shared>>) dst(%arg10 : memref<80x128xf32, #tpu.memory_space<vmem>>)
      tpu.yield
    }) : () -> ()
    %mul3A_237 = arith.constant 10240 : i32
    %mul3A_238 = arith.muli %arg0, %mul3A_237 : i32
    %add3A_239 = arith.addi %mul3A_238, %add3A_236 : i32
    %dma_start3A_240 = arith.constant 0 : i32
    %dma_start3A_241 = tpu.memref_slice %arg6[%add3A_239, %dma_start3A_240] : memref<20480x128xf32, #tpu.memory_space<hbm>> -> memref<80x128xf32, #tpu.memory_space<hbm>>
    %dma_start3A_242 = arith.constant 0 : i32
    %dma_start3A_243 = tpu.memref_slice %arg6[%add3A_239, %dma_start3A_242] : memref<20480x128xf32, #tpu.memory_space<hbm>> -> memref<80x128xf32, #tpu.memory_space<hbm>>
    tpu.enqueue_dma source(%arg10 : memref<80x128xf32, #tpu.memory_space<vmem>>) target(%dma_start3A_243 : memref<80x128xf32, #tpu.memory_space<hbm>>) target_semaphore(%arg14 : memref<!tpu.dma_semaphore, #tpu.memory_space<semaphore_mem>>)
    %mul3A_244 = arith.constant 10240 : i32
    %mul3A_245 = arith.muli %arg0, %mul3A_244 : i32
    %dma_wait3A_246 = arith.constant 0 : i32
    %dma_wait3A_247 = tpu.memref_slice %arg6[%mul3A_245, %dma_wait3A_246] : memref<20480x128xf32, #tpu.memory_space<hbm>> -> memref<80x128xf32, #tpu.memory_space<hbm>>
    %dma_wait3A_248 = arith.constant 0 : i32
    %dma_wait3A_249 = tpu.memref_slice %arg6[%mul3A_245, %dma_wait3A_248] : memref<20480x128xf32, #tpu.memory_space<hbm>> -> memref<80x128xf32, #tpu.memory_space<hbm>>
    tpu.wait_dma2 semaphore(%arg14 : memref<!tpu.dma_semaphore, #tpu.memory_space<semaphore_mem>>) src(%arg11 : memref<80x128xf32, #tpu.memory_space<vmem>>) dst(%dma_wait3A_249 : memref<80x128xf32, #tpu.memory_space<hbm>>)
    %mul3A_250 = arith.constant 640 : i32
    %mul3A_251 = arith.muli %arg1, %mul3A_250 : i32
    %add3A_252 = arith.constant 560 : i32
    %add3A_253 = arith.addi %mul3A_251, %add3A_252 : i32
    "tpu.region"() ({
      %run_scoped3A_273 = tpu.sem_alloc : memref<!tpu.dma_semaphore, #tpu.memory_space<semaphore_mem>>
      %dma_start3A_274 = arith.constant 0 : i32
      %dma_start3A_275 = tpu.memref_slice %arg7[%add3A_253, %dma_start3A_274] : memref<10240x128xf32, #tpu.memory_space<vmem_shared>> -> memref<80x128xf32, #tpu.memory_space<vmem_shared>>
      %dma_start3A_276 = arith.constant 0 : i32
      %dma_start3A_277 = tpu.memref_slice %arg7[%add3A_253, %dma_start3A_276] : memref<10240x128xf32, #tpu.memory_space<vmem_shared>> -> memref<80x128xf32, #tpu.memory_space<vmem_shared>>
      tpu.enqueue_dma source(%dma_start3A_277 : memref<80x128xf32, #tpu.memory_space<vmem_shared>>) target(%arg11 : memref<80x128xf32, #tpu.memory_space<vmem>>) target_semaphore(%run_scoped3A_273 : memref<!tpu.dma_semaphore, #tpu.memory_space<semaphore_mem>>)
      %dma_wait3A_278 = arith.constant 0 : i32
      %dma_wait3A_279 = tpu.memref_slice %arg7[%add3A_253, %dma_wait3A_278] : memref<10240x128xf32, #tpu.memory_space<vmem_shared>> -> memref<80x128xf32, #tpu.memory_space<vmem_shared>>
      %dma_wait3A_280 = arith.constant 0 : i32
      %dma_wait3A_281 = tpu.memref_slice %arg7[%add3A_253, %dma_wait3A_280] : memref<10240x128xf32, #tpu.memory_space<vmem_shared>> -> memref<80x128xf32, #tpu.memory_space<vmem_shared>>
      tpu.wait_dma2 semaphore(%run_scoped3A_273 : memref<!tpu.dma_semaphore, #tpu.memory_space<semaphore_mem>>) src(%dma_wait3A_281 : memref<80x128xf32, #tpu.memory_space<vmem_shared>>) dst(%arg11 : memref<80x128xf32, #tpu.memory_space<vmem>>)
      tpu.yield
    }) : () -> ()
    %mul3A_254 = arith.constant 10240 : i32
    %mul3A_255 = arith.muli %arg0, %mul3A_254 : i32
    %add3A_256 = arith.addi %mul3A_255, %add3A_253 : i32
    %dma_start3A_257 = arith.constant 0 : i32
    %dma_start3A_258 = tpu.memref_slice %arg6[%add3A_256, %dma_start3A_257] : memref<20480x128xf32, #tpu.memory_space<hbm>> -> memref<80x128xf32, #tpu.memory_space<hbm>>
    %dma_start3A_259 = arith.constant 0 : i32
    %dma_start3A_260 = tpu.memref_slice %arg6[%add3A_256, %dma_start3A_259] : memref<20480x128xf32, #tpu.memory_space<hbm>> -> memref<80x128xf32, #tpu.memory_space<hbm>>
    tpu.enqueue_dma source(%arg11 : memref<80x128xf32, #tpu.memory_space<vmem>>) target(%dma_start3A_260 : memref<80x128xf32, #tpu.memory_space<hbm>>) target_semaphore(%arg14 : memref<!tpu.dma_semaphore, #tpu.memory_space<semaphore_mem>>)
    %mul3A_261 = arith.constant 10240 : i32
    %mul3A_262 = arith.muli %arg0, %mul3A_261 : i32
    %dma_wait3A_263 = arith.constant 0 : i32
    %dma_wait3A_264 = tpu.memref_slice %arg6[%mul3A_262, %dma_wait3A_263] : memref<20480x128xf32, #tpu.memory_space<hbm>> -> memref<80x128xf32, #tpu.memory_space<hbm>>
    %dma_wait3A_265 = arith.constant 0 : i32
    %dma_wait3A_266 = tpu.memref_slice %arg6[%mul3A_262, %dma_wait3A_265] : memref<20480x128xf32, #tpu.memory_space<hbm>> -> memref<80x128xf32, #tpu.memory_space<hbm>>
    tpu.wait_dma2 semaphore(%arg14 : memref<!tpu.dma_semaphore, #tpu.memory_space<semaphore_mem>>) src(%arg10 : memref<80x128xf32, #tpu.memory_space<vmem>>) dst(%dma_wait3A_266 : memref<80x128xf32, #tpu.memory_space<hbm>>)
    %mul3A_267 = arith.constant 10240 : i32
    %mul3A_268 = arith.muli %arg0, %mul3A_267 : i32
    %dma_wait3A_269 = arith.constant 0 : i32
    %dma_wait3A_270 = tpu.memref_slice %arg6[%mul3A_268, %dma_wait3A_269] : memref<20480x128xf32, #tpu.memory_space<hbm>> -> memref<80x128xf32, #tpu.memory_space<hbm>>
    %dma_wait3A_271 = arith.constant 0 : i32
    %dma_wait3A_272 = tpu.memref_slice %arg6[%mul3A_268, %dma_wait3A_271] : memref<20480x128xf32, #tpu.memory_space<hbm>> -> memref<80x128xf32, #tpu.memory_space<hbm>>
    tpu.wait_dma2 semaphore(%arg14 : memref<!tpu.dma_semaphore, #tpu.memory_space<semaphore_mem>>) src(%arg10 : memref<80x128xf32, #tpu.memory_space<vmem>>) dst(%dma_wait3A_272 : memref<80x128xf32, #tpu.memory_space<hbm>>)
    return
  }
}

#map = affine_map<(d0, d1) -> (0, 0)>
#map1 = affine_map<(d0, d1) -> (0, 0, 0)>
module attributes {stable_mosaic.version = 14 : i64} {
  func.func @k(%arg0: i32, %arg1: i32, %arg2: memref<10000x128xf32, #tpu.memory_space<hbm>>, %arg3: memref<32x10000xi32, #tpu.memory_space<hbm>>, %arg4: memref<32x125x80xi32, #tpu.memory_space<hbm>>, %arg5: memref<80x128xf32, #tpu.memory_space<hbm>>, %arg6: memref<20480x128xf32, #tpu.memory_space<hbm>>, %arg7: memref<10240x128xf32, #tpu.memory_space<vmem_shared>>, %arg8: memref<10000xi32, #tpu.memory_space<vmem>>, %arg9: memref<125x80xi32, #tpu.memory_space<vmem>>, %arg10: memref<80x128xf32, #tpu.memory_space<vmem>>, %arg11: memref<80x128xf32, #tpu.memory_space<vmem>>, %arg12: memref<!tpu.dma_semaphore, #tpu.memory_space<semaphore_mem>>, %arg13: memref<!tpu.dma_semaphore, #tpu.memory_space<semaphore_mem>>, %arg14: memref<!tpu.dma_semaphore, #tpu.memory_space<semaphore_mem>>) attributes {dimension_semantics = [#tpu.dimension_semantics<core_parallel>, #tpu.dimension_semantics<subcore_parallel>], iteration_bounds = array<i64: 2, 16>, scalar_prefetch = 0 : i64, scratch_operands = 8 : i64, tpu.core_type = #tpu.core_type<sc_vector_subcore>, window_params = [{transform_indices = #map}, {transform_indices = #map}, {transform_indices = #map1}, {transform_indices = #map}, {transform_indices = #map}]} {
    %mul3A = arith.constant 2 : i32
    %mul3A_0 = arith.muli %arg1, %mul3A : i32
    %add3A = arith.addi %mul3A_0, %arg0 : i32
    "tpu.region"() ({
      %run_scoped3A_273 = tpu.sem_alloc : memref<!tpu.dma_semaphore, #tpu.memory_space<semaphore_mem>>
      tpu.enqueue_dma source(%arg5 : memref<80x128xf32, #tpu.memory_space<hbm>>) target(%arg10 : memref<80x128xf32, #tpu.memory_space<vmem>>) target_semaphore(%run_scoped3A_273 : memref<!tpu.dma_semaphore, #tpu.memory_space<semaphore_mem>>)
      tpu.wait_dma2 semaphore(%run_scoped3A_273 : memref<!tpu.dma_semaphore, #tpu.memory_space<semaphore_mem>>) src(%arg5 : memref<80x128xf32, #tpu.memory_space<hbm>>) dst(%arg10 : memref<80x128xf32, #tpu.memory_space<vmem>>)
      tpu.yield
    }) : () -> ()
    %mul3A_1 = arith.constant 640 : i32
    %mul3A_2 = arith.muli %arg1, %mul3A_1 : i32
    %add3A_3 = arith.constant 0 : i32
    %add3A_4 = arith.addi %mul3A_2, %add3A_3 : i32
    %dma_start3A = arith.constant 0 : i32
    %dma_start3A_5 = tpu.memref_slice %arg7[%add3A_4, %dma_start3A] : memref<10240x128xf32, #tpu.memory_space<vmem_shared>> -> memref<80x128xf32, #tpu.memory_space<vmem_shared>>
    %dma_start3A_6 = arith.constant 0 : i32
    %dma_start3A_7 = tpu.memref_slice %arg7[%add3A_4, %dma_start3A_6] : memref<10240x128xf32, #tpu.memory_space<vmem_shared>> -> memref<80x128xf32, #tpu.memory_space<vmem_shared>>
    tpu.enqueue_dma source(%arg10 : memref<80x128xf32, #tpu.memory_space<vmem>>) target(%dma_start3A_7 : memref<80x128xf32, #tpu.memory_space<vmem_shared>>) target_semaphore(%arg14 : memref<!tpu.dma_semaphore, #tpu.memory_space<semaphore_mem>>)
    %mul3A_8 = arith.constant 640 : i32
    %mul3A_9 = arith.muli %arg1, %mul3A_8 : i32
    %add3A_10 = arith.constant 80 : i32
    %add3A_11 = arith.addi %mul3A_9, %add3A_10 : i32
    %dma_start3A_12 = arith.constant 0 : i32
    %dma_start3A_13 = tpu.memref_slice %arg7[%add3A_11, %dma_start3A_12] : memref<10240x128xf32, #tpu.memory_space<vmem_shared>> -> memref<80x128xf32, #tpu.memory_space<vmem_shared>>
    %dma_start3A_14 = arith.constant 0 : i32
    %dma_start3A_15 = tpu.memref_slice %arg7[%add3A_11, %dma_start3A_14] : memref<10240x128xf32, #tpu.memory_space<vmem_shared>> -> memref<80x128xf32, #tpu.memory_space<vmem_shared>>
    tpu.enqueue_dma source(%arg10 : memref<80x128xf32, #tpu.memory_space<vmem>>) target(%dma_start3A_15 : memref<80x128xf32, #tpu.memory_space<vmem_shared>>) target_semaphore(%arg14 : memref<!tpu.dma_semaphore, #tpu.memory_space<semaphore_mem>>)
    %mul3A_16 = arith.constant 640 : i32
    %mul3A_17 = arith.muli %arg1, %mul3A_16 : i32
    %add3A_18 = arith.constant 160 : i32
    %add3A_19 = arith.addi %mul3A_17, %add3A_18 : i32
    %dma_start3A_20 = arith.constant 0 : i32
    %dma_start3A_21 = tpu.memref_slice %arg7[%add3A_19, %dma_start3A_20] : memref<10240x128xf32, #tpu.memory_space<vmem_shared>> -> memref<80x128xf32, #tpu.memory_space<vmem_shared>>
    %dma_start3A_22 = arith.constant 0 : i32
    %dma_start3A_23 = tpu.memref_slice %arg7[%add3A_19, %dma_start3A_22] : memref<10240x128xf32, #tpu.memory_space<vmem_shared>> -> memref<80x128xf32, #tpu.memory_space<vmem_shared>>
    tpu.enqueue_dma source(%arg10 : memref<80x128xf32, #tpu.memory_space<vmem>>) target(%dma_start3A_23 : memref<80x128xf32, #tpu.memory_space<vmem_shared>>) target_semaphore(%arg14 : memref<!tpu.dma_semaphore, #tpu.memory_space<semaphore_mem>>)
    %mul3A_24 = arith.constant 640 : i32
    %mul3A_25 = arith.muli %arg1, %mul3A_24 : i32
    %add3A_26 = arith.constant 240 : i32
    %add3A_27 = arith.addi %mul3A_25, %add3A_26 : i32
    %dma_start3A_28 = arith.constant 0 : i32
    %dma_start3A_29 = tpu.memref_slice %arg7[%add3A_27, %dma_start3A_28] : memref<10240x128xf32, #tpu.memory_space<vmem_shared>> -> memref<80x128xf32, #tpu.memory_space<vmem_shared>>
    %dma_start3A_30 = arith.constant 0 : i32
    %dma_start3A_31 = tpu.memref_slice %arg7[%add3A_27, %dma_start3A_30] : memref<10240x128xf32, #tpu.memory_space<vmem_shared>> -> memref<80x128xf32, #tpu.memory_space<vmem_shared>>
    tpu.enqueue_dma source(%arg10 : memref<80x128xf32, #tpu.memory_space<vmem>>) target(%dma_start3A_31 : memref<80x128xf32, #tpu.memory_space<vmem_shared>>) target_semaphore(%arg14 : memref<!tpu.dma_semaphore, #tpu.memory_space<semaphore_mem>>)
    %mul3A_32 = arith.constant 640 : i32
    %mul3A_33 = arith.muli %arg1, %mul3A_32 : i32
    %add3A_34 = arith.constant 320 : i32
    %add3A_35 = arith.addi %mul3A_33, %add3A_34 : i32
    %dma_start3A_36 = arith.constant 0 : i32
    %dma_start3A_37 = tpu.memref_slice %arg7[%add3A_35, %dma_start3A_36] : memref<10240x128xf32, #tpu.memory_space<vmem_shared>> -> memref<80x128xf32, #tpu.memory_space<vmem_shared>>
    %dma_start3A_38 = arith.constant 0 : i32
    %dma_start3A_39 = tpu.memref_slice %arg7[%add3A_35, %dma_start3A_38] : memref<10240x128xf32, #tpu.memory_space<vmem_shared>> -> memref<80x128xf32, #tpu.memory_space<vmem_shared>>
    tpu.enqueue_dma source(%arg10 : memref<80x128xf32, #tpu.memory_space<vmem>>) target(%dma_start3A_39 : memref<80x128xf32, #tpu.memory_space<vmem_shared>>) target_semaphore(%arg14 : memref<!tpu.dma_semaphore, #tpu.memory_space<semaphore_mem>>)
    %mul3A_40 = arith.constant 640 : i32
    %mul3A_41 = arith.muli %arg1, %mul3A_40 : i32
    %add3A_42 = arith.constant 400 : i32
    %add3A_43 = arith.addi %mul3A_41, %add3A_42 : i32
    %dma_start3A_44 = arith.constant 0 : i32
    %dma_start3A_45 = tpu.memref_slice %arg7[%add3A_43, %dma_start3A_44] : memref<10240x128xf32, #tpu.memory_space<vmem_shared>> -> memref<80x128xf32, #tpu.memory_space<vmem_shared>>
    %dma_start3A_46 = arith.constant 0 : i32
    %dma_start3A_47 = tpu.memref_slice %arg7[%add3A_43, %dma_start3A_46] : memref<10240x128xf32, #tpu.memory_space<vmem_shared>> -> memref<80x128xf32, #tpu.memory_space<vmem_shared>>
    tpu.enqueue_dma source(%arg10 : memref<80x128xf32, #tpu.memory_space<vmem>>) target(%dma_start3A_47 : memref<80x128xf32, #tpu.memory_space<vmem_shared>>) target_semaphore(%arg14 : memref<!tpu.dma_semaphore, #tpu.memory_space<semaphore_mem>>)
    %mul3A_48 = arith.constant 640 : i32
    %mul3A_49 = arith.muli %arg1, %mul3A_48 : i32
    %add3A_50 = arith.constant 480 : i32
    %add3A_51 = arith.addi %mul3A_49, %add3A_50 : i32
    %dma_start3A_52 = arith.constant 0 : i32
    %dma_start3A_53 = tpu.memref_slice %arg7[%add3A_51, %dma_start3A_52] : memref<10240x128xf32, #tpu.memory_space<vmem_shared>> -> memref<80x128xf32, #tpu.memory_space<vmem_shared>>
    %dma_start3A_54 = arith.constant 0 : i32
    %dma_start3A_55 = tpu.memref_slice %arg7[%add3A_51, %dma_start3A_54] : memref<10240x128xf32, #tpu.memory_space<vmem_shared>> -> memref<80x128xf32, #tpu.memory_space<vmem_shared>>
    tpu.enqueue_dma source(%arg10 : memref<80x128xf32, #tpu.memory_space<vmem>>) target(%dma_start3A_55 : memref<80x128xf32, #tpu.memory_space<vmem_shared>>) target_semaphore(%arg14 : memref<!tpu.dma_semaphore, #tpu.memory_space<semaphore_mem>>)
    %mul3A_56 = arith.constant 640 : i32
    %mul3A_57 = arith.muli %arg1, %mul3A_56 : i32
    %add3A_58 = arith.constant 560 : i32
    %add3A_59 = arith.addi %mul3A_57, %add3A_58 : i32
    %dma_start3A_60 = arith.constant 0 : i32
    %dma_start3A_61 = tpu.memref_slice %arg7[%add3A_59, %dma_start3A_60] : memref<10240x128xf32, #tpu.memory_space<vmem_shared>> -> memref<80x128xf32, #tpu.memory_space<vmem_shared>>
    %dma_start3A_62 = arith.constant 0 : i32
    %dma_start3A_63 = tpu.memref_slice %arg7[%add3A_59, %dma_start3A_62] : memref<10240x128xf32, #tpu.memory_space<vmem_shared>> -> memref<80x128xf32, #tpu.memory_space<vmem_shared>>
    tpu.enqueue_dma source(%arg10 : memref<80x128xf32, #tpu.memory_space<vmem>>) target(%dma_start3A_63 : memref<80x128xf32, #tpu.memory_space<vmem_shared>>) target_semaphore(%arg14 : memref<!tpu.dma_semaphore, #tpu.memory_space<semaphore_mem>>)
    "tpu.region"() ({
      %run_scoped3A_273 = tpu.sem_alloc : memref<!tpu.dma_semaphore, #tpu.memory_space<semaphore_mem>>
      %dma_start3A_274 = arith.constant 0 : i32
      %dma_start3A_275 = tpu.memref_slice %arg3[%add3A, %dma_start3A_274] : memref<32x10000xi32, #tpu.memory_space<hbm>> -> memref<1x10000xi32, #tpu.memory_space<hbm>>
      %dma_start3A_276 = tpu.memref_squeeze %dma_start3A_275 : memref<1x10000xi32, #tpu.memory_space<hbm>> -> memref<10000xi32, #tpu.memory_space<hbm>>
      %dma_start3A_277 = arith.constant 0 : i32
      %dma_start3A_278 = tpu.memref_slice %arg3[%add3A, %dma_start3A_277] : memref<32x10000xi32, #tpu.memory_space<hbm>> -> memref<1x10000xi32, #tpu.memory_space<hbm>>
      %dma_start3A_279 = tpu.memref_squeeze %dma_start3A_278 : memref<1x10000xi32, #tpu.memory_space<hbm>> -> memref<10000xi32, #tpu.memory_space<hbm>>
      tpu.enqueue_dma source(%dma_start3A_279 : memref<10000xi32, #tpu.memory_space<hbm>>) target(%arg8 : memref<10000xi32, #tpu.memory_space<vmem>>) target_semaphore(%run_scoped3A_273 : memref<!tpu.dma_semaphore, #tpu.memory_space<semaphore_mem>>)
      %dma_wait3A_280 = arith.constant 0 : i32
      %dma_wait3A_281 = tpu.memref_slice %arg3[%add3A, %dma_wait3A_280] : memref<32x10000xi32, #tpu.memory_space<hbm>> -> memref<1x10000xi32, #tpu.memory_space<hbm>>
      %dma_wait3A_282 = tpu.memref_squeeze %dma_wait3A_281 : memref<1x10000xi32, #tpu.memory_space<hbm>> -> memref<10000xi32, #tpu.memory_space<hbm>>
      %dma_wait3A_283 = arith.constant 0 : i32
      %dma_wait3A_284 = tpu.memref_slice %arg3[%add3A, %dma_wait3A_283] : memref<32x10000xi32, #tpu.memory_space<hbm>> -> memref<1x10000xi32, #tpu.memory_space<hbm>>
      %dma_wait3A_285 = tpu.memref_squeeze %dma_wait3A_284 : memref<1x10000xi32, #tpu.memory_space<hbm>> -> memref<10000xi32, #tpu.memory_space<hbm>>
      tpu.wait_dma2 semaphore(%run_scoped3A_273 : memref<!tpu.dma_semaphore, #tpu.memory_space<semaphore_mem>>) src(%dma_wait3A_285 : memref<10000xi32, #tpu.memory_space<hbm>>) dst(%arg8 : memref<10000xi32, #tpu.memory_space<vmem>>)
      tpu.yield
    }) : () -> ()
    "tpu.region"() ({
      %run_scoped3A_273 = tpu.sem_alloc : memref<!tpu.dma_semaphore, #tpu.memory_space<semaphore_mem>>
      %dma_start3A_274 = arith.constant 0 : i32
      %dma_start3A_275 = arith.constant 0 : i32
      %dma_start3A_276 = tpu.memref_slice %arg4[%add3A, %dma_start3A_274, %dma_start3A_275] : memref<32x125x80xi32, #tpu.memory_space<hbm>> -> memref<1x125x80xi32, #tpu.memory_space<hbm>>
      %dma_start3A_277 = tpu.memref_squeeze %dma_start3A_276 : memref<1x125x80xi32, #tpu.memory_space<hbm>> -> memref<125x80xi32, #tpu.memory_space<hbm>>
      %dma_start3A_278 = arith.constant 0 : i32
      %dma_start3A_279 = arith.constant 0 : i32
      %dma_start3A_280 = tpu.memref_slice %arg4[%add3A, %dma_start3A_278, %dma_start3A_279] : memref<32x125x80xi32, #tpu.memory_space<hbm>> -> memref<1x125x80xi32, #tpu.memory_space<hbm>>
      %dma_start3A_281 = tpu.memref_squeeze %dma_start3A_280 : memref<1x125x80xi32, #tpu.memory_space<hbm>> -> memref<125x80xi32, #tpu.memory_space<hbm>>
      tpu.enqueue_dma source(%dma_start3A_281 : memref<125x80xi32, #tpu.memory_space<hbm>>) target(%arg9 : memref<125x80xi32, #tpu.memory_space<vmem>>) target_semaphore(%run_scoped3A_273 : memref<!tpu.dma_semaphore, #tpu.memory_space<semaphore_mem>>)
      %dma_wait3A_282 = arith.constant 0 : i32
      %dma_wait3A_283 = arith.constant 0 : i32
      %dma_wait3A_284 = tpu.memref_slice %arg4[%add3A, %dma_wait3A_282, %dma_wait3A_283] : memref<32x125x80xi32, #tpu.memory_space<hbm>> -> memref<1x125x80xi32, #tpu.memory_space<hbm>>
      %dma_wait3A_285 = tpu.memref_squeeze %dma_wait3A_284 : memref<1x125x80xi32, #tpu.memory_space<hbm>> -> memref<125x80xi32, #tpu.memory_space<hbm>>
      %dma_wait3A_286 = arith.constant 0 : i32
      %dma_wait3A_287 = arith.constant 0 : i32
      %dma_wait3A_288 = tpu.memref_slice %arg4[%add3A, %dma_wait3A_286, %dma_wait3A_287] : memref<32x125x80xi32, #tpu.memory_space<hbm>> -> memref<1x125x80xi32, #tpu.memory_space<hbm>>
      %dma_wait3A_289 = tpu.memref_squeeze %dma_wait3A_288 : memref<1x125x80xi32, #tpu.memory_space<hbm>> -> memref<125x80xi32, #tpu.memory_space<hbm>>
      tpu.wait_dma2 semaphore(%run_scoped3A_273 : memref<!tpu.dma_semaphore, #tpu.memory_space<semaphore_mem>>) src(%dma_wait3A_289 : memref<125x80xi32, #tpu.memory_space<hbm>>) dst(%arg9 : memref<125x80xi32, #tpu.memory_space<vmem>>)
      tpu.yield
    }) : () -> ()
    %mul3A_64 = arith.constant 640 : i32
    %mul3A_65 = arith.muli %arg1, %mul3A_64 : i32
    %dma_wait3A = arith.constant 0 : i32
    %dma_wait3A_66 = tpu.memref_slice %arg7[%mul3A_65, %dma_wait3A] : memref<10240x128xf32, #tpu.memory_space<vmem_shared>> -> memref<80x128xf32, #tpu.memory_space<vmem_shared>>
    %dma_wait3A_67 = arith.constant 0 : i32
    %dma_wait3A_68 = tpu.memref_slice %arg7[%mul3A_65, %dma_wait3A_67] : memref<10240x128xf32, #tpu.memory_space<vmem_shared>> -> memref<80x128xf32, #tpu.memory_space<vmem_shared>>
    tpu.wait_dma2 semaphore(%arg14 : memref<!tpu.dma_semaphore, #tpu.memory_space<semaphore_mem>>) src(%arg10 : memref<80x128xf32, #tpu.memory_space<vmem>>) dst(%dma_wait3A_68 : memref<80x128xf32, #tpu.memory_space<vmem_shared>>)
    %mul3A_69 = arith.constant 640 : i32
    %mul3A_70 = arith.muli %arg1, %mul3A_69 : i32
    %dma_wait3A_71 = arith.constant 0 : i32
    %dma_wait3A_72 = tpu.memref_slice %arg7[%mul3A_70, %dma_wait3A_71] : memref<10240x128xf32, #tpu.memory_space<vmem_shared>> -> memref<80x128xf32, #tpu.memory_space<vmem_shared>>
    %dma_wait3A_73 = arith.constant 0 : i32
    %dma_wait3A_74 = tpu.memref_slice %arg7[%mul3A_70, %dma_wait3A_73] : memref<10240x128xf32, #tpu.memory_space<vmem_shared>> -> memref<80x128xf32, #tpu.memory_space<vmem_shared>>
    tpu.wait_dma2 semaphore(%arg14 : memref<!tpu.dma_semaphore, #tpu.memory_space<semaphore_mem>>) src(%arg10 : memref<80x128xf32, #tpu.memory_space<vmem>>) dst(%dma_wait3A_74 : memref<80x128xf32, #tpu.memory_space<vmem_shared>>)
    %mul3A_75 = arith.constant 640 : i32
    %mul3A_76 = arith.muli %arg1, %mul3A_75 : i32
    %dma_wait3A_77 = arith.constant 0 : i32
    %dma_wait3A_78 = tpu.memref_slice %arg7[%mul3A_76, %dma_wait3A_77] : memref<10240x128xf32, #tpu.memory_space<vmem_shared>> -> memref<80x128xf32, #tpu.memory_space<vmem_shared>>
    %dma_wait3A_79 = arith.constant 0 : i32
    %dma_wait3A_80 = tpu.memref_slice %arg7[%mul3A_76, %dma_wait3A_79] : memref<10240x128xf32, #tpu.memory_space<vmem_shared>> -> memref<80x128xf32, #tpu.memory_space<vmem_shared>>
    tpu.wait_dma2 semaphore(%arg14 : memref<!tpu.dma_semaphore, #tpu.memory_space<semaphore_mem>>) src(%arg10 : memref<80x128xf32, #tpu.memory_space<vmem>>) dst(%dma_wait3A_80 : memref<80x128xf32, #tpu.memory_space<vmem_shared>>)
    %mul3A_81 = arith.constant 640 : i32
    %mul3A_82 = arith.muli %arg1, %mul3A_81 : i32
    %dma_wait3A_83 = arith.constant 0 : i32
    %dma_wait3A_84 = tpu.memref_slice %arg7[%mul3A_82, %dma_wait3A_83] : memref<10240x128xf32, #tpu.memory_space<vmem_shared>> -> memref<80x128xf32, #tpu.memory_space<vmem_shared>>
    %dma_wait3A_85 = arith.constant 0 : i32
    %dma_wait3A_86 = tpu.memref_slice %arg7[%mul3A_82, %dma_wait3A_85] : memref<10240x128xf32, #tpu.memory_space<vmem_shared>> -> memref<80x128xf32, #tpu.memory_space<vmem_shared>>
    tpu.wait_dma2 semaphore(%arg14 : memref<!tpu.dma_semaphore, #tpu.memory_space<semaphore_mem>>) src(%arg10 : memref<80x128xf32, #tpu.memory_space<vmem>>) dst(%dma_wait3A_86 : memref<80x128xf32, #tpu.memory_space<vmem_shared>>)
    %mul3A_87 = arith.constant 640 : i32
    %mul3A_88 = arith.muli %arg1, %mul3A_87 : i32
    %dma_wait3A_89 = arith.constant 0 : i32
    %dma_wait3A_90 = tpu.memref_slice %arg7[%mul3A_88, %dma_wait3A_89] : memref<10240x128xf32, #tpu.memory_space<vmem_shared>> -> memref<80x128xf32, #tpu.memory_space<vmem_shared>>
    %dma_wait3A_91 = arith.constant 0 : i32
    %dma_wait3A_92 = tpu.memref_slice %arg7[%mul3A_88, %dma_wait3A_91] : memref<10240x128xf32, #tpu.memory_space<vmem_shared>> -> memref<80x128xf32, #tpu.memory_space<vmem_shared>>
    tpu.wait_dma2 semaphore(%arg14 : memref<!tpu.dma_semaphore, #tpu.memory_space<semaphore_mem>>) src(%arg10 : memref<80x128xf32, #tpu.memory_space<vmem>>) dst(%dma_wait3A_92 : memref<80x128xf32, #tpu.memory_space<vmem_shared>>)
    %mul3A_93 = arith.constant 640 : i32
    %mul3A_94 = arith.muli %arg1, %mul3A_93 : i32
    %dma_wait3A_95 = arith.constant 0 : i32
    %dma_wait3A_96 = tpu.memref_slice %arg7[%mul3A_94, %dma_wait3A_95] : memref<10240x128xf32, #tpu.memory_space<vmem_shared>> -> memref<80x128xf32, #tpu.memory_space<vmem_shared>>
    %dma_wait3A_97 = arith.constant 0 : i32
    %dma_wait3A_98 = tpu.memref_slice %arg7[%mul3A_94, %dma_wait3A_97] : memref<10240x128xf32, #tpu.memory_space<vmem_shared>> -> memref<80x128xf32, #tpu.memory_space<vmem_shared>>
    tpu.wait_dma2 semaphore(%arg14 : memref<!tpu.dma_semaphore, #tpu.memory_space<semaphore_mem>>) src(%arg10 : memref<80x128xf32, #tpu.memory_space<vmem>>) dst(%dma_wait3A_98 : memref<80x128xf32, #tpu.memory_space<vmem_shared>>)
    %mul3A_99 = arith.constant 640 : i32
    %mul3A_100 = arith.muli %arg1, %mul3A_99 : i32
    %dma_wait3A_101 = arith.constant 0 : i32
    %dma_wait3A_102 = tpu.memref_slice %arg7[%mul3A_100, %dma_wait3A_101] : memref<10240x128xf32, #tpu.memory_space<vmem_shared>> -> memref<80x128xf32, #tpu.memory_space<vmem_shared>>
    %dma_wait3A_103 = arith.constant 0 : i32
    %dma_wait3A_104 = tpu.memref_slice %arg7[%mul3A_100, %dma_wait3A_103] : memref<10240x128xf32, #tpu.memory_space<vmem_shared>> -> memref<80x128xf32, #tpu.memory_space<vmem_shared>>
    tpu.wait_dma2 semaphore(%arg14 : memref<!tpu.dma_semaphore, #tpu.memory_space<semaphore_mem>>) src(%arg10 : memref<80x128xf32, #tpu.memory_space<vmem>>) dst(%dma_wait3A_104 : memref<80x128xf32, #tpu.memory_space<vmem_shared>>)
    %mul3A_105 = arith.constant 640 : i32
    %mul3A_106 = arith.muli %arg1, %mul3A_105 : i32
    %dma_wait3A_107 = arith.constant 0 : i32
    %dma_wait3A_108 = tpu.memref_slice %arg7[%mul3A_106, %dma_wait3A_107] : memref<10240x128xf32, #tpu.memory_space<vmem_shared>> -> memref<80x128xf32, #tpu.memory_space<vmem_shared>>
    %dma_wait3A_109 = arith.constant 0 : i32
    %dma_wait3A_110 = tpu.memref_slice %arg7[%mul3A_106, %dma_wait3A_109] : memref<10240x128xf32, #tpu.memory_space<vmem_shared>> -> memref<80x128xf32, #tpu.memory_space<vmem_shared>>
    tpu.wait_dma2 semaphore(%arg14 : memref<!tpu.dma_semaphore, #tpu.memory_space<semaphore_mem>>) src(%arg10 : memref<80x128xf32, #tpu.memory_space<vmem>>) dst(%dma_wait3A_110 : memref<80x128xf32, #tpu.memory_space<vmem_shared>>)
    %barrier3A = arith.constant 0 : index
    tpu.barrier barrier_id(%barrier3A)
    %dma_start3A_111 = arith.constant 0 : i32
    %dma_start3A_112 = tpu.memref_slice %arg8[%dma_start3A_111] : memref<10000xi32, #tpu.memory_space<vmem>> -> memref<80xi32, #tpu.memory_space<vmem>>
    %dma_start3A_113 = arith.constant 0 : i32
    %dma_start3A_114 = arith.constant 0 : i32
    %dma_start3A_115 = tpu.memref_slice %arg2[%dma_start3A_113, %dma_start3A_114] : memref<10000x128xf32, #tpu.memory_space<hbm>> -> memref<10000x128xf32, #tpu.memory_space<hbm>>
    tpu.enqueue_indirect_dma source(%dma_start3A_115 : memref<10000x128xf32, #tpu.memory_space<hbm>>) target(%arg10 : memref<80x128xf32, #tpu.memory_space<vmem>>) offsets(%dma_start3A_112 : memref<80xi32, #tpu.memory_space<vmem>>) semaphore(%arg12 : memref<!tpu.dma_semaphore, #tpu.memory_space<semaphore_mem>>)
    %dma_start3A_116 = arith.constant 80 : i32
    %dma_start3A_117 = tpu.memref_slice %arg8[%dma_start3A_116] : memref<10000xi32, #tpu.memory_space<vmem>> -> memref<80xi32, #tpu.memory_space<vmem>>
    %dma_start3A_118 = arith.constant 0 : i32
    %dma_start3A_119 = arith.constant 0 : i32
    %dma_start3A_120 = tpu.memref_slice %arg2[%dma_start3A_118, %dma_start3A_119] : memref<10000x128xf32, #tpu.memory_space<hbm>> -> memref<10000x128xf32, #tpu.memory_space<hbm>>
    tpu.enqueue_indirect_dma source(%dma_start3A_120 : memref<10000x128xf32, #tpu.memory_space<hbm>>) target(%arg11 : memref<80x128xf32, #tpu.memory_space<vmem>>) offsets(%dma_start3A_117 : memref<80xi32, #tpu.memory_space<vmem>>) semaphore(%arg13 : memref<!tpu.dma_semaphore, #tpu.memory_space<semaphore_mem>>)
    %scan3A = arith.constant 0 : i32
    %scan3A_121 = arith.constant 0 : i32
    %scan3A_122 = arith.constant 62 : i32
    %scan3A_123 = arith.addi %scan3A_121, %scan3A_122 : i32
    %scan3A_124 = arith.constant 1 : i32
    scf.for %scan3A_273 = %scan3A_121 to %scan3A_123 step %scan3A_124  : i32 {
      %mul3A_274 = arith.constant 2 : i32
      %mul3A_275 = arith.muli %mul3A_274, %scan3A_273 : i32
      %dma_wait3A_276 = arith.constant 0 : i32
      %dma_wait3A_277 = tpu.memref_slice %arg8[%dma_wait3A_276] : memref<10000xi32, #tpu.memory_space<vmem>> -> memref<80xi32, #tpu.memory_space<vmem>>
      %dma_wait3A_278 = arith.constant 0 : i32
      %dma_wait3A_279 = arith.constant 0 : i32
      %dma_wait3A_280 = tpu.memref_slice %arg2[%dma_wait3A_278, %dma_wait3A_279] : memref<10000x128xf32, #tpu.memory_space<hbm>> -> memref<10000x128xf32, #tpu.memory_space<hbm>>
      tpu.wait_indirect_dma semaphore(%arg12 : memref<!tpu.dma_semaphore, #tpu.memory_space<semaphore_mem>>) src(%dma_wait3A_280 : memref<10000x128xf32, #tpu.memory_space<hbm>>) dst(%arg10 : memref<80x128xf32, #tpu.memory_space<vmem>>)
      "tpu.region"() ({
        %run_scoped3A_305 = tpu.sem_alloc : memref<!tpu.dma_semaphore, #tpu.memory_space<semaphore_mem>>
        %dma_start3A_306 = arith.constant 0 : i32
        %dma_start3A_307 = tpu.memref_slice %arg9[%mul3A_275, %dma_start3A_306] : memref<125x80xi32, #tpu.memory_space<vmem>> -> memref<1x80xi32, #tpu.memory_space<vmem>>
        %dma_start3A_308 = tpu.memref_squeeze %dma_start3A_307 : memref<1x80xi32, #tpu.memory_space<vmem>> -> memref<80xi32, #tpu.memory_space<vmem>>
        %dma_start3A_309 = arith.constant 0 : i32
        %dma_start3A_310 = arith.constant 0 : i32
        %dma_start3A_311 = tpu.memref_slice %arg7[%dma_start3A_309, %dma_start3A_310] : memref<10240x128xf32, #tpu.memory_space<vmem_shared>> -> memref<10240x128xf32, #tpu.memory_space<vmem_shared>>
        tpu.enqueue_indirect_dma source(%arg10 : memref<80x128xf32, #tpu.memory_space<vmem>>) target(%dma_start3A_311 : memref<10240x128xf32, #tpu.memory_space<vmem_shared>>) offsets(%dma_start3A_308 : memref<80xi32, #tpu.memory_space<vmem>>) semaphore(%run_scoped3A_305 : memref<!tpu.dma_semaphore, #tpu.memory_space<semaphore_mem>>) {add = true}
        %dma_wait3A_312 = arith.constant 0 : i32
        %dma_wait3A_313 = tpu.memref_slice %arg9[%mul3A_275, %dma_wait3A_312] : memref<125x80xi32, #tpu.memory_space<vmem>> -> memref<1x80xi32, #tpu.memory_space<vmem>>
        %dma_wait3A_314 = tpu.memref_squeeze %dma_wait3A_313 : memref<1x80xi32, #tpu.memory_space<vmem>> -> memref<80xi32, #tpu.memory_space<vmem>>
        %dma_wait3A_315 = arith.constant 0 : i32
        %dma_wait3A_316 = arith.constant 0 : i32
        %dma_wait3A_317 = tpu.memref_slice %arg7[%dma_wait3A_315, %dma_wait3A_316] : memref<10240x128xf32, #tpu.memory_space<vmem_shared>> -> memref<10240x128xf32, #tpu.memory_space<vmem_shared>>
        tpu.wait_indirect_dma semaphore(%run_scoped3A_305 : memref<!tpu.dma_semaphore, #tpu.memory_space<semaphore_mem>>) src(%arg10 : memref<80x128xf32, #tpu.memory_space<vmem>>) dst(%dma_wait3A_317 : memref<10240x128xf32, #tpu.memory_space<vmem_shared>>)
        tpu.yield
      }) : () -> ()
      %add3A_281 = arith.constant 2 : i32
      %add3A_282 = arith.addi %mul3A_275, %add3A_281 : i32
      %mul3A_283 = arith.constant 80 : i32
      %mul3A_284 = arith.muli %add3A_282, %mul3A_283 : i32
      %dma_start3A_285 = tpu.memref_slice %arg8[%mul3A_284] : memref<10000xi32, #tpu.memory_space<vmem>> -> memref<80xi32, #tpu.memory_space<vmem>>
      %dma_start3A_286 = arith.constant 0 : i32
      %dma_start3A_287 = arith.constant 0 : i32
      %dma_start3A_288 = tpu.memref_slice %arg2[%dma_start3A_286, %dma_start3A_287] : memref<10000x128xf32, #tpu.memory_space<hbm>> -> memref<10000x128xf32, #tpu.memory_space<hbm>>
      tpu.enqueue_indirect_dma source(%dma_start3A_288 : memref<10000x128xf32, #tpu.memory_space<hbm>>) target(%arg10 : memref<80x128xf32, #tpu.memory_space<vmem>>) offsets(%dma_start3A_285 : memref<80xi32, #tpu.memory_space<vmem>>) semaphore(%arg12 : memref<!tpu.dma_semaphore, #tpu.memory_space<semaphore_mem>>)
      %dma_wait3A_289 = arith.constant 0 : i32
      %dma_wait3A_290 = tpu.memref_slice %arg8[%dma_wait3A_289] : memref<10000xi32, #tpu.memory_space<vmem>> -> memref<80xi32, #tpu.memory_space<vmem>>
      %dma_wait3A_291 = arith.constant 0 : i32
      %dma_wait3A_292 = arith.constant 0 : i32
      %dma_wait3A_293 = tpu.memref_slice %arg2[%dma_wait3A_291, %dma_wait3A_292] : memref<10000x128xf32, #tpu.memory_space<hbm>> -> memref<10000x128xf32, #tpu.memory_space<hbm>>
      tpu.wait_indirect_dma semaphore(%arg13 : memref<!tpu.dma_semaphore, #tpu.memory_space<semaphore_mem>>) src(%dma_wait3A_293 : memref<10000x128xf32, #tpu.memory_space<hbm>>) dst(%arg11 : memref<80x128xf32, #tpu.memory_space<vmem>>)
      %add3A_294 = arith.constant 1 : i32
      %add3A_295 = arith.addi %mul3A_275, %add3A_294 : i32
      "tpu.region"() ({
        %run_scoped3A_305 = tpu.sem_alloc : memref<!tpu.dma_semaphore, #tpu.memory_space<semaphore_mem>>
        %dma_start3A_306 = arith.constant 0 : i32
        %dma_start3A_307 = tpu.memref_slice %arg9[%add3A_295, %dma_start3A_306] : memref<125x80xi32, #tpu.memory_space<vmem>> -> memref<1x80xi32, #tpu.memory_space<vmem>>
        %dma_start3A_308 = tpu.memref_squeeze %dma_start3A_307 : memref<1x80xi32, #tpu.memory_space<vmem>> -> memref<80xi32, #tpu.memory_space<vmem>>
        %dma_start3A_309 = arith.constant 0 : i32
        %dma_start3A_310 = arith.constant 0 : i32
        %dma_start3A_311 = tpu.memref_slice %arg7[%dma_start3A_309, %dma_start3A_310] : memref<10240x128xf32, #tpu.memory_space<vmem_shared>> -> memref<10240x128xf32, #tpu.memory_space<vmem_shared>>
        tpu.enqueue_indirect_dma source(%arg11 : memref<80x128xf32, #tpu.memory_space<vmem>>) target(%dma_start3A_311 : memref<10240x128xf32, #tpu.memory_space<vmem_shared>>) offsets(%dma_start3A_308 : memref<80xi32, #tpu.memory_space<vmem>>) semaphore(%run_scoped3A_305 : memref<!tpu.dma_semaphore, #tpu.memory_space<semaphore_mem>>) {add = true}
        %dma_wait3A_312 = arith.constant 0 : i32
        %dma_wait3A_313 = tpu.memref_slice %arg9[%add3A_295, %dma_wait3A_312] : memref<125x80xi32, #tpu.memory_space<vmem>> -> memref<1x80xi32, #tpu.memory_space<vmem>>
        %dma_wait3A_314 = tpu.memref_squeeze %dma_wait3A_313 : memref<1x80xi32, #tpu.memory_space<vmem>> -> memref<80xi32, #tpu.memory_space<vmem>>
        %dma_wait3A_315 = arith.constant 0 : i32
        %dma_wait3A_316 = arith.constant 0 : i32
        %dma_wait3A_317 = tpu.memref_slice %arg7[%dma_wait3A_315, %dma_wait3A_316] : memref<10240x128xf32, #tpu.memory_space<vmem_shared>> -> memref<10240x128xf32, #tpu.memory_space<vmem_shared>>
        tpu.wait_indirect_dma semaphore(%run_scoped3A_305 : memref<!tpu.dma_semaphore, #tpu.memory_space<semaphore_mem>>) src(%arg11 : memref<80x128xf32, #tpu.memory_space<vmem>>) dst(%dma_wait3A_317 : memref<10240x128xf32, #tpu.memory_space<vmem_shared>>)
        tpu.yield
      }) : () -> ()
      %add3A_296 = arith.constant 3 : i32
      %add3A_297 = arith.addi %mul3A_275, %add3A_296 : i32
      %min3A = arith.constant 124 : i32
      %min3A_298 = arith.minsi %add3A_297, %min3A : i32
      %mul3A_299 = arith.constant 80 : i32
      %mul3A_300 = arith.muli %min3A_298, %mul3A_299 : i32
      %dma_start3A_301 = tpu.memref_slice %arg8[%mul3A_300] : memref<10000xi32, #tpu.memory_space<vmem>> -> memref<80xi32, #tpu.memory_space<vmem>>
      %dma_start3A_302 = arith.constant 0 : i32
      %dma_start3A_303 = arith.constant 0 : i32
      %dma_start3A_304 = tpu.memref_slice %arg2[%dma_start3A_302, %dma_start3A_303] : memref<10000x128xf32, #tpu.memory_space<hbm>> -> memref<10000x128xf32, #tpu.memory_space<hbm>>
      tpu.enqueue_indirect_dma source(%dma_start3A_304 : memref<10000x128xf32, #tpu.memory_space<hbm>>) target(%arg11 : memref<80x128xf32, #tpu.memory_space<vmem>>) offsets(%dma_start3A_301 : memref<80xi32, #tpu.memory_space<vmem>>) semaphore(%arg13 : memref<!tpu.dma_semaphore, #tpu.memory_space<semaphore_mem>>)
    }
    %scan3A_125 = arith.constant 62 : i32
    %dma_wait3A_126 = arith.constant 0 : i32
    %dma_wait3A_127 = tpu.memref_slice %arg8[%dma_wait3A_126] : memref<10000xi32, #tpu.memory_space<vmem>> -> memref<80xi32, #tpu.memory_space<vmem>>
    %dma_wait3A_128 = arith.constant 0 : i32
    %dma_wait3A_129 = arith.constant 0 : i32
    %dma_wait3A_130 = tpu.memref_slice %arg2[%dma_wait3A_128, %dma_wait3A_129] : memref<10000x128xf32, #tpu.memory_space<hbm>> -> memref<10000x128xf32, #tpu.memory_space<hbm>>
    tpu.wait_indirect_dma semaphore(%arg12 : memref<!tpu.dma_semaphore, #tpu.memory_space<semaphore_mem>>) src(%dma_wait3A_130 : memref<10000x128xf32, #tpu.memory_space<hbm>>) dst(%arg10 : memref<80x128xf32, #tpu.memory_space<vmem>>)
    %run_scoped3A = arith.constant 124 : i32
    "tpu.region"() ({
      %run_scoped3A_273 = tpu.sem_alloc : memref<!tpu.dma_semaphore, #tpu.memory_space<semaphore_mem>>
      %dma_start3A_274 = arith.constant 0 : i32
      %dma_start3A_275 = tpu.memref_slice %arg9[%run_scoped3A, %dma_start3A_274] : memref<125x80xi32, #tpu.memory_space<vmem>> -> memref<1x80xi32, #tpu.memory_space<vmem>>
      %dma_start3A_276 = tpu.memref_squeeze %dma_start3A_275 : memref<1x80xi32, #tpu.memory_space<vmem>> -> memref<80xi32, #tpu.memory_space<vmem>>
      %dma_start3A_277 = arith.constant 0 : i32
      %dma_start3A_278 = arith.constant 0 : i32
      %dma_start3A_279 = tpu.memref_slice %arg7[%dma_start3A_277, %dma_start3A_278] : memref<10240x128xf32, #tpu.memory_space<vmem_shared>> -> memref<10240x128xf32, #tpu.memory_space<vmem_shared>>
      tpu.enqueue_indirect_dma source(%arg10 : memref<80x128xf32, #tpu.memory_space<vmem>>) target(%dma_start3A_279 : memref<10240x128xf32, #tpu.memory_space<vmem_shared>>) offsets(%dma_start3A_276 : memref<80xi32, #tpu.memory_space<vmem>>) semaphore(%run_scoped3A_273 : memref<!tpu.dma_semaphore, #tpu.memory_space<semaphore_mem>>) {add = true}
      %dma_wait3A_280 = arith.constant 0 : i32
      %dma_wait3A_281 = tpu.memref_slice %arg9[%run_scoped3A, %dma_wait3A_280] : memref<125x80xi32, #tpu.memory_space<vmem>> -> memref<1x80xi32, #tpu.memory_space<vmem>>
      %dma_wait3A_282 = tpu.memref_squeeze %dma_wait3A_281 : memref<1x80xi32, #tpu.memory_space<vmem>> -> memref<80xi32, #tpu.memory_space<vmem>>
      %dma_wait3A_283 = arith.constant 0 : i32
      %dma_wait3A_284 = arith.constant 0 : i32
      %dma_wait3A_285 = tpu.memref_slice %arg7[%dma_wait3A_283, %dma_wait3A_284] : memref<10240x128xf32, #tpu.memory_space<vmem_shared>> -> memref<10240x128xf32, #tpu.memory_space<vmem_shared>>
      tpu.wait_indirect_dma semaphore(%run_scoped3A_273 : memref<!tpu.dma_semaphore, #tpu.memory_space<semaphore_mem>>) src(%arg10 : memref<80x128xf32, #tpu.memory_space<vmem>>) dst(%dma_wait3A_285 : memref<10240x128xf32, #tpu.memory_space<vmem_shared>>)
      tpu.yield
    }) : () -> ()
    %dma_wait3A_131 = arith.constant 0 : i32
    %dma_wait3A_132 = tpu.memref_slice %arg8[%dma_wait3A_131] : memref<10000xi32, #tpu.memory_space<vmem>> -> memref<80xi32, #tpu.memory_space<vmem>>
    %dma_wait3A_133 = arith.constant 0 : i32
    %dma_wait3A_134 = arith.constant 0 : i32
    %dma_wait3A_135 = tpu.memref_slice %arg2[%dma_wait3A_133, %dma_wait3A_134] : memref<10000x128xf32, #tpu.memory_space<hbm>> -> memref<10000x128xf32, #tpu.memory_space<hbm>>
    tpu.wait_indirect_dma semaphore(%arg13 : memref<!tpu.dma_semaphore, #tpu.memory_space<semaphore_mem>>) src(%dma_wait3A_135 : memref<10000x128xf32, #tpu.memory_space<hbm>>) dst(%arg11 : memref<80x128xf32, #tpu.memory_space<vmem>>)
    %barrier3A_136 = arith.constant 0 : index
    tpu.barrier barrier_id(%barrier3A_136)
    %mul3A_137 = arith.constant 640 : i32
    %mul3A_138 = arith.muli %arg1, %mul3A_137 : i32
    %add3A_139 = arith.constant 0 : i32
    %add3A_140 = arith.addi %mul3A_138, %add3A_139 : i32
    "tpu.region"() ({
      %run_scoped3A_273 = tpu.sem_alloc : memref<!tpu.dma_semaphore, #tpu.memory_space<semaphore_mem>>
      %dma_start3A_274 = arith.constant 0 : i32
      %dma_start3A_275 = tpu.memref_slice %arg7[%add3A_140, %dma_start3A_274] : memref<10240x128xf32, #tpu.memory_space<vmem_shared>> -> memref<80x128xf32, #tpu.memory_space<vmem_shared>>
      %dma_start3A_276 = arith.constant 0 : i32
      %dma_start3A_277 = tpu.memref_slice %arg7[%add3A_140, %dma_start3A_276] : memref<10240x128xf32, #tpu.memory_space<vmem_shared>> -> memref<80x128xf32, #tpu.memory_space<vmem_shared>>
      tpu.enqueue_dma source(%dma_start3A_277 : memref<80x128xf32, #tpu.memory_space<vmem_shared>>) target(%arg10 : memref<80x128xf32, #tpu.memory_space<vmem>>) target_semaphore(%run_scoped3A_273 : memref<!tpu.dma_semaphore, #tpu.memory_space<semaphore_mem>>)
      %dma_wait3A_278 = arith.constant 0 : i32
      %dma_wait3A_279 = tpu.memref_slice %arg7[%add3A_140, %dma_wait3A_278] : memref<10240x128xf32, #tpu.memory_space<vmem_shared>> -> memref<80x128xf32, #tpu.memory_space<vmem_shared>>
      %dma_wait3A_280 = arith.constant 0 : i32
      %dma_wait3A_281 = tpu.memref_slice %arg7[%add3A_140, %dma_wait3A_280] : memref<10240x128xf32, #tpu.memory_space<vmem_shared>> -> memref<80x128xf32, #tpu.memory_space<vmem_shared>>
      tpu.wait_dma2 semaphore(%run_scoped3A_273 : memref<!tpu.dma_semaphore, #tpu.memory_space<semaphore_mem>>) src(%dma_wait3A_281 : memref<80x128xf32, #tpu.memory_space<vmem_shared>>) dst(%arg10 : memref<80x128xf32, #tpu.memory_space<vmem>>)
      tpu.yield
    }) : () -> ()
    %mul3A_141 = arith.constant 10240 : i32
    %mul3A_142 = arith.muli %arg0, %mul3A_141 : i32
    %add3A_143 = arith.addi %mul3A_142, %add3A_140 : i32
    %dma_start3A_144 = arith.constant 0 : i32
    %dma_start3A_145 = tpu.memref_slice %arg6[%add3A_143, %dma_start3A_144] : memref<20480x128xf32, #tpu.memory_space<hbm>> -> memref<80x128xf32, #tpu.memory_space<hbm>>
    %dma_start3A_146 = arith.constant 0 : i32
    %dma_start3A_147 = tpu.memref_slice %arg6[%add3A_143, %dma_start3A_146] : memref<20480x128xf32, #tpu.memory_space<hbm>> -> memref<80x128xf32, #tpu.memory_space<hbm>>
    tpu.enqueue_dma source(%arg10 : memref<80x128xf32, #tpu.memory_space<vmem>>) target(%dma_start3A_147 : memref<80x128xf32, #tpu.memory_space<hbm>>) target_semaphore(%arg14 : memref<!tpu.dma_semaphore, #tpu.memory_space<semaphore_mem>>)
    %mul3A_148 = arith.constant 640 : i32
    %mul3A_149 = arith.muli %arg1, %mul3A_148 : i32
    %add3A_150 = arith.constant 80 : i32
    %add3A_151 = arith.addi %mul3A_149, %add3A_150 : i32
    "tpu.region"() ({
      %run_scoped3A_273 = tpu.sem_alloc : memref<!tpu.dma_semaphore, #tpu.memory_space<semaphore_mem>>
      %dma_start3A_274 = arith.constant 0 : i32
      %dma_start3A_275 = tpu.memref_slice %arg7[%add3A_151, %dma_start3A_274] : memref<10240x128xf32, #tpu.memory_space<vmem_shared>> -> memref<80x128xf32, #tpu.memory_space<vmem_shared>>
      %dma_start3A_276 = arith.constant 0 : i32
      %dma_start3A_277 = tpu.memref_slice %arg7[%add3A_151, %dma_start3A_276] : memref<10240x128xf32, #tpu.memory_space<vmem_shared>> -> memref<80x128xf32, #tpu.memory_space<vmem_shared>>
      tpu.enqueue_dma source(%dma_start3A_277 : memref<80x128xf32, #tpu.memory_space<vmem_shared>>) target(%arg11 : memref<80x128xf32, #tpu.memory_space<vmem>>) target_semaphore(%run_scoped3A_273 : memref<!tpu.dma_semaphore, #tpu.memory_space<semaphore_mem>>)
      %dma_wait3A_278 = arith.constant 0 : i32
      %dma_wait3A_279 = tpu.memref_slice %arg7[%add3A_151, %dma_wait3A_278] : memref<10240x128xf32, #tpu.memory_space<vmem_shared>> -> memref<80x128xf32, #tpu.memory_space<vmem_shared>>
      %dma_wait3A_280 = arith.constant 0 : i32
      %dma_wait3A_281 = tpu.memref_slice %arg7[%add3A_151, %dma_wait3A_280] : memref<10240x128xf32, #tpu.memory_space<vmem_shared>> -> memref<80x128xf32, #tpu.memory_space<vmem_shared>>
      tpu.wait_dma2 semaphore(%run_scoped3A_273 : memref<!tpu.dma_semaphore, #tpu.memory_space<semaphore_mem>>) src(%dma_wait3A_281 : memref<80x128xf32, #tpu.memory_space<vmem_shared>>) dst(%arg11 : memref<80x128xf32, #tpu.memory_space<vmem>>)
      tpu.yield
    }) : () -> ()
    %mul3A_152 = arith.constant 10240 : i32
    %mul3A_153 = arith.muli %arg0, %mul3A_152 : i32
    %add3A_154 = arith.addi %mul3A_153, %add3A_151 : i32
    %dma_start3A_155 = arith.constant 0 : i32
    %dma_start3A_156 = tpu.memref_slice %arg6[%add3A_154, %dma_start3A_155] : memref<20480x128xf32, #tpu.memory_space<hbm>> -> memref<80x128xf32, #tpu.memory_space<hbm>>
    %dma_start3A_157 = arith.constant 0 : i32
    %dma_start3A_158 = tpu.memref_slice %arg6[%add3A_154, %dma_start3A_157] : memref<20480x128xf32, #tpu.memory_space<hbm>> -> memref<80x128xf32, #tpu.memory_space<hbm>>
    tpu.enqueue_dma source(%arg11 : memref<80x128xf32, #tpu.memory_space<vmem>>) target(%dma_start3A_158 : memref<80x128xf32, #tpu.memory_space<hbm>>) target_semaphore(%arg14 : memref<!tpu.dma_semaphore, #tpu.memory_space<semaphore_mem>>)
    %mul3A_159 = arith.constant 10240 : i32
    %mul3A_160 = arith.muli %arg0, %mul3A_159 : i32
    %dma_wait3A_161 = arith.constant 0 : i32
    %dma_wait3A_162 = tpu.memref_slice %arg6[%mul3A_160, %dma_wait3A_161] : memref<20480x128xf32, #tpu.memory_space<hbm>> -> memref<80x128xf32, #tpu.memory_space<hbm>>
    %dma_wait3A_163 = arith.constant 0 : i32
    %dma_wait3A_164 = tpu.memref_slice %arg6[%mul3A_160, %dma_wait3A_163] : memref<20480x128xf32, #tpu.memory_space<hbm>> -> memref<80x128xf32, #tpu.memory_space<hbm>>
    tpu.wait_dma2 semaphore(%arg14 : memref<!tpu.dma_semaphore, #tpu.memory_space<semaphore_mem>>) src(%arg10 : memref<80x128xf32, #tpu.memory_space<vmem>>) dst(%dma_wait3A_164 : memref<80x128xf32, #tpu.memory_space<hbm>>)
    %mul3A_165 = arith.constant 640 : i32
    %mul3A_166 = arith.muli %arg1, %mul3A_165 : i32
    %add3A_167 = arith.constant 160 : i32
    %add3A_168 = arith.addi %mul3A_166, %add3A_167 : i32
    "tpu.region"() ({
      %run_scoped3A_273 = tpu.sem_alloc : memref<!tpu.dma_semaphore, #tpu.memory_space<semaphore_mem>>
      %dma_start3A_274 = arith.constant 0 : i32
      %dma_start3A_275 = tpu.memref_slice %arg7[%add3A_168, %dma_start3A_274] : memref<10240x128xf32, #tpu.memory_space<vmem_shared>> -> memref<80x128xf32, #tpu.memory_space<vmem_shared>>
      %dma_start3A_276 = arith.constant 0 : i32
      %dma_start3A_277 = tpu.memref_slice %arg7[%add3A_168, %dma_start3A_276] : memref<10240x128xf32, #tpu.memory_space<vmem_shared>> -> memref<80x128xf32, #tpu.memory_space<vmem_shared>>
      tpu.enqueue_dma source(%dma_start3A_277 : memref<80x128xf32, #tpu.memory_space<vmem_shared>>) target(%arg10 : memref<80x128xf32, #tpu.memory_space<vmem>>) target_semaphore(%run_scoped3A_273 : memref<!tpu.dma_semaphore, #tpu.memory_space<semaphore_mem>>)
      %dma_wait3A_278 = arith.constant 0 : i32
      %dma_wait3A_279 = tpu.memref_slice %arg7[%add3A_168, %dma_wait3A_278] : memref<10240x128xf32, #tpu.memory_space<vmem_shared>> -> memref<80x128xf32, #tpu.memory_space<vmem_shared>>
      %dma_wait3A_280 = arith.constant 0 : i32
      %dma_wait3A_281 = tpu.memref_slice %arg7[%add3A_168, %dma_wait3A_280] : memref<10240x128xf32, #tpu.memory_space<vmem_shared>> -> memref<80x128xf32, #tpu.memory_space<vmem_shared>>
      tpu.wait_dma2 semaphore(%run_scoped3A_273 : memref<!tpu.dma_semaphore, #tpu.memory_space<semaphore_mem>>) src(%dma_wait3A_281 : memref<80x128xf32, #tpu.memory_space<vmem_shared>>) dst(%arg10 : memref<80x128xf32, #tpu.memory_space<vmem>>)
      tpu.yield
    }) : () -> ()
    %mul3A_169 = arith.constant 10240 : i32
    %mul3A_170 = arith.muli %arg0, %mul3A_169 : i32
    %add3A_171 = arith.addi %mul3A_170, %add3A_168 : i32
    %dma_start3A_172 = arith.constant 0 : i32
    %dma_start3A_173 = tpu.memref_slice %arg6[%add3A_171, %dma_start3A_172] : memref<20480x128xf32, #tpu.memory_space<hbm>> -> memref<80x128xf32, #tpu.memory_space<hbm>>
    %dma_start3A_174 = arith.constant 0 : i32
    %dma_start3A_175 = tpu.memref_slice %arg6[%add3A_171, %dma_start3A_174] : memref<20480x128xf32, #tpu.memory_space<hbm>> -> memref<80x128xf32, #tpu.memory_space<hbm>>
    tpu.enqueue_dma source(%arg10 : memref<80x128xf32, #tpu.memory_space<vmem>>) target(%dma_start3A_175 : memref<80x128xf32, #tpu.memory_space<hbm>>) target_semaphore(%arg14 : memref<!tpu.dma_semaphore, #tpu.memory_space<semaphore_mem>>)
    %mul3A_176 = arith.constant 10240 : i32
    %mul3A_177 = arith.muli %arg0, %mul3A_176 : i32
    %dma_wait3A_178 = arith.constant 0 : i32
    %dma_wait3A_179 = tpu.memref_slice %arg6[%mul3A_177, %dma_wait3A_178] : memref<20480x128xf32, #tpu.memory_space<hbm>> -> memref<80x128xf32, #tpu.memory_space<hbm>>
    %dma_wait3A_180 = arith.constant 0 : i32
    %dma_wait3A_181 = tpu.memref_slice %arg6[%mul3A_177, %dma_wait3A_180] : memref<20480x128xf32, #tpu.memory_space<hbm>> -> memref<80x128xf32, #tpu.memory_space<hbm>>
    tpu.wait_dma2 semaphore(%arg14 : memref<!tpu.dma_semaphore, #tpu.memory_space<semaphore_mem>>) src(%arg11 : memref<80x128xf32, #tpu.memory_space<vmem>>) dst(%dma_wait3A_181 : memref<80x128xf32, #tpu.memory_space<hbm>>)
    %mul3A_182 = arith.constant 640 : i32
    %mul3A_183 = arith.muli %arg1, %mul3A_182 : i32
    %add3A_184 = arith.constant 240 : i32
    %add3A_185 = arith.addi %mul3A_183, %add3A_184 : i32
    "tpu.region"() ({
      %run_scoped3A_273 = tpu.sem_alloc : memref<!tpu.dma_semaphore, #tpu.memory_space<semaphore_mem>>
      %dma_start3A_274 = arith.constant 0 : i32
      %dma_start3A_275 = tpu.memref_slice %arg7[%add3A_185, %dma_start3A_274] : memref<10240x128xf32, #tpu.memory_space<vmem_shared>> -> memref<80x128xf32, #tpu.memory_space<vmem_shared>>
      %dma_start3A_276 = arith.constant 0 : i32
      %dma_start3A_277 = tpu.memref_slice %arg7[%add3A_185, %dma_start3A_276] : memref<10240x128xf32, #tpu.memory_space<vmem_shared>> -> memref<80x128xf32, #tpu.memory_space<vmem_shared>>
      tpu.enqueue_dma source(%dma_start3A_277 : memref<80x128xf32, #tpu.memory_space<vmem_shared>>) target(%arg11 : memref<80x128xf32, #tpu.memory_space<vmem>>) target_semaphore(%run_scoped3A_273 : memref<!tpu.dma_semaphore, #tpu.memory_space<semaphore_mem>>)
      %dma_wait3A_278 = arith.constant 0 : i32
      %dma_wait3A_279 = tpu.memref_slice %arg7[%add3A_185, %dma_wait3A_278] : memref<10240x128xf32, #tpu.memory_space<vmem_shared>> -> memref<80x128xf32, #tpu.memory_space<vmem_shared>>
      %dma_wait3A_280 = arith.constant 0 : i32
      %dma_wait3A_281 = tpu.memref_slice %arg7[%add3A_185, %dma_wait3A_280] : memref<10240x128xf32, #tpu.memory_space<vmem_shared>> -> memref<80x128xf32, #tpu.memory_space<vmem_shared>>
      tpu.wait_dma2 semaphore(%run_scoped3A_273 : memref<!tpu.dma_semaphore, #tpu.memory_space<semaphore_mem>>) src(%dma_wait3A_281 : memref<80x128xf32, #tpu.memory_space<vmem_shared>>) dst(%arg11 : memref<80x128xf32, #tpu.memory_space<vmem>>)
      tpu.yield
    }) : () -> ()
    %mul3A_186 = arith.constant 10240 : i32
    %mul3A_187 = arith.muli %arg0, %mul3A_186 : i32
    %add3A_188 = arith.addi %mul3A_187, %add3A_185 : i32
    %dma_start3A_189 = arith.constant 0 : i32
    %dma_start3A_190 = tpu.memref_slice %arg6[%add3A_188, %dma_start3A_189] : memref<20480x128xf32, #tpu.memory_space<hbm>> -> memref<80x128xf32, #tpu.memory_space<hbm>>
    %dma_start3A_191 = arith.constant 0 : i32
    %dma_start3A_192 = tpu.memref_slice %arg6[%add3A_188, %dma_start3A_191] : memref<20480x128xf32, #tpu.memory_space<hbm>> -> memref<80x128xf32, #tpu.memory_space<hbm>>
    tpu.enqueue_dma source(%arg11 : memref<80x128xf32, #tpu.memory_space<vmem>>) target(%dma_start3A_192 : memref<80x128xf32, #tpu.memory_space<hbm>>) target_semaphore(%arg14 : memref<!tpu.dma_semaphore, #tpu.memory_space<semaphore_mem>>)
    %mul3A_193 = arith.constant 10240 : i32
    %mul3A_194 = arith.muli %arg0, %mul3A_193 : i32
    %dma_wait3A_195 = arith.constant 0 : i32
    %dma_wait3A_196 = tpu.memref_slice %arg6[%mul3A_194, %dma_wait3A_195] : memref<20480x128xf32, #tpu.memory_space<hbm>> -> memref<80x128xf32, #tpu.memory_space<hbm>>
    %dma_wait3A_197 = arith.constant 0 : i32
    %dma_wait3A_198 = tpu.memref_slice %arg6[%mul3A_194, %dma_wait3A_197] : memref<20480x128xf32, #tpu.memory_space<hbm>> -> memref<80x128xf32, #tpu.memory_space<hbm>>
    tpu.wait_dma2 semaphore(%arg14 : memref<!tpu.dma_semaphore, #tpu.memory_space<semaphore_mem>>) src(%arg10 : memref<80x128xf32, #tpu.memory_space<vmem>>) dst(%dma_wait3A_198 : memref<80x128xf32, #tpu.memory_space<hbm>>)
    %mul3A_199 = arith.constant 640 : i32
    %mul3A_200 = arith.muli %arg1, %mul3A_199 : i32
    %add3A_201 = arith.constant 320 : i32
    %add3A_202 = arith.addi %mul3A_200, %add3A_201 : i32
    "tpu.region"() ({
      %run_scoped3A_273 = tpu.sem_alloc : memref<!tpu.dma_semaphore, #tpu.memory_space<semaphore_mem>>
      %dma_start3A_274 = arith.constant 0 : i32
      %dma_start3A_275 = tpu.memref_slice %arg7[%add3A_202, %dma_start3A_274] : memref<10240x128xf32, #tpu.memory_space<vmem_shared>> -> memref<80x128xf32, #tpu.memory_space<vmem_shared>>
      %dma_start3A_276 = arith.constant 0 : i32
      %dma_start3A_277 = tpu.memref_slice %arg7[%add3A_202, %dma_start3A_276] : memref<10240x128xf32, #tpu.memory_space<vmem_shared>> -> memref<80x128xf32, #tpu.memory_space<vmem_shared>>
      tpu.enqueue_dma source(%dma_start3A_277 : memref<80x128xf32, #tpu.memory_space<vmem_shared>>) target(%arg10 : memref<80x128xf32, #tpu.memory_space<vmem>>) target_semaphore(%run_scoped3A_273 : memref<!tpu.dma_semaphore, #tpu.memory_space<semaphore_mem>>)
      %dma_wait3A_278 = arith.constant 0 : i32
      %dma_wait3A_279 = tpu.memref_slice %arg7[%add3A_202, %dma_wait3A_278] : memref<10240x128xf32, #tpu.memory_space<vmem_shared>> -> memref<80x128xf32, #tpu.memory_space<vmem_shared>>
      %dma_wait3A_280 = arith.constant 0 : i32
      %dma_wait3A_281 = tpu.memref_slice %arg7[%add3A_202, %dma_wait3A_280] : memref<10240x128xf32, #tpu.memory_space<vmem_shared>> -> memref<80x128xf32, #tpu.memory_space<vmem_shared>>
      tpu.wait_dma2 semaphore(%run_scoped3A_273 : memref<!tpu.dma_semaphore, #tpu.memory_space<semaphore_mem>>) src(%dma_wait3A_281 : memref<80x128xf32, #tpu.memory_space<vmem_shared>>) dst(%arg10 : memref<80x128xf32, #tpu.memory_space<vmem>>)
      tpu.yield
    }) : () -> ()
    %mul3A_203 = arith.constant 10240 : i32
    %mul3A_204 = arith.muli %arg0, %mul3A_203 : i32
    %add3A_205 = arith.addi %mul3A_204, %add3A_202 : i32
    %dma_start3A_206 = arith.constant 0 : i32
    %dma_start3A_207 = tpu.memref_slice %arg6[%add3A_205, %dma_start3A_206] : memref<20480x128xf32, #tpu.memory_space<hbm>> -> memref<80x128xf32, #tpu.memory_space<hbm>>
    %dma_start3A_208 = arith.constant 0 : i32
    %dma_start3A_209 = tpu.memref_slice %arg6[%add3A_205, %dma_start3A_208] : memref<20480x128xf32, #tpu.memory_space<hbm>> -> memref<80x128xf32, #tpu.memory_space<hbm>>
    tpu.enqueue_dma source(%arg10 : memref<80x128xf32, #tpu.memory_space<vmem>>) target(%dma_start3A_209 : memref<80x128xf32, #tpu.memory_space<hbm>>) target_semaphore(%arg14 : memref<!tpu.dma_semaphore, #tpu.memory_space<semaphore_mem>>)
    %mul3A_210 = arith.constant 10240 : i32
    %mul3A_211 = arith.muli %arg0, %mul3A_210 : i32
    %dma_wait3A_212 = arith.constant 0 : i32
    %dma_wait3A_213 = tpu.memref_slice %arg6[%mul3A_211, %dma_wait3A_212] : memref<20480x128xf32, #tpu.memory_space<hbm>> -> memref<80x128xf32, #tpu.memory_space<hbm>>
    %dma_wait3A_214 = arith.constant 0 : i32
    %dma_wait3A_215 = tpu.memref_slice %arg6[%mul3A_211, %dma_wait3A_214] : memref<20480x128xf32, #tpu.memory_space<hbm>> -> memref<80x128xf32, #tpu.memory_space<hbm>>
    tpu.wait_dma2 semaphore(%arg14 : memref<!tpu.dma_semaphore, #tpu.memory_space<semaphore_mem>>) src(%arg11 : memref<80x128xf32, #tpu.memory_space<vmem>>) dst(%dma_wait3A_215 : memref<80x128xf32, #tpu.memory_space<hbm>>)
    %mul3A_216 = arith.constant 640 : i32
    %mul3A_217 = arith.muli %arg1, %mul3A_216 : i32
    %add3A_218 = arith.constant 400 : i32
    %add3A_219 = arith.addi %mul3A_217, %add3A_218 : i32
    "tpu.region"() ({
      %run_scoped3A_273 = tpu.sem_alloc : memref<!tpu.dma_semaphore, #tpu.memory_space<semaphore_mem>>
      %dma_start3A_274 = arith.constant 0 : i32
      %dma_start3A_275 = tpu.memref_slice %arg7[%add3A_219, %dma_start3A_274] : memref<10240x128xf32, #tpu.memory_space<vmem_shared>> -> memref<80x128xf32, #tpu.memory_space<vmem_shared>>
      %dma_start3A_276 = arith.constant 0 : i32
      %dma_start3A_277 = tpu.memref_slice %arg7[%add3A_219, %dma_start3A_276] : memref<10240x128xf32, #tpu.memory_space<vmem_shared>> -> memref<80x128xf32, #tpu.memory_space<vmem_shared>>
      tpu.enqueue_dma source(%dma_start3A_277 : memref<80x128xf32, #tpu.memory_space<vmem_shared>>) target(%arg11 : memref<80x128xf32, #tpu.memory_space<vmem>>) target_semaphore(%run_scoped3A_273 : memref<!tpu.dma_semaphore, #tpu.memory_space<semaphore_mem>>)
      %dma_wait3A_278 = arith.constant 0 : i32
      %dma_wait3A_279 = tpu.memref_slice %arg7[%add3A_219, %dma_wait3A_278] : memref<10240x128xf32, #tpu.memory_space<vmem_shared>> -> memref<80x128xf32, #tpu.memory_space<vmem_shared>>
      %dma_wait3A_280 = arith.constant 0 : i32
      %dma_wait3A_281 = tpu.memref_slice %arg7[%add3A_219, %dma_wait3A_280] : memref<10240x128xf32, #tpu.memory_space<vmem_shared>> -> memref<80x128xf32, #tpu.memory_space<vmem_shared>>
      tpu.wait_dma2 semaphore(%run_scoped3A_273 : memref<!tpu.dma_semaphore, #tpu.memory_space<semaphore_mem>>) src(%dma_wait3A_281 : memref<80x128xf32, #tpu.memory_space<vmem_shared>>) dst(%arg11 : memref<80x128xf32, #tpu.memory_space<vmem>>)
      tpu.yield
    }) : () -> ()
    %mul3A_220 = arith.constant 10240 : i32
    %mul3A_221 = arith.muli %arg0, %mul3A_220 : i32
    %add3A_222 = arith.addi %mul3A_221, %add3A_219 : i32
    %dma_start3A_223 = arith.constant 0 : i32
    %dma_start3A_224 = tpu.memref_slice %arg6[%add3A_222, %dma_start3A_223] : memref<20480x128xf32, #tpu.memory_space<hbm>> -> memref<80x128xf32, #tpu.memory_space<hbm>>
    %dma_start3A_225 = arith.constant 0 : i32
    %dma_start3A_226 = tpu.memref_slice %arg6[%add3A_222, %dma_start3A_225] : memref<20480x128xf32, #tpu.memory_space<hbm>> -> memref<80x128xf32, #tpu.memory_space<hbm>>
    tpu.enqueue_dma source(%arg11 : memref<80x128xf32, #tpu.memory_space<vmem>>) target(%dma_start3A_226 : memref<80x128xf32, #tpu.memory_space<hbm>>) target_semaphore(%arg14 : memref<!tpu.dma_semaphore, #tpu.memory_space<semaphore_mem>>)
    %mul3A_227 = arith.constant 10240 : i32
    %mul3A_228 = arith.muli %arg0, %mul3A_227 : i32
    %dma_wait3A_229 = arith.constant 0 : i32
    %dma_wait3A_230 = tpu.memref_slice %arg6[%mul3A_228, %dma_wait3A_229] : memref<20480x128xf32, #tpu.memory_space<hbm>> -> memref<80x128xf32, #tpu.memory_space<hbm>>
    %dma_wait3A_231 = arith.constant 0 : i32
    %dma_wait3A_232 = tpu.memref_slice %arg6[%mul3A_228, %dma_wait3A_231] : memref<20480x128xf32, #tpu.memory_space<hbm>> -> memref<80x128xf32, #tpu.memory_space<hbm>>
    tpu.wait_dma2 semaphore(%arg14 : memref<!tpu.dma_semaphore, #tpu.memory_space<semaphore_mem>>) src(%arg10 : memref<80x128xf32, #tpu.memory_space<vmem>>) dst(%dma_wait3A_232 : memref<80x128xf32, #tpu.memory_space<hbm>>)
    %mul3A_233 = arith.constant 640 : i32
    %mul3A_234 = arith.muli %arg1, %mul3A_233 : i32
    %add3A_235 = arith.constant 480 : i32
    %add3A_236 = arith.addi %mul3A_234, %add3A_235 : i32
    "tpu.region"() ({
      %run_scoped3A_273 = tpu.sem_alloc : memref<!tpu.dma_semaphore, #tpu.memory_space<semaphore_mem>>
      %dma_start3A_274 = arith.constant 0 : i32
      %dma_start3A_275 = tpu.memref_slice %arg7[%add3A_236, %dma_start3A_274] : memref<10240x128xf32, #tpu.memory_space<vmem_shared>> -> memref<80x128xf32, #tpu.memory_space<vmem_shared>>
      %dma_start3A_276 = arith.constant 0 : i32
      %dma_start3A_277 = tpu.memref_slice %arg7[%add3A_236, %dma_start3A_276] : memref<10240x128xf32, #tpu.memory_space<vmem_shared>> -> memref<80x128xf32, #tpu.memory_space<vmem_shared>>
      tpu.enqueue_dma source(%dma_start3A_277 : memref<80x128xf32, #tpu.memory_space<vmem_shared>>) target(%arg10 : memref<80x128xf32, #tpu.memory_space<vmem>>) target_semaphore(%run_scoped3A_273 : memref<!tpu.dma_semaphore, #tpu.memory_space<semaphore_mem>>)
      %dma_wait3A_278 = arith.constant 0 : i32
      %dma_wait3A_279 = tpu.memref_slice %arg7[%add3A_236, %dma_wait3A_278] : memref<10240x128xf32, #tpu.memory_space<vmem_shared>> -> memref<80x128xf32, #tpu.memory_space<vmem_shared>>
      %dma_wait3A_280 = arith.constant 0 : i32
      %dma_wait3A_281 = tpu.memref_slice %arg7[%add3A_236, %dma_wait3A_280] : memref<10240x128xf32, #tpu.memory_space<vmem_shared>> -> memref<80x128xf32, #tpu.memory_space<vmem_shared>>
      tpu.wait_dma2 semaphore(%run_scoped3A_273 : memref<!tpu.dma_semaphore, #tpu.memory_space<semaphore_mem>>) src(%dma_wait3A_281 : memref<80x128xf32, #tpu.memory_space<vmem_shared>>) dst(%arg10 : memref<80x128xf32, #tpu.memory_space<vmem>>)
      tpu.yield
    }) : () -> ()
    %mul3A_237 = arith.constant 10240 : i32
    %mul3A_238 = arith.muli %arg0, %mul3A_237 : i32
    %add3A_239 = arith.addi %mul3A_238, %add3A_236 : i32
    %dma_start3A_240 = arith.constant 0 : i32
    %dma_start3A_241 = tpu.memref_slice %arg6[%add3A_239, %dma_start3A_240] : memref<20480x128xf32, #tpu.memory_space<hbm>> -> memref<80x128xf32, #tpu.memory_space<hbm>>
    %dma_start3A_242 = arith.constant 0 : i32
    %dma_start3A_243 = tpu.memref_slice %arg6[%add3A_239, %dma_start3A_242] : memref<20480x128xf32, #tpu.memory_space<hbm>> -> memref<80x128xf32, #tpu.memory_space<hbm>>
    tpu.enqueue_dma source(%arg10 : memref<80x128xf32, #tpu.memory_space<vmem>>) target(%dma_start3A_243 : memref<80x128xf32, #tpu.memory_space<hbm>>) target_semaphore(%arg14 : memref<!tpu.dma_semaphore, #tpu.memory_space<semaphore_mem>>)
    %mul3A_244 = arith.constant 10240 : i32
    %mul3A_245 = arith.muli %arg0, %mul3A_244 : i32
    %dma_wait3A_246 = arith.constant 0 : i32
    %dma_wait3A_247 = tpu.memref_slice %arg6[%mul3A_245, %dma_wait3A_246] : memref<20480x128xf32, #tpu.memory_space<hbm>> -> memref<80x128xf32, #tpu.memory_space<hbm>>
    %dma_wait3A_248 = arith.constant 0 : i32
    %dma_wait3A_249 = tpu.memref_slice %arg6[%mul3A_245, %dma_wait3A_248] : memref<20480x128xf32, #tpu.memory_space<hbm>> -> memref<80x128xf32, #tpu.memory_space<hbm>>
    tpu.wait_dma2 semaphore(%arg14 : memref<!tpu.dma_semaphore, #tpu.memory_space<semaphore_mem>>) src(%arg11 : memref<80x128xf32, #tpu.memory_space<vmem>>) dst(%dma_wait3A_249 : memref<80x128xf32, #tpu.memory_space<hbm>>)
    %mul3A_250 = arith.constant 640 : i32
    %mul3A_251 = arith.muli %arg1, %mul3A_250 : i32
    %add3A_252 = arith.constant 560 : i32
    %add3A_253 = arith.addi %mul3A_251, %add3A_252 : i32
    "tpu.region"() ({
      %run_scoped3A_273 = tpu.sem_alloc : memref<!tpu.dma_semaphore, #tpu.memory_space<semaphore_mem>>
      %dma_start3A_274 = arith.constant 0 : i32
      %dma_start3A_275 = tpu.memref_slice %arg7[%add3A_253, %dma_start3A_274] : memref<10240x128xf32, #tpu.memory_space<vmem_shared>> -> memref<80x128xf32, #tpu.memory_space<vmem_shared>>
      %dma_start3A_276 = arith.constant 0 : i32
      %dma_start3A_277 = tpu.memref_slice %arg7[%add3A_253, %dma_start3A_276] : memref<10240x128xf32, #tpu.memory_space<vmem_shared>> -> memref<80x128xf32, #tpu.memory_space<vmem_shared>>
      tpu.enqueue_dma source(%dma_start3A_277 : memref<80x128xf32, #tpu.memory_space<vmem_shared>>) target(%arg11 : memref<80x128xf32, #tpu.memory_space<vmem>>) target_semaphore(%run_scoped3A_273 : memref<!tpu.dma_semaphore, #tpu.memory_space<semaphore_mem>>)
      %dma_wait3A_278 = arith.constant 0 : i32
      %dma_wait3A_279 = tpu.memref_slice %arg7[%add3A_253, %dma_wait3A_278] : memref<10240x128xf32, #tpu.memory_space<vmem_shared>> -> memref<80x128xf32, #tpu.memory_space<vmem_shared>>
      %dma_wait3A_280 = arith.constant 0 : i32
      %dma_wait3A_281 = tpu.memref_slice %arg7[%add3A_253, %dma_wait3A_280] : memref<10240x128xf32, #tpu.memory_space<vmem_shared>> -> memref<80x128xf32, #tpu.memory_space<vmem_shared>>
      tpu.wait_dma2 semaphore(%run_scoped3A_273 : memref<!tpu.dma_semaphore, #tpu.memory_space<semaphore_mem>>) src(%dma_wait3A_281 : memref<80x128xf32, #tpu.memory_space<vmem_shared>>) dst(%arg11 : memref<80x128xf32, #tpu.memory_space<vmem>>)
      tpu.yield
    }) : () -> ()
    %mul3A_254 = arith.constant 10240 : i32
    %mul3A_255 = arith.muli %arg0, %mul3A_254 : i32
    %add3A_256 = arith.addi %mul3A_255, %add3A_253 : i32
    %dma_start3A_257 = arith.constant 0 : i32
    %dma_start3A_258 = tpu.memref_slice %arg6[%add3A_256, %dma_start3A_257] : memref<20480x128xf32, #tpu.memory_space<hbm>> -> memref<80x128xf32, #tpu.memory_space<hbm>>
    %dma_start3A_259 = arith.constant 0 : i32
    %dma_start3A_260 = tpu.memref_slice %arg6[%add3A_256, %dma_start3A_259] : memref<20480x128xf32, #tpu.memory_space<hbm>> -> memref<80x128xf32, #tpu.memory_space<hbm>>
    tpu.enqueue_dma source(%arg11 : memref<80x128xf32, #tpu.memory_space<vmem>>) target(%dma_start3A_260 : memref<80x128xf32, #tpu.memory_space<hbm>>) target_semaphore(%arg14 : memref<!tpu.dma_semaphore, #tpu.memory_space<semaphore_mem>>)
    %mul3A_261 = arith.constant 10240 : i32
    %mul3A_262 = arith.muli %arg0, %mul3A_261 : i32
    %dma_wait3A_263 = arith.constant 0 : i32
    %dma_wait3A_264 = tpu.memref_slice %arg6[%mul3A_262, %dma_wait3A_263] : memref<20480x128xf32, #tpu.memory_space<hbm>> -> memref<80x128xf32, #tpu.memory_space<hbm>>
    %dma_wait3A_265 = arith.constant 0 : i32
    %dma_wait3A_266 = tpu.memref_slice %arg6[%mul3A_262, %dma_wait3A_265] : memref<20480x128xf32, #tpu.memory_space<hbm>> -> memref<80x128xf32, #tpu.memory_space<hbm>>
    tpu.wait_dma2 semaphore(%arg14 : memref<!tpu.dma_semaphore, #tpu.memory_space<semaphore_mem>>) src(%arg10 : memref<80x128xf32, #tpu.memory_space<vmem>>) dst(%dma_wait3A_266 : memref<80x128xf32, #tpu.memory_space<hbm>>)
    %mul3A_267 = arith.constant 10240 : i32
    %mul3A_268 = arith.muli %arg0, %mul3A_267 : i32
    %dma_wait3A_269 = arith.constant 0 : i32
    %dma_wait3A_270 = tpu.memref_slice %arg6[%mul3A_268, %dma_wait3A_269] : memref<20480x128xf32, #tpu.memory_space<hbm>> -> memref<80x128xf32, #tpu.memory_space<hbm>>
    %dma_wait3A_271 = arith.constant 0 : i32
    %dma_wait3A_272 = tpu.memref_slice %arg6[%mul3A_268, %dma_wait3A_271] : memref<20480x128xf32, #tpu.memory_space<hbm>> -> memref<80x128xf32, #tpu.memory_space<hbm>>
    tpu.wait_dma2 semaphore(%arg14 : memref<!tpu.dma_semaphore, #tpu.memory_space<semaphore_mem>>) src(%arg10 : memref<80x128xf32, #tpu.memory_space<vmem>>) dst(%dma_wait3A_272 : memref<80x128xf32, #tpu.memory_space<hbm>>)
    return
  }
}

module attributes {stable_mosaic.version = 14 : i64} {
  func.func @body(%arg0: i32, %arg1: memref<2x400x128xf32, #tpu.memory_space<vmem>>, %arg2: memref<400x2xf32, #tpu.memory_space<vmem>>, %arg3: memref<400x128xf32, #tpu.memory_space<vmem>>, %arg4: memref<128x128xf32, #tpu.memory_space<vmem>>, %arg5: memref<1x128xf32, #tpu.memory_space<vmem>>, %arg6: memref<128x128xf32, #tpu.memory_space<vmem>>, %arg7: memref<1x128xf32, #tpu.memory_space<vmem>>, %arg8: memref<400x128xf32, #tpu.memory_space<vmem>>, %arg9: memref<1x128xf32, #tpu.memory_space<vmem>>) attributes {dimension_semantics = [#tpu.dimension_semantics<arbitrary>], iteration_bounds = array<i64: 25>, scalar_prefetch = 0 : i64, scratch_operands = 0 : i64, tpu.core_type = #tpu.core_type<tc>, window_params = [{transform_indices = @transform_0, window_bounds = array<i64: 2, 400, 128>}, {transform_indices = @transform_1, window_bounds = array<i64: 400, 2>}, {transform_indices = @transform_2, window_bounds = array<i64: 400, 128>}, {pipeline_mode = #tpu.pipeline_mode<synchronous>, transform_indices = @transform_3, window_bounds = array<i64: 128, 128>}, {pipeline_mode = #tpu.pipeline_mode<synchronous>, transform_indices = @transform_4, window_bounds = array<i64: 1, 128>}, {pipeline_mode = #tpu.pipeline_mode<synchronous>, transform_indices = @transform_5, window_bounds = array<i64: 128, 128>}, {pipeline_mode = #tpu.pipeline_mode<synchronous>, transform_indices = @transform_6, window_bounds = array<i64: 1, 128>}, {transform_indices = @transform_7, window_bounds = array<i64: 400, 128>}, {pipeline_mode = #tpu.pipeline_mode<synchronous>, transform_indices = @transform_8, window_bounds = array<i64: 1, 128>}]} {
    %get3A = arith.constant 0 : index
    %get3A_0 = arith.constant 0 : index
    %get3A_1 = arith.constant 0 : index
    %get3A_2 = vector.load %arg1[%get3A, %get3A_0, %get3A_1] : memref<2x400x128xf32, #tpu.memory_space<vmem>>, vector<1x400x128xf32>
    %get3A_3 = vector.shape_cast %get3A_2 : vector<1x400x128xf32> to vector<400x128xf32>
    %get3A_4 = arith.constant 1 : index
    %get3A_5 = arith.constant 0 : index
    %get3A_6 = arith.constant 0 : index
    %get3A_7 = vector.load %arg1[%get3A_4, %get3A_5, %get3A_6] : memref<2x400x128xf32, #tpu.memory_space<vmem>>, vector<1x400x128xf32>
    %get3A_8 = vector.shape_cast %get3A_7 : vector<1x400x128xf32> to vector<400x128xf32>
    %add3A = arith.addf %get3A_3, %get3A_8 : vector<400x128xf32>
    %get3A_9 = arith.constant 0 : index
    %get3A_10 = arith.constant 0 : index
    %get3A_11 = vector.load %arg2[%get3A_9, %get3A_10] : memref<400x2xf32, #tpu.memory_space<vmem>>, vector<400x2xf32>
    %slice3A = vector.extract_strided_slice %get3A_11 {offsets = [0, 0], sizes = [400, 1], strides = [1, 1]} : vector<400x2xf32> to vector<400x1xf32>
    %slice3A_12 = vector.extract_strided_slice %get3A_11 {offsets = [0, 1], sizes = [400, 1], strides = [1, 1]} : vector<400x2xf32> to vector<400x1xf32>
    %add3A_13 = arith.addf %slice3A, %slice3A_12 : vector<400x1xf32>
    %max3A = arith.constant 1.000000e+00 : f32
    %max3A_14 = vector.broadcast %max3A : f32 to vector<400x1xf32>
    %max3A_15 = arith.maximumf %add3A_13, %max3A_14 : vector<400x1xf32>
    %div3A = vector.broadcast %max3A_15 : vector<400x1xf32> to vector<400x128xf32>
    %div3A_16 = arith.divf %add3A, %div3A : vector<400x128xf32>
    %get3A_17 = arith.constant 0 : index
    %get3A_18 = arith.constant 0 : index
    %get3A_19 = vector.load %arg4[%get3A_17, %get3A_18] : memref<128x128xf32, #tpu.memory_space<vmem>>, vector<128x128xf32>
    %dot_general3A = arith.constant dense<0.000000e+00> : vector<400x128xf32>
    %dot_general3A_20 = tpu.matmul %div3A_16, %get3A_19, %dot_general3A {dimension_numbers = #tpu.dot_dimension_numbers<[1], [0], [0], [1], [0, 0, 1, 1], [], []>, transpose_lhs_hint = false} : vector<400x128xf32>, vector<128x128xf32>, vector<400x128xf32> -> vector<400x128xf32>
    %get3A_21 = arith.constant 0 : index
    %get3A_22 = arith.constant 0 : index
    %get3A_23 = vector.load %arg5[%get3A_21, %get3A_22] : memref<1x128xf32, #tpu.memory_space<vmem>>, vector<1x128xf32>
    %add3A_24 = vector.broadcast %get3A_23 : vector<1x128xf32> to vector<400x128xf32>
    %add3A_25 = arith.addf %dot_general3A_20, %add3A_24 : vector<400x128xf32>
    %get3A_26 = arith.constant 0 : index
    %get3A_27 = arith.constant 0 : index
    %get3A_28 = vector.load %arg3[%get3A_26, %get3A_27] : memref<400x128xf32, #tpu.memory_space<vmem>>, vector<400x128xf32>
    %get3A_29 = arith.constant 0 : index
    %get3A_30 = arith.constant 0 : index
    %get3A_31 = vector.load %arg6[%get3A_29, %get3A_30] : memref<128x128xf32, #tpu.memory_space<vmem>>, vector<128x128xf32>
    %dot_general3A_32 = arith.constant dense<0.000000e+00> : vector<400x128xf32>
    %dot_general3A_33 = tpu.matmul %get3A_28, %get3A_31, %dot_general3A_32 {dimension_numbers = #tpu.dot_dimension_numbers<[1], [0], [0], [1], [0, 0, 1, 1], [], []>, transpose_lhs_hint = false} : vector<400x128xf32>, vector<128x128xf32>, vector<400x128xf32> -> vector<400x128xf32>
    %add3A_34 = arith.addf %add3A_25, %dot_general3A_33 : vector<400x128xf32>
    %mul3A = arith.mulf %add3A_34, %add3A_34 : vector<400x128xf32>
    %reduce_sum3A = arith.constant dense<0.000000e+00> : vector<400xf32>
    %reduce_sum3A_35 = vector.multi_reduction <add>, %mul3A, %reduce_sum3A [1] : vector<400x128xf32> to vector<400xf32>
    %broadcast_in_dim3A = vector.shape_cast %reduce_sum3A_35 : vector<400xf32> to vector<400x1xf32>
    %sqrt3A = math.sqrt %broadcast_in_dim3A : vector<400x1xf32>
    %max3A_36 = arith.constant 9.99999996E-13 : f32
    %max3A_37 = vector.broadcast %max3A_36 : f32 to vector<400x1xf32>
    %max3A_38 = arith.maximumf %sqrt3A, %max3A_37 : vector<400x1xf32>
    %div3A_39 = vector.broadcast %max3A_38 : vector<400x1xf32> to vector<400x128xf32>
    %div3A_40 = arith.divf %add3A_34, %div3A_39 : vector<400x128xf32>
    %ge3A = arith.constant 0.000000e+00 : f32
    %ge3A_41 = vector.broadcast %ge3A : f32 to vector<400x128xf32>
    %ge3A_42 = arith.cmpf oge, %div3A_40, %ge3A_41 : vector<400x128xf32>
    %get3A_43 = arith.constant 0 : index
    %get3A_44 = arith.constant 0 : index
    %get3A_45 = vector.load %arg7[%get3A_43, %get3A_44] : memref<1x128xf32, #tpu.memory_space<vmem>>, vector<1x128xf32>
    %mul3A_46 = vector.broadcast %get3A_45 : vector<1x128xf32> to vector<400x128xf32>
    %mul3A_47 = arith.mulf %mul3A_46, %div3A_40 : vector<400x128xf32>
    %select_n3A = arith.select %ge3A_42, %div3A_40, %mul3A_47 : vector<400x128xi1>, vector<400x128xf32>
    %swap3A = arith.constant 0 : index
    %swap3A_48 = arith.constant 0 : index
    %swap3A_49 = vector.load %arg8[%swap3A, %swap3A_48] : memref<400x128xf32, #tpu.memory_space<vmem>>, vector<400x128xf32>
    tpu.vector_store %arg8[%swap3A, %swap3A_48], %select_n3A {strides = array<i32>} : memref<400x128xf32, #tpu.memory_space<vmem>>, vector<400x128xf32>,
    %eq3A = arith.constant 0 : i32
    %eq3A_50 = arith.cmpi eq, %arg0, %eq3A : i32
    %convert_element_type3A = arith.extui %eq3A_50 : i1 to i32
    %cond3A = arith.constant 0 : i32
    %cond3A_51 = arith.cmpi ne, %convert_element_type3A, %cond3A : i32
    scf.if %cond3A_51 {
      %broadcast_in_dim3A_62 = arith.constant 0.000000e+00 : f32
      %broadcast_in_dim3A_63 = vector.broadcast %broadcast_in_dim3A_62 : f32 to vector<1x128xf32>
      %swap3A_64 = arith.constant 0 : index
      %swap3A_65 = arith.constant 0 : index
      %swap3A_66 = vector.load %arg9[%swap3A_64, %swap3A_65] : memref<1x128xf32, #tpu.memory_space<vmem>>, vector<1x128xf32>
      tpu.vector_store %arg9[%swap3A_64, %swap3A_65], %broadcast_in_dim3A_63 {strides = array<i32>} : memref<1x128xf32, #tpu.memory_space<vmem>>, vector<1x128xf32>,
    } else {
    }
    %get3A_52 = arith.constant 0 : index
    %get3A_53 = arith.constant 0 : index
    %get3A_54 = vector.load %arg9[%get3A_52, %get3A_53] : memref<1x128xf32, #tpu.memory_space<vmem>>, vector<1x128xf32>
    %reduce_sum3A_55 = arith.constant dense<0.000000e+00> : vector<128xf32>
    %reduce_sum3A_56 = vector.multi_reduction <add>, %select_n3A, %reduce_sum3A_55 [0] : vector<400x128xf32> to vector<128xf32>
    %broadcast_in_dim3A_57 = vector.shape_cast %reduce_sum3A_56 : vector<128xf32> to vector<1x128xf32>
    %add3A_58 = arith.addf %get3A_54, %broadcast_in_dim3A_57 : vector<1x128xf32>
    %swap3A_59 = arith.constant 0 : index
    %swap3A_60 = arith.constant 0 : index
    %swap3A_61 = vector.load %arg9[%swap3A_59, %swap3A_60] : memref<1x128xf32, #tpu.memory_space<vmem>>, vector<1x128xf32>
    tpu.vector_store %arg9[%swap3A_59, %swap3A_60], %add3A_58 {strides = array<i32>} : memref<1x128xf32, #tpu.memory_space<vmem>>, vector<1x128xf32>,
    return
  }
  func.func @transform_0(%arg0: i32) -> (i32, i32, i32) {
    %c0_i32 = arith.constant 0 : i32
    %c0_i32_0 = arith.constant 0 : i32
    %c0_i32_1 = arith.constant 0 : i32
    return %c0_i32, %arg0, %c0_i32_0 : i32, i32, i32
  }
  func.func @transform_1(%arg0: i32) -> (i32, i32) {
    %c0_i32 = arith.constant 0 : i32
    %c0_i32_0 = arith.constant 0 : i32
    return %arg0, %c0_i32 : i32, i32
  }
  func.func @transform_2(%arg0: i32) -> (i32, i32) {
    %c0_i32 = arith.constant 0 : i32
    %c0_i32_0 = arith.constant 0 : i32
    return %arg0, %c0_i32 : i32, i32
  }
  func.func @transform_3(%arg0: i32) -> (i32, i32) {
    %c0_i32 = arith.constant 0 : i32
    %c0_i32_0 = arith.constant 0 : i32
    %c0_i32_1 = arith.constant 0 : i32
    return %c0_i32, %c0_i32_0 : i32, i32
  }
  func.func @transform_4(%arg0: i32) -> (i32, i32) {
    %c0_i32 = arith.constant 0 : i32
    %c0_i32_0 = arith.constant 0 : i32
    %c0_i32_1 = arith.constant 0 : i32
    return %c0_i32, %c0_i32_0 : i32, i32
  }
  func.func @transform_5(%arg0: i32) -> (i32, i32) {
    %c0_i32 = arith.constant 0 : i32
    %c0_i32_0 = arith.constant 0 : i32
    %c0_i32_1 = arith.constant 0 : i32
    return %c0_i32, %c0_i32_0 : i32, i32
  }
  func.func @transform_6(%arg0: i32) -> (i32, i32) {
    %c0_i32 = arith.constant 0 : i32
    %c0_i32_0 = arith.constant 0 : i32
    %c0_i32_1 = arith.constant 0 : i32
    return %c0_i32, %c0_i32_0 : i32, i32
  }
  func.func @transform_7(%arg0: i32) -> (i32, i32) {
    %c0_i32 = arith.constant 0 : i32
    %c0_i32_0 = arith.constant 0 : i32
    return %arg0, %c0_i32 : i32, i32
  }
  func.func @transform_8(%arg0: i32) -> (i32, i32) {
    %c0_i32 = arith.constant 0 : i32
    %c0_i32_0 = arith.constant 0 : i32
    %c0_i32_1 = arith.constant 0 : i32
    return %c0_i32, %c0_i32_0 : i32, i32
  }
}

module attributes {stable_mosaic.version = 14 : i64} {
  func.func @body(%arg0: i32, %arg1: memref<2x400x128xf32, #tpu.memory_space<vmem>>, %arg2: memref<400x2xf32, #tpu.memory_space<vmem>>, %arg3: memref<400x128xf32, #tpu.memory_space<vmem>>, %arg4: memref<128x128xf32, #tpu.memory_space<vmem>>, %arg5: memref<1x128xf32, #tpu.memory_space<vmem>>, %arg6: memref<128x128xf32, #tpu.memory_space<vmem>>, %arg7: memref<1x128xf32, #tpu.memory_space<vmem>>, %arg8: memref<400x128xf32, #tpu.memory_space<vmem>>, %arg9: memref<1x128xf32, #tpu.memory_space<vmem>>) attributes {dimension_semantics = [#tpu.dimension_semantics<arbitrary>], iteration_bounds = array<i64: 25>, scalar_prefetch = 0 : i64, scratch_operands = 0 : i64, tpu.core_type = #tpu.core_type<tc>, window_params = [{transform_indices = @transform_0, window_bounds = array<i64: 2, 400, 128>}, {transform_indices = @transform_1, window_bounds = array<i64: 400, 2>}, {transform_indices = @transform_2, window_bounds = array<i64: 400, 128>}, {pipeline_mode = #tpu.pipeline_mode<synchronous>, transform_indices = @transform_3, window_bounds = array<i64: 128, 128>}, {pipeline_mode = #tpu.pipeline_mode<synchronous>, transform_indices = @transform_4, window_bounds = array<i64: 1, 128>}, {pipeline_mode = #tpu.pipeline_mode<synchronous>, transform_indices = @transform_5, window_bounds = array<i64: 128, 128>}, {pipeline_mode = #tpu.pipeline_mode<synchronous>, transform_indices = @transform_6, window_bounds = array<i64: 1, 128>}, {transform_indices = @transform_7, window_bounds = array<i64: 400, 128>}, {pipeline_mode = #tpu.pipeline_mode<synchronous>, transform_indices = @transform_8, window_bounds = array<i64: 1, 128>}]} {
    %get3A = arith.constant 0 : index
    %get3A_0 = arith.constant 0 : index
    %get3A_1 = arith.constant 0 : index
    %get3A_2 = vector.load %arg1[%get3A, %get3A_0, %get3A_1] : memref<2x400x128xf32, #tpu.memory_space<vmem>>, vector<1x400x128xf32>
    %get3A_3 = vector.shape_cast %get3A_2 : vector<1x400x128xf32> to vector<400x128xf32>
    %get3A_4 = arith.constant 1 : index
    %get3A_5 = arith.constant 0 : index
    %get3A_6 = arith.constant 0 : index
    %get3A_7 = vector.load %arg1[%get3A_4, %get3A_5, %get3A_6] : memref<2x400x128xf32, #tpu.memory_space<vmem>>, vector<1x400x128xf32>
    %get3A_8 = vector.shape_cast %get3A_7 : vector<1x400x128xf32> to vector<400x128xf32>
    %add3A = arith.addf %get3A_3, %get3A_8 : vector<400x128xf32>
    %get3A_9 = arith.constant 0 : index
    %get3A_10 = arith.constant 0 : index
    %get3A_11 = vector.load %arg2[%get3A_9, %get3A_10] : memref<400x2xf32, #tpu.memory_space<vmem>>, vector<400x2xf32>
    %slice3A = vector.extract_strided_slice %get3A_11 {offsets = [0, 0], sizes = [400, 1], strides = [1, 1]} : vector<400x2xf32> to vector<400x1xf32>
    %slice3A_12 = vector.extract_strided_slice %get3A_11 {offsets = [0, 1], sizes = [400, 1], strides = [1, 1]} : vector<400x2xf32> to vector<400x1xf32>
    %add3A_13 = arith.addf %slice3A, %slice3A_12 : vector<400x1xf32>
    %max3A = arith.constant 1.000000e+00 : f32
    %max3A_14 = vector.broadcast %max3A : f32 to vector<400x1xf32>
    %max3A_15 = arith.maximumf %add3A_13, %max3A_14 : vector<400x1xf32>
    %div3A = vector.broadcast %max3A_15 : vector<400x1xf32> to vector<400x128xf32>
    %div3A_16 = arith.divf %add3A, %div3A : vector<400x128xf32>
    %get3A_17 = arith.constant 0 : index
    %get3A_18 = arith.constant 0 : index
    %get3A_19 = vector.load %arg4[%get3A_17, %get3A_18] : memref<128x128xf32, #tpu.memory_space<vmem>>, vector<128x128xf32>
    %dot_general3A = arith.constant dense<0.000000e+00> : vector<400x128xf32>
    %dot_general3A_20 = tpu.matmul %div3A_16, %get3A_19, %dot_general3A {dimension_numbers = #tpu.dot_dimension_numbers<[1], [0], [0], [1], [0, 0, 1, 1], [], []>, transpose_lhs_hint = false} : vector<400x128xf32>, vector<128x128xf32>, vector<400x128xf32> -> vector<400x128xf32>
    %get3A_21 = arith.constant 0 : index
    %get3A_22 = arith.constant 0 : index
    %get3A_23 = vector.load %arg5[%get3A_21, %get3A_22] : memref<1x128xf32, #tpu.memory_space<vmem>>, vector<1x128xf32>
    %add3A_24 = vector.broadcast %get3A_23 : vector<1x128xf32> to vector<400x128xf32>
    %add3A_25 = arith.addf %dot_general3A_20, %add3A_24 : vector<400x128xf32>
    %get3A_26 = arith.constant 0 : index
    %get3A_27 = arith.constant 0 : index
    %get3A_28 = vector.load %arg3[%get3A_26, %get3A_27] : memref<400x128xf32, #tpu.memory_space<vmem>>, vector<400x128xf32>
    %get3A_29 = arith.constant 0 : index
    %get3A_30 = arith.constant 0 : index
    %get3A_31 = vector.load %arg6[%get3A_29, %get3A_30] : memref<128x128xf32, #tpu.memory_space<vmem>>, vector<128x128xf32>
    %dot_general3A_32 = arith.constant dense<0.000000e+00> : vector<400x128xf32>
    %dot_general3A_33 = tpu.matmul %get3A_28, %get3A_31, %dot_general3A_32 {dimension_numbers = #tpu.dot_dimension_numbers<[1], [0], [0], [1], [0, 0, 1, 1], [], []>, transpose_lhs_hint = false} : vector<400x128xf32>, vector<128x128xf32>, vector<400x128xf32> -> vector<400x128xf32>
    %add3A_34 = arith.addf %add3A_25, %dot_general3A_33 : vector<400x128xf32>
    %mul3A = arith.mulf %add3A_34, %add3A_34 : vector<400x128xf32>
    %reduce_sum3A = arith.constant dense<0.000000e+00> : vector<400xf32>
    %reduce_sum3A_35 = vector.multi_reduction <add>, %mul3A, %reduce_sum3A [1] : vector<400x128xf32> to vector<400xf32>
    %broadcast_in_dim3A = vector.shape_cast %reduce_sum3A_35 : vector<400xf32> to vector<400x1xf32>
    %sqrt3A = math.sqrt %broadcast_in_dim3A : vector<400x1xf32>
    %max3A_36 = arith.constant 9.99999996E-13 : f32
    %max3A_37 = vector.broadcast %max3A_36 : f32 to vector<400x1xf32>
    %max3A_38 = arith.maximumf %sqrt3A, %max3A_37 : vector<400x1xf32>
    %div3A_39 = vector.broadcast %max3A_38 : vector<400x1xf32> to vector<400x128xf32>
    %div3A_40 = arith.divf %add3A_34, %div3A_39 : vector<400x128xf32>
    %ge3A = arith.constant 0.000000e+00 : f32
    %ge3A_41 = vector.broadcast %ge3A : f32 to vector<400x128xf32>
    %ge3A_42 = arith.cmpf oge, %div3A_40, %ge3A_41 : vector<400x128xf32>
    %get3A_43 = arith.constant 0 : index
    %get3A_44 = arith.constant 0 : index
    %get3A_45 = vector.load %arg7[%get3A_43, %get3A_44] : memref<1x128xf32, #tpu.memory_space<vmem>>, vector<1x128xf32>
    %mul3A_46 = vector.broadcast %get3A_45 : vector<1x128xf32> to vector<400x128xf32>
    %mul3A_47 = arith.mulf %mul3A_46, %div3A_40 : vector<400x128xf32>
    %select_n3A = arith.select %ge3A_42, %div3A_40, %mul3A_47 : vector<400x128xi1>, vector<400x128xf32>
    %swap3A = arith.constant 0 : index
    %swap3A_48 = arith.constant 0 : index
    %swap3A_49 = vector.load %arg8[%swap3A, %swap3A_48] : memref<400x128xf32, #tpu.memory_space<vmem>>, vector<400x128xf32>
    tpu.vector_store %arg8[%swap3A, %swap3A_48], %select_n3A {strides = array<i32>} : memref<400x128xf32, #tpu.memory_space<vmem>>, vector<400x128xf32>,
    %eq3A = arith.constant 0 : i32
    %eq3A_50 = arith.cmpi eq, %arg0, %eq3A : i32
    %convert_element_type3A = arith.extui %eq3A_50 : i1 to i32
    %cond3A = arith.constant 0 : i32
    %cond3A_51 = arith.cmpi ne, %convert_element_type3A, %cond3A : i32
    scf.if %cond3A_51 {
      %broadcast_in_dim3A_62 = arith.constant 0.000000e+00 : f32
      %broadcast_in_dim3A_63 = vector.broadcast %broadcast_in_dim3A_62 : f32 to vector<1x128xf32>
      %swap3A_64 = arith.constant 0 : index
      %swap3A_65 = arith.constant 0 : index
      %swap3A_66 = vector.load %arg9[%swap3A_64, %swap3A_65] : memref<1x128xf32, #tpu.memory_space<vmem>>, vector<1x128xf32>
      tpu.vector_store %arg9[%swap3A_64, %swap3A_65], %broadcast_in_dim3A_63 {strides = array<i32>} : memref<1x128xf32, #tpu.memory_space<vmem>>, vector<1x128xf32>,
    } else {
    }
    %get3A_52 = arith.constant 0 : index
    %get3A_53 = arith.constant 0 : index
    %get3A_54 = vector.load %arg9[%get3A_52, %get3A_53] : memref<1x128xf32, #tpu.memory_space<vmem>>, vector<1x128xf32>
    %reduce_sum3A_55 = arith.constant dense<0.000000e+00> : vector<128xf32>
    %reduce_sum3A_56 = vector.multi_reduction <add>, %select_n3A, %reduce_sum3A_55 [0] : vector<400x128xf32> to vector<128xf32>
    %broadcast_in_dim3A_57 = vector.shape_cast %reduce_sum3A_56 : vector<128xf32> to vector<1x128xf32>
    %add3A_58 = arith.addf %get3A_54, %broadcast_in_dim3A_57 : vector<1x128xf32>
    %swap3A_59 = arith.constant 0 : index
    %swap3A_60 = arith.constant 0 : index
    %swap3A_61 = vector.load %arg9[%swap3A_59, %swap3A_60] : memref<1x128xf32, #tpu.memory_space<vmem>>, vector<1x128xf32>
    tpu.vector_store %arg9[%swap3A_59, %swap3A_60], %add3A_58 {strides = array<i32>} : memref<1x128xf32, #tpu.memory_space<vmem>>, vector<1x128xf32>,
    return
  }
  func.func @transform_0(%arg0: i32) -> (i32, i32, i32) {
    %c0_i32 = arith.constant 0 : i32
    %c0_i32_0 = arith.constant 0 : i32
    %c0_i32_1 = arith.constant 0 : i32
    return %c0_i32, %arg0, %c0_i32_0 : i32, i32, i32
  }
  func.func @transform_1(%arg0: i32) -> (i32, i32) {
    %c0_i32 = arith.constant 0 : i32
    %c0_i32_0 = arith.constant 0 : i32
    return %arg0, %c0_i32 : i32, i32
  }
  func.func @transform_2(%arg0: i32) -> (i32, i32) {
    %c0_i32 = arith.constant 0 : i32
    %c0_i32_0 = arith.constant 0 : i32
    return %arg0, %c0_i32 : i32, i32
  }
  func.func @transform_3(%arg0: i32) -> (i32, i32) {
    %c0_i32 = arith.constant 0 : i32
    %c0_i32_0 = arith.constant 0 : i32
    %c0_i32_1 = arith.constant 0 : i32
    return %c0_i32, %c0_i32_0 : i32, i32
  }
  func.func @transform_4(%arg0: i32) -> (i32, i32) {
    %c0_i32 = arith.constant 0 : i32
    %c0_i32_0 = arith.constant 0 : i32
    %c0_i32_1 = arith.constant 0 : i32
    return %c0_i32, %c0_i32_0 : i32, i32
  }
  func.func @transform_5(%arg0: i32) -> (i32, i32) {
    %c0_i32 = arith.constant 0 : i32
    %c0_i32_0 = arith.constant 0 : i32
    %c0_i32_1 = arith.constant 0 : i32
    return %c0_i32, %c0_i32_0 : i32, i32
  }
  func.func @transform_6(%arg0: i32) -> (i32, i32) {
    %c0_i32 = arith.constant 0 : i32
    %c0_i32_0 = arith.constant 0 : i32
    %c0_i32_1 = arith.constant 0 : i32
    return %c0_i32, %c0_i32_0 : i32, i32
  }
  func.func @transform_7(%arg0: i32) -> (i32, i32) {
    %c0_i32 = arith.constant 0 : i32
    %c0_i32_0 = arith.constant 0 : i32
    return %arg0, %c0_i32 : i32, i32
  }
  func.func @transform_8(%arg0: i32) -> (i32, i32) {
    %c0_i32 = arith.constant 0 : i32
    %c0_i32_0 = arith.constant 0 : i32
    %c0_i32_1 = arith.constant 0 : i32
    return %c0_i32, %c0_i32_0 : i32, i32
  }
}

module attributes {stable_mosaic.version = 14 : i64} {
  func.func @body(%arg0: i32, %arg1: memref<2x400x128xf32, #tpu.memory_space<vmem>>, %arg2: memref<400x2xf32, #tpu.memory_space<vmem>>, %arg3: memref<400x128xf32, #tpu.memory_space<vmem>>, %arg4: memref<128x128xf32, #tpu.memory_space<vmem>>, %arg5: memref<1x128xf32, #tpu.memory_space<vmem>>, %arg6: memref<128x128xf32, #tpu.memory_space<vmem>>, %arg7: memref<1x128xf32, #tpu.memory_space<vmem>>, %arg8: memref<400x128xf32, #tpu.memory_space<vmem>>, %arg9: memref<1x128xf32, #tpu.memory_space<vmem>>) attributes {dimension_semantics = [#tpu.dimension_semantics<arbitrary>], iteration_bounds = array<i64: 25>, scalar_prefetch = 0 : i64, scratch_operands = 0 : i64, tpu.core_type = #tpu.core_type<tc>, window_params = [{transform_indices = @transform_0, window_bounds = array<i64: 2, 400, 128>}, {transform_indices = @transform_1, window_bounds = array<i64: 400, 2>}, {transform_indices = @transform_2, window_bounds = array<i64: 400, 128>}, {pipeline_mode = #tpu.pipeline_mode<synchronous>, transform_indices = @transform_3, window_bounds = array<i64: 128, 128>}, {pipeline_mode = #tpu.pipeline_mode<synchronous>, transform_indices = @transform_4, window_bounds = array<i64: 1, 128>}, {pipeline_mode = #tpu.pipeline_mode<synchronous>, transform_indices = @transform_5, window_bounds = array<i64: 128, 128>}, {pipeline_mode = #tpu.pipeline_mode<synchronous>, transform_indices = @transform_6, window_bounds = array<i64: 1, 128>}, {transform_indices = @transform_7, window_bounds = array<i64: 400, 128>}, {pipeline_mode = #tpu.pipeline_mode<synchronous>, transform_indices = @transform_8, window_bounds = array<i64: 1, 128>}]} {
    %get3A = arith.constant 0 : index
    %get3A_0 = arith.constant 0 : index
    %get3A_1 = arith.constant 0 : index
    %get3A_2 = vector.load %arg1[%get3A, %get3A_0, %get3A_1] : memref<2x400x128xf32, #tpu.memory_space<vmem>>, vector<1x400x128xf32>
    %get3A_3 = vector.shape_cast %get3A_2 : vector<1x400x128xf32> to vector<400x128xf32>
    %get3A_4 = arith.constant 1 : index
    %get3A_5 = arith.constant 0 : index
    %get3A_6 = arith.constant 0 : index
    %get3A_7 = vector.load %arg1[%get3A_4, %get3A_5, %get3A_6] : memref<2x400x128xf32, #tpu.memory_space<vmem>>, vector<1x400x128xf32>
    %get3A_8 = vector.shape_cast %get3A_7 : vector<1x400x128xf32> to vector<400x128xf32>
    %add3A = arith.addf %get3A_3, %get3A_8 : vector<400x128xf32>
    %get3A_9 = arith.constant 0 : index
    %get3A_10 = arith.constant 0 : index
    %get3A_11 = vector.load %arg2[%get3A_9, %get3A_10] : memref<400x2xf32, #tpu.memory_space<vmem>>, vector<400x2xf32>
    %slice3A = vector.extract_strided_slice %get3A_11 {offsets = [0, 0], sizes = [400, 1], strides = [1, 1]} : vector<400x2xf32> to vector<400x1xf32>
    %slice3A_12 = vector.extract_strided_slice %get3A_11 {offsets = [0, 1], sizes = [400, 1], strides = [1, 1]} : vector<400x2xf32> to vector<400x1xf32>
    %add3A_13 = arith.addf %slice3A, %slice3A_12 : vector<400x1xf32>
    %max3A = arith.constant 1.000000e+00 : f32
    %max3A_14 = vector.broadcast %max3A : f32 to vector<400x1xf32>
    %max3A_15 = arith.maximumf %add3A_13, %max3A_14 : vector<400x1xf32>
    %div3A = vector.broadcast %max3A_15 : vector<400x1xf32> to vector<400x128xf32>
    %div3A_16 = arith.divf %add3A, %div3A : vector<400x128xf32>
    %get3A_17 = arith.constant 0 : index
    %get3A_18 = arith.constant 0 : index
    %get3A_19 = vector.load %arg4[%get3A_17, %get3A_18] : memref<128x128xf32, #tpu.memory_space<vmem>>, vector<128x128xf32>
    %dot_general3A = arith.constant dense<0.000000e+00> : vector<400x128xf32>
    %dot_general3A_20 = tpu.matmul %div3A_16, %get3A_19, %dot_general3A {dimension_numbers = #tpu.dot_dimension_numbers<[1], [0], [0], [1], [0, 0, 1, 1], [], []>, transpose_lhs_hint = false} : vector<400x128xf32>, vector<128x128xf32>, vector<400x128xf32> -> vector<400x128xf32>
    %get3A_21 = arith.constant 0 : index
    %get3A_22 = arith.constant 0 : index
    %get3A_23 = vector.load %arg5[%get3A_21, %get3A_22] : memref<1x128xf32, #tpu.memory_space<vmem>>, vector<1x128xf32>
    %add3A_24 = vector.broadcast %get3A_23 : vector<1x128xf32> to vector<400x128xf32>
    %add3A_25 = arith.addf %dot_general3A_20, %add3A_24 : vector<400x128xf32>
    %get3A_26 = arith.constant 0 : index
    %get3A_27 = arith.constant 0 : index
    %get3A_28 = vector.load %arg3[%get3A_26, %get3A_27] : memref<400x128xf32, #tpu.memory_space<vmem>>, vector<400x128xf32>
    %get3A_29 = arith.constant 0 : index
    %get3A_30 = arith.constant 0 : index
    %get3A_31 = vector.load %arg6[%get3A_29, %get3A_30] : memref<128x128xf32, #tpu.memory_space<vmem>>, vector<128x128xf32>
    %dot_general3A_32 = arith.constant dense<0.000000e+00> : vector<400x128xf32>
    %dot_general3A_33 = tpu.matmul %get3A_28, %get3A_31, %dot_general3A_32 {dimension_numbers = #tpu.dot_dimension_numbers<[1], [0], [0], [1], [0, 0, 1, 1], [], []>, transpose_lhs_hint = false} : vector<400x128xf32>, vector<128x128xf32>, vector<400x128xf32> -> vector<400x128xf32>
    %add3A_34 = arith.addf %add3A_25, %dot_general3A_33 : vector<400x128xf32>
    %mul3A = arith.mulf %add3A_34, %add3A_34 : vector<400x128xf32>
    %reduce_sum3A = arith.constant dense<0.000000e+00> : vector<400xf32>
    %reduce_sum3A_35 = vector.multi_reduction <add>, %mul3A, %reduce_sum3A [1] : vector<400x128xf32> to vector<400xf32>
    %broadcast_in_dim3A = vector.shape_cast %reduce_sum3A_35 : vector<400xf32> to vector<400x1xf32>
    %sqrt3A = math.sqrt %broadcast_in_dim3A : vector<400x1xf32>
    %max3A_36 = arith.constant 9.99999996E-13 : f32
    %max3A_37 = vector.broadcast %max3A_36 : f32 to vector<400x1xf32>
    %max3A_38 = arith.maximumf %sqrt3A, %max3A_37 : vector<400x1xf32>
    %div3A_39 = vector.broadcast %max3A_38 : vector<400x1xf32> to vector<400x128xf32>
    %div3A_40 = arith.divf %add3A_34, %div3A_39 : vector<400x128xf32>
    %ge3A = arith.constant 0.000000e+00 : f32
    %ge3A_41 = vector.broadcast %ge3A : f32 to vector<400x128xf32>
    %ge3A_42 = arith.cmpf oge, %div3A_40, %ge3A_41 : vector<400x128xf32>
    %get3A_43 = arith.constant 0 : index
    %get3A_44 = arith.constant 0 : index
    %get3A_45 = vector.load %arg7[%get3A_43, %get3A_44] : memref<1x128xf32, #tpu.memory_space<vmem>>, vector<1x128xf32>
    %mul3A_46 = vector.broadcast %get3A_45 : vector<1x128xf32> to vector<400x128xf32>
    %mul3A_47 = arith.mulf %mul3A_46, %div3A_40 : vector<400x128xf32>
    %select_n3A = arith.select %ge3A_42, %div3A_40, %mul3A_47 : vector<400x128xi1>, vector<400x128xf32>
    %swap3A = arith.constant 0 : index
    %swap3A_48 = arith.constant 0 : index
    %swap3A_49 = vector.load %arg8[%swap3A, %swap3A_48] : memref<400x128xf32, #tpu.memory_space<vmem>>, vector<400x128xf32>
    tpu.vector_store %arg8[%swap3A, %swap3A_48], %select_n3A {strides = array<i32>} : memref<400x128xf32, #tpu.memory_space<vmem>>, vector<400x128xf32>,
    %eq3A = arith.constant 0 : i32
    %eq3A_50 = arith.cmpi eq, %arg0, %eq3A : i32
    %convert_element_type3A = arith.extui %eq3A_50 : i1 to i32
    %cond3A = arith.constant 0 : i32
    %cond3A_51 = arith.cmpi ne, %convert_element_type3A, %cond3A : i32
    scf.if %cond3A_51 {
      %broadcast_in_dim3A_62 = arith.constant 0.000000e+00 : f32
      %broadcast_in_dim3A_63 = vector.broadcast %broadcast_in_dim3A_62 : f32 to vector<1x128xf32>
      %swap3A_64 = arith.constant 0 : index
      %swap3A_65 = arith.constant 0 : index
      %swap3A_66 = vector.load %arg9[%swap3A_64, %swap3A_65] : memref<1x128xf32, #tpu.memory_space<vmem>>, vector<1x128xf32>
      tpu.vector_store %arg9[%swap3A_64, %swap3A_65], %broadcast_in_dim3A_63 {strides = array<i32>} : memref<1x128xf32, #tpu.memory_space<vmem>>, vector<1x128xf32>,
    } else {
    }
    %get3A_52 = arith.constant 0 : index
    %get3A_53 = arith.constant 0 : index
    %get3A_54 = vector.load %arg9[%get3A_52, %get3A_53] : memref<1x128xf32, #tpu.memory_space<vmem>>, vector<1x128xf32>
    %reduce_sum3A_55 = arith.constant dense<0.000000e+00> : vector<128xf32>
    %reduce_sum3A_56 = vector.multi_reduction <add>, %select_n3A, %reduce_sum3A_55 [0] : vector<400x128xf32> to vector<128xf32>
    %broadcast_in_dim3A_57 = vector.shape_cast %reduce_sum3A_56 : vector<128xf32> to vector<1x128xf32>
    %add3A_58 = arith.addf %get3A_54, %broadcast_in_dim3A_57 : vector<1x128xf32>
    %swap3A_59 = arith.constant 0 : index
    %swap3A_60 = arith.constant 0 : index
    %swap3A_61 = vector.load %arg9[%swap3A_59, %swap3A_60] : memref<1x128xf32, #tpu.memory_space<vmem>>, vector<1x128xf32>
    tpu.vector_store %arg9[%swap3A_59, %swap3A_60], %add3A_58 {strides = array<i32>} : memref<1x128xf32, #tpu.memory_space<vmem>>, vector<1x128xf32>,
    return
  }
  func.func @transform_0(%arg0: i32) -> (i32, i32, i32) {
    %c0_i32 = arith.constant 0 : i32
    %c0_i32_0 = arith.constant 0 : i32
    %c0_i32_1 = arith.constant 0 : i32
    return %c0_i32, %arg0, %c0_i32_0 : i32, i32, i32
  }
  func.func @transform_1(%arg0: i32) -> (i32, i32) {
    %c0_i32 = arith.constant 0 : i32
    %c0_i32_0 = arith.constant 0 : i32
    return %arg0, %c0_i32 : i32, i32
  }
  func.func @transform_2(%arg0: i32) -> (i32, i32) {
    %c0_i32 = arith.constant 0 : i32
    %c0_i32_0 = arith.constant 0 : i32
    return %arg0, %c0_i32 : i32, i32
  }
  func.func @transform_3(%arg0: i32) -> (i32, i32) {
    %c0_i32 = arith.constant 0 : i32
    %c0_i32_0 = arith.constant 0 : i32
    %c0_i32_1 = arith.constant 0 : i32
    return %c0_i32, %c0_i32_0 : i32, i32
  }
  func.func @transform_4(%arg0: i32) -> (i32, i32) {
    %c0_i32 = arith.constant 0 : i32
    %c0_i32_0 = arith.constant 0 : i32
    %c0_i32_1 = arith.constant 0 : i32
    return %c0_i32, %c0_i32_0 : i32, i32
  }
  func.func @transform_5(%arg0: i32) -> (i32, i32) {
    %c0_i32 = arith.constant 0 : i32
    %c0_i32_0 = arith.constant 0 : i32
    %c0_i32_1 = arith.constant 0 : i32
    return %c0_i32, %c0_i32_0 : i32, i32
  }
  func.func @transform_6(%arg0: i32) -> (i32, i32) {
    %c0_i32 = arith.constant 0 : i32
    %c0_i32_0 = arith.constant 0 : i32
    %c0_i32_1 = arith.constant 0 : i32
    return %c0_i32, %c0_i32_0 : i32, i32
  }
  func.func @transform_7(%arg0: i32) -> (i32, i32) {
    %c0_i32 = arith.constant 0 : i32
    %c0_i32_0 = arith.constant 0 : i32
    return %arg0, %c0_i32 : i32, i32
  }
  func.func @transform_8(%arg0: i32) -> (i32, i32) {
    %c0_i32 = arith.constant 0 : i32
    %c0_i32_0 = arith.constant 0 : i32
    %c0_i32_1 = arith.constant 0 : i32
    return %c0_i32, %c0_i32_0 : i32, i32
  }
}

module attributes {stable_mosaic.version = 14 : i64} {
  func.func @body(%arg0: i32, %arg1: memref<400x128xf32, #tpu.memory_space<vmem>>, %arg2: memref<400x128xf32, #tpu.memory_space<vmem>>, %arg3: memref<1x128xf32, #tpu.memory_space<vmem>>, %arg4: memref<128x128xf32, #tpu.memory_space<vmem>>, %arg5: memref<1x1xf32, #tpu.memory_space<vmem>>, %arg6: memref<1x1xf32, #tpu.memory_space<vmem>>) attributes {dimension_semantics = [#tpu.dimension_semantics<arbitrary>], iteration_bounds = array<i64: 25>, scalar_prefetch = 0 : i64, scratch_operands = 0 : i64, tpu.core_type = #tpu.core_type<tc>, window_params = [{transform_indices = @transform_0, window_bounds = array<i64: 400, 128>}, {transform_indices = @transform_1, window_bounds = array<i64: 400, 128>}, {pipeline_mode = #tpu.pipeline_mode<synchronous>, transform_indices = @transform_2, window_bounds = array<i64: 1, 128>}, {pipeline_mode = #tpu.pipeline_mode<synchronous>, transform_indices = @transform_3, window_bounds = array<i64: 128, 128>}, {pipeline_mode = #tpu.pipeline_mode<synchronous>, transform_indices = @transform_4, window_bounds = array<i64: 1, 1>}, {pipeline_mode = #tpu.pipeline_mode<synchronous>, transform_indices = @transform_5, window_bounds = array<i64: 1, 1>}]} {
    %get3A = arith.constant 0 : index
    %get3A_0 = arith.constant 0 : index
    %get3A_1 = vector.load %arg3[%get3A, %get3A_0] : memref<1x128xf32, #tpu.memory_space<vmem>>, vector<1x128xf32>
    %neg3A = arith.constant 0.000000e+00 : f32
    %neg3A_2 = vector.broadcast %neg3A : f32 to vector<1x128xf32>
    %neg3A_3 = arith.subf %neg3A_2, %get3A_1 : vector<1x128xf32>
    %get3A_4 = arith.constant 0 : index
    %get3A_5 = arith.constant 0 : index
    %get3A_6 = vector.load %arg5[%get3A_4, %get3A_5] : memref<1x1xf32, #tpu.memory_space<vmem>>, vector<1x1xf32>
    %div3A = vector.broadcast %get3A_6 : vector<1x1xf32> to vector<1x128xf32>
    %div3A_7 = arith.divf %neg3A_3, %div3A : vector<1x128xf32>
    %exp3A = math.exp %div3A_7 : vector<1x128xf32>
    %add3A = arith.constant 1.000000e+00 : f32
    %add3A_8 = vector.broadcast %add3A : f32 to vector<1x128xf32>
    %add3A_9 = arith.addf %add3A_8, %exp3A : vector<1x128xf32>
    %div3A_10 = arith.constant 1.000000e+00 : f32
    %div3A_11 = vector.broadcast %div3A_10 : f32 to vector<1x128xf32>
    %div3A_12 = arith.divf %div3A_11, %add3A_9 : vector<1x128xf32>
    %get3A_13 = arith.constant 0 : index
    %get3A_14 = arith.constant 0 : index
    %get3A_15 = vector.load %arg4[%get3A_13, %get3A_14] : memref<128x128xf32, #tpu.memory_space<vmem>>, vector<128x128xf32>
    %mul3A = vector.broadcast %div3A_12 : vector<1x128xf32> to vector<128x128xf32>
    %mul3A_16 = arith.mulf %get3A_15, %mul3A : vector<128x128xf32>
    %reduce_sum3A = arith.constant dense<0.000000e+00> : vector<128xf32>
    %reduce_sum3A_17 = vector.multi_reduction <add>, %mul3A_16, %reduce_sum3A [1] : vector<128x128xf32> to vector<128xf32>
    %get3A_18 = arith.constant 0 : index
    %get3A_19 = arith.constant 0 : index
    %get3A_20 = vector.load %arg1[%get3A_18, %get3A_19] : memref<400x128xf32, #tpu.memory_space<vmem>>, vector<400x128xf32>
    %broadcast_in_dim3A = vector.shape_cast %reduce_sum3A_17 : vector<128xf32> to vector<1x128xf32>
    %mul3A_21 = vector.broadcast %broadcast_in_dim3A : vector<1x128xf32> to vector<400x128xf32>
    %mul3A_22 = arith.mulf %get3A_20, %mul3A_21 : vector<400x128xf32>
    %reduce_sum3A_23 = arith.constant dense<0.000000e+00> : vector<400xf32>
    %reduce_sum3A_24 = vector.multi_reduction <add>, %mul3A_22, %reduce_sum3A_23 [1] : vector<400x128xf32> to vector<400xf32>
    %get3A_25 = arith.constant 0 : index
    %get3A_26 = arith.constant 0 : index
    %get3A_27 = vector.load %arg2[%get3A_25, %get3A_26] : memref<400x128xf32, #tpu.memory_space<vmem>>, vector<400x128xf32>
    %broadcast_in_dim3A_28 = vector.shape_cast %reduce_sum3A_17 : vector<128xf32> to vector<1x128xf32>
    %mul3A_29 = vector.broadcast %broadcast_in_dim3A_28 : vector<1x128xf32> to vector<400x128xf32>
    %mul3A_30 = arith.mulf %get3A_27, %mul3A_29 : vector<400x128xf32>
    %reduce_sum3A_31 = arith.constant dense<0.000000e+00> : vector<400xf32>
    %reduce_sum3A_32 = vector.multi_reduction <add>, %mul3A_30, %reduce_sum3A_31 [1] : vector<400x128xf32> to vector<400xf32>
    %neg3A_33 = arith.constant 0.000000e+00 : f32
    %neg3A_34 = vector.broadcast %neg3A_33 : f32 to vector<400xf32>
    %neg3A_35 = arith.subf %neg3A_34, %reduce_sum3A_24 : vector<400xf32>
    %max3A = arith.constant 0.000000e+00 : f32
    %max3A_36 = vector.broadcast %max3A : f32 to vector<400xf32>
    %max3A_37 = arith.maximumf %neg3A_35, %max3A_36 : vector<400xf32>
    %abs3A = math.absf %neg3A_35 : vector<400xf32>
    %neg3A_38 = arith.constant 0.000000e+00 : f32
    %neg3A_39 = vector.broadcast %neg3A_38 : f32 to vector<400xf32>
    %neg3A_40 = arith.subf %neg3A_39, %abs3A : vector<400xf32>
    %exp3A_41 = math.exp %neg3A_40 : vector<400xf32>
    %add3A_42 = arith.constant 1.000000e+00 : f32
    %add3A_43 = vector.broadcast %add3A_42 : f32 to vector<400xf32>
    %add3A_44 = arith.addf %add3A_43, %exp3A_41 : vector<400xf32>
    %log3A = math.log %add3A_44 : vector<400xf32>
    %add3A_45 = arith.addf %max3A_37, %log3A : vector<400xf32>
    %reduce_sum3A_46 = vector.shape_cast %add3A_45 : vector<400xf32> to vector<1x400xf32>
    %reduce_sum3A_47 = arith.constant dense<0.000000e+00> : vector<1xf32>
    %reduce_sum3A_48 = vector.multi_reduction <add>, %reduce_sum3A_46, %reduce_sum3A_47 [1] : vector<1x400xf32> to vector<1xf32>
    %reduce_sum3A_49 = vector.shape_cast %reduce_sum3A_48 : vector<1xf32> to vector<1x1xf32>
    %reduce_sum3A_50 = vector.extract %reduce_sum3A_49[0, 0] : f32 from vector<1x1xf32>
    %max3A_51 = arith.constant 0.000000e+00 : f32
    %max3A_52 = vector.broadcast %max3A_51 : f32 to vector<400xf32>
    %max3A_53 = arith.maximumf %reduce_sum3A_32, %max3A_52 : vector<400xf32>
    %abs3A_54 = math.absf %reduce_sum3A_32 : vector<400xf32>
    %neg3A_55 = arith.constant 0.000000e+00 : f32
    %neg3A_56 = vector.broadcast %neg3A_55 : f32 to vector<400xf32>
    %neg3A_57 = arith.subf %neg3A_56, %abs3A_54 : vector<400xf32>
    %exp3A_58 = math.exp %neg3A_57 : vector<400xf32>
    %add3A_59 = arith.constant 1.000000e+00 : f32
    %add3A_60 = vector.broadcast %add3A_59 : f32 to vector<400xf32>
    %add3A_61 = arith.addf %add3A_60, %exp3A_58 : vector<400xf32>
    %log3A_62 = math.log %add3A_61 : vector<400xf32>
    %add3A_63 = arith.addf %max3A_53, %log3A_62 : vector<400xf32>
    %reduce_sum3A_64 = vector.shape_cast %add3A_63 : vector<400xf32> to vector<1x400xf32>
    %reduce_sum3A_65 = arith.constant dense<0.000000e+00> : vector<1xf32>
    %reduce_sum3A_66 = vector.multi_reduction <add>, %reduce_sum3A_64, %reduce_sum3A_65 [1] : vector<1x400xf32> to vector<1xf32>
    %reduce_sum3A_67 = vector.shape_cast %reduce_sum3A_66 : vector<1xf32> to vector<1x1xf32>
    %reduce_sum3A_68 = vector.extract %reduce_sum3A_67[0, 0] : f32 from vector<1x1xf32>
    %add3A_69 = arith.addf %reduce_sum3A_50, %reduce_sum3A_68 : f32
    %mul3A_70 = arith.constant 9.99999974E-5 : f32
    %mul3A_71 = arith.mulf %add3A_69, %mul3A_70 : f32
    %eq3A = arith.constant 0 : i32
    %eq3A_72 = arith.cmpi eq, %arg0, %eq3A : i32
    %convert_element_type3A = arith.extui %eq3A_72 : i1 to i32
    %cond3A = arith.constant 0 : i32
    %cond3A_73 = arith.cmpi ne, %convert_element_type3A, %cond3A : i32
    scf.if %cond3A_73 {
      %broadcast_in_dim3A_81 = arith.constant 0.000000e+00 : f32
      %broadcast_in_dim3A_82 = vector.broadcast %broadcast_in_dim3A_81 : f32 to vector<1x1xf32>
      %swap3A_83 = arith.constant 0 : index
      %swap3A_84 = arith.constant 0 : index
      %swap3A_85 = vector.load %arg6[%swap3A_83, %swap3A_84] : memref<1x1xf32, #tpu.memory_space<vmem>>, vector<1x1xf32>
      tpu.vector_store %arg6[%swap3A_83, %swap3A_84], %broadcast_in_dim3A_82 {strides = array<i32>} : memref<1x1xf32, #tpu.memory_space<vmem>>, vector<1x1xf32>,
    } else {
    }
    %get3A_74 = arith.constant 0 : index
    %get3A_75 = arith.constant 0 : index
    %get3A_76 = vector.load %arg6[%get3A_74, %get3A_75] : memref<1x1xf32, #tpu.memory_space<vmem>>, vector<1x1xf32>
    %add3A_77 = vector.broadcast %mul3A_71 : f32 to vector<1x1xf32>
    %add3A_78 = arith.addf %get3A_76, %add3A_77 : vector<1x1xf32>
    %swap3A = arith.constant 0 : index
    %swap3A_79 = arith.constant 0 : index
    %swap3A_80 = vector.load %arg6[%swap3A, %swap3A_79] : memref<1x1xf32, #tpu.memory_space<vmem>>, vector<1x1xf32>
    tpu.vector_store %arg6[%swap3A, %swap3A_79], %add3A_78 {strides = array<i32>} : memref<1x1xf32, #tpu.memory_space<vmem>>, vector<1x1xf32>,
    return
  }
  func.func @transform_0(%arg0: i32) -> (i32, i32) {
    %c0_i32 = arith.constant 0 : i32
    %c0_i32_0 = arith.constant 0 : i32
    return %arg0, %c0_i32 : i32, i32
  }
  func.func @transform_1(%arg0: i32) -> (i32, i32) {
    %c0_i32 = arith.constant 0 : i32
    %c0_i32_0 = arith.constant 0 : i32
    return %arg0, %c0_i32 : i32, i32
  }
  func.func @transform_2(%arg0: i32) -> (i32, i32) {
    %c0_i32 = arith.constant 0 : i32
    %c0_i32_0 = arith.constant 0 : i32
    %c0_i32_1 = arith.constant 0 : i32
    return %c0_i32, %c0_i32_0 : i32, i32
  }
  func.func @transform_3(%arg0: i32) -> (i32, i32) {
    %c0_i32 = arith.constant 0 : i32
    %c0_i32_0 = arith.constant 0 : i32
    %c0_i32_1 = arith.constant 0 : i32
    return %c0_i32, %c0_i32_0 : i32, i32
  }
  func.func @transform_4(%arg0: i32) -> (i32, i32) {
    %c0_i32 = arith.constant 0 : i32
    %c0_i32_0 = arith.constant 0 : i32
    %c0_i32_1 = arith.constant 0 : i32
    return %c0_i32, %c0_i32_0 : i32, i32
  }
  func.func @transform_5(%arg0: i32) -> (i32, i32) {
    %c0_i32 = arith.constant 0 : i32
    %c0_i32_0 = arith.constant 0 : i32
    %c0_i32_1 = arith.constant 0 : i32
    return %c0_i32, %c0_i32_0 : i32, i32
  }
}

</mosaic_0001>

<sc_bundles>
// kernel: kernel.12.cloned.1.call-start
scs
__scs_entry_jumppad:
0x0: {  	(pc) =	sbr.rel $0x88, $3  }
0x1: {  	(tag) =	ssettag $0x0;
	lr =	simm.s32 $0x1  }
0x2: {  	[smem:$0x3F95] =	sst lr;
	_ =	strace $0xD0000000  }
0x3: {  	_ = 	snop  }
0x4: {  	_ = 	snop  }
0x5: {  	_ = 	snop  }
0x6: {  	_ = 	snop  }
0x7: {  	_ = 	snop  }
__scs_overlays_trampoline_lowered:
0x8: {  	[smem:$0x3FA4] =	sst s0  }
0x9: {  	[smem:$0x3FA5] =	sst s1  }
0xa: {  	[smem:$0x3FA6] =	sst s2  }
0xb: {  	[smem:$0x3FA7] =	sst s3  }
0xc: {  	[smem:$0x3FA8] =	sst s4  }
0xd: {  	[smem:$0x3FA9] =	sst s5  }
0xe: {  	[smem:$0x3FAA] =	sst s6  }
0xf: {  	[smem:$0x3FAB] =	sst s7  }
0x10: {  	[smem:$0x3FAC] =	sst s8  }
0x11: {  	[smem:$0x3FAD] =	sst s9;
	s0 =	simm.s32 @!p0 $0x0  }
0x12: {  	s1 =	sld [smem:$0x3F93];
	s0 =	simm.s32 @p0 $0x1  }
0x13: {  	[smem:$0x3FAE] =	sst s0;
	s0 =	simm.s32 @!p1 $0x0  }
0x14: {  	s2 =	sld [smem:$0x3F92];
	s0 =	simm.s32 @p1 $0x1  }
0x15: {  	[smem:$0x3FAF] =	sst s0;
	s0 =	simm.s32 @!p2 $0x0  }
0x16: {  	s3 =	sld [smem:$0x3FDB];
	s0 =	simm.s32 @p2 $0x1  }
0x17: {  	s4 =	simm.s32 $0x1BF5;
	[smem:$0x3FB1] =	sst s0  }
0x18: {  	s0 =	sld [smem:$0x3F94];
	_ =	swait.ge [sflag:s4], $0x0  }
0x19: {  	s7 =	sld [smem:$0x3F95]  }
0x1a: {  	s8 =	sadd.s32 $0xFFFFE003, lr  }
0x1b: {  	s9 =	sadd.s32 $0xFFFFFEF7, lr;
	s5 =	simm.s32 $0xFFFFFFFF;
	p2 =	slt.u32 s8, $0xFFFFF086  }
0x1c: {  	p1 =	slt.u32 s9, $0xF7A;
	s5 =	simm.s32 @!p2 $0x0  }
0x1d: {  	s5 =	simm.s32 @p1 $0x1;
	p0 =	seq.s32 s7, s2  }
0x1e: {  	s7 =	smul.u32 @!p0 $0xF7A, s2;
	p2 =	seq.s32 @!p0 s5, $0x0  }
0x1f: {  	s9 =	smul.u32 $0xF7A, s1;
	s8 =	simm.s32 @!p0 $0x1BF5;
	p2 =	por !p2, p0  }
0x20: {  	[sflag:s8] =	ssyncset.s32 @!p0 $0xFFFFF086;
	s6 =	sadd.s32 @!p0 s3, s7;
	s7 =	simm.s32 @!p0 $0x108  }
0x21: {  	s3 =	sadd.s32 s3, s9;
	s6 =	sadd.s32 @!p0 $0x88, s6;
	s7 =	simm.s32 @p2 $0x1082  }
0x22: {  	[simem:s7], [sflag:s8] =	dma.local @!p0 [hbm:s6], $0xF7A  }
0x23: {  	s9 =	sor.u32 $0xD0000000, s2;
	s6 =	simm.s32 $0x108;
	_ =	swait.ge @!p0 [sflag:s8], $0x0  }
0x24: {  	s3 =	sadd.s32 $0x88, s3;
	s6 =	simm.s32 @!p1 $0x1082;
	[sflag:s4] =	ssyncset.s32 $0xFFFFF086  }
0x25: {  	[simem:s6], [sflag:s4] =	dma.local [hbm:s3], $0xF7A  }
0x26: {  	[smem:$0x3F95] =	sst s1;
	(tag) =	ssettag s2;
	_ =	strace s9  }
0x27: {  	s1 =	sld [smem:$0x3FA5]  }
0x28: {  	s2 =	sld [smem:$0x3FA6]  }
0x29: {  	s4 =	sld [smem:$0x3FA8]  }
0x2a: {  	p0 =	seq.s32 s5, $0x0;
	s5 =	sld [smem:$0x3FA9]  }
0x2b: {  	s6 =	sld [smem:$0x3FAA]  }
0x2c: {  	s7 =	sld [smem:$0x3FAB]  }
0x2d: {  	s3 =	simm.s32 $0x108;
	s8 =	sld [smem:$0x3FAC]  }
0x2e: {  	s3 =	simm.s32 @!p0 $0x1082;
	s9 =	sld [smem:$0x3FAD]  }
0x2f: {  	lr =	sadd.s32 s0, s3;
	s0 =	sld [smem:$0x3FA4]  }
0x30: {  	s3 =	sld [smem:$0x3FA7]  }
0x31: {  	[smem:$0x3FB0] =	sst s10  }
0x32: {  	s10 =	sld [smem:$0x3FAE];
	_ =	sdelay $0x3  }
0x33: {  	p0 =	seq.s32 s10, $0x1;
	s10 =	sld [smem:$0x3FB0];
	_ =	sdelay $0x3  }
0x34: {  	[smem:$0x3FB0] =	sst s10  }
0x35: {  	s10 =	sld [smem:$0x3FAF];
	_ =	sdelay $0x3  }
0x36: {  	p1 =	seq.s32 s10, $0x1;
	s10 =	sld [smem:$0x3FB0];
	_ =	sdelay $0x3  }
0x37: {  	[smem:$0x3FB0] =	sst s10  }
0x38: {  	s10 =	sld [smem:$0x3FB1]  }
0x39: {  	_ = 	snop;
	(pc) =	sbr.ind lr, $3  }
0x3a: {  	_ = 	snop  }
0x3b: {  	_ = 	snop  }
0x3c: {  	p2 =	seq.s32 s10, $0x1;
	s10 =	sld [smem:$0x3FB0]  }
0x3d: {  	_ =	shalt  }
0x3e: {  	_ =	shalt  }
0x3f: {  	_ =	shalt  }
0x40: {  	_ =	shalt  }
0x41: {  	_ =	shalt  }
0x42: {  	_ =	shalt  }
0x43: {  	_ =	shalt  }
0x44: {  	_ =	shalt  }
0x45: {  	_ =	shalt  }
0x46: {  	_ =	shalt  }
0x47: {  	_ =	shalt  }
0x48: {  	_ =	shalt  }
0x49: {  	_ =	shalt  }
0x4a: {  	_ =	shalt  }
0x4b: {  	_ =	shalt  }
0x4c: {  	_ =	shalt  }
0x4d: {  	_ =	shalt  }
0x4e: {  	_ =	shalt  }
0x4f: {  	_ =	shalt  }
0x50: {  	_ =	shalt  }
0x51: {  	_ =	shalt  }
0x52: {  	_ =	shalt  }
0x53: {  	_ =	shalt  }
0x54: {  	_ =	shalt  }
0x55: {  	_ =	shalt  }
0x56: {  	_ =	shalt  }
0x57: {  	_ =	shalt  }
0x58: {  	_ =	shalt  }
0x59: {  	_ =	shalt  }
0x5a: {  	_ =	shalt  }
0x5b: {  	_ =	shalt  }
0x5c: {  	_ =	shalt  }
0x5d: {  	_ =	shalt  }
0x5e: {  	_ =	shalt  }
0x5f: {  	_ =	shalt  }
0x60: {  	_ =	shalt  }
0x61: {  	_ =	shalt  }
0x62: {  	_ =	shalt  }
0x63: {  	_ =	shalt  }
0x64: {  	_ =	shalt  }
0x65: {  	_ =	shalt  }
0x66: {  	_ =	shalt  }
0x67: {  	_ =	shalt  }
0x68: {  	_ =	shalt  }
0x69: {  	_ =	shalt  }
0x6a: {  	_ =	shalt  }
0x6b: {  	_ =	shalt  }
0x6c: {  	_ =	shalt  }
0x6d: {  	_ =	shalt  }
0x6e: {  	_ =	shalt  }
0x6f: {  	_ =	shalt  }
0x70: {  	_ =	shalt  }
0x71: {  	_ =	shalt  }
0x72: {  	_ =	shalt  }
0x73: {  	_ =	shalt  }
0x74: {  	_ =	shalt  }
0x75: {  	_ =	shalt  }
0x76: {  	_ =	shalt  }
0x77: {  	_ =	shalt  }
0x78: {  	_ =	shalt  }
0x79: {  	_ =	shalt  }
0x7a: {  	_ =	shalt  }
0x7b: {  	_ =	shalt  }
0x7c: {  	_ =	shalt  }
0x7d: {  	_ =	shalt  }
0x7e: {  	_ =	shalt  }
0x7f: {  	_ =	shalt  }
0x80: {  	_ =	shalt  }
0x81: {  	_ =	shalt  }
0x82: {  	_ =	shalt  }
0x83: {  	_ =	shalt  }
0x84: {  	_ =	shalt  }
0x85: {  	_ =	shalt  }
0x86: {  	_ =	shalt  }
0x87: {  	_ =	shalt  }
.Lfunc_end0:
.L_simem_size_0:
called_computation_lowered:
.L_overlay_start_0:
0x88: {  	s2 =	sld [smem:$0x3FD9]  }
0x89: {  	s3 =	sld [smem:$0x3FFE];
	_ =	sdelay $0x1  }
0x8a: {  	s1 =	srdreg.scid  }
0x8b: {  	s0 =	sand.u32 $0x1, s1  }
0x8c: {  	s17 =	sshll.u32 s0, $0xA;
	s2 =	sadd.s32 s3, s2  }
0x8d: {  	s2 =	sadd.s32 s2, s17  }
0x8e: {  	[smem:$0x3FBC] =	sst s2  }
0x8f: {  	_ = 	snop  }
0x90: {  	s4 =	sld [smem:$0x3FC9]  }
0x91: {  	s18 =	sld [smem:$0x3FD0];
	(tm) =	ssettm $0x1  }
0x92: {  	s19 =	sld [smem:$0x3FFB];
	_ =	sdelay $0x3  }
0x93: {  	_ =	strace s19  }
0x94: {  	s2 =	sld [smem:$0x3FFC];
	_ =	sdelay $0x3  }
0x95: {  	_ =	strace s2  }
0x96: {  	s2 =	sld [smem:$0x3FFD];
	_ =	sdelay $0x3  }
0x97: {  	_ =	strace s2  }
0x98: {  	_ =	strace $0x8FFFFFFF  }
0x99: {  	s20 =	sld [smem:$0x3FDB];
	_ =	sdelay $0x1  }
0x9a: {  	s5 =	simm.s32 $_scs_section_size  }
0x9b: {  	s6 =	simm.s32 $_size__tile_overlayer_lowered;
	s7 =	simm.s32 $_tile_overlayer_lowered  }
0x9c: {  	s8 =	simm.s32 $0x1BFF;
	s21 =	sshll.u32 s7, $0x1;
	s5 =	sadd.s32 s5, s20  }
0x9d: {  	s22 =	simm.s32 $0x0;
	s6 =	sshll.u32 s6, $0x1;
	s7 =	sadd.s32 s21, s5  }
0x9e: {  	[timem:s22], [sflag:s8] =	dma.local [hbm:s7], s6  }
0x9f: {  	_ =	swait.ge [sflag:s8], s6  }
0xa0: {  	s6 =	ssub.s32 $0x0, s6;
	[sflag:s8] =	ssyncset.done $0x0  }
0xa1: {  	[sflag:s8] =	ssyncadd.s32 s6;
	_ =	sdelay $0x1  }
0xa2: {  	s23 =	simm.s32 $0x1B8B  }
0xa3: {  	_ =	swait.ge [sflag:s23], $0x1  }
0xa4: {  	[sflag:s23] =	ssyncset.done $0x0  }
0xa5: {  	[sflag:s23] =	ssyncadd.s32 $0xFFFFFFFF  }
0xa6: {  	s6 =	sld [smem:$0x0]  }
0xa7: {  	s7 =	sand.u32 $0xFFFFFFFE, s1  }
0xa8: {  	p0 =	sne.s32 s1, s7  }
0xa9: {  	s7 =	sshll.u32 @p0 s7, $0xE  }
0xaa: {  	s7 =	sadd.s32 @p0 $0x11B8D, s7;
	s8 =	sshll.u32 @p0 s6, $0x11  }
0xab: {  	s7 =	sor.u32 @p0 s8, s7  }
0xac: {  	[sflag:s7] =	ssyncadd.remote.s32 @p0 $0x1;
	_ =	sdelay $0x1  }
0xad: {  	s7 =	simm.s32 @p0 $0x1B8D  }
0xae: {  	_ =	swait.eq @p0 [sflag:s7], $0x1  }
0xaf: {  	[sflag:s7] =	ssyncadd.s32 @p0 $0xFFFFFFFF  }
0xb0: {  	s8 =	sshll.u32 @!p0 s1, $0xE  }
0xb1: {  	s8 =	sor.u32 @!p0 $0x4000, s8;
	s7 =	simm.s32 @!p0 $0x1B8D  }
0xb2: {  	s6 =	sshll.u32 @!p0 s6, $0x11;
	s8 =	sadd.s32 @!p0 $0x11B8D, s8;
	_ =	swait.eq @!p0 [sflag:s7], $0x1  }
0xb3: {  	s6 =	sor.u32 @!p0 s6, s8;
	[sflag:s7] =	ssyncadd.s32 @!p0 $0xFFFFFFFF  }
0xb4: {  	s25 =	simm.s32 $0x1B8E;
	s24 =	sld [smem:$0x3FFE];
	[sflag:s6] =	ssyncadd.remote.s32 @!p0 $0x1  }
0xb5: {  	s26 =	simm.s32 $execute0_lowered;
	[smem:$0x3FD2] =	sst s25  }
0xb6: {  	s7 =	sshll.u32 s26, $0x1;
	_ =	strace $0x80000049;
	[dreg:$0x1] =	wrdreg $0xFFFFFFFF  }
0xb7: {  	s28 =	simm.s32 $_size_execute0_lowered;
	s5 =	sadd.s32 s5, s7;
	[dreg:$0x0] =	wrdreg $0x0  }
0xb8: {  	s7 =	sshll.u32 s28, $0x1;
	[dreg:$0x2] =	wrdreg s5  }
0xb9: {  	[dreg:$0x3] =	wrdreg s7  }
0xba: {  	[dreg:$0x4] =	wrdreg $0xC0  }
0xbb: {  	_ =	task [dreg:s22], $0x5FFFF  }
0xbc: {  	[dreg:$0x1] =	wrdreg $0xFFFFFFFF  }
0xbd: {  	[dreg:$0x0] =	wrdreg $0x60  }
0xbe: {  	[dreg:$0x2] =	wrdreg s4  }
0xbf: {  	[dreg:$0x3] =	wrdreg s24  }
0xc0: {  	[dreg:$0x4] =	wrdreg s18  }
0xc1: {  	[dreg:$0x5] =	wrdreg $0x0  }
0xc2: {  	[dreg:$0x6] =	wrdreg $0x1FA800  }
0xc3: {  	[dreg:$0x7] =	wrdreg $0x9  }
0xc4: {  	_ =	task.clear_ibuf [dreg:s22], $0x8FFFF;
	_ =	strace $0x90000049  }
0xc5: {  	s29 =	simm.s32 $0x9;
	_ =	strace $0x8000004B  }
0xc6: {  	_ =	swait.ge [sflag:s29], $0x1  }
0xc7: {  	[sflag:s29] =	ssyncadd.s32 $0xFFFFFFFF  }
0xc8: {  	_ =	strace $0x9000004B  }
0xc9: {  	_ =	sfence  }
0xca: {  	s30 =	sld [smem:$0x0];
	_ =	sdelay $0x2  }
0xcb: {  	s31 =	sshll.u32 s1, $0xD;
	s1 =	sshrl.u32 s1, $0x2  }
0xcc: {  	s4 =	sand.u32 $0x4000, s31;
	s1 =	sadd.s32 s1, s30  }
0xcd: {  	s0 =	sor.u32 s4, s0;
	s1 =	sshll.u32 s1, $0x11  }
0xce: {  	s0 =	sor.u32 s1, s0  }
0xcf: {  	s0 =	sadd.s32 $0x8F2B, s0  }
0xd0: {  	[sflag:s0] =	ssyncadd.remote.s32 $0x1  }
0xd1: {  	_ =	sfence.sel $0xFFFF  }
0xd2: {  	[dreg:$0x0] =	wrdreg $0xFFFFFFFF;
	(pc) =	sbr.abs _section_cstart, $3  }
0xd3: {  	[dreg:$0x1] =	wrdreg $0xFFFFFFFF  }
0xd4: {  	_ =	task.clear_ibuf [dreg:s22], $0x2FFFF;
	_ =	strace $0x9FFFFFFF  }
0xd5: {  	(tm) =	ssettm $0x7FFFFFFF  }
tec
execute0_lowered:
.L_overlay_start_1:
0x0: {  	(tag) =	ssettag $0x1  }
0x1: {  	s0 =	rddreg [dreg:$0x0]  }
0x2: {  	s2 =	rddreg [dreg:$0x1]  }
0x3: {  	s3 =	rddreg [dreg:$0x3];
	s1 =	srdreg.scid  }
0x4: {  	s19 =	stileid.u32;
	s4 =	simm.s32 $0x0;
	s31 =	simm.s32 $0x1A780  }
0x5: {  	s5 =	sand.u32 $0x1, s1;
	s6 =	sshrl.u32 s19, $0x2;
	s1 =	smul.u32 $0x280, s19  }
0x6: {  	s23 =	sshll.u32 s19, $0x1;
	[smem:$0x7FF] =	sst s4;
	s6 =	smul.u32 $0x13C00, s6  }
0x7: {  	s7 =	sor.u32 s5, s23;
	s9 =	smul.u32 $0x2800, s5;
	s5 =	ssub.s32 $0x2, s5  }
0x8: {  	s8 =	sshll.u32 s7, $0x7;
	s10 =	sshrl.u32 s5, $0x1;
	s13 =	sadd.s32 $0xA0, s1  }
0x9: {  	s14 =	sadd.s32 $0xF0, s1;
	s15 =	sadd.s32 $0x140, s1;
	s16 =	sadd.s32 $0x190, s1  }
0xa: {  	s22 =	sadd.s32 $0x1E0, s1;
	s23 =	sadd.s32 $0x230, s1;
	s7 =	sshll.u32 s7, $0xB  }
0xb: {  	s8 =	sand.u32 $0x380, s8;
	s11 =	sadd.s32 s1, s9;
	s5 =	ssub.s32 s5, s10  }
0xc: {  	s10 =	sor.u32 $0x50, s1;
	s18 =	sadd.s32 s9, s13;
	s28 =	sadd.s32 s9, s14  }
0xd: {  	s29 =	sadd.s32 s9, s15;
	s30 =	sadd.s32 s9, s16;
	s7 =	sadd.s32 s7, s2  }
0xe: {  	s13 =	sshll.u32 s13, $0x7;
	s14 =	sshll.u32 s14, $0x7;
	s15 =	sshll.u32 s15, $0x7  }
0xf: {  	s16 =	sshll.u32 s16, $0x7;
	s6 =	sor.u32 s6, s8;
	s8 =	sadd.s32 $0x46600, s2  }
0x10: {  	s12 =	sshll.u32 s11, $0x4;
	s17 =	sadd.s32 s9, s10;
	s25 =	sshll.u32 s18, $0x4  }
0x11: {  	s20 =	sshll.u32 s29, $0x4;
	s21 =	sshll.u32 s30, $0x4;
	s29 =	smul.u32 $0x50000, s19  }
0x12: {  	s10 =	sshll.u32 s10, $0x7;
	s30 =	sadd.s32 $0x45400, s2;
	s19 =	sadd.s32 s13, s3  }
0x13: {  	s13 =	simm.s32 $0x1A480;
	s12 =	sadd.s32 s8, s12;
	s24 =	sshll.u32 s17, $0x4  }
0x14: {  	s26 =	sadd.s32 s8, s25;
	s25 =	sadd.s32 s9, s22;
	s9 =	sadd.s32 s9, s23  }
0x15: {  	s6 =	sshrl.u32 s6, $0x3;
	s18 =	sadd.s32 s10, s3;
	[dreg:$0x6] =	wrdreg s12  }
0x16: {  	s10 =	simm.s32 $0x2;
	s12 =	sadd.s32 s8, s24;
	[dreg:$0x8] =	wrdreg s26  }
0x17: {  	s24 =	sadd.s32 s8, s21;
	s26 =	sshll.u32 s25, $0x4;
	s9 =	sshll.u32 s9, $0x4  }
0x18: {  	s6 =	sadd.s32 s6, s2;
	s21 =	sadd.s32 s15, s3;
	s25 =	sshll.u32 s23, $0x7  }
0x19: {  	s15 =	simm.s32 $0x1A500;
	[dreg:$0x7] =	wrdreg s12;
	s12 =	sshll.u32 s28, $0x4  }
0x1a: {  	[dreg:$0xb] =	wrdreg s24;
	s17 =	sadd.s32 s8, s26;
	s28 =	sshrl.u32 s11, $0x3  }
0x1b: {  	s24 =	sshll.u32 s22, $0x7;
	s22 =	sadd.s32 s16, s3;
	s26 =	sadd.s32 $0x2B600, s6  }
0x1c: {  	s11 =	simm.s32 $0x4;
	s6 =	simm.s32 $0x3;
	s16 =	simm.s32 $0x1A580  }
0x1d: {  	s12 =	sadd.s32 s8, s12;
	[dreg:$0xc] =	wrdreg s17;
	s23 =	sadd.s32 s24, s3  }
0x1e: {  	s24 =	sadd.s32 s25, s3;
	[dreg:$0x9] =	wrdreg s12;
	s12 =	sadd.s32 s8, s20  }
0x1f: {  	s8 =	sadd.s32 s8, s9;
	s9 =	sshrl.u32 s29, $0x2;
	[dreg:$0xa] =	wrdreg s12  }
0x20: {  	s20 =	sadd.s32 s14, s3;
	s14 =	simm.s32 $0x166C0;
	s12 =	rddreg [dreg:$0x4]  }
0x21: {  	[dreg:$0xd] =	wrdreg s8;
	s8 =	sadd.s32 s28, s2;
	s2 =	sadd.s32 $0x45A00, s2  }
0x22: {  	s17 =	sadd.s32 s9, s3;
	_ =	strace $0x8000004A;
	[dreg:$0xe] =	wrdreg s30  }
0x23: {  	s28 =	sadd.s32 $0x35400, s7;
	s7 =	simm.s32 $0x50;
	[dreg:$0xf] =	wrdreg s2  }
0x24: {  	s9 =	simm.s32 $0x1;
	s25 =	sadd.s32 s1, s12;
	[dreg:$0x10] =	wrdreg s26  }
0x25: {  	[dreg:$0x11] =	wrdreg s28;
	s29 =	sadd.s32 $0x45C00, s8;
	s30 =	smax.u32 s5, $0x1  }
0x26: {  	s1 =	simm.s32 $0x1F800;
	s5 =	simm.s32 $0x1F780;
	[dreg:$0x12] =	wrdreg s29  }
0x27: {  	s8 =	simm.s32 $0x1CF80;
	s26 =	simm.s32 $0x0;
	[dreg:$0x13] =	wrdreg s30  }
.LBB2_1:
0x28: {  	s2 =	rddreg [dreg:$0xe]  }
0x29: {  	[tilespmem:s31], [sflag:$0x4] =	stream.linear.gather [hbm4b:s2+s4], $0x2800, $0x38;
	[tilespmem:$0x1FD00] =	vst v63  }
0x2a: {  	_ =	swait.ge [sflag:s11], $0x2800  }
0x2b: {  	[sflag:s11] =	ssyncset.done $0x0  }
0x2c: {  	[sflag:s11] =	ssyncadd.s32 $0xFFFFD800  }
0x2d: {  	[spmem:s17] =	stream.linear.scatter [tilespmem:s31], [sflag:$0x3], $0x2800, $0x38;
	[tilespmem:$0x1FD00] =	vst v63  }
0x2e: {  	_ = 	snop  }
0x2f: {  	[spmem:s18] =	stream.linear.scatter [tilespmem:s31], [sflag:$0x3], $0x2800, $0x38;
	[tilespmem:$0x1FD00] =	vst v63  }
0x30: {  	_ = 	snop  }
0x31: {  	[spmem:s19] =	stream.linear.scatter [tilespmem:s31], [sflag:$0x3], $0x2800, $0x38;
	[tilespmem:$0x1FD00] =	vst v63  }
0x32: {  	_ = 	snop  }
0x33: {  	[spmem:s20] =	stream.linear.scatter [tilespmem:s31], [sflag:$0x3], $0x2800, $0x38;
	[tilespmem:$0x1FD00] =	vst v63  }
0x34: {  	_ = 	snop  }
0x35: {  	[spmem:s21] =	stream.linear.scatter [tilespmem:s31], [sflag:$0x3], $0x2800, $0x38;
	[tilespmem:$0x1FD00] =	vst v63  }
0x36: {  	_ = 	snop  }
0x37: {  	[spmem:s22] =	stream.linear.scatter [tilespmem:s31], [sflag:$0x3], $0x2800, $0x38;
	[tilespmem:$0x1FD00] =	vst v63  }
0x38: {  	_ = 	snop  }
0x39: {  	[spmem:s23] =	stream.linear.scatter [tilespmem:s31], [sflag:$0x3], $0x2800, $0x38;
	[tilespmem:$0x1FD00] =	vst v63  }
0x3a: {  	_ = 	snop  }
0x3b: {  	[spmem:s24] =	stream.linear.scatter [tilespmem:s31], [sflag:$0x3], $0x2800, $0x38;
	[tilespmem:$0x1FD00] =	vst v63  }
0x3c: {  	s2 =	rddreg [dreg:$0xf]  }
0x3d: {  	[tilespmem:s1], [sflag:$0x4] =	stream.linear.gather [hbm4b:s2+s4], $0x280, $0x38;
	[tilespmem:$0x1FD00] =	vst v63  }
0x3e: {  	_ =	swait.ge [sflag:s11], $0x280  }
0x3f: {  	[sflag:s11] =	ssyncset.done $0x0  }
0x40: {  	s28 =	simm.s32 $0x80;
	[sflag:s11] =	ssyncadd.s32 $0xFFFFFD80  }
0x41: {  	[spmem:s25] =	stream.linear.scatter [tilespmem:s1], [sflag:$0x3], $0x280, $0x38;
	[tilespmem:$0x1FD00] =	vst v63  }
0x42: {  	s29 =	simm.s32 $0x400;
	s30 =	simm.s32 $0x14000;
	s2 =	rddreg [dreg:$0x10]  }
0x43: {  	[tilespmem:s30], [sflag:$0x4] =	stream.strided.gather [hbm4b:s2+s28], $0x2780, s29, s28, $0x38;
	[tilespmem:$0x1FD00] =	vst v63  }
0x44: {  	_ =	swait.ge [sflag:s11], $0x2780  }
0x45: {  	[sflag:s11] =	ssyncset.done $0x0  }
0x46: {  	s28 =	simm.s32 $0x16780;
	s2 =	rddreg [dreg:$0x11];
	[sflag:s11] =	ssyncadd.s32 $0xFFFFD880  }
0x47: {  	[tilespmem:s28], [sflag:$0x4] =	stream.linear.gather [hbm4b:s2+s4], $0x3E80, $0x38;
	[tilespmem:$0x1FD00] =	vst v63  }
0x48: {  	_ =	swait.ge [sflag:s11], $0x3E80  }
0x49: {  	[sflag:s11] =	ssyncset.done $0x0  }
0x4a: {  	[sflag:s11] =	ssyncadd.s32 $0xFFFFC180  }
0x4b: {  	s2 =	rddreg [dreg:$0x2]  }
0x4c: {  	[tilespmem:s5], [sflag:$0x4] =	stream.linear.gather [hbm4b:s2+s4], $0x80, $0x38;
	[tilespmem:$0x1FD00] =	vst v63  }
0x4d: {  	_ =	swait.ge [sflag:s11], $0x80  }
0x4e: {  	[sflag:s11] =	ssyncset.done $0x0  }
0x4f: {  	[sflag:s11] =	ssyncadd.s32 $0xFFFFFF80  }
0x50: {  	_ =	swait.ge [sflag:s6], $0x2800  }
0x51: {  	[sflag:s6] =	ssyncset.done $0x0  }
0x52: {  	[sflag:s6] =	ssyncadd.s32 $0xFFFFD800  }
0x53: {  	_ =	swait.ge [sflag:s6], $0x2800  }
0x54: {  	[sflag:s6] =	ssyncset.done $0x0  }
0x55: {  	[sflag:s6] =	ssyncadd.s32 $0xFFFFD800  }
0x56: {  	_ =	swait.ge [sflag:s6], $0x2800  }
0x57: {  	[sflag:s6] =	ssyncset.done $0x0  }
0x58: {  	[sflag:s6] =	ssyncadd.s32 $0xFFFFD800  }
0x59: {  	_ =	swait.ge [sflag:s6], $0x2800  }
0x5a: {  	[sflag:s6] =	ssyncset.done $0x0  }
0x5b: {  	[sflag:s6] =	ssyncadd.s32 $0xFFFFD800  }
0x5c: {  	_ =	swait.ge [sflag:s6], $0x2800  }
0x5d: {  	[sflag:s6] =	ssyncset.done $0x0  }
0x5e: {  	[sflag:s6] =	ssyncadd.s32 $0xFFFFD800  }
0x5f: {  	_ =	swait.ge [sflag:s6], $0x2800  }
0x60: {  	[sflag:s6] =	ssyncset.done $0x0  }
0x61: {  	[sflag:s6] =	ssyncadd.s32 $0xFFFFD800  }
0x62: {  	_ =	swait.ge [sflag:s6], $0x2800  }
0x63: {  	[sflag:s6] =	ssyncset.done $0x0  }
0x64: {  	[sflag:s6] =	ssyncadd.s32 $0xFFFFD800  }
0x65: {  	_ =	swait.ge [sflag:s6], $0x2800  }
0x66: {  	[sflag:s6] =	ssyncset.done $0x0  }
0x67: {  	[sflag:s6] =	ssyncadd.s32 $0xFFFFD800  }
0x68: {  	_ =	swait.ge [sflag:s6], $0x280  }
0x69: {  	[sflag:s6] =	ssyncset.done $0x0  }
0x6a: {  	[sflag:s6] =	ssyncadd.s32 $0xFFFFFD80  }
0x6b: {  	[bflag:$0x0] =	sbarrier.arrive $0xFFFF  }
0x6c: {  	[tilespmem:s31], [sflag:$0x1] =	stream.indirect.gather [hbm4b:s0+s7], $0x80, s30, s7, $0xb8;
	[tilespmem:$0x1FD00] =	vst v63  }
0x6d: {  	s2 =	simm.s32 $0x14050  }
0x6e: {  	[tilespmem:s8], [sflag:$0x2] =	stream.indirect.gather [hbm4b:s0+s7], $0x80, s2, s7, $0xb8;
	[tilespmem:$0x1FD00] =	vst v63  }
0x6f: {  	_ =	swait.ge [sflag:s9], $0x2800  }
0x70: {  	[sflag:s9] =	ssyncset.done $0x0  }
0x71: {  	s28 =	simm.s32 $0x16780;
	[sflag:s9] =	ssyncadd.s32 $0xFFFFD800  }
0x72: {  	[spmem:s3] =	stream.indirect.scatter.add.f32 [tilespmem:s31], [sflag:$0x4], $0x80, s28, s7, $0xb8;
	[tilespmem:$0x1FD00] =	vst v63  }
0x73: {  	_ =	swait.ge [sflag:s11], $0x2800  }
0x74: {  	[sflag:s11] =	ssyncset.done $0x0  }
0x75: {  	[sflag:s11] =	ssyncadd.s32 $0xFFFFD800  }
0x76: {  	[spmem:s12] =	stream.indirect.scatter.add.f32 [tilespmem:s5], [sflag:$0x4], $0x1, s28, s7, $0xb8;
	[tilespmem:$0x1FD00] =	vst v63  }
0x77: {  	_ =	swait.ge [sflag:s11], $0x50  }
0x78: {  	[sflag:s11] =	ssyncset.done $0x0  }
0x79: {  	s28 =	simm.s32 $0x140A0;
	[sflag:s11] =	ssyncadd.s32 $0xFFFFFFB0  }
0x7a: {  	[tilespmem:s31], [sflag:$0x1] =	stream.indirect.gather [hbm4b:s0+s7], $0x80, s28, s7, $0xb8;
	[tilespmem:$0x1FD00] =	vst v63  }
0x7b: {  	_ =	swait.ge [sflag:s10], $0x2800  }
0x7c: {  	[sflag:s10] =	ssyncset.done $0x0  }
0x7d: {  	s28 =	simm.s32 $0x16800;
	[sflag:s10] =	ssyncadd.s32 $0xFFFFD800  }
0x7e: {  	[spmem:s3] =	stream.indirect.scatter.add.f32 [tilespmem:s8], [sflag:$0x4], $0x80, s28, s7, $0xb8;
	[tilespmem:$0x1FD00] =	vst v63  }
0x7f: {  	_ =	swait.ge [sflag:s11], $0x2800  }
0x80: {  	[sflag:s11] =	ssyncset.done $0x0  }
0x81: {  	[sflag:s11] =	ssyncadd.s32 $0xFFFFD800  }
0x82: {  	[spmem:s12] =	stream.indirect.scatter.add.f32 [tilespmem:s5], [sflag:$0x4], $0x1, s28, s7, $0xb8;
	[tilespmem:$0x1FD00] =	vst v63  }
0x83: {  	_ =	swait.ge [sflag:s11], $0x50  }
0x84: {  	s29 =	simm.s32 $0x14140;
	[sflag:s11] =	ssyncset.done $0x0  }
0x85: {  	s30 =	simm.s32 $0x140F0;
	s28 =	simm.s32 $0x400;
	[sflag:s11] =	ssyncadd.s32 $0xFFFFFFB0  }
.LBB2_2:
0x86: {  	[tilespmem:s8], [sflag:$0x2] =	stream.indirect.gather [hbm4b:s0+s7], $0x80, s30, s7, $0xb8;
	[tilespmem:$0x1FD00] =	vst v63  }
0x87: {  	s30 =	smov.u32 s28  }
0x88: {  	p0 =	sne.s32 s28, $0xF000;
	s28 =	sadd.s32 $0x400, s28;
	_ =	swait.ge [sflag:s9], $0x2800  }
0x89: {  	s30 =	sshra.s32 s30, $0x2;
	[sflag:s9] =	ssyncset.done $0x0  }
0x8a: {  	s2 =	sadd.s32 $0x16780, s30;
	[sflag:s9] =	ssyncadd.s32 $0xFFFFD800  }
0x8b: {  	[spmem:s3] =	stream.indirect.scatter.add.f32 [tilespmem:s31], [sflag:$0x4], $0x80, s2, s7, $0xb8;
	[tilespmem:$0x1FD00] =	vst v63  }
0x8c: {  	_ =	swait.ge [sflag:s11], $0x2800  }
0x8d: {  	[sflag:s11] =	ssyncset.done $0x0  }
0x8e: {  	[sflag:s11] =	ssyncadd.s32 $0xFFFFD800  }
0x8f: {  	[spmem:s12] =	stream.indirect.scatter.add.f32 [tilespmem:s5], [sflag:$0x4], $0x1, s2, s7, $0xb8;
	[tilespmem:$0x1FD00] =	vst v63  }
0x90: {  	_ =	swait.ge [sflag:s11], $0x50  }
0x91: {  	[sflag:s11] =	ssyncset.done $0x0  }
0x92: {  	[sflag:s11] =	ssyncadd.s32 $0xFFFFFFB0  }
0x93: {  	[tilespmem:s31], [sflag:$0x1] =	stream.indirect.gather [hbm4b:s0+s7], $0x80, s29, s7, $0xb8;
	[tilespmem:$0x1FD00] =	vst v63  }
0x94: {  	_ =	swait.ge [sflag:s10], $0x2800  }
0x95: {  	[sflag:s10] =	ssyncset.done $0x0  }
0x96: {  	s2 =	sadd.s32 $0x16800, s30;
	[sflag:s10] =	ssyncadd.s32 $0xFFFFD800  }
0x97: {  	[spmem:s3] =	stream.indirect.scatter.add.f32 [tilespmem:s8], [sflag:$0x4], $0x80, s2, s7, $0xb8;
	[tilespmem:$0x1FD00] =	vst v63  }
0x98: {  	_ =	swait.ge [sflag:s11], $0x2800  }
0x99: {  	[sflag:s11] =	ssyncset.done $0x0  }
.Ltmp0:
0x9a: {  	[sflag:s11] =	ssyncadd.s32 $0xFFFFD800;
	(pc) =	sbr.rel @p0 .LBB2_2-.Ltmp0, $4  }
0x9b: {  	[spmem:s12] =	stream.indirect.scatter.add.f32 [tilespmem:s5], [sflag:$0x4], $0x1, s2, s7, $0xb8;
	[tilespmem:$0x1FD00] =	vst v63  }
0x9c: {  	_ =	swait.ge [sflag:s11], $0x50  }
0x9d: {  	[sflag:s11] =	ssyncset.done $0x0  }
0x9e: {  	s30 =	sadd.s32 $0x50, s29;
	s29 =	sadd.s32 $0xA0, s29;
	[sflag:s11] =	ssyncadd.s32 $0xFFFFFFB0  }
0x9f: {  	[tilespmem:s8], [sflag:$0x2] =	stream.indirect.gather [hbm4b:s0+s7], $0x80, s30, s7, $0xb8;
	[tilespmem:$0x1FD00] =	vst v63  }
0xa0: {  	_ =	swait.ge [sflag:s9], $0x2800  }
0xa1: {  	[sflag:s9] =	ssyncset.done $0x0  }
0xa2: {  	[sflag:s9] =	ssyncadd.s32 $0xFFFFD800  }
0xa3: {  	[spmem:s3] =	stream.indirect.scatter.add.f32 [tilespmem:s31], [sflag:$0x4], $0x80, s13, s7, $0xb8;
	[tilespmem:$0x1FD00] =	vst v63  }
0xa4: {  	_ =	swait.ge [sflag:s11], $0x2800  }
0xa5: {  	[sflag:s11] =	ssyncset.done $0x0  }
0xa6: {  	[sflag:s11] =	ssyncadd.s32 $0xFFFFD800  }
0xa7: {  	[spmem:s12] =	stream.indirect.scatter.add.f32 [tilespmem:s5], [sflag:$0x4], $0x1, s13, s7, $0xb8;
	[tilespmem:$0x1FD00] =	vst v63  }
0xa8: {  	_ =	swait.ge [sflag:s11], $0x50  }
0xa9: {  	[sflag:s11] =	ssyncset.done $0x0  }
0xaa: {  	[sflag:s11] =	ssyncadd.s32 $0xFFFFFFB0  }
0xab: {  	[tilespmem:s31], [sflag:$0x1] =	stream.indirect.gather [hbm4b:s0+s7], $0x80, s14, s7, $0xb8;
	[tilespmem:$0x1FD00] =	vst v63  }
0xac: {  	_ =	swait.ge [sflag:s10], $0x2800  }
0xad: {  	[sflag:s10] =	ssyncset.done $0x0  }
0xae: {  	[sflag:s10] =	ssyncadd.s32 $0xFFFFD800  }
0xaf: {  	[spmem:s3] =	stream.indirect.scatter.add.f32 [tilespmem:s8], [sflag:$0x4], $0x80, s15, s7, $0xb8;
	[tilespmem:$0x1FD00] =	vst v63  }
0xb0: {  	_ =	swait.ge [sflag:s11], $0x2800  }
0xb1: {  	[sflag:s11] =	ssyncset.done $0x0  }
0xb2: {  	[sflag:s11] =	ssyncadd.s32 $0xFFFFD800  }
0xb3: {  	[spmem:s12] =	stream.indirect.scatter.add.f32 [tilespmem:s5], [sflag:$0x4], $0x1, s15, s7, $0xb8;
	[tilespmem:$0x1FD00] =	vst v63  }
0xb4: {  	_ =	swait.ge [sflag:s11], $0x50  }
0xb5: {  	[sflag:s11] =	ssyncset.done $0x0  }
0xb6: {  	[sflag:s11] =	ssyncadd.s32 $0xFFFFFFB0  }
0xb7: {  	[tilespmem:s8], [sflag:$0x2] =	stream.indirect.gather [hbm4b:s0+s7], $0x80, s14, s7, $0xb8;
	[tilespmem:$0x1FD00] =	vst v63  }
0xb8: {  	_ =	swait.ge [sflag:s9], $0x2800  }
0xb9: {  	[sflag:s9] =	ssyncset.done $0x0  }
0xba: {  	[sflag:s9] =	ssyncadd.s32 $0xFFFFD800  }
0xbb: {  	[spmem:s3] =	stream.indirect.scatter.add.f32 [tilespmem:s31], [sflag:$0x4], $0x80, s16, s7, $0xb8;
	[tilespmem:$0x1FD00] =	vst v63  }
0xbc: {  	_ =	swait.ge [sflag:s11], $0x2800  }
0xbd: {  	[sflag:s11] =	ssyncset.done $0x0  }
0xbe: {  	[sflag:s11] =	ssyncadd.s32 $0xFFFFD800  }
0xbf: {  	[spmem:s12] =	stream.indirect.scatter.add.f32 [tilespmem:s5], [sflag:$0x4], $0x1, s16, s7, $0xb8;
	[tilespmem:$0x1FD00] =	vst v63  }
0xc0: {  	_ =	swait.ge [sflag:s11], $0x50  }
0xc1: {  	[sflag:s11] =	ssyncset.done $0x0  }
0xc2: {  	[sflag:s11] =	ssyncadd.s32 $0xFFFFFFB0  }
0xc3: {  	_ =	swait.ge [sflag:s10], $0x2800  }
0xc4: {  	[sflag:s10] =	ssyncset.done $0x0  }
0xc5: {  	[sflag:s10] =	ssyncadd.s32 $0xFFFFD800  }
0xc6: {  	[bflag:$0x0] =	sbarrier.arrive $0xFFFF  }
0xc7: {  	[tilespmem:s31], [sflag:$0x4] =	stream.linear.gather [spmem:s17], $0x2800, $0x38;
	[tilespmem:$0x1FD00] =	vst v63  }
0xc8: {  	_ =	swait.ge [sflag:s11], $0x2800  }
0xc9: {  	[sflag:s11] =	ssyncset.done $0x0  }
0xca: {  	s2 =	rddreg [dreg:$0x6];
	[sflag:s11] =	ssyncadd.s32 $0xFFFFD800  }
0xcb: {  	[hbm4b:s2+s4] =	stream.linear.scatter [tilespmem:s31], [sflag:$0x3], $0x2800, $0x38;
	[tilespmem:$0x1FD00] =	vst v63  }
0xcc: {  	_ = 	snop  }
0xcd: {  	[tilespmem:s8], [sflag:$0x4] =	stream.linear.gather [spmem:s18], $0x2800, $0x38;
	[tilespmem:$0x1FD00] =	vst v63  }
0xce: {  	_ =	swait.ge [sflag:s11], $0x2800  }
0xcf: {  	[sflag:s11] =	ssyncset.done $0x0  }
0xd0: {  	s28 =	rddreg [dreg:$0x7];
	[sflag:s11] =	ssyncadd.s32 $0xFFFFD800  }
0xd1: {  	[hbm4b:s28+s4] =	stream.linear.scatter [tilespmem:s8], [sflag:$0x3], $0x2800, $0x38;
	[tilespmem:$0x1FD00] =	vst v63  }
0xd2: {  	_ =	swait.ge [sflag:s6], $0x2800  }
0xd3: {  	[sflag:s6] =	ssyncset.done $0x0  }
0xd4: {  	[sflag:s6] =	ssyncadd.s32 $0xFFFFD800  }
0xd5: {  	[tilespmem:s31], [sflag:$0x4] =	stream.linear.gather [spmem:s19], $0x2800, $0x38;
	[tilespmem:$0x1FD00] =	vst v63  }
0xd6: {  	_ =	swait.ge [sflag:s11], $0x2800  }
0xd7: {  	[sflag:s11] =	ssyncset.done $0x0  }
0xd8: {  	s29 =	rddreg [dreg:$0x8];
	[sflag:s11] =	ssyncadd.s32 $0xFFFFD800  }
0xd9: {  	[hbm4b:s29+s4] =	stream.linear.scatter [tilespmem:s31], [sflag:$0x3], $0x2800, $0x38;
	[tilespmem:$0x1FD00] =	vst v63  }
0xda: {  	_ =	swait.ge [sflag:s6], $0x2800  }
0xdb: {  	[sflag:s6] =	ssyncset.done $0x0  }
0xdc: {  	[sflag:s6] =	ssyncadd.s32 $0xFFFFD800  }
0xdd: {  	[tilespmem:s8], [sflag:$0x4] =	stream.linear.gather [spmem:s20], $0x2800, $0x38;
	[tilespmem:$0x1FD00] =	vst v63  }
0xde: {  	_ =	swait.ge [sflag:s11], $0x2800  }
0xdf: {  	[sflag:s11] =	ssyncset.done $0x0  }
0xe0: {  	s30 =	rddreg [dreg:$0x9];
	[sflag:s11] =	ssyncadd.s32 $0xFFFFD800  }
0xe1: {  	[hbm4b:s30+s4] =	stream.linear.scatter [tilespmem:s8], [sflag:$0x3], $0x2800, $0x38;
	[tilespmem:$0x1FD00] =	vst v63  }
0xe2: {  	_ =	swait.ge [sflag:s6], $0x2800  }
0xe3: {  	[sflag:s6] =	ssyncset.done $0x0  }
0xe4: {  	[sflag:s6] =	ssyncadd.s32 $0xFFFFD800  }
0xe5: {  	[tilespmem:s31], [sflag:$0x4] =	stream.linear.gather [spmem:s21], $0x2800, $0x38;
	[tilespmem:$0x1FD00] =	vst v63  }
0xe6: {  	_ =	swait.ge [sflag:s11], $0x2800  }
0xe7: {  	[sflag:s11] =	ssyncset.done $0x0  }
0xe8: {  	s28 =	rddreg [dreg:$0xa];
	[sflag:s11] =	ssyncadd.s32 $0xFFFFD800  }
0xe9: {  	[hbm4b:s28+s4] =	stream.linear.scatter [tilespmem:s31], [sflag:$0x3], $0x2800, $0x38;
	[tilespmem:$0x1FD00] =	vst v63  }
0xea: {  	_ =	swait.ge [sflag:s6], $0x2800  }
0xeb: {  	[sflag:s6] =	ssyncset.done $0x0  }
0xec: {  	[sflag:s6] =	ssyncadd.s32 $0xFFFFD800  }
0xed: {  	[tilespmem:s8], [sflag:$0x4] =	stream.linear.gather [spmem:s22], $0x2800, $0x38;
	[tilespmem:$0x1FD00] =	vst v63  }
0xee: {  	_ =	swait.ge [sflag:s11], $0x2800  }
0xef: {  	[sflag:s11] =	ssyncset.done $0x0  }
0xf0: {  	s29 =	rddreg [dreg:$0xb];
	[sflag:s11] =	ssyncadd.s32 $0xFFFFD800  }
0xf1: {  	[hbm4b:s29+s4] =	stream.linear.scatter [tilespmem:s8], [sflag:$0x3], $0x2800, $0x38;
	[tilespmem:$0x1FD00] =	vst v63  }
0xf2: {  	_ =	swait.ge [sflag:s6], $0x2800  }
0xf3: {  	[sflag:s6] =	ssyncset.done $0x0  }
0xf4: {  	[sflag:s6] =	ssyncadd.s32 $0xFFFFD800  }
0xf5: {  	[tilespmem:s31], [sflag:$0x4] =	stream.linear.gather [spmem:s23], $0x2800, $0x38;
	[tilespmem:$0x1FD00] =	vst v63  }
0xf6: {  	_ =	swait.ge [sflag:s11], $0x2800  }
0xf7: {  	[sflag:s11] =	ssyncset.done $0x0  }
0xf8: {  	s30 =	rddreg [dreg:$0xc];
	[sflag:s11] =	ssyncadd.s32 $0xFFFFD800  }
0xf9: {  	[hbm4b:s30+s4] =	stream.linear.scatter [tilespmem:s31], [sflag:$0x3], $0x2800, $0x38;
	[tilespmem:$0x1FD00] =	vst v63  }
0xfa: {  	_ =	swait.ge [sflag:s6], $0x2800  }
0xfb: {  	[sflag:s6] =	ssyncset.done $0x0  }
0xfc: {  	[sflag:s6] =	ssyncadd.s32 $0xFFFFD800  }
0xfd: {  	[tilespmem:s8], [sflag:$0x4] =	stream.linear.gather [spmem:s24], $0x2800, $0x38;
	[tilespmem:$0x1FD00] =	vst v63  }
0xfe: {  	_ =	swait.ge [sflag:s11], $0x2800  }
0xff: {  	[sflag:s11] =	ssyncset.done $0x0  }
0x100: {  	s28 =	rddreg [dreg:$0xd];
	[sflag:s11] =	ssyncadd.s32 $0xFFFFD800  }
0x101: {  	[hbm4b:s28+s4] =	stream.linear.scatter [tilespmem:s8], [sflag:$0x3], $0x2800, $0x38;
	[tilespmem:$0x1FD00] =	vst v63  }
0x102: {  	_ =	swait.ge [sflag:s6], $0x2800  }
0x103: {  	[sflag:s6] =	ssyncset.done $0x0  }
0x104: {  	[sflag:s6] =	ssyncadd.s32 $0xFFFFD800  }
0x105: {  	_ =	swait.ge [sflag:s6], $0x2800  }
0x106: {  	[sflag:s6] =	ssyncset.done $0x0  }
0x107: {  	[sflag:s6] =	ssyncadd.s32 $0xFFFFD800  }
0x108: {  	[tilespmem:s1], [sflag:$0x4] =	stream.linear.gather [spmem:s25], $0x280, $0x38;
	[tilespmem:$0x1FD00] =	vst v63  }
0x109: {  	_ =	swait.ge [sflag:s11], $0x280  }
0x10a: {  	[sflag:s11] =	ssyncset.done $0x0  }
0x10b: {  	s29 =	rddreg [dreg:$0x12];
	[sflag:s11] =	ssyncadd.s32 $0xFFFFFD80  }
0x10c: {  	[hbm4b:s29+s4] =	stream.linear.scatter [tilespmem:s1], [sflag:$0x4], $0x280, $0x38;
	[tilespmem:$0x1FD00] =	vst v63  }
0x10d: {  	_ =	swait.ge [sflag:s11], $0x280  }
0x10e: {  	s26 =	sadd.s32 $0x1, s26;
	s30 =	rddreg [dreg:$0x13]  }
0x10f: {  	p0 =	sne.s32 s26, s30  }
.Ltmp1:
0x110: {  	_ = 	snop;
	(pc) =	sbr.rel @p0 .LBB2_1-.Ltmp1, $3  }
0x111: {  	_ =	sdelay $0x1  }
0x112: {  	[sflag:s11] =	ssyncset.done $0x0  }
0x113: {  	[sflag:s11] =	ssyncadd.s32 $0xFFFFFD80  }
0x114: {  	_ =	sfence.sel $0x180000  }
0x115: {  	[bflag:$0x0] =	sbarrier.arrive $0xFFFF  }
0x116: {  	_ =	strace $0x9000004A  }
0x117: {  	s0 =	stileid.u32;
	[bflag:$0x2] =	sbarrier.arrive $0xFFFF  }
0x118: {  	p0 =	sne.s32 s0, $0x0;
	s0 =	rddreg [dreg:$0x5]  }
0x119: {  	s0 =	sadd.s32 @!p0 $0x100000, s0  }
0x11a: {  	[sflag:s0] =	ssyncadd.tile.s32 @!p0 $0x1;
	_ =	shalt  }
.Lfunc_end2:
_tile_overlayer_lowered:
.L_overlay_start_2:
0x11b: {  	(tag) =	ssettag $0x2  }
0x11c: {  	s0 =	rddreg [dreg:$0x0];
	s2 =	stileid.u32  }
0x11d: {  	s1 =	rddreg [dreg:$0x1];
	p0 =	sne.s32 s2, $0x0  }
0x11e: {  	s3 =	rddreg [dreg:$0x2];
	[bflag:$0x3] =	sbarrier.arrive $0xFFFF;
	s2 =	simm.s32 @!p0 $0x1C04  }
0x11f: {  	[timem:s3], [sflag:s2] =	dma.local @!p0 [hbm:s0], s1  }
0x120: {  	s0 =	simm.s32 @!p0 $0x4  }
0x121: {  	_ =	swait.ge @!p0 [sflag:s0], s1  }
0x122: {  	s1 =	ssub.s32 @!p0 $0x0, s1;
	[sflag:s0] =	ssyncset.done @!p0 $0x0  }
0x123: {  	[sflag:s0] =	ssyncadd.s32 @!p0 s1  }
0x124: {  	[bflag:$0x3] =	sbarrier.arrive $0xFFFF  }
0x125: {  	_ =	shalt  }

// kernel: kernel.15.cloned.1.call-start
scs
__scs_entry_jumppad:
0x0: {  	(pc) =	sbr.rel $0x88, $3  }
0x1: {  	(tag) =	ssettag $0x0;
	lr =	simm.s32 $0x1  }
0x2: {  	[smem:$0x3F95] =	sst lr;
	_ =	strace $0xD0000000  }
0x3: {  	_ = 	snop  }
0x4: {  	_ = 	snop  }
0x5: {  	_ = 	snop  }
0x6: {  	_ = 	snop  }
0x7: {  	_ = 	snop  }
__scs_overlays_trampoline_lowered:
0x8: {  	[smem:$0x3FA4] =	sst s0  }
0x9: {  	[smem:$0x3FA5] =	sst s1  }
0xa: {  	[smem:$0x3FA6] =	sst s2  }
0xb: {  	[smem:$0x3FA7] =	sst s3  }
0xc: {  	[smem:$0x3FA8] =	sst s4  }
0xd: {  	[smem:$0x3FA9] =	sst s5  }
0xe: {  	[smem:$0x3FAA] =	sst s6  }
0xf: {  	[smem:$0x3FAB] =	sst s7  }
0x10: {  	[smem:$0x3FAC] =	sst s8  }
0x11: {  	[smem:$0x3FAD] =	sst s9;
	s0 =	simm.s32 @!p0 $0x0  }
0x12: {  	s1 =	sld [smem:$0x3F93];
	s0 =	simm.s32 @p0 $0x1  }
0x13: {  	[smem:$0x3FAE] =	sst s0;
	s0 =	simm.s32 @!p1 $0x0  }
0x14: {  	s2 =	sld [smem:$0x3F92];
	s0 =	simm.s32 @p1 $0x1  }
0x15: {  	[smem:$0x3FAF] =	sst s0;
	s0 =	simm.s32 @!p2 $0x0  }
0x16: {  	s3 =	sld [smem:$0x3FDB];
	s0 =	simm.s32 @p2 $0x1  }
0x17: {  	s4 =	simm.s32 $0x1BF5;
	[smem:$0x3FB1] =	sst s0  }
0x18: {  	s0 =	sld [smem:$0x3F94];
	_ =	swait.ge [sflag:s4], $0x0  }
0x19: {  	s7 =	sld [smem:$0x3F95]  }
0x1a: {  	s8 =	sadd.s32 $0xFFFFE003, lr  }
0x1b: {  	s9 =	sadd.s32 $0xFFFFFEF7, lr;
	s5 =	simm.s32 $0xFFFFFFFF;
	p2 =	slt.u32 s8, $0xFFFFF086  }
0x1c: {  	p1 =	slt.u32 s9, $0xF7A;
	s5 =	simm.s32 @!p2 $0x0  }
0x1d: {  	s5 =	simm.s32 @p1 $0x1;
	p0 =	seq.s32 s7, s2  }
0x1e: {  	s7 =	smul.u32 @!p0 $0xF7A, s2;
	p2 =	seq.s32 @!p0 s5, $0x0  }
0x1f: {  	s9 =	smul.u32 $0xF7A, s1;
	s8 =	simm.s32 @!p0 $0x1BF5;
	p2 =	por !p2, p0  }
0x20: {  	[sflag:s8] =	ssyncset.s32 @!p0 $0xFFFFF086;
	s6 =	sadd.s32 @!p0 s3, s7;
	s7 =	simm.s32 @!p0 $0x108  }
0x21: {  	s3 =	sadd.s32 s3, s9;
	s6 =	sadd.s32 @!p0 $0x88, s6;
	s7 =	simm.s32 @p2 $0x1082  }
0x22: {  	[simem:s7], [sflag:s8] =	dma.local @!p0 [hbm:s6], $0xF7A  }
0x23: {  	s9 =	sor.u32 $0xD0000000, s2;
	s6 =	simm.s32 $0x108;
	_ =	swait.ge @!p0 [sflag:s8], $0x0  }
0x24: {  	s3 =	sadd.s32 $0x88, s3;
	s6 =	simm.s32 @!p1 $0x1082;
	[sflag:s4] =	ssyncset.s32 $0xFFFFF086  }
0x25: {  	[simem:s6], [sflag:s4] =	dma.local [hbm:s3], $0xF7A  }
0x26: {  	[smem:$0x3F95] =	sst s1;
	(tag) =	ssettag s2;
	_ =	strace s9  }
0x27: {  	s1 =	sld [smem:$0x3FA5]  }
0x28: {  	s2 =	sld [smem:$0x3FA6]  }
0x29: {  	s4 =	sld [smem:$0x3FA8]  }
0x2a: {  	p0 =	seq.s32 s5, $0x0;
	s5 =	sld [smem:$0x3FA9]  }
0x2b: {  	s6 =	sld [smem:$0x3FAA]  }
0x2c: {  	s7 =	sld [smem:$0x3FAB]  }
0x2d: {  	s3 =	simm.s32 $0x108;
	s8 =	sld [smem:$0x3FAC]  }
0x2e: {  	s3 =	simm.s32 @!p0 $0x1082;
	s9 =	sld [smem:$0x3FAD]  }
0x2f: {  	lr =	sadd.s32 s0, s3;
	s0 =	sld [smem:$0x3FA4]  }
0x30: {  	s3 =	sld [smem:$0x3FA7]  }
0x31: {  	[smem:$0x3FB0] =	sst s10  }
0x32: {  	s10 =	sld [smem:$0x3FAE];
	_ =	sdelay $0x3  }
0x33: {  	p0 =	seq.s32 s10, $0x1;
	s10 =	sld [smem:$0x3FB0];
	_ =	sdelay $0x3  }
0x34: {  	[smem:$0x3FB0] =	sst s10  }
0x35: {  	s10 =	sld [smem:$0x3FAF];
	_ =	sdelay $0x3  }
0x36: {  	p1 =	seq.s32 s10, $0x1;
	s10 =	sld [smem:$0x3FB0];
	_ =	sdelay $0x3  }
0x37: {  	[smem:$0x3FB0] =	sst s10  }
0x38: {  	s10 =	sld [smem:$0x3FB1]  }
0x39: {  	_ = 	snop;
	(pc) =	sbr.ind lr, $3  }
0x3a: {  	_ = 	snop  }
0x3b: {  	_ = 	snop  }
0x3c: {  	p2 =	seq.s32 s10, $0x1;
	s10 =	sld [smem:$0x3FB0]  }
0x3d: {  	_ =	shalt  }
0x3e: {  	_ =	shalt  }
0x3f: {  	_ =	shalt  }
0x40: {  	_ =	shalt  }
0x41: {  	_ =	shalt  }
0x42: {  	_ =	shalt  }
0x43: {  	_ =	shalt  }
0x44: {  	_ =	shalt  }
0x45: {  	_ =	shalt  }
0x46: {  	_ =	shalt  }
0x47: {  	_ =	shalt  }
0x48: {  	_ =	shalt  }
0x49: {  	_ =	shalt  }
0x4a: {  	_ =	shalt  }
0x4b: {  	_ =	shalt  }
0x4c: {  	_ =	shalt  }
0x4d: {  	_ =	shalt  }
0x4e: {  	_ =	shalt  }
0x4f: {  	_ =	shalt  }
0x50: {  	_ =	shalt  }
0x51: {  	_ =	shalt  }
0x52: {  	_ =	shalt  }
0x53: {  	_ =	shalt  }
0x54: {  	_ =	shalt  }
0x55: {  	_ =	shalt  }
0x56: {  	_ =	shalt  }
0x57: {  	_ =	shalt  }
0x58: {  	_ =	shalt  }
0x59: {  	_ =	shalt  }
0x5a: {  	_ =	shalt  }
0x5b: {  	_ =	shalt  }
0x5c: {  	_ =	shalt  }
0x5d: {  	_ =	shalt  }
0x5e: {  	_ =	shalt  }
0x5f: {  	_ =	shalt  }
0x60: {  	_ =	shalt  }
0x61: {  	_ =	shalt  }
0x62: {  	_ =	shalt  }
0x63: {  	_ =	shalt  }
0x64: {  	_ =	shalt  }
0x65: {  	_ =	shalt  }
0x66: {  	_ =	shalt  }
0x67: {  	_ =	shalt  }
0x68: {  	_ =	shalt  }
0x69: {  	_ =	shalt  }
0x6a: {  	_ =	shalt  }
0x6b: {  	_ =	shalt  }
0x6c: {  	_ =	shalt  }
0x6d: {  	_ =	shalt  }
0x6e: {  	_ =	shalt  }
0x6f: {  	_ =	shalt  }
0x70: {  	_ =	shalt  }
0x71: {  	_ =	shalt  }
0x72: {  	_ =	shalt  }
0x73: {  	_ =	shalt  }
0x74: {  	_ =	shalt  }
0x75: {  	_ =	shalt  }
0x76: {  	_ =	shalt  }
0x77: {  	_ =	shalt  }
0x78: {  	_ =	shalt  }
0x79: {  	_ =	shalt  }
0x7a: {  	_ =	shalt  }
0x7b: {  	_ =	shalt  }
0x7c: {  	_ =	shalt  }
0x7d: {  	_ =	shalt  }
0x7e: {  	_ =	shalt  }
0x7f: {  	_ =	shalt  }
0x80: {  	_ =	shalt  }
0x81: {  	_ =	shalt  }
0x82: {  	_ =	shalt  }
0x83: {  	_ =	shalt  }
0x84: {  	_ =	shalt  }
0x85: {  	_ =	shalt  }
0x86: {  	_ =	shalt  }
0x87: {  	_ =	shalt  }
.Lfunc_end0:
.L_simem_size_0:
called_computation.1_lowered:
.L_overlay_start_0:
0x88: {  	s2 =	sld [smem:$0x3FD9]  }
0x89: {  	s3 =	sld [smem:$0x3FFE];
	_ =	sdelay $0x1  }
0x8a: {  	s1 =	srdreg.scid  }
0x8b: {  	s0 =	sand.u32 $0x1, s1  }
0x8c: {  	s17 =	sshll.u32 s0, $0xA;
	s2 =	sadd.s32 s3, s2  }
0x8d: {  	s2 =	sadd.s32 s2, s17  }
0x8e: {  	[smem:$0x3FBC] =	sst s2  }
0x8f: {  	_ = 	snop  }
0x90: {  	(tm) =	ssettm $0x1  }
0x91: {  	s18 =	sld [smem:$0x3FFB];
	_ =	sdelay $0x3  }
0x92: {  	_ =	strace s18  }
0x93: {  	s2 =	sld [smem:$0x3FFC];
	_ =	sdelay $0x3  }
0x94: {  	_ =	strace s2  }
0x95: {  	s2 =	sld [smem:$0x3FFD];
	_ =	sdelay $0x3  }
0x96: {  	_ =	strace s2  }
0x97: {  	_ =	strace $0x8FFFFFFF  }
0x98: {  	s19 =	sld [smem:$0x3FDB];
	_ =	sdelay $0x1  }
0x99: {  	s20 =	simm.s32 $_scs_section_size  }
0x9a: {  	s4 =	simm.s32 $_size__tile_overlayer_lowered;
	s5 =	simm.s32 $_tile_overlayer_lowered  }
0x9b: {  	s6 =	simm.s32 $0x1BFF;
	s21 =	sshll.u32 s5, $0x1;
	s3 =	sadd.s32 s20, s19  }
0x9c: {  	s22 =	simm.s32 $0x0;
	s4 =	sshll.u32 s4, $0x1;
	s5 =	sadd.s32 s21, s3  }
0x9d: {  	[timem:s22], [sflag:s6] =	dma.local [hbm:s5], s4  }
0x9e: {  	_ =	swait.ge [sflag:s6], s4  }
0x9f: {  	s4 =	ssub.s32 $0x0, s4;
	[sflag:s6] =	ssyncset.done $0x0  }
0xa0: {  	[sflag:s6] =	ssyncadd.s32 s4;
	_ =	sdelay $0x1  }
0xa1: {  	s23 =	simm.s32 $0x1B8B  }
0xa2: {  	_ =	swait.ge [sflag:s23], $0x1  }
0xa3: {  	[sflag:s23] =	ssyncset.done $0x0  }
0xa4: {  	[sflag:s23] =	ssyncadd.s32 $0xFFFFFFFF  }
0xa5: {  	s4 =	sld [smem:$0x0]  }
0xa6: {  	s5 =	sand.u32 $0xFFFFFFFE, s1  }
0xa7: {  	p0 =	sne.s32 s1, s5  }
0xa8: {  	s5 =	sshll.u32 @p0 s5, $0xE  }
0xa9: {  	s5 =	sadd.s32 @p0 $0x11B8D, s5;
	s6 =	sshll.u32 @p0 s4, $0x11  }
0xaa: {  	s5 =	sor.u32 @p0 s6, s5  }
0xab: {  	[sflag:s5] =	ssyncadd.remote.s32 @p0 $0x1;
	_ =	sdelay $0x1  }
0xac: {  	s5 =	simm.s32 @p0 $0x1B8D  }
0xad: {  	_ =	swait.eq @p0 [sflag:s5], $0x1  }
0xae: {  	[sflag:s5] =	ssyncadd.s32 @p0 $0xFFFFFFFF  }
0xaf: {  	s6 =	sshll.u32 @!p0 s1, $0xE  }
0xb0: {  	s6 =	sor.u32 @!p0 $0x4000, s6;
	s5 =	simm.s32 @!p0 $0x1B8D  }
0xb1: {  	s4 =	sshll.u32 @!p0 s4, $0x11;
	s6 =	sadd.s32 @!p0 $0x11B8D, s6;
	_ =	swait.eq @!p0 [sflag:s5], $0x1  }
0xb2: {  	s4 =	sor.u32 @!p0 s4, s6;
	[sflag:s5] =	ssyncadd.s32 @!p0 $0xFFFFFFFF  }
0xb3: {  	s25 =	simm.s32 $0x1B8E;
	s24 =	sld [smem:$0x3FFE];
	[sflag:s4] =	ssyncadd.remote.s32 @!p0 $0x1  }
0xb4: {  	s26 =	simm.s32 $execute0_lowered;
	[smem:$0x3FD2] =	sst s25  }
0xb5: {  	s5 =	sshll.u32 s26, $0x1;
	_ =	strace $0x8000004F;
	[dreg:$0x1] =	wrdreg $0xFFFFFFFF  }
0xb6: {  	s28 =	simm.s32 $_size_execute0_lowered;
	s3 =	sadd.s32 s3, s5;
	[dreg:$0x0] =	wrdreg $0x0  }
0xb7: {  	s5 =	sshll.u32 s28, $0x1;
	[dreg:$0x2] =	wrdreg s3  }
0xb8: {  	[dreg:$0x3] =	wrdreg s5  }
0xb9: {  	[dreg:$0x4] =	wrdreg $0xC0  }
0xba: {  	_ =	task [dreg:s22], $0x5FFFF  }
0xbb: {  	[dreg:$0x1] =	wrdreg $0xFFFFFFFF  }
0xbc: {  	[dreg:$0x0] =	wrdreg $0x60  }
0xbd: {  	[dreg:$0x2] =	wrdreg s24  }
0xbe: {  	[dreg:$0x3] =	wrdreg $0x0  }
0xbf: {  	[dreg:$0x4] =	wrdreg $0x9  }
0xc0: {  	_ =	task.clear_ibuf [dreg:s22], $0x5FFFF;
	_ =	strace $0x9000004F  }
0xc1: {  	s29 =	simm.s32 $0x9;
	_ =	strace $0x80000051  }
0xc2: {  	_ =	swait.ge [sflag:s29], $0x1  }
0xc3: {  	[sflag:s29] =	ssyncadd.s32 $0xFFFFFFFF  }
0xc4: {  	_ =	strace $0x90000051  }
0xc5: {  	_ =	sfence  }
0xc6: {  	s30 =	sld [smem:$0x0];
	_ =	sdelay $0x2  }
0xc7: {  	s31 =	sshll.u32 s1, $0xD;
	s1 =	sshrl.u32 s1, $0x2  }
0xc8: {  	s4 =	sand.u32 $0x4000, s31;
	s1 =	sadd.s32 s1, s30  }
0xc9: {  	s0 =	sor.u32 s4, s0;
	s1 =	sshll.u32 s1, $0x11  }
0xca: {  	s0 =	sor.u32 s1, s0  }
0xcb: {  	s0 =	sadd.s32 $0x8F2B, s0  }
0xcc: {  	[sflag:s0] =	ssyncadd.remote.s32 $0x1  }
0xcd: {  	_ =	sfence.sel $0xFFFF  }
0xce: {  	[dreg:$0x0] =	wrdreg $0xFFFFFFFF;
	(pc) =	sbr.abs _section_cstart, $3  }
0xcf: {  	[dreg:$0x1] =	wrdreg $0xFFFFFFFF  }
0xd0: {  	_ =	task.clear_ibuf [dreg:s22], $0x2FFFF;
	_ =	strace $0x9FFFFFFF  }
0xd1: {  	(tm) =	ssettm $0x7FFFFFFF  }
tec
execute0_lowered:
.L_overlay_start_1:
0x0: {  	(tag) =	ssettag $0x1  }
0x1: {  	s0 =	srdreg.scid;
	s5 =	rddreg [dreg:$0x0]  }
0x2: {  	s7 =	stileid.u32;
	s2 =	rddreg [dreg:$0x1]  }
0x3: {  	s30 =	simm.s32 $0x14000;
	s29 =	simm.s32 $0x1CF80;
	s31 =	simm.s32 $0x1  }
0x4: {  	s0 =	sand.u32 $0x1, s0;
	s1 =	sshll.u32 s7, $0x1;
	s11 =	smul.u32 $0x280, s7  }
0x5: {  	s3 =	sshrl.u32 s7, $0x2;
	s17 =	sadd.s32 $0x45400, s5;
	s18 =	smul.u32 $0x50000, s7  }
0x6: {  	s1 =	sor.u32 s0, s1;
	s4 =	smul.u32 $0x13C00, s3;
	s3 =	simm.s32 $0x0  }
0x7: {  	s19 =	ssub.s32 $0x2, s0;
	s0 =	smul.u32 $0x2800, s0;
	s6 =	sshll.u32 s1, $0x7  }
0x8: {  	[smem:$0x7FF] =	sst s3;
	s1 =	sshll.u32 s1, $0xB;
	s12 =	sor.u32 $0x50, s11  }
0x9: {  	s8 =	sshrl.u32 s19, $0x1;
	s13 =	sadd.s32 $0xA0, s11;
	s16 =	sadd.s32 $0xF0, s11  }
0xa: {  	s22 =	sadd.s32 $0x230, s11;
	s6 =	sand.u32 $0x380, s6;
	_ =	strace $0x80000050  }
0xb: {  	s1 =	sadd.s32 s1, s5;
	[dreg:$0x3] =	wrdreg s17;
	s9 =	sshll.u32 s12, $0x7  }
0xc: {  	s15 =	ssub.s32 s19, s8;
	s17 =	sadd.s32 $0x140, s11;
	s20 =	sshll.u32 s13, $0x7  }
0xd: {  	s21 =	sshll.u32 s16, $0x7;
	s19 =	sadd.s32 $0x1E0, s11;
	s23 =	sadd.s32 s11, s0  }
0xe: {  	s24 =	sadd.s32 s0, s12;
	s25 =	sadd.s32 s0, s13;
	s16 =	sadd.s32 s0, s16  }
0xf: {  	s6 =	sor.u32 s4, s6;
	s4 =	sadd.s32 $0x45A00, s5;
	s7 =	sadd.s32 s9, s2  }
0x10: {  	s10 =	sshll.u32 s17, $0x7;
	s8 =	sadd.s32 s20, s2;
	s9 =	sadd.s32 s21, s2  }
0x11: {  	s21 =	sshll.u32 s19, $0x7;
	s17 =	sadd.s32 s0, s17;
	s28 =	sadd.s32 s0, s19  }
0x12: {  	s19 =	sshll.u32 s24, $0x4;
	s1 =	sadd.s32 $0x35400, s1;
	s6 =	sshrl.u32 s6, $0x3  }
0x13: {  	s10 =	sadd.s32 s10, s2;
	s12 =	sadd.s32 s21, s2;
	[dreg:$0x5] =	wrdreg s1  }
0x14: {  	s24 =	sshll.u32 s17, $0x4;
	s14 =	sadd.s32 s6, s5;
	s6 =	sshrl.u32 s18, $0x2  }
0x15: {  	s5 =	sadd.s32 $0xE6600, s5;
	s18 =	sadd.s32 $0x190, s11;
	s6 =	sadd.s32 s6, s2  }
0x16: {  	s20 =	sshll.u32 s18, $0x7;
	s26 =	sadd.s32 s0, s18;
	s0 =	sadd.s32 s0, s22  }
0x17: {  	s22 =	sshll.u32 s22, $0x7;
	s14 =	sadd.s32 $0x2B600, s14;
	s18 =	sshll.u32 s23, $0x4  }
0x18: {  	s21 =	sadd.s32 s5, s19;
	s23 =	sshll.u32 s16, $0x4;
	s11 =	sadd.s32 s20, s2  }
0x19: {  	s13 =	sadd.s32 s22, s2;
	[dreg:$0x4] =	wrdreg s14;
	s20 =	sadd.s32 s5, s18  }
0x1a: {  	[dreg:$0x7] =	wrdreg s21;
	s22 =	sshll.u32 s25, $0x4;
	s19 =	sadd.s32 s5, s23  }
0x1b: {  	s25 =	sshll.u32 s26, $0x4;
	s26 =	sshll.u32 s28, $0x4;
	s0 =	sshll.u32 s0, $0x4  }
0x1c: {  	s28 =	simm.s32 $0x2;
	s14 =	simm.s32 $0x0;
	[dreg:$0x6] =	wrdreg s20  }
0x1d: {  	s1 =	sadd.s32 s5, s22;
	s20 =	sadd.s32 s5, s24;
	s21 =	sadd.s32 s5, s25  }
0x1e: {  	s22 =	sadd.s32 s5, s26;
	s23 =	sadd.s32 s5, s0;
	s24 =	smax.u32 s15, $0x1  }
0x1f: {  	s25 =	simm.s32 $0x1A780;
	s26 =	simm.s32 $0x4;
	s0 =	simm.s32 $0x50  }
0x20: {  	s5 =	simm.s32 $0x166C0;
	[dreg:$0x8] =	wrdreg s1;
	s1 =	simm.s32 $0x3  }
.LBB2_1:
0x21: {  	s15 =	rddreg [dreg:$0x3]  }
0x22: {  	[tilespmem:s25], [sflag:$0x4] =	stream.linear.gather [hbm4b:s15+s3], $0x2800, $0x38;
	[tilespmem:$0x1F780] =	vst v63  }
0x23: {  	_ =	swait.ge [sflag:s26], $0x2800  }
0x24: {  	[sflag:s26] =	ssyncset.done $0x0  }
0x25: {  	[sflag:s26] =	ssyncadd.s32 $0xFFFFD800  }
0x26: {  	[spmem:s6] =	stream.linear.scatter [tilespmem:s25], [sflag:$0x3], $0x2800, $0x38;
	[tilespmem:$0x1F780] =	vst v63  }
0x27: {  	_ = 	snop  }
0x28: {  	[spmem:s7] =	stream.linear.scatter [tilespmem:s25], [sflag:$0x3], $0x2800, $0x38;
	[tilespmem:$0x1F780] =	vst v63  }
0x29: {  	_ = 	snop  }
0x2a: {  	[spmem:s8] =	stream.linear.scatter [tilespmem:s25], [sflag:$0x3], $0x2800, $0x38;
	[tilespmem:$0x1F780] =	vst v63  }
0x2b: {  	_ = 	snop  }
0x2c: {  	[spmem:s9] =	stream.linear.scatter [tilespmem:s25], [sflag:$0x3], $0x2800, $0x38;
	[tilespmem:$0x1F780] =	vst v63  }
0x2d: {  	_ = 	snop  }
0x2e: {  	[spmem:s10] =	stream.linear.scatter [tilespmem:s25], [sflag:$0x3], $0x2800, $0x38;
	[tilespmem:$0x1F780] =	vst v63  }
0x2f: {  	_ = 	snop  }
0x30: {  	[spmem:s11] =	stream.linear.scatter [tilespmem:s25], [sflag:$0x3], $0x2800, $0x38;
	[tilespmem:$0x1F780] =	vst v63  }
0x31: {  	_ = 	snop  }
0x32: {  	[spmem:s12] =	stream.linear.scatter [tilespmem:s25], [sflag:$0x3], $0x2800, $0x38;
	[tilespmem:$0x1F780] =	vst v63  }
0x33: {  	_ = 	snop  }
0x34: {  	[spmem:s13] =	stream.linear.scatter [tilespmem:s25], [sflag:$0x3], $0x2800, $0x38;
	[tilespmem:$0x1F780] =	vst v63  }
0x35: {  	s16 =	simm.s32 $0x80;
	s17 =	simm.s32 $0x400;
	s18 =	rddreg [dreg:$0x4]  }
0x36: {  	[tilespmem:s30], [sflag:$0x4] =	stream.strided.gather [hbm4b:s18+s16], $0x2780, s17, s16, $0x38;
	[tilespmem:$0x1F780] =	vst v63  }
0x37: {  	_ =	swait.ge [sflag:s26], $0x2780  }
0x38: {  	[sflag:s26] =	ssyncset.done $0x0  }
0x39: {  	s17 =	simm.s32 $0x16780;
	s16 =	rddreg [dreg:$0x5];
	[sflag:s26] =	ssyncadd.s32 $0xFFFFD880  }
0x3a: {  	[tilespmem:s17], [sflag:$0x4] =	stream.linear.gather [hbm4b:s16+s3], $0x3E80, $0x38;
	[tilespmem:$0x1F780] =	vst v63  }
0x3b: {  	_ =	swait.ge [sflag:s26], $0x3E80  }
0x3c: {  	[sflag:s26] =	ssyncset.done $0x0  }
0x3d: {  	[sflag:s26] =	ssyncadd.s32 $0xFFFFC180  }
0x3e: {  	_ =	swait.ge [sflag:s1], $0x2800  }
0x3f: {  	[sflag:s1] =	ssyncset.done $0x0  }
0x40: {  	[sflag:s1] =	ssyncadd.s32 $0xFFFFD800  }
0x41: {  	_ =	swait.ge [sflag:s1], $0x2800  }
0x42: {  	[sflag:s1] =	ssyncset.done $0x0  }
0x43: {  	[sflag:s1] =	ssyncadd.s32 $0xFFFFD800  }
0x44: {  	_ =	swait.ge [sflag:s1], $0x2800  }
0x45: {  	[sflag:s1] =	ssyncset.done $0x0  }
0x46: {  	[sflag:s1] =	ssyncadd.s32 $0xFFFFD800  }
0x47: {  	_ =	swait.ge [sflag:s1], $0x2800  }
0x48: {  	[sflag:s1] =	ssyncset.done $0x0  }
0x49: {  	[sflag:s1] =	ssyncadd.s32 $0xFFFFD800  }
0x4a: {  	_ =	swait.ge [sflag:s1], $0x2800  }
0x4b: {  	[sflag:s1] =	ssyncset.done $0x0  }
0x4c: {  	[sflag:s1] =	ssyncadd.s32 $0xFFFFD800  }
0x4d: {  	_ =	swait.ge [sflag:s1], $0x2800  }
0x4e: {  	[sflag:s1] =	ssyncset.done $0x0  }
0x4f: {  	[sflag:s1] =	ssyncadd.s32 $0xFFFFD800  }
0x50: {  	_ =	swait.ge [sflag:s1], $0x2800  }
0x51: {  	[sflag:s1] =	ssyncset.done $0x0  }
0x52: {  	[sflag:s1] =	ssyncadd.s32 $0xFFFFD800  }
0x53: {  	_ =	swait.ge [sflag:s1], $0x2800  }
0x54: {  	[sflag:s1] =	ssyncset.done $0x0  }
0x55: {  	[sflag:s1] =	ssyncadd.s32 $0xFFFFD800  }
0x56: {  	[bflag:$0x0] =	sbarrier.arrive $0xFFFF  }
0x57: {  	[tilespmem:s25], [sflag:$0x1] =	stream.indirect.gather [hbm4b:s4+s0], $0x80, s30, s0, $0xb8;
	[tilespmem:$0x1F780] =	vst v63  }
0x58: {  	s18 =	simm.s32 $0x14050  }
0x59: {  	[tilespmem:s29], [sflag:$0x2] =	stream.indirect.gather [hbm4b:s4+s0], $0x80, s18, s0, $0xb8;
	[tilespmem:$0x1F780] =	vst v63  }
0x5a: {  	_ =	swait.ge [sflag:s31], $0x2800  }
0x5b: {  	[sflag:s31] =	ssyncset.done $0x0  }
0x5c: {  	s16 =	simm.s32 $0x16780;
	[sflag:s31] =	ssyncadd.s32 $0xFFFFD800  }
0x5d: {  	[spmem:s2] =	stream.indirect.scatter.add.f32 [tilespmem:s25], [sflag:$0x4], $0x80, s16, s0, $0xb8;
	[tilespmem:$0x1F780] =	vst v63  }
0x5e: {  	_ =	swait.ge [sflag:s26], $0x2800  }
0x5f: {  	[sflag:s26] =	ssyncset.done $0x0  }
0x60: {  	s17 =	simm.s32 $0x140A0;
	[sflag:s26] =	ssyncadd.s32 $0xFFFFD800  }
0x61: {  	[tilespmem:s25], [sflag:$0x1] =	stream.indirect.gather [hbm4b:s4+s0], $0x80, s17, s0, $0xb8;
	[tilespmem:$0x1F780] =	vst v63  }
0x62: {  	_ =	swait.ge [sflag:s28], $0x2800  }
0x63: {  	[sflag:s28] =	ssyncset.done $0x0  }
0x64: {  	s18 =	simm.s32 $0x16800;
	[sflag:s28] =	ssyncadd.s32 $0xFFFFD800  }
0x65: {  	[spmem:s2] =	stream.indirect.scatter.add.f32 [tilespmem:s29], [sflag:$0x4], $0x80, s18, s0, $0xb8;
	[tilespmem:$0x1F780] =	vst v63  }
0x66: {  	_ =	swait.ge [sflag:s26], $0x2800  }
0x67: {  	s15 =	simm.s32 $0x400;
	[sflag:s26] =	ssyncset.done $0x0  }
0x68: {  	s16 =	simm.s32 $0x14140;
	s17 =	simm.s32 $0x140F0;
	[sflag:s26] =	ssyncadd.s32 $0xFFFFD800  }
.LBB2_2:
0x69: {  	[tilespmem:s29], [sflag:$0x2] =	stream.indirect.gather [hbm4b:s4+s0], $0x80, s17, s0, $0xb8;
	[tilespmem:$0x1F780] =	vst v63  }
0x6a: {  	s17 =	smov.u32 s15  }
0x6b: {  	p0 =	sne.s32 s15, $0xF000;
	s15 =	sadd.s32 $0x400, s15;
	_ =	swait.ge [sflag:s31], $0x2800  }
0x6c: {  	s17 =	sshra.s32 s17, $0x2;
	[sflag:s31] =	ssyncset.done $0x0  }
0x6d: {  	s18 =	sadd.s32 $0x16780, s17;
	[sflag:s31] =	ssyncadd.s32 $0xFFFFD800  }
0x6e: {  	[spmem:s2] =	stream.indirect.scatter.add.f32 [tilespmem:s25], [sflag:$0x4], $0x80, s18, s0, $0xb8;
	[tilespmem:$0x1F780] =	vst v63  }
0x6f: {  	_ =	swait.ge [sflag:s26], $0x2800  }
0x70: {  	[sflag:s26] =	ssyncset.done $0x0  }
0x71: {  	[sflag:s26] =	ssyncadd.s32 $0xFFFFD800  }
0x72: {  	[tilespmem:s25], [sflag:$0x1] =	stream.indirect.gather [hbm4b:s4+s0], $0x80, s16, s0, $0xb8;
	[tilespmem:$0x1F780] =	vst v63  }
0x73: {  	_ =	swait.ge [sflag:s28], $0x2800  }
0x74: {  	[sflag:s28] =	ssyncset.done $0x0  }
.Ltmp0:
0x75: {  	s17 =	sadd.s32 $0x16800, s17;
	[sflag:s28] =	ssyncadd.s32 $0xFFFFD800;
	(pc) =	sbr.rel @p0 .LBB2_2-.Ltmp0, $4  }
0x76: {  	[spmem:s2] =	stream.indirect.scatter.add.f32 [tilespmem:s29], [sflag:$0x4], $0x80, s17, s0, $0xb8;
	[tilespmem:$0x1F780] =	vst v63  }
0x77: {  	_ =	swait.ge [sflag:s26], $0x2800  }
0x78: {  	[sflag:s26] =	ssyncset.done $0x0  }
0x79: {  	s17 =	sadd.s32 $0x50, s16;
	s16 =	sadd.s32 $0xA0, s16;
	[sflag:s26] =	ssyncadd.s32 $0xFFFFD800  }
0x7a: {  	[tilespmem:s29], [sflag:$0x2] =	stream.indirect.gather [hbm4b:s4+s0], $0x80, s17, s0, $0xb8;
	[tilespmem:$0x1F780] =	vst v63  }
0x7b: {  	_ =	swait.ge [sflag:s31], $0x2800  }
0x7c: {  	[sflag:s31] =	ssyncset.done $0x0  }
0x7d: {  	s15 =	simm.s32 $0x1A480;
	[sflag:s31] =	ssyncadd.s32 $0xFFFFD800  }
0x7e: {  	[spmem:s2] =	stream.indirect.scatter.add.f32 [tilespmem:s25], [sflag:$0x4], $0x80, s15, s0, $0xb8;
	[tilespmem:$0x1F780] =	vst v63  }
0x7f: {  	_ =	swait.ge [sflag:s26], $0x2800  }
0x80: {  	[sflag:s26] =	ssyncset.done $0x0  }
0x81: {  	[sflag:s26] =	ssyncadd.s32 $0xFFFFD800  }
0x82: {  	[tilespmem:s25], [sflag:$0x1] =	stream.indirect.gather [hbm4b:s4+s0], $0x80, s5, s0, $0xb8;
	[tilespmem:$0x1F780] =	vst v63  }
0x83: {  	_ =	swait.ge [sflag:s28], $0x2800  }
0x84: {  	[sflag:s28] =	ssyncset.done $0x0  }
0x85: {  	s17 =	simm.s32 $0x1A500;
	[sflag:s28] =	ssyncadd.s32 $0xFFFFD800  }
0x86: {  	[spmem:s2] =	stream.indirect.scatter.add.f32 [tilespmem:s29], [sflag:$0x4], $0x80, s17, s0, $0xb8;
	[tilespmem:$0x1F780] =	vst v63  }
0x87: {  	_ =	swait.ge [sflag:s26], $0x2800  }
0x88: {  	[sflag:s26] =	ssyncset.done $0x0  }
0x89: {  	[sflag:s26] =	ssyncadd.s32 $0xFFFFD800  }
0x8a: {  	[tilespmem:s29], [sflag:$0x2] =	stream.indirect.gather [hbm4b:s4+s0], $0x80, s5, s0, $0xb8;
	[tilespmem:$0x1F780] =	vst v63  }
0x8b: {  	_ =	swait.ge [sflag:s31], $0x2800  }
0x8c: {  	[sflag:s31] =	ssyncset.done $0x0  }
0x8d: {  	s18 =	simm.s32 $0x1A580;
	[sflag:s31] =	ssyncadd.s32 $0xFFFFD800  }
0x8e: {  	[spmem:s2] =	stream.indirect.scatter.add.f32 [tilespmem:s25], [sflag:$0x4], $0x80, s18, s0, $0xb8;
	[tilespmem:$0x1F780] =	vst v63  }
0x8f: {  	_ =	swait.ge [sflag:s26], $0x2800  }
0x90: {  	[sflag:s26] =	ssyncset.done $0x0  }
0x91: {  	[sflag:s26] =	ssyncadd.s32 $0xFFFFD800  }
0x92: {  	_ =	swait.ge [sflag:s28], $0x2800  }
0x93: {  	[sflag:s28] =	ssyncset.done $0x0  }
0x94: {  	[sflag:s28] =	ssyncadd.s32 $0xFFFFD800  }
0x95: {  	[bflag:$0x0] =	sbarrier.arrive $0xFFFF  }
0x96: {  	[tilespmem:s25], [sflag:$0x4] =	stream.linear.gather [spmem:s6], $0x2800, $0x38;
	[tilespmem:$0x1F780] =	vst v63  }
0x97: {  	_ =	swait.ge [sflag:s26], $0x2800  }
0x98: {  	[sflag:s26] =	ssyncset.done $0x0  }
0x99: {  	s16 =	rddreg [dreg:$0x6];
	[sflag:s26] =	ssyncadd.s32 $0xFFFFD800  }
0x9a: {  	[hbm4b:s16+s3] =	stream.linear.scatter [tilespmem:s25], [sflag:$0x3], $0x2800, $0x38;
	[tilespmem:$0x1F780] =	vst v63  }
0x9b: {  	_ = 	snop  }
0x9c: {  	[tilespmem:s29], [sflag:$0x4] =	stream.linear.gather [spmem:s7], $0x2800, $0x38;
	[tilespmem:$0x1F780] =	vst v63  }
0x9d: {  	_ =	swait.ge [sflag:s26], $0x2800  }
0x9e: {  	[sflag:s26] =	ssyncset.done $0x0  }
0x9f: {  	s17 =	rddreg [dreg:$0x7];
	[sflag:s26] =	ssyncadd.s32 $0xFFFFD800  }
0xa0: {  	[hbm4b:s17+s3] =	stream.linear.scatter [tilespmem:s29], [sflag:$0x3], $0x2800, $0x38;
	[tilespmem:$0x1F780] =	vst v63  }
0xa1: {  	_ =	swait.ge [sflag:s1], $0x2800  }
0xa2: {  	[sflag:s1] =	ssyncset.done $0x0  }
0xa3: {  	[sflag:s1] =	ssyncadd.s32 $0xFFFFD800  }
0xa4: {  	[tilespmem:s25], [sflag:$0x4] =	stream.linear.gather [spmem:s8], $0x2800, $0x38;
	[tilespmem:$0x1F780] =	vst v63  }
0xa5: {  	_ =	swait.ge [sflag:s26], $0x2800  }
0xa6: {  	[sflag:s26] =	ssyncset.done $0x0  }
0xa7: {  	s18 =	rddreg [dreg:$0x8];
	[sflag:s26] =	ssyncadd.s32 $0xFFFFD800  }
0xa8: {  	[hbm4b:s18+s3] =	stream.linear.scatter [tilespmem:s25], [sflag:$0x3], $0x2800, $0x38;
	[tilespmem:$0x1F780] =	vst v63  }
0xa9: {  	_ =	swait.ge [sflag:s1], $0x2800  }
0xaa: {  	[sflag:s1] =	ssyncset.done $0x0  }
0xab: {  	[sflag:s1] =	ssyncadd.s32 $0xFFFFD800  }
0xac: {  	[tilespmem:s29], [sflag:$0x4] =	stream.linear.gather [spmem:s9], $0x2800, $0x38;
	[tilespmem:$0x1F780] =	vst v63  }
0xad: {  	_ =	swait.ge [sflag:s26], $0x2800  }
0xae: {  	[sflag:s26] =	ssyncset.done $0x0  }
0xaf: {  	[sflag:s26] =	ssyncadd.s32 $0xFFFFD800  }
0xb0: {  	[hbm4b:s19+s3] =	stream.linear.scatter [tilespmem:s29], [sflag:$0x3], $0x2800, $0x38;
	[tilespmem:$0x1F780] =	vst v63  }
0xb1: {  	_ =	swait.ge [sflag:s1], $0x2800  }
0xb2: {  	[sflag:s1] =	ssyncset.done $0x0  }
0xb3: {  	[sflag:s1] =	ssyncadd.s32 $0xFFFFD800  }
0xb4: {  	[tilespmem:s25], [sflag:$0x4] =	stream.linear.gather [spmem:s10], $0x2800, $0x38;
	[tilespmem:$0x1F780] =	vst v63  }
0xb5: {  	_ =	swait.ge [sflag:s26], $0x2800  }
0xb6: {  	[sflag:s26] =	ssyncset.done $0x0  }
0xb7: {  	[sflag:s26] =	ssyncadd.s32 $0xFFFFD800  }
0xb8: {  	[hbm4b:s20+s3] =	stream.linear.scatter [tilespmem:s25], [sflag:$0x3], $0x2800, $0x38;
	[tilespmem:$0x1F780] =	vst v63  }
0xb9: {  	_ =	swait.ge [sflag:s1], $0x2800  }
0xba: {  	[sflag:s1] =	ssyncset.done $0x0  }
0xbb: {  	[sflag:s1] =	ssyncadd.s32 $0xFFFFD800  }
0xbc: {  	[tilespmem:s29], [sflag:$0x4] =	stream.linear.gather [spmem:s11], $0x2800, $0x38;
	[tilespmem:$0x1F780] =	vst v63  }
0xbd: {  	_ =	swait.ge [sflag:s26], $0x2800  }
0xbe: {  	[sflag:s26] =	ssyncset.done $0x0  }
0xbf: {  	[sflag:s26] =	ssyncadd.s32 $0xFFFFD800  }
0xc0: {  	[hbm4b:s21+s3] =	stream.linear.scatter [tilespmem:s29], [sflag:$0x3], $0x2800, $0x38;
	[tilespmem:$0x1F780] =	vst v63  }
0xc1: {  	_ =	swait.ge [sflag:s1], $0x2800  }
0xc2: {  	[sflag:s1] =	ssyncset.done $0x0  }
0xc3: {  	[sflag:s1] =	ssyncadd.s32 $0xFFFFD800  }
0xc4: {  	[tilespmem:s25], [sflag:$0x4] =	stream.linear.gather [spmem:s12], $0x2800, $0x38;
	[tilespmem:$0x1F780] =	vst v63  }
0xc5: {  	_ =	swait.ge [sflag:s26], $0x2800  }
0xc6: {  	[sflag:s26] =	ssyncset.done $0x0  }
0xc7: {  	[sflag:s26] =	ssyncadd.s32 $0xFFFFD800  }
0xc8: {  	[hbm4b:s22+s3] =	stream.linear.scatter [tilespmem:s25], [sflag:$0x3], $0x2800, $0x38;
	[tilespmem:$0x1F780] =	vst v63  }
0xc9: {  	_ =	swait.ge [sflag:s1], $0x2800  }
0xca: {  	[sflag:s1] =	ssyncset.done $0x0  }
0xcb: {  	[sflag:s1] =	ssyncadd.s32 $0xFFFFD800  }
0xcc: {  	[tilespmem:s29], [sflag:$0x4] =	stream.linear.gather [spmem:s13], $0x2800, $0x38;
	[tilespmem:$0x1F780] =	vst v63  }
0xcd: {  	_ =	swait.ge [sflag:s26], $0x2800  }
0xce: {  	[sflag:s26] =	ssyncset.done $0x0  }
0xcf: {  	s14 =	sadd.s32 $0x1, s14;
	[sflag:s26] =	ssyncadd.s32 $0xFFFFD800  }
0xd0: {  	[hbm4b:s23+s3] =	stream.linear.scatter [tilespmem:s29], [sflag:$0x3], $0x2800, $0x38;
	[tilespmem:$0x1F780] =	vst v63  }
0xd1: {  	p0 =	sne.s32 s14, s24;
	_ =	swait.ge [sflag:s1], $0x2800  }
.Ltmp1:
0xd2: {  	[sflag:s1] =	ssyncset.done $0x0;
	(pc) =	sbr.rel @p0 .LBB2_1-.Ltmp1, $4  }
0xd3: {  	[sflag:s1] =	ssyncadd.s32 $0xFFFFD800  }
0xd4: {  	_ =	swait.ge [sflag:s1], $0x2800  }
0xd5: {  	[sflag:s1] =	ssyncset.done $0x0  }
0xd6: {  	[sflag:s1] =	ssyncadd.s32 $0xFFFFD800  }
0xd7: {  	_ =	sfence.sel $0x180000  }
0xd8: {  	[bflag:$0x0] =	sbarrier.arrive $0xFFFF  }
0xd9: {  	_ =	strace $0x90000050  }
0xda: {  	s0 =	stileid.u32;
	[bflag:$0x2] =	sbarrier.arrive $0xFFFF  }
0xdb: {  	p0 =	sne.s32 s0, $0x0;
	s0 =	rddreg [dreg:$0x2]  }
0xdc: {  	s0 =	sadd.s32 @!p0 $0x100000, s0  }
0xdd: {  	[sflag:s0] =	ssyncadd.tile.s32 @!p0 $0x1;
	_ =	shalt  }
.Lfunc_end2:
_tile_overlayer_lowered:
.L_overlay_start_2:
0xde: {  	(tag) =	ssettag $0x2  }
0xdf: {  	s0 =	rddreg [dreg:$0x0];
	s2 =	stileid.u32  }
0xe0: {  	s1 =	rddreg [dreg:$0x1];
	p0 =	sne.s32 s2, $0x0  }
0xe1: {  	s3 =	rddreg [dreg:$0x2];
	[bflag:$0x3] =	sbarrier.arrive $0xFFFF;
	s2 =	simm.s32 @!p0 $0x1C04  }
0xe2: {  	[timem:s3], [sflag:s2] =	dma.local @!p0 [hbm:s0], s1  }
0xe3: {  	s0 =	simm.s32 @!p0 $0x4  }
0xe4: {  	_ =	swait.ge @!p0 [sflag:s0], s1  }
0xe5: {  	s1 =	ssub.s32 @!p0 $0x0, s1;
	[sflag:s0] =	ssyncset.done @!p0 $0x0  }
0xe6: {  	[sflag:s0] =	ssyncadd.s32 @!p0 s1  }
0xe7: {  	[bflag:$0x3] =	sbarrier.arrive $0xFFFF  }
0xe8: {  	_ =	shalt  }

// kernel: kernel.18.cloned.1.call-start
scs
__scs_entry_jumppad:
0x0: {  	(pc) =	sbr.rel $0x88, $3  }
0x1: {  	(tag) =	ssettag $0x0;
	lr =	simm.s32 $0x1  }
0x2: {  	[smem:$0x3F95] =	sst lr;
	_ =	strace $0xD0000000  }
0x3: {  	_ = 	snop  }
0x4: {  	_ = 	snop  }
0x5: {  	_ = 	snop  }
0x6: {  	_ = 	snop  }
0x7: {  	_ = 	snop  }
__scs_overlays_trampoline_lowered:
0x8: {  	[smem:$0x3FA4] =	sst s0  }
0x9: {  	[smem:$0x3FA5] =	sst s1  }
0xa: {  	[smem:$0x3FA6] =	sst s2  }
0xb: {  	[smem:$0x3FA7] =	sst s3  }
0xc: {  	[smem:$0x3FA8] =	sst s4  }
0xd: {  	[smem:$0x3FA9] =	sst s5  }
0xe: {  	[smem:$0x3FAA] =	sst s6  }
0xf: {  	[smem:$0x3FAB] =	sst s7  }
0x10: {  	[smem:$0x3FAC] =	sst s8  }
0x11: {  	[smem:$0x3FAD] =	sst s9;
	s0 =	simm.s32 @!p0 $0x0  }
0x12: {  	s1 =	sld [smem:$0x3F93];
	s0 =	simm.s32 @p0 $0x1  }
0x13: {  	[smem:$0x3FAE] =	sst s0;
	s0 =	simm.s32 @!p1 $0x0  }
0x14: {  	s2 =	sld [smem:$0x3F92];
	s0 =	simm.s32 @p1 $0x1  }
0x15: {  	[smem:$0x3FAF] =	sst s0;
	s0 =	simm.s32 @!p2 $0x0  }
0x16: {  	s3 =	sld [smem:$0x3FDB];
	s0 =	simm.s32 @p2 $0x1  }
0x17: {  	s4 =	simm.s32 $0x1BF5;
	[smem:$0x3FB1] =	sst s0  }
0x18: {  	s0 =	sld [smem:$0x3F94];
	_ =	swait.ge [sflag:s4], $0x0  }
0x19: {  	s7 =	sld [smem:$0x3F95]  }
0x1a: {  	s8 =	sadd.s32 $0xFFFFE003, lr  }
0x1b: {  	s9 =	sadd.s32 $0xFFFFFEF7, lr;
	s5 =	simm.s32 $0xFFFFFFFF;
	p2 =	slt.u32 s8, $0xFFFFF086  }
0x1c: {  	p1 =	slt.u32 s9, $0xF7A;
	s5 =	simm.s32 @!p2 $0x0  }
0x1d: {  	s5 =	simm.s32 @p1 $0x1;
	p0 =	seq.s32 s7, s2  }
0x1e: {  	s7 =	smul.u32 @!p0 $0xF7A, s2;
	p2 =	seq.s32 @!p0 s5, $0x0  }
0x1f: {  	s9 =	smul.u32 $0xF7A, s1;
	s8 =	simm.s32 @!p0 $0x1BF5;
	p2 =	por !p2, p0  }
0x20: {  	[sflag:s8] =	ssyncset.s32 @!p0 $0xFFFFF086;
	s6 =	sadd.s32 @!p0 s3, s7;
	s7 =	simm.s32 @!p0 $0x108  }
0x21: {  	s3 =	sadd.s32 s3, s9;
	s6 =	sadd.s32 @!p0 $0x88, s6;
	s7 =	simm.s32 @p2 $0x1082  }
0x22: {  	[simem:s7], [sflag:s8] =	dma.local @!p0 [hbm:s6], $0xF7A  }
0x23: {  	s9 =	sor.u32 $0xD0000000, s2;
	s6 =	simm.s32 $0x108;
	_ =	swait.ge @!p0 [sflag:s8], $0x0  }
0x24: {  	s3 =	sadd.s32 $0x88, s3;
	s6 =	simm.s32 @!p1 $0x1082;
	[sflag:s4] =	ssyncset.s32 $0xFFFFF086  }
0x25: {  	[simem:s6], [sflag:s4] =	dma.local [hbm:s3], $0xF7A  }
0x26: {  	[smem:$0x3F95] =	sst s1;
	(tag) =	ssettag s2;
	_ =	strace s9  }
0x27: {  	s1 =	sld [smem:$0x3FA5]  }
0x28: {  	s2 =	sld [smem:$0x3FA6]  }
0x29: {  	s4 =	sld [smem:$0x3FA8]  }
0x2a: {  	p0 =	seq.s32 s5, $0x0;
	s5 =	sld [smem:$0x3FA9]  }
0x2b: {  	s6 =	sld [smem:$0x3FAA]  }
0x2c: {  	s7 =	sld [smem:$0x3FAB]  }
0x2d: {  	s3 =	simm.s32 $0x108;
	s8 =	sld [smem:$0x3FAC]  }
0x2e: {  	s3 =	simm.s32 @!p0 $0x1082;
	s9 =	sld [smem:$0x3FAD]  }
0x2f: {  	lr =	sadd.s32 s0, s3;
	s0 =	sld [smem:$0x3FA4]  }
0x30: {  	s3 =	sld [smem:$0x3FA7]  }
0x31: {  	[smem:$0x3FB0] =	sst s10  }
0x32: {  	s10 =	sld [smem:$0x3FAE];
	_ =	sdelay $0x3  }
0x33: {  	p0 =	seq.s32 s10, $0x1;
	s10 =	sld [smem:$0x3FB0];
	_ =	sdelay $0x3  }
0x34: {  	[smem:$0x3FB0] =	sst s10  }
0x35: {  	s10 =	sld [smem:$0x3FAF];
	_ =	sdelay $0x3  }
0x36: {  	p1 =	seq.s32 s10, $0x1;
	s10 =	sld [smem:$0x3FB0];
	_ =	sdelay $0x3  }
0x37: {  	[smem:$0x3FB0] =	sst s10  }
0x38: {  	s10 =	sld [smem:$0x3FB1]  }
0x39: {  	_ = 	snop;
	(pc) =	sbr.ind lr, $3  }
0x3a: {  	_ = 	snop  }
0x3b: {  	_ = 	snop  }
0x3c: {  	p2 =	seq.s32 s10, $0x1;
	s10 =	sld [smem:$0x3FB0]  }
0x3d: {  	_ =	shalt  }
0x3e: {  	_ =	shalt  }
0x3f: {  	_ =	shalt  }
0x40: {  	_ =	shalt  }
0x41: {  	_ =	shalt  }
0x42: {  	_ =	shalt  }
0x43: {  	_ =	shalt  }
0x44: {  	_ =	shalt  }
0x45: {  	_ =	shalt  }
0x46: {  	_ =	shalt  }
0x47: {  	_ =	shalt  }
0x48: {  	_ =	shalt  }
0x49: {  	_ =	shalt  }
0x4a: {  	_ =	shalt  }
0x4b: {  	_ =	shalt  }
0x4c: {  	_ =	shalt  }
0x4d: {  	_ =	shalt  }
0x4e: {  	_ =	shalt  }
0x4f: {  	_ =	shalt  }
0x50: {  	_ =	shalt  }
0x51: {  	_ =	shalt  }
0x52: {  	_ =	shalt  }
0x53: {  	_ =	shalt  }
0x54: {  	_ =	shalt  }
0x55: {  	_ =	shalt  }
0x56: {  	_ =	shalt  }
0x57: {  	_ =	shalt  }
0x58: {  	_ =	shalt  }
0x59: {  	_ =	shalt  }
0x5a: {  	_ =	shalt  }
0x5b: {  	_ =	shalt  }
0x5c: {  	_ =	shalt  }
0x5d: {  	_ =	shalt  }
0x5e: {  	_ =	shalt  }
0x5f: {  	_ =	shalt  }
0x60: {  	_ =	shalt  }
0x61: {  	_ =	shalt  }
0x62: {  	_ =	shalt  }
0x63: {  	_ =	shalt  }
0x64: {  	_ =	shalt  }
0x65: {  	_ =	shalt  }
0x66: {  	_ =	shalt  }
0x67: {  	_ =	shalt  }
0x68: {  	_ =	shalt  }
0x69: {  	_ =	shalt  }
0x6a: {  	_ =	shalt  }
0x6b: {  	_ =	shalt  }
0x6c: {  	_ =	shalt  }
0x6d: {  	_ =	shalt  }
0x6e: {  	_ =	shalt  }
0x6f: {  	_ =	shalt  }
0x70: {  	_ =	shalt  }
0x71: {  	_ =	shalt  }
0x72: {  	_ =	shalt  }
0x73: {  	_ =	shalt  }
0x74: {  	_ =	shalt  }
0x75: {  	_ =	shalt  }
0x76: {  	_ =	shalt  }
0x77: {  	_ =	shalt  }
0x78: {  	_ =	shalt  }
0x79: {  	_ =	shalt  }
0x7a: {  	_ =	shalt  }
0x7b: {  	_ =	shalt  }
0x7c: {  	_ =	shalt  }
0x7d: {  	_ =	shalt  }
0x7e: {  	_ =	shalt  }
0x7f: {  	_ =	shalt  }
0x80: {  	_ =	shalt  }
0x81: {  	_ =	shalt  }
0x82: {  	_ =	shalt  }
0x83: {  	_ =	shalt  }
0x84: {  	_ =	shalt  }
0x85: {  	_ =	shalt  }
0x86: {  	_ =	shalt  }
0x87: {  	_ =	shalt  }
.Lfunc_end0:
.L_simem_size_0:
called_computation.2_lowered:
.L_overlay_start_0:
0x88: {  	s2 =	sld [smem:$0x3FD9]  }
0x89: {  	s3 =	sld [smem:$0x3FFE];
	_ =	sdelay $0x1  }
0x8a: {  	s1 =	srdreg.scid  }
0x8b: {  	s0 =	sand.u32 $0x1, s1  }
0x8c: {  	s17 =	sshll.u32 s0, $0xA;
	s2 =	sadd.s32 s3, s2  }
0x8d: {  	s2 =	sadd.s32 s2, s17  }
0x8e: {  	[smem:$0x3FBC] =	sst s2  }
0x8f: {  	_ = 	snop  }
0x90: {  	s2 =	sld [smem:$0x3FC9];
	(tm) =	ssettm $0x1  }
0x91: {  	s18 =	sld [smem:$0x3FFB];
	_ =	sdelay $0x3  }
0x92: {  	_ =	strace s18  }
0x93: {  	s3 =	sld [smem:$0x3FFC];
	_ =	sdelay $0x3  }
0x94: {  	_ =	strace s3  }
0x95: {  	s3 =	sld [smem:$0x3FFD];
	_ =	sdelay $0x3  }
0x96: {  	_ =	strace s3  }
0x97: {  	_ =	strace $0x8FFFFFFF  }
0x98: {  	s19 =	sld [smem:$0x3FDB];
	_ =	sdelay $0x1  }
0x99: {  	s4 =	simm.s32 $_scs_section_size  }
0x9a: {  	s5 =	simm.s32 $_size__tile_overlayer_lowered;
	s6 =	simm.s32 $_tile_overlayer_lowered  }
0x9b: {  	s22 =	simm.s32 $0x1BFF;
	s21 =	sshll.u32 s6, $0x1;
	s3 =	sadd.s32 s4, s19  }
0x9c: {  	s7 =	simm.s32 $0x0;
	s20 =	sshll.u32 s5, $0x1;
	s5 =	sadd.s32 s21, s3  }
0x9d: {  	[timem:s7], [sflag:s22] =	dma.local [hbm:s5], s20  }
0x9e: {  	_ =	swait.ge [sflag:s22], s20  }
0x9f: {  	s4 =	ssub.s32 $0x0, s20;
	[sflag:s22] =	ssyncset.done $0x0  }
0xa0: {  	[sflag:s22] =	ssyncadd.s32 s4;
	_ =	sdelay $0x1  }
0xa1: {  	s23 =	simm.s32 $0x1B8B  }
0xa2: {  	_ =	swait.ge [sflag:s23], $0x1  }
0xa3: {  	[sflag:s23] =	ssyncset.done $0x0  }
0xa4: {  	s25 =	simm.s32 $0x1B8E;
	s24 =	sld [smem:$0x3FFE];
	[sflag:s23] =	ssyncadd.s32 $0xFFFFFFFF  }
0xa5: {  	s26 =	simm.s32 $execute0_lowered;
	[smem:$0x3FD2] =	sst s25  }
0xa6: {  	s5 =	sshll.u32 s26, $0x1;
	_ =	strace $0x80000046;
	[dreg:$0x1] =	wrdreg $0xFFFFFFFF  }
0xa7: {  	s28 =	simm.s32 $_size_execute0_lowered;
	s3 =	sadd.s32 s3, s5;
	[dreg:$0x0] =	wrdreg $0x0  }
0xa8: {  	s5 =	sshll.u32 s28, $0x1;
	[dreg:$0x2] =	wrdreg s3  }
0xa9: {  	[dreg:$0x3] =	wrdreg s5  }
0xaa: {  	[dreg:$0x4] =	wrdreg $0xC0  }
0xab: {  	_ =	task [dreg:s7], $0x5FFFF  }
0xac: {  	[dreg:$0x1] =	wrdreg $0xFFFFFFFF  }
0xad: {  	[dreg:$0x0] =	wrdreg $0x60  }
0xae: {  	[dreg:$0x2] =	wrdreg s2  }
0xaf: {  	[dreg:$0x3] =	wrdreg s24  }
0xb0: {  	[dreg:$0x4] =	wrdreg $0xA  }
0xb1: {  	_ =	task.clear_ibuf [dreg:s7], $0x5FFFF;
	_ =	strace $0x90000046  }
0xb2: {  	s29 =	simm.s32 $0xA;
	_ =	strace $0x80000048  }
0xb3: {  	_ =	swait.ge [sflag:s29], $0x1  }
0xb4: {  	[sflag:s29] =	ssyncadd.s32 $0xFFFFFFFF  }
0xb5: {  	_ =	strace $0x90000048  }
0xb6: {  	_ =	sfence  }
0xb7: {  	s30 =	sld [smem:$0x0];
	_ =	sdelay $0x2  }
0xb8: {  	s31 =	sshll.u32 s1, $0xD;
	s1 =	sshrl.u32 s1, $0x2  }
0xb9: {  	s3 =	sand.u32 $0x4000, s31;
	s1 =	sadd.s32 s1, s30  }
0xba: {  	s0 =	sor.u32 s3, s0;
	s1 =	sshll.u32 s1, $0x11  }
0xbb: {  	s0 =	sor.u32 s1, s0  }
0xbc: {  	s0 =	sadd.s32 $0x8F2B, s0  }
0xbd: {  	[sflag:s0] =	ssyncadd.remote.s32 $0x1  }
0xbe: {  	_ =	sfence.sel $0xFFFF  }
0xbf: {  	[dreg:$0x0] =	wrdreg $0xFFFFFFFF;
	(pc) =	sbr.abs _section_cstart, $3  }
0xc0: {  	[dreg:$0x1] =	wrdreg $0xFFFFFFFF  }
0xc1: {  	_ =	task.clear_ibuf [dreg:s7], $0x2FFFF;
	_ =	strace $0x9FFFFFFF  }
0xc2: {  	(tm) =	ssettm $0x7FFFFFFF  }
0xc3: {  	_ =	shalt  }
tec
execute0_lowered:
.L_overlay_start_1:
0x0: {  	(tag) =	ssettag $0x1  }
0x1: {  	s1 =	srdreg.scid;
	s0 =	stileid.u32  }
0x2: {  	s2 =	rddreg [dreg:$0x0];
	s14 =	sand.u32 $0x1, s1;
	s30 =	sshll.u32 s0, $0x1  }
0x3: {  	s9 =	rddreg [dreg:$0x1];
	s10 =	sor.u32 s14, s30  }
0x4: {  	s3 =	simm.s32 $0x0;
	s1 =	rddreg [dreg:$0x2];
	s4 =	sshll.u32 s10, $0x6  }
0x5: {  	[smem:$0x7FF] =	sst s3;
	s4 =	sadd.s32 s4, s9  }
0x6: {  	_ =	strace $0x80000047;
	s5 =	sadd.s32 $0x2E00, s4;
	s4 =	simm.s32 $0x2  }
0x7: {  	[tilespmem:s3], [sflag:$0x2] =	stream.linear.gather [hbm4b:s5+s3], $0x200, $0x38;
	[tilespmem:$0x2A00] =	vst v63  }
0x8: {  	_ =	swait.ge [sflag:s4], $0x200  }
0x9: {  	s6 =	simm.s32 $0x50;
	[sflag:s4] =	ssyncset.done $0x0  }
0xa: {  	s7 =	simm.s32 $0x200;
	s8 =	simm.s32 $0x1;
	[sflag:s4] =	ssyncadd.s32 $0xFFFFFE00  }
0xb: {  	[tilespmem:s7], [sflag:$0x1] =	stream.indirect.gather [hbm4b:s2+s6], $0x80, s3, s6, $0xb8;
	[tilespmem:$0x2A00] =	vst v63  }
0xc: {  	s11 =	smul.u32 $0x1400, s10;
	_ =	swait.ge [sflag:s8], $0x2800  }
0xd: {  	s12 =	sadd.s32 $0x3600, s9;
	[sflag:s8] =	ssyncset.done $0x0  }
0xe: {  	s9 =	sadd.s32 s12, s11;
	[sflag:s8] =	ssyncadd.s32 $0xFFFFD800  }
0xf: {  	[hbm4b:s9+s3] =	stream.linear.scatter [tilespmem:s7], [sflag:$0x2], $0x2800, $0x38;
	[tilespmem:$0x2A00] =	vst v63  }
0x10: {  	_ =	swait.ge [sflag:s4], $0x2800  }
0x11: {  	[sflag:s4] =	ssyncset.done $0x0  }
0x12: {  	s31 =	smul.u32 $0xA000, s10;
	s10 =	simm.s32 $0x80;
	[sflag:s4] =	ssyncadd.s32 $0xFFFFD800  }
0x13: {  	[tilespmem:s7], [sflag:$0x1] =	stream.indirect.gather [hbm4b:s2+s6], $0x80, s10, s6, $0xb8;
	[tilespmem:$0x2A00] =	vst v63  }
0x14: {  	s11 =	sshrl.u32 s31, $0x3;
	_ =	swait.ge [sflag:s8], $0x2800  }
0x15: {  	s15 =	sadd.s32 s12, s11;
	[sflag:s8] =	ssyncset.done $0x0  }
0x16: {  	s11 =	sadd.s32 $0x500, s15;
	[sflag:s8] =	ssyncadd.s32 $0xFFFFD800  }
0x17: {  	[hbm4b:s11+s3] =	stream.linear.scatter [tilespmem:s7], [sflag:$0x2], $0x2800, $0x38;
	[tilespmem:$0x2A00] =	vst v63  }
0x18: {  	_ =	swait.ge [sflag:s4], $0x2800  }
0x19: {  	[sflag:s4] =	ssyncset.done $0x0  }
0x1a: {  	s12 =	simm.s32 $0x100;
	[sflag:s4] =	ssyncadd.s32 $0xFFFFD800  }
0x1b: {  	[tilespmem:s7], [sflag:$0x1] =	stream.indirect.gather [hbm4b:s2+s6], $0x80, s12, s6, $0xb8;
	[tilespmem:$0x2A00] =	vst v63  }
0x1c: {  	_ =	swait.ge [sflag:s8], $0x2800  }
0x1d: {  	[sflag:s8] =	ssyncset.done $0x0  }
0x1e: {  	s16 =	ssub.s32 $0x2, s14;
	s13 =	sadd.s32 $0xA00, s15;
	[sflag:s8] =	ssyncadd.s32 $0xFFFFD800  }
0x1f: {  	[hbm4b:s13+s3] =	stream.linear.scatter [tilespmem:s7], [sflag:$0x2], $0x2800, $0x38;
	[tilespmem:$0x2A00] =	vst v63  }
0x20: {  	s17 =	sshrl.u32 s16, $0x1;
	_ =	swait.ge [sflag:s4], $0x2800  }
0x21: {  	s16 =	ssub.s32 s16, s17;
	[sflag:s4] =	ssyncset.done $0x0  }
0x22: {  	s14 =	simm.s32 $0x180;
	s16 =	smax.u32 s16, $0x1;
	[sflag:s4] =	ssyncadd.s32 $0xFFFFD800  }
0x23: {  	[tilespmem:s7], [sflag:$0x1] =	stream.indirect.gather [hbm4b:s2+s6], $0x80, s14, s6, $0xb8;
	[tilespmem:$0x2A00] =	vst v63  }
0x24: {  	p0 =	sne.s32 s16, $0x1;
	_ =	swait.ge [sflag:s8], $0x2800  }
.Ltmp0:
0x25: {  	[sflag:s8] =	ssyncset.done $0x0;
	(pc) =	sbr.rel @!p0 .LBB2_2-.Ltmp0, $4  }
0x26: {  	s15 =	sadd.s32 $0xF00, s15;
	[sflag:s8] =	ssyncadd.s32 $0xFFFFD800  }
0x27: {  	[hbm4b:s15+s3] =	stream.linear.scatter [tilespmem:s7], [sflag:$0x2], $0x2800, $0x38;
	[tilespmem:$0x2A00] =	vst v63  }
0x28: {  	_ =	swait.ge [sflag:s4], $0x2800  }
0x29: {  	s16 =	sadd.s32 $0xFFFFFFFF, s16;
	[sflag:s4] =	ssyncset.done $0x0  }
.LBB2_1:
0x2a: {  	p0 =	sne.s32 s16, $0x1;
	s16 =	sadd.s32 $0xFFFFFFFF, s16;
	[sflag:s4] =	ssyncadd.s32 $0xFFFFD800  }
0x2b: {  	[tilespmem:s3], [sflag:$0x2] =	stream.linear.gather [hbm4b:s5+s3], $0x200, $0x38;
	[tilespmem:$0x2A00] =	vst v63  }
0x2c: {  	_ =	swait.ge [sflag:s4], $0x200  }
0x2d: {  	[sflag:s4] =	ssyncset.done $0x0  }
0x2e: {  	[sflag:s4] =	ssyncadd.s32 $0xFFFFFE00  }
0x2f: {  	[tilespmem:s7], [sflag:$0x1] =	stream.indirect.gather [hbm4b:s2+s6], $0x80, s3, s6, $0xb8;
	[tilespmem:$0x2A00] =	vst v63  }
0x30: {  	_ =	swait.ge [sflag:s8], $0x2800  }
0x31: {  	[sflag:s8] =	ssyncset.done $0x0  }
0x32: {  	[sflag:s8] =	ssyncadd.s32 $0xFFFFD800  }
0x33: {  	[hbm4b:s9+s3] =	stream.linear.scatter [tilespmem:s7], [sflag:$0x2], $0x2800, $0x38;
	[tilespmem:$0x2A00] =	vst v63  }
0x34: {  	_ =	swait.ge [sflag:s4], $0x2800  }
0x35: {  	[sflag:s4] =	ssyncset.done $0x0  }
0x36: {  	[sflag:s4] =	ssyncadd.s32 $0xFFFFD800  }
0x37: {  	[tilespmem:s7], [sflag:$0x1] =	stream.indirect.gather [hbm4b:s2+s6], $0x80, s10, s6, $0xb8;
	[tilespmem:$0x2A00] =	vst v63  }
0x38: {  	_ =	swait.ge [sflag:s8], $0x2800  }
0x39: {  	[sflag:s8] =	ssyncset.done $0x0  }
0x3a: {  	[sflag:s8] =	ssyncadd.s32 $0xFFFFD800  }
0x3b: {  	[hbm4b:s11+s3] =	stream.linear.scatter [tilespmem:s7], [sflag:$0x2], $0x2800, $0x38;
	[tilespmem:$0x2A00] =	vst v63  }
0x3c: {  	_ =	swait.ge [sflag:s4], $0x2800  }
0x3d: {  	[sflag:s4] =	ssyncset.done $0x0  }
0x3e: {  	[sflag:s4] =	ssyncadd.s32 $0xFFFFD800  }
0x3f: {  	[tilespmem:s7], [sflag:$0x1] =	stream.indirect.gather [hbm4b:s2+s6], $0x80, s12, s6, $0xb8;
	[tilespmem:$0x2A00] =	vst v63  }
0x40: {  	_ =	swait.ge [sflag:s8], $0x2800  }
0x41: {  	[sflag:s8] =	ssyncset.done $0x0  }
0x42: {  	[sflag:s8] =	ssyncadd.s32 $0xFFFFD800  }
0x43: {  	[hbm4b:s13+s3] =	stream.linear.scatter [tilespmem:s7], [sflag:$0x2], $0x2800, $0x38;
	[tilespmem:$0x2A00] =	vst v63  }
0x44: {  	_ =	swait.ge [sflag:s4], $0x2800  }
0x45: {  	[sflag:s4] =	ssyncset.done $0x0  }
0x46: {  	[sflag:s4] =	ssyncadd.s32 $0xFFFFD800  }
0x47: {  	[tilespmem:s7], [sflag:$0x1] =	stream.indirect.gather [hbm4b:s2+s6], $0x80, s14, s6, $0xb8;
	[tilespmem:$0x2A00] =	vst v63  }
0x48: {  	_ =	swait.ge [sflag:s8], $0x2800  }
.Ltmp1:
0x49: {  	[sflag:s8] =	ssyncset.done $0x0;
	(pc) =	sbr.rel @p0 .LBB2_1-.Ltmp1, $4  }
0x4a: {  	[sflag:s8] =	ssyncadd.s32 $0xFFFFD800  }
0x4b: {  	[hbm4b:s15+s3] =	stream.linear.scatter [tilespmem:s7], [sflag:$0x2], $0x2800, $0x38;
	[tilespmem:$0x2A00] =	vst v63  }
0x4c: {  	_ =	swait.ge [sflag:s4], $0x2800  }
0x4d: {  	[sflag:s4] =	ssyncset.done $0x0  }
.LBB2_2:
0x4e: {  	[sflag:s4] =	ssyncadd.s32 $0xFFFFD800  }
0x4f: {  	_ =	sfence.sel $0x180000  }
0x50: {  	[bflag:$0x0] =	sbarrier.arrive $0xFFFF  }
0x51: {  	p0 =	sne.s32 s0, $0x0;
	_ =	strace $0x90000047  }
0x52: {  	s0 =	sadd.s32 @!p0 $0x100000, s1;
	[bflag:$0x2] =	sbarrier.arrive $0xFFFF  }
0x53: {  	[sflag:s0] =	ssyncadd.tile.s32 @!p0 $0x1;
	_ =	shalt  }
.Lfunc_end2:
_tile_overlayer_lowered:
.L_overlay_start_2:
0x54: {  	(tag) =	ssettag $0x2  }
0x55: {  	s0 =	rddreg [dreg:$0x0];
	s2 =	stileid.u32  }
0x56: {  	s1 =	rddreg [dreg:$0x1];
	p0 =	sne.s32 s2, $0x0  }
0x57: {  	s3 =	rddreg [dreg:$0x2];
	[bflag:$0x3] =	sbarrier.arrive $0xFFFF;
	s2 =	simm.s32 @!p0 $0x1C02  }
0x58: {  	[timem:s3], [sflag:s2] =	dma.local @!p0 [hbm:s0], s1  }
0x59: {  	s0 =	simm.s32 @!p0 $0x2  }
0x5a: {  	_ =	swait.ge @!p0 [sflag:s0], s1  }
0x5b: {  	s1 =	ssub.s32 @!p0 $0x0, s1;
	[sflag:s0] =	ssyncset.done @!p0 $0x0  }
0x5c: {  	[sflag:s0] =	ssyncadd.s32 @!p0 s1  }
0x5d: {  	[bflag:$0x3] =	sbarrier.arrive $0xFFFF  }
0x5e: {  	_ =	shalt  }

// kernel: kernel.21.cloned.1.call-start
scs
__scs_entry_jumppad:
0x0: {  	(pc) =	sbr.rel $0x88, $3  }
0x1: {  	(tag) =	ssettag $0x0;
	lr =	simm.s32 $0x1  }
0x2: {  	[smem:$0x3F95] =	sst lr;
	_ =	strace $0xD0000000  }
0x3: {  	_ = 	snop  }
0x4: {  	_ = 	snop  }
0x5: {  	_ = 	snop  }
0x6: {  	_ = 	snop  }
0x7: {  	_ = 	snop  }
__scs_overlays_trampoline_lowered:
0x8: {  	[smem:$0x3FA4] =	sst s0  }
0x9: {  	[smem:$0x3FA5] =	sst s1  }
0xa: {  	[smem:$0x3FA6] =	sst s2  }
0xb: {  	[smem:$0x3FA7] =	sst s3  }
0xc: {  	[smem:$0x3FA8] =	sst s4  }
0xd: {  	[smem:$0x3FA9] =	sst s5  }
0xe: {  	[smem:$0x3FAA] =	sst s6  }
0xf: {  	[smem:$0x3FAB] =	sst s7  }
0x10: {  	[smem:$0x3FAC] =	sst s8  }
0x11: {  	[smem:$0x3FAD] =	sst s9;
	s0 =	simm.s32 @!p0 $0x0  }
0x12: {  	s1 =	sld [smem:$0x3F93];
	s0 =	simm.s32 @p0 $0x1  }
0x13: {  	[smem:$0x3FAE] =	sst s0;
	s0 =	simm.s32 @!p1 $0x0  }
0x14: {  	s2 =	sld [smem:$0x3F92];
	s0 =	simm.s32 @p1 $0x1  }
0x15: {  	[smem:$0x3FAF] =	sst s0;
	s0 =	simm.s32 @!p2 $0x0  }
0x16: {  	s3 =	sld [smem:$0x3FDB];
	s0 =	simm.s32 @p2 $0x1  }
0x17: {  	s4 =	simm.s32 $0x1BF5;
	[smem:$0x3FB1] =	sst s0  }
0x18: {  	s0 =	sld [smem:$0x3F94];
	_ =	swait.ge [sflag:s4], $0x0  }
0x19: {  	s7 =	sld [smem:$0x3F95]  }
0x1a: {  	s8 =	sadd.s32 $0xFFFFE003, lr  }
0x1b: {  	s9 =	sadd.s32 $0xFFFFFEF7, lr;
	s5 =	simm.s32 $0xFFFFFFFF;
	p2 =	slt.u32 s8, $0xFFFFF086  }
0x1c: {  	p1 =	slt.u32 s9, $0xF7A;
	s5 =	simm.s32 @!p2 $0x0  }
0x1d: {  	s5 =	simm.s32 @p1 $0x1;
	p0 =	seq.s32 s7, s2  }
0x1e: {  	s7 =	smul.u32 @!p0 $0xF7A, s2;
	p2 =	seq.s32 @!p0 s5, $0x0  }
0x1f: {  	s9 =	smul.u32 $0xF7A, s1;
	s8 =	simm.s32 @!p0 $0x1BF5;
	p2 =	por !p2, p0  }
0x20: {  	[sflag:s8] =	ssyncset.s32 @!p0 $0xFFFFF086;
	s6 =	sadd.s32 @!p0 s3, s7;
	s7 =	simm.s32 @!p0 $0x108  }
0x21: {  	s3 =	sadd.s32 s3, s9;
	s6 =	sadd.s32 @!p0 $0x88, s6;
	s7 =	simm.s32 @p2 $0x1082  }
0x22: {  	[simem:s7], [sflag:s8] =	dma.local @!p0 [hbm:s6], $0xF7A  }
0x23: {  	s9 =	sor.u32 $0xD0000000, s2;
	s6 =	simm.s32 $0x108;
	_ =	swait.ge @!p0 [sflag:s8], $0x0  }
0x24: {  	s3 =	sadd.s32 $0x88, s3;
	s6 =	simm.s32 @!p1 $0x1082;
	[sflag:s4] =	ssyncset.s32 $0xFFFFF086  }
0x25: {  	[simem:s6], [sflag:s4] =	dma.local [hbm:s3], $0xF7A  }
0x26: {  	[smem:$0x3F95] =	sst s1;
	(tag) =	ssettag s2;
	_ =	strace s9  }
0x27: {  	s1 =	sld [smem:$0x3FA5]  }
0x28: {  	s2 =	sld [smem:$0x3FA6]  }
0x29: {  	s4 =	sld [smem:$0x3FA8]  }
0x2a: {  	p0 =	seq.s32 s5, $0x0;
	s5 =	sld [smem:$0x3FA9]  }
0x2b: {  	s6 =	sld [smem:$0x3FAA]  }
0x2c: {  	s7 =	sld [smem:$0x3FAB]  }
0x2d: {  	s3 =	simm.s32 $0x108;
	s8 =	sld [smem:$0x3FAC]  }
0x2e: {  	s3 =	simm.s32 @!p0 $0x1082;
	s9 =	sld [smem:$0x3FAD]  }
0x2f: {  	lr =	sadd.s32 s0, s3;
	s0 =	sld [smem:$0x3FA4]  }
0x30: {  	s3 =	sld [smem:$0x3FA7]  }
0x31: {  	[smem:$0x3FB0] =	sst s10  }
0x32: {  	s10 =	sld [smem:$0x3FAE];
	_ =	sdelay $0x3  }
0x33: {  	p0 =	seq.s32 s10, $0x1;
	s10 =	sld [smem:$0x3FB0];
	_ =	sdelay $0x3  }
0x34: {  	[smem:$0x3FB0] =	sst s10  }
0x35: {  	s10 =	sld [smem:$0x3FAF];
	_ =	sdelay $0x3  }
0x36: {  	p1 =	seq.s32 s10, $0x1;
	s10 =	sld [smem:$0x3FB0];
	_ =	sdelay $0x3  }
0x37: {  	[smem:$0x3FB0] =	sst s10  }
0x38: {  	s10 =	sld [smem:$0x3FB1]  }
0x39: {  	_ = 	snop;
	(pc) =	sbr.ind lr, $3  }
0x3a: {  	_ = 	snop  }
0x3b: {  	_ = 	snop  }
0x3c: {  	p2 =	seq.s32 s10, $0x1;
	s10 =	sld [smem:$0x3FB0]  }
0x3d: {  	_ =	shalt  }
0x3e: {  	_ =	shalt  }
0x3f: {  	_ =	shalt  }
0x40: {  	_ =	shalt  }
0x41: {  	_ =	shalt  }
0x42: {  	_ =	shalt  }
0x43: {  	_ =	shalt  }
0x44: {  	_ =	shalt  }
0x45: {  	_ =	shalt  }
0x46: {  	_ =	shalt  }
0x47: {  	_ =	shalt  }
0x48: {  	_ =	shalt  }
0x49: {  	_ =	shalt  }
0x4a: {  	_ =	shalt  }
0x4b: {  	_ =	shalt  }
0x4c: {  	_ =	shalt  }
0x4d: {  	_ =	shalt  }
0x4e: {  	_ =	shalt  }
0x4f: {  	_ =	shalt  }
0x50: {  	_ =	shalt  }
0x51: {  	_ =	shalt  }
0x52: {  	_ =	shalt  }
0x53: {  	_ =	shalt  }
0x54: {  	_ =	shalt  }
0x55: {  	_ =	shalt  }
0x56: {  	_ =	shalt  }
0x57: {  	_ =	shalt  }
0x58: {  	_ =	shalt  }
0x59: {  	_ =	shalt  }
0x5a: {  	_ =	shalt  }
0x5b: {  	_ =	shalt  }
0x5c: {  	_ =	shalt  }
0x5d: {  	_ =	shalt  }
0x5e: {  	_ =	shalt  }
0x5f: {  	_ =	shalt  }
0x60: {  	_ =	shalt  }
0x61: {  	_ =	shalt  }
0x62: {  	_ =	shalt  }
0x63: {  	_ =	shalt  }
0x64: {  	_ =	shalt  }
0x65: {  	_ =	shalt  }
0x66: {  	_ =	shalt  }
0x67: {  	_ =	shalt  }
0x68: {  	_ =	shalt  }
0x69: {  	_ =	shalt  }
0x6a: {  	_ =	shalt  }
0x6b: {  	_ =	shalt  }
0x6c: {  	_ =	shalt  }
0x6d: {  	_ =	shalt  }
0x6e: {  	_ =	shalt  }
0x6f: {  	_ =	shalt  }
0x70: {  	_ =	shalt  }
0x71: {  	_ =	shalt  }
0x72: {  	_ =	shalt  }
0x73: {  	_ =	shalt  }
0x74: {  	_ =	shalt  }
0x75: {  	_ =	shalt  }
0x76: {  	_ =	shalt  }
0x77: {  	_ =	shalt  }
0x78: {  	_ =	shalt  }
0x79: {  	_ =	shalt  }
0x7a: {  	_ =	shalt  }
0x7b: {  	_ =	shalt  }
0x7c: {  	_ =	shalt  }
0x7d: {  	_ =	shalt  }
0x7e: {  	_ =	shalt  }
0x7f: {  	_ =	shalt  }
0x80: {  	_ =	shalt  }
0x81: {  	_ =	shalt  }
0x82: {  	_ =	shalt  }
0x83: {  	_ =	shalt  }
0x84: {  	_ =	shalt  }
0x85: {  	_ =	shalt  }
0x86: {  	_ =	shalt  }
0x87: {  	_ =	shalt  }
.Lfunc_end0:
.L_simem_size_0:
called_computation.3_lowered:
.L_overlay_start_0:
0x88: {  	s2 =	sld [smem:$0x3FD9]  }
0x89: {  	s3 =	sld [smem:$0x3FFE];
	_ =	sdelay $0x1  }
0x8a: {  	s1 =	srdreg.scid  }
0x8b: {  	s0 =	sand.u32 $0x1, s1  }
0x8c: {  	s17 =	sshll.u32 s0, $0xA;
	s2 =	sadd.s32 s3, s2  }
0x8d: {  	s2 =	sadd.s32 s2, s17  }
0x8e: {  	[smem:$0x3FBC] =	sst s2  }
0x8f: {  	_ = 	snop  }
0x90: {  	(tm) =	ssettm $0x1  }
0x91: {  	s18 =	sld [smem:$0x3FFB];
	_ =	sdelay $0x3  }
0x92: {  	_ =	strace s18  }
0x93: {  	s2 =	sld [smem:$0x3FFC];
	_ =	sdelay $0x3  }
0x94: {  	_ =	strace s2  }
0x95: {  	s2 =	sld [smem:$0x3FFD];
	_ =	sdelay $0x3  }
0x96: {  	_ =	strace s2  }
0x97: {  	_ =	strace $0x8FFFFFFF  }
0x98: {  	s19 =	sld [smem:$0x3FDB];
	_ =	sdelay $0x1  }
0x99: {  	s20 =	simm.s32 $_scs_section_size  }
0x9a: {  	s4 =	simm.s32 $_size__tile_overlayer_lowered;
	s5 =	simm.s32 $_tile_overlayer_lowered  }
0x9b: {  	s6 =	simm.s32 $0x1BFF;
	s21 =	sshll.u32 s5, $0x1;
	s3 =	sadd.s32 s20, s19  }
0x9c: {  	s22 =	simm.s32 $0x0;
	s4 =	sshll.u32 s4, $0x1;
	s5 =	sadd.s32 s21, s3  }
0x9d: {  	[timem:s22], [sflag:s6] =	dma.local [hbm:s5], s4  }
0x9e: {  	_ =	swait.ge [sflag:s6], s4  }
0x9f: {  	s4 =	ssub.s32 $0x0, s4;
	[sflag:s6] =	ssyncset.done $0x0  }
0xa0: {  	[sflag:s6] =	ssyncadd.s32 s4;
	_ =	sdelay $0x1  }
0xa1: {  	s23 =	simm.s32 $0x1B8B  }
0xa2: {  	_ =	swait.ge [sflag:s23], $0x1  }
0xa3: {  	[sflag:s23] =	ssyncset.done $0x0  }
0xa4: {  	[sflag:s23] =	ssyncadd.s32 $0xFFFFFFFF  }
0xa5: {  	s4 =	sld [smem:$0x0]  }
0xa6: {  	s5 =	sand.u32 $0xFFFFFFFE, s1  }
0xa7: {  	p0 =	sne.s32 s1, s5  }
0xa8: {  	s5 =	sshll.u32 @p0 s5, $0xE  }
0xa9: {  	s5 =	sadd.s32 @p0 $0x11B8D, s5;
	s6 =	sshll.u32 @p0 s4, $0x11  }
0xaa: {  	s5 =	sor.u32 @p0 s6, s5  }
0xab: {  	[sflag:s5] =	ssyncadd.remote.s32 @p0 $0x1;
	_ =	sdelay $0x1  }
0xac: {  	s5 =	simm.s32 @p0 $0x1B8D  }
0xad: {  	_ =	swait.eq @p0 [sflag:s5], $0x1  }
0xae: {  	[sflag:s5] =	ssyncadd.s32 @p0 $0xFFFFFFFF  }
0xaf: {  	s6 =	sshll.u32 @!p0 s1, $0xE  }
0xb0: {  	s6 =	sor.u32 @!p0 $0x4000, s6;
	s5 =	simm.s32 @!p0 $0x1B8D  }
0xb1: {  	s4 =	sshll.u32 @!p0 s4, $0x11;
	s6 =	sadd.s32 @!p0 $0x11B8D, s6;
	_ =	swait.eq @!p0 [sflag:s5], $0x1  }
0xb2: {  	s4 =	sor.u32 @!p0 s4, s6;
	[sflag:s5] =	ssyncadd.s32 @!p0 $0xFFFFFFFF  }
0xb3: {  	s25 =	simm.s32 $0x1B8E;
	s24 =	sld [smem:$0x3FFE];
	[sflag:s4] =	ssyncadd.remote.s32 @!p0 $0x1  }
0xb4: {  	s26 =	simm.s32 $execute0_lowered;
	[smem:$0x3FD2] =	sst s25  }
0xb5: {  	s5 =	sshll.u32 s26, $0x1;
	_ =	strace $0x8000004C;
	[dreg:$0x1] =	wrdreg $0xFFFFFFFF  }
0xb6: {  	s28 =	simm.s32 $_size_execute0_lowered;
	s3 =	sadd.s32 s3, s5;
	[dreg:$0x0] =	wrdreg $0x0  }
0xb7: {  	s5 =	sshll.u32 s28, $0x1;
	[dreg:$0x2] =	wrdreg s3  }
0xb8: {  	[dreg:$0x3] =	wrdreg s5  }
0xb9: {  	[dreg:$0x4] =	wrdreg $0xC0  }
0xba: {  	_ =	task [dreg:s22], $0x5FFFF  }
0xbb: {  	[dreg:$0x1] =	wrdreg $0xFFFFFFFF  }
0xbc: {  	[dreg:$0x0] =	wrdreg $0x60  }
0xbd: {  	[dreg:$0x2] =	wrdreg s24  }
0xbe: {  	[dreg:$0x3] =	wrdreg $0x0  }
0xbf: {  	[dreg:$0x4] =	wrdreg $0xA  }
0xc0: {  	_ =	task.clear_ibuf [dreg:s22], $0x5FFFF;
	_ =	strace $0x9000004C  }
0xc1: {  	s29 =	simm.s32 $0xA;
	_ =	strace $0x8000004E  }
0xc2: {  	_ =	swait.ge [sflag:s29], $0x1  }
0xc3: {  	[sflag:s29] =	ssyncadd.s32 $0xFFFFFFFF  }
0xc4: {  	_ =	strace $0x9000004E  }
0xc5: {  	_ =	sfence  }
0xc6: {  	s30 =	sld [smem:$0x0];
	_ =	sdelay $0x2  }
0xc7: {  	s31 =	sshll.u32 s1, $0xD;
	s1 =	sshrl.u32 s1, $0x2  }
0xc8: {  	s4 =	sand.u32 $0x4000, s31;
	s1 =	sadd.s32 s1, s30  }
0xc9: {  	s0 =	sor.u32 s4, s0;
	s1 =	sshll.u32 s1, $0x11  }
0xca: {  	s0 =	sor.u32 s1, s0  }
0xcb: {  	s0 =	sadd.s32 $0x8F2B, s0  }
0xcc: {  	[sflag:s0] =	ssyncadd.remote.s32 $0x1  }
0xcd: {  	_ =	sfence.sel $0xFFFF  }
0xce: {  	[dreg:$0x0] =	wrdreg $0xFFFFFFFF;
	(pc) =	sbr.abs _section_cstart, $3  }
0xcf: {  	[dreg:$0x1] =	wrdreg $0xFFFFFFFF  }
0xd0: {  	_ =	task.clear_ibuf [dreg:s22], $0x2FFFF;
	_ =	strace $0x9FFFFFFF  }
0xd1: {  	(tm) =	ssettm $0x7FFFFFFF  }
tec
execute0_lowered:
.L_overlay_start_1:
0x0: {  	(tag) =	ssettag $0x1  }
0x1: {  	s0 =	srdreg.scid;
	s5 =	rddreg [dreg:$0x0]  }
0x2: {  	s7 =	stileid.u32;
	s2 =	rddreg [dreg:$0x1]  }
0x3: {  	s30 =	simm.s32 $0x14000;
	s29 =	simm.s32 $0x1CF80;
	s31 =	simm.s32 $0x1  }
0x4: {  	s0 =	sand.u32 $0x1, s0;
	s1 =	sshll.u32 s7, $0x1;
	s11 =	smul.u32 $0x280, s7  }
0x5: {  	s3 =	sshrl.u32 s7, $0x2;
	s17 =	sadd.s32 $0x45400, s5;
	s18 =	smul.u32 $0x50000, s7  }
0x6: {  	s1 =	sor.u32 s0, s1;
	s4 =	smul.u32 $0x13C00, s3;
	s3 =	simm.s32 $0x0  }
0x7: {  	s19 =	ssub.s32 $0x2, s0;
	s0 =	smul.u32 $0x2800, s0;
	s6 =	sshll.u32 s1, $0x7  }
0x8: {  	[smem:$0x7FF] =	sst s3;
	s1 =	sshll.u32 s1, $0xB;
	s12 =	sor.u32 $0x50, s11  }
0x9: {  	s8 =	sshrl.u32 s19, $0x1;
	s13 =	sadd.s32 $0xA0, s11;
	s16 =	sadd.s32 $0xF0, s11  }
0xa: {  	s22 =	sadd.s32 $0x230, s11;
	s6 =	sand.u32 $0x380, s6;
	_ =	strace $0x8000004D  }
0xb: {  	s1 =	sadd.s32 s1, s5;
	[dreg:$0x3] =	wrdreg s17;
	s9 =	sshll.u32 s12, $0x7  }
0xc: {  	s15 =	ssub.s32 s19, s8;
	s17 =	sadd.s32 $0x140, s11;
	s20 =	sshll.u32 s13, $0x7  }
0xd: {  	s21 =	sshll.u32 s16, $0x7;
	s19 =	sadd.s32 $0x1E0, s11;
	s23 =	sadd.s32 s11, s0  }
0xe: {  	s24 =	sadd.s32 s0, s12;
	s25 =	sadd.s32 s0, s13;
	s16 =	sadd.s32 s0, s16  }
0xf: {  	s6 =	sor.u32 s4, s6;
	s4 =	sadd.s32 $0x3600, s5;
	s7 =	sadd.s32 s9, s2  }
0x10: {  	s10 =	sshll.u32 s17, $0x7;
	s8 =	sadd.s32 s20, s2;
	s9 =	sadd.s32 s21, s2  }
0x11: {  	s21 =	sshll.u32 s19, $0x7;
	s17 =	sadd.s32 s0, s17;
	s28 =	sadd.s32 s0, s19  }
0x12: {  	s19 =	sshll.u32 s24, $0x4;
	s1 =	sadd.s32 $0x35400, s1;
	s6 =	sshrl.u32 s6, $0x3  }
0x13: {  	s10 =	sadd.s32 s10, s2;
	s12 =	sadd.s32 s21, s2;
	[dreg:$0x5] =	wrdreg s1  }
0x14: {  	s24 =	sshll.u32 s17, $0x4;
	s14 =	sadd.s32 s6, s5;
	s6 =	sshrl.u32 s18, $0x2  }
0x15: {  	s5 =	sadd.s32 $0x96600, s5;
	s18 =	sadd.s32 $0x190, s11;
	s6 =	sadd.s32 s6, s2  }
0x16: {  	s20 =	sshll.u32 s18, $0x7;
	s26 =	sadd.s32 s0, s18;
	s0 =	sadd.s32 s0, s22  }
0x17: {  	s22 =	sshll.u32 s22, $0x7;
	s14 =	sadd.s32 $0x2B600, s14;
	s18 =	sshll.u32 s23, $0x4  }
0x18: {  	s21 =	sadd.s32 s5, s19;
	s23 =	sshll.u32 s16, $0x4;
	s11 =	sadd.s32 s20, s2  }
0x19: {  	s13 =	sadd.s32 s22, s2;
	[dreg:$0x4] =	wrdreg s14;
	s20 =	sadd.s32 s5, s18  }
0x1a: {  	[dreg:$0x7] =	wrdreg s21;
	s22 =	sshll.u32 s25, $0x4;
	s19 =	sadd.s32 s5, s23  }
0x1b: {  	s25 =	sshll.u32 s26, $0x4;
	s26 =	sshll.u32 s28, $0x4;
	s0 =	sshll.u32 s0, $0x4  }
0x1c: {  	s28 =	simm.s32 $0x2;
	s14 =	simm.s32 $0x0;
	[dreg:$0x6] =	wrdreg s20  }
0x1d: {  	s1 =	sadd.s32 s5, s22;
	s20 =	sadd.s32 s5, s24;
	s21 =	sadd.s32 s5, s25  }
0x1e: {  	s22 =	sadd.s32 s5, s26;
	s23 =	sadd.s32 s5, s0;
	s24 =	smax.u32 s15, $0x1  }
0x1f: {  	s25 =	simm.s32 $0x1A780;
	s26 =	simm.s32 $0x4;
	s0 =	simm.s32 $0x50  }
0x20: {  	s5 =	simm.s32 $0x166C0;
	[dreg:$0x8] =	wrdreg s1;
	s1 =	simm.s32 $0x3  }
.LBB2_1:
0x21: {  	s15 =	rddreg [dreg:$0x3]  }
0x22: {  	[tilespmem:s25], [sflag:$0x4] =	stream.linear.gather [hbm4b:s15+s3], $0x2800, $0x38;
	[tilespmem:$0x1F780] =	vst v63  }
0x23: {  	_ =	swait.ge [sflag:s26], $0x2800  }
0x24: {  	[sflag:s26] =	ssyncset.done $0x0  }
0x25: {  	[sflag:s26] =	ssyncadd.s32 $0xFFFFD800  }
0x26: {  	[spmem:s6] =	stream.linear.scatter [tilespmem:s25], [sflag:$0x3], $0x2800, $0x38;
	[tilespmem:$0x1F780] =	vst v63  }
0x27: {  	_ = 	snop  }
0x28: {  	[spmem:s7] =	stream.linear.scatter [tilespmem:s25], [sflag:$0x3], $0x2800, $0x38;
	[tilespmem:$0x1F780] =	vst v63  }
0x29: {  	_ = 	snop  }
0x2a: {  	[spmem:s8] =	stream.linear.scatter [tilespmem:s25], [sflag:$0x3], $0x2800, $0x38;
	[tilespmem:$0x1F780] =	vst v63  }
0x2b: {  	_ = 	snop  }
0x2c: {  	[spmem:s9] =	stream.linear.scatter [tilespmem:s25], [sflag:$0x3], $0x2800, $0x38;
	[tilespmem:$0x1F780] =	vst v63  }
0x2d: {  	_ = 	snop  }
0x2e: {  	[spmem:s10] =	stream.linear.scatter [tilespmem:s25], [sflag:$0x3], $0x2800, $0x38;
	[tilespmem:$0x1F780] =	vst v63  }
0x2f: {  	_ = 	snop  }
0x30: {  	[spmem:s11] =	stream.linear.scatter [tilespmem:s25], [sflag:$0x3], $0x2800, $0x38;
	[tilespmem:$0x1F780] =	vst v63  }
0x31: {  	_ = 	snop  }
0x32: {  	[spmem:s12] =	stream.linear.scatter [tilespmem:s25], [sflag:$0x3], $0x2800, $0x38;
	[tilespmem:$0x1F780] =	vst v63  }
0x33: {  	_ = 	snop  }
0x34: {  	[spmem:s13] =	stream.linear.scatter [tilespmem:s25], [sflag:$0x3], $0x2800, $0x38;
	[tilespmem:$0x1F780] =	vst v63  }
0x35: {  	s16 =	simm.s32 $0x80;
	s17 =	simm.s32 $0x400;
	s18 =	rddreg [dreg:$0x4]  }
0x36: {  	[tilespmem:s30], [sflag:$0x4] =	stream.strided.gather [hbm4b:s18+s16], $0x2780, s17, s16, $0x38;
	[tilespmem:$0x1F780] =	vst v63  }
0x37: {  	_ =	swait.ge [sflag:s26], $0x2780  }
0x38: {  	[sflag:s26] =	ssyncset.done $0x0  }
0x39: {  	s17 =	simm.s32 $0x16780;
	s16 =	rddreg [dreg:$0x5];
	[sflag:s26] =	ssyncadd.s32 $0xFFFFD880  }
0x3a: {  	[tilespmem:s17], [sflag:$0x4] =	stream.linear.gather [hbm4b:s16+s3], $0x3E80, $0x38;
	[tilespmem:$0x1F780] =	vst v63  }
0x3b: {  	_ =	swait.ge [sflag:s26], $0x3E80  }
0x3c: {  	[sflag:s26] =	ssyncset.done $0x0  }
0x3d: {  	[sflag:s26] =	ssyncadd.s32 $0xFFFFC180  }
0x3e: {  	_ =	swait.ge [sflag:s1], $0x2800  }
0x3f: {  	[sflag:s1] =	ssyncset.done $0x0  }
0x40: {  	[sflag:s1] =	ssyncadd.s32 $0xFFFFD800  }
0x41: {  	_ =	swait.ge [sflag:s1], $0x2800  }
0x42: {  	[sflag:s1] =	ssyncset.done $0x0  }
0x43: {  	[sflag:s1] =	ssyncadd.s32 $0xFFFFD800  }
0x44: {  	_ =	swait.ge [sflag:s1], $0x2800  }
0x45: {  	[sflag:s1] =	ssyncset.done $0x0  }
0x46: {  	[sflag:s1] =	ssyncadd.s32 $0xFFFFD800  }
0x47: {  	_ =	swait.ge [sflag:s1], $0x2800  }
0x48: {  	[sflag:s1] =	ssyncset.done $0x0  }
0x49: {  	[sflag:s1] =	ssyncadd.s32 $0xFFFFD800  }
0x4a: {  	_ =	swait.ge [sflag:s1], $0x2800  }
0x4b: {  	[sflag:s1] =	ssyncset.done $0x0  }
0x4c: {  	[sflag:s1] =	ssyncadd.s32 $0xFFFFD800  }
0x4d: {  	_ =	swait.ge [sflag:s1], $0x2800  }
0x4e: {  	[sflag:s1] =	ssyncset.done $0x0  }
0x4f: {  	[sflag:s1] =	ssyncadd.s32 $0xFFFFD800  }
0x50: {  	_ =	swait.ge [sflag:s1], $0x2800  }
0x51: {  	[sflag:s1] =	ssyncset.done $0x0  }
0x52: {  	[sflag:s1] =	ssyncadd.s32 $0xFFFFD800  }
0x53: {  	_ =	swait.ge [sflag:s1], $0x2800  }
0x54: {  	[sflag:s1] =	ssyncset.done $0x0  }
0x55: {  	[sflag:s1] =	ssyncadd.s32 $0xFFFFD800  }
0x56: {  	[bflag:$0x0] =	sbarrier.arrive $0xFFFF  }
0x57: {  	[tilespmem:s25], [sflag:$0x1] =	stream.indirect.gather [hbm4b:s4+s0], $0x80, s30, s0, $0xb8;
	[tilespmem:$0x1F780] =	vst v63  }
0x58: {  	s18 =	simm.s32 $0x14050  }
0x59: {  	[tilespmem:s29], [sflag:$0x2] =	stream.indirect.gather [hbm4b:s4+s0], $0x80, s18, s0, $0xb8;
	[tilespmem:$0x1F780] =	vst v63  }
0x5a: {  	_ =	swait.ge [sflag:s31], $0x2800  }
0x5b: {  	[sflag:s31] =	ssyncset.done $0x0  }
0x5c: {  	s16 =	simm.s32 $0x16780;
	[sflag:s31] =	ssyncadd.s32 $0xFFFFD800  }
0x5d: {  	[spmem:s2] =	stream.indirect.scatter.add.f32 [tilespmem:s25], [sflag:$0x4], $0x80, s16, s0, $0xb8;
	[tilespmem:$0x1F780] =	vst v63  }
0x5e: {  	_ =	swait.ge [sflag:s26], $0x2800  }
0x5f: {  	[sflag:s26] =	ssyncset.done $0x0  }
0x60: {  	s17 =	simm.s32 $0x140A0;
	[sflag:s26] =	ssyncadd.s32 $0xFFFFD800  }
0x61: {  	[tilespmem:s25], [sflag:$0x1] =	stream.indirect.gather [hbm4b:s4+s0], $0x80, s17, s0, $0xb8;
	[tilespmem:$0x1F780] =	vst v63  }
0x62: {  	_ =	swait.ge [sflag:s28], $0x2800  }
0x63: {  	[sflag:s28] =	ssyncset.done $0x0  }
0x64: {  	s18 =	simm.s32 $0x16800;
	[sflag:s28] =	ssyncadd.s32 $0xFFFFD800  }
0x65: {  	[spmem:s2] =	stream.indirect.scatter.add.f32 [tilespmem:s29], [sflag:$0x4], $0x80, s18, s0, $0xb8;
	[tilespmem:$0x1F780] =	vst v63  }
0x66: {  	_ =	swait.ge [sflag:s26], $0x2800  }
0x67: {  	s15 =	simm.s32 $0x400;
	[sflag:s26] =	ssyncset.done $0x0  }
0x68: {  	s16 =	simm.s32 $0x14140;
	s17 =	simm.s32 $0x140F0;
	[sflag:s26] =	ssyncadd.s32 $0xFFFFD800  }
.LBB2_2:
0x69: {  	[tilespmem:s29], [sflag:$0x2] =	stream.indirect.gather [hbm4b:s4+s0], $0x80, s17, s0, $0xb8;
	[tilespmem:$0x1F780] =	vst v63  }
0x6a: {  	s17 =	smov.u32 s15  }
0x6b: {  	p0 =	sne.s32 s15, $0xF000;
	s15 =	sadd.s32 $0x400, s15;
	_ =	swait.ge [sflag:s31], $0x2800  }
0x6c: {  	s17 =	sshra.s32 s17, $0x2;
	[sflag:s31] =	ssyncset.done $0x0  }
0x6d: {  	s18 =	sadd.s32 $0x16780, s17;
	[sflag:s31] =	ssyncadd.s32 $0xFFFFD800  }
0x6e: {  	[spmem:s2] =	stream.indirect.scatter.add.f32 [tilespmem:s25], [sflag:$0x4], $0x80, s18, s0, $0xb8;
	[tilespmem:$0x1F780] =	vst v63  }
0x6f: {  	_ =	swait.ge [sflag:s26], $0x2800  }
0x70: {  	[sflag:s26] =	ssyncset.done $0x0  }
0x71: {  	[sflag:s26] =	ssyncadd.s32 $0xFFFFD800  }
0x72: {  	[tilespmem:s25], [sflag:$0x1] =	stream.indirect.gather [hbm4b:s4+s0], $0x80, s16, s0, $0xb8;
	[tilespmem:$0x1F780] =	vst v63  }
0x73: {  	_ =	swait.ge [sflag:s28], $0x2800  }
0x74: {  	[sflag:s28] =	ssyncset.done $0x0  }
.Ltmp0:
0x75: {  	s17 =	sadd.s32 $0x16800, s17;
	[sflag:s28] =	ssyncadd.s32 $0xFFFFD800;
	(pc) =	sbr.rel @p0 .LBB2_2-.Ltmp0, $4  }
0x76: {  	[spmem:s2] =	stream.indirect.scatter.add.f32 [tilespmem:s29], [sflag:$0x4], $0x80, s17, s0, $0xb8;
	[tilespmem:$0x1F780] =	vst v63  }
0x77: {  	_ =	swait.ge [sflag:s26], $0x2800  }
0x78: {  	[sflag:s26] =	ssyncset.done $0x0  }
0x79: {  	s17 =	sadd.s32 $0x50, s16;
	s16 =	sadd.s32 $0xA0, s16;
	[sflag:s26] =	ssyncadd.s32 $0xFFFFD800  }
0x7a: {  	[tilespmem:s29], [sflag:$0x2] =	stream.indirect.gather [hbm4b:s4+s0], $0x80, s17, s0, $0xb8;
	[tilespmem:$0x1F780] =	vst v63  }
0x7b: {  	_ =	swait.ge [sflag:s31], $0x2800  }
0x7c: {  	[sflag:s31] =	ssyncset.done $0x0  }
0x7d: {  	s15 =	simm.s32 $0x1A480;
	[sflag:s31] =	ssyncadd.s32 $0xFFFFD800  }
0x7e: {  	[spmem:s2] =	stream.indirect.scatter.add.f32 [tilespmem:s25], [sflag:$0x4], $0x80, s15, s0, $0xb8;
	[tilespmem:$0x1F780] =	vst v63  }
0x7f: {  	_ =	swait.ge [sflag:s26], $0x2800  }
0x80: {  	[sflag:s26] =	ssyncset.done $0x0  }
0x81: {  	[sflag:s26] =	ssyncadd.s32 $0xFFFFD800  }
0x82: {  	[tilespmem:s25], [sflag:$0x1] =	stream.indirect.gather [hbm4b:s4+s0], $0x80, s5, s0, $0xb8;
	[tilespmem:$0x1F780] =	vst v63  }
0x83: {  	_ =	swait.ge [sflag:s28], $0x2800  }
0x84: {  	[sflag:s28] =	ssyncset.done $0x0  }
0x85: {  	s17 =	simm.s32 $0x1A500;
	[sflag:s28] =	ssyncadd.s32 $0xFFFFD800  }
0x86: {  	[spmem:s2] =	stream.indirect.scatter.add.f32 [tilespmem:s29], [sflag:$0x4], $0x80, s17, s0, $0xb8;
	[tilespmem:$0x1F780] =	vst v63  }
0x87: {  	_ =	swait.ge [sflag:s26], $0x2800  }
0x88: {  	[sflag:s26] =	ssyncset.done $0x0  }
0x89: {  	[sflag:s26] =	ssyncadd.s32 $0xFFFFD800  }
0x8a: {  	[tilespmem:s29], [sflag:$0x2] =	stream.indirect.gather [hbm4b:s4+s0], $0x80, s5, s0, $0xb8;
	[tilespmem:$0x1F780] =	vst v63  }
0x8b: {  	_ =	swait.ge [sflag:s31], $0x2800  }
0x8c: {  	[sflag:s31] =	ssyncset.done $0x0  }
0x8d: {  	s18 =	simm.s32 $0x1A580;
	[sflag:s31] =	ssyncadd.s32 $0xFFFFD800  }
0x8e: {  	[spmem:s2] =	stream.indirect.scatter.add.f32 [tilespmem:s25], [sflag:$0x4], $0x80, s18, s0, $0xb8;
	[tilespmem:$0x1F780] =	vst v63  }
0x8f: {  	_ =	swait.ge [sflag:s26], $0x2800  }
0x90: {  	[sflag:s26] =	ssyncset.done $0x0  }
0x91: {  	[sflag:s26] =	ssyncadd.s32 $0xFFFFD800  }
0x92: {  	_ =	swait.ge [sflag:s28], $0x2800  }
0x93: {  	[sflag:s28] =	ssyncset.done $0x0  }
0x94: {  	[sflag:s28] =	ssyncadd.s32 $0xFFFFD800  }
0x95: {  	[bflag:$0x0] =	sbarrier.arrive $0xFFFF  }
0x96: {  	[tilespmem:s25], [sflag:$0x4] =	stream.linear.gather [spmem:s6], $0x2800, $0x38;
	[tilespmem:$0x1F780] =	vst v63  }
0x97: {  	_ =	swait.ge [sflag:s26], $0x2800  }
0x98: {  	[sflag:s26] =	ssyncset.done $0x0  }
0x99: {  	s16 =	rddreg [dreg:$0x6];
	[sflag:s26] =	ssyncadd.s32 $0xFFFFD800  }
0x9a: {  	[hbm4b:s16+s3] =	stream.linear.scatter [tilespmem:s25], [sflag:$0x3], $0x2800, $0x38;
	[tilespmem:$0x1F780] =	vst v63  }
0x9b: {  	_ = 	snop  }
0x9c: {  	[tilespmem:s29], [sflag:$0x4] =	stream.linear.gather [spmem:s7], $0x2800, $0x38;
	[tilespmem:$0x1F780] =	vst v63  }
0x9d: {  	_ =	swait.ge [sflag:s26], $0x2800  }
0x9e: {  	[sflag:s26] =	ssyncset.done $0x0  }
0x9f: {  	s17 =	rddreg [dreg:$0x7];
	[sflag:s26] =	ssyncadd.s32 $0xFFFFD800  }
0xa0: {  	[hbm4b:s17+s3] =	stream.linear.scatter [tilespmem:s29], [sflag:$0x3], $0x2800, $0x38;
	[tilespmem:$0x1F780] =	vst v63  }
0xa1: {  	_ =	swait.ge [sflag:s1], $0x2800  }
0xa2: {  	[sflag:s1] =	ssyncset.done $0x0  }
0xa3: {  	[sflag:s1] =	ssyncadd.s32 $0xFFFFD800  }
0xa4: {  	[tilespmem:s25], [sflag:$0x4] =	stream.linear.gather [spmem:s8], $0x2800, $0x38;
	[tilespmem:$0x1F780] =	vst v63  }
0xa5: {  	_ =	swait.ge [sflag:s26], $0x2800  }
0xa6: {  	[sflag:s26] =	ssyncset.done $0x0  }
0xa7: {  	s18 =	rddreg [dreg:$0x8];
	[sflag:s26] =	ssyncadd.s32 $0xFFFFD800  }
0xa8: {  	[hbm4b:s18+s3] =	stream.linear.scatter [tilespmem:s25], [sflag:$0x3], $0x2800, $0x38;
	[tilespmem:$0x1F780] =	vst v63  }
0xa9: {  	_ =	swait.ge [sflag:s1], $0x2800  }
0xaa: {  	[sflag:s1] =	ssyncset.done $0x0  }
0xab: {  	[sflag:s1] =	ssyncadd.s32 $0xFFFFD800  }
0xac: {  	[tilespmem:s29], [sflag:$0x4] =	stream.linear.gather [spmem:s9], $0x2800, $0x38;
	[tilespmem:$0x1F780] =	vst v63  }
0xad: {  	_ =	swait.ge [sflag:s26], $0x2800  }
0xae: {  	[sflag:s26] =	ssyncset.done $0x0  }
0xaf: {  	[sflag:s26] =	ssyncadd.s32 $0xFFFFD800  }
0xb0: {  	[hbm4b:s19+s3] =	stream.linear.scatter [tilespmem:s29], [sflag:$0x3], $0x2800, $0x38;
	[tilespmem:$0x1F780] =	vst v63  }
0xb1: {  	_ =	swait.ge [sflag:s1], $0x2800  }
0xb2: {  	[sflag:s1] =	ssyncset.done $0x0  }
0xb3: {  	[sflag:s1] =	ssyncadd.s32 $0xFFFFD800  }
0xb4: {  	[tilespmem:s25], [sflag:$0x4] =	stream.linear.gather [spmem:s10], $0x2800, $0x38;
	[tilespmem:$0x1F780] =	vst v63  }
0xb5: {  	_ =	swait.ge [sflag:s26], $0x2800  }
0xb6: {  	[sflag:s26] =	ssyncset.done $0x0  }
0xb7: {  	[sflag:s26] =	ssyncadd.s32 $0xFFFFD800  }
0xb8: {  	[hbm4b:s20+s3] =	stream.linear.scatter [tilespmem:s25], [sflag:$0x3], $0x2800, $0x38;
	[tilespmem:$0x1F780] =	vst v63  }
0xb9: {  	_ =	swait.ge [sflag:s1], $0x2800  }
0xba: {  	[sflag:s1] =	ssyncset.done $0x0  }
0xbb: {  	[sflag:s1] =	ssyncadd.s32 $0xFFFFD800  }
0xbc: {  	[tilespmem:s29], [sflag:$0x4] =	stream.linear.gather [spmem:s11], $0x2800, $0x38;
	[tilespmem:$0x1F780] =	vst v63  }
0xbd: {  	_ =	swait.ge [sflag:s26], $0x2800  }
0xbe: {  	[sflag:s26] =	ssyncset.done $0x0  }
0xbf: {  	[sflag:s26] =	ssyncadd.s32 $0xFFFFD800  }
0xc0: {  	[hbm4b:s21+s3] =	stream.linear.scatter [tilespmem:s29], [sflag:$0x3], $0x2800, $0x38;
	[tilespmem:$0x1F780] =	vst v63  }
0xc1: {  	_ =	swait.ge [sflag:s1], $0x2800  }
0xc2: {  	[sflag:s1] =	ssyncset.done $0x0  }
0xc3: {  	[sflag:s1] =	ssyncadd.s32 $0xFFFFD800  }
0xc4: {  	[tilespmem:s25], [sflag:$0x4] =	stream.linear.gather [spmem:s12], $0x2800, $0x38;
	[tilespmem:$0x1F780] =	vst v63  }
0xc5: {  	_ =	swait.ge [sflag:s26], $0x2800  }
0xc6: {  	[sflag:s26] =	ssyncset.done $0x0  }
0xc7: {  	[sflag:s26] =	ssyncadd.s32 $0xFFFFD800  }
0xc8: {  	[hbm4b:s22+s3] =	stream.linear.scatter [tilespmem:s25], [sflag:$0x3], $0x2800, $0x38;
	[tilespmem:$0x1F780] =	vst v63  }
0xc9: {  	_ =	swait.ge [sflag:s1], $0x2800  }
0xca: {  	[sflag:s1] =	ssyncset.done $0x0  }
0xcb: {  	[sflag:s1] =	ssyncadd.s32 $0xFFFFD800  }
0xcc: {  	[tilespmem:s29], [sflag:$0x4] =	stream.linear.gather [spmem:s13], $0x2800, $0x38;
	[tilespmem:$0x1F780] =	vst v63  }
0xcd: {  	_ =	swait.ge [sflag:s26], $0x2800  }
0xce: {  	[sflag:s26] =	ssyncset.done $0x0  }
0xcf: {  	s14 =	sadd.s32 $0x1, s14;
	[sflag:s26] =	ssyncadd.s32 $0xFFFFD800  }
0xd0: {  	[hbm4b:s23+s3] =	stream.linear.scatter [tilespmem:s29], [sflag:$0x3], $0x2800, $0x38;
	[tilespmem:$0x1F780] =	vst v63  }
0xd1: {  	p0 =	sne.s32 s14, s24;
	_ =	swait.ge [sflag:s1], $0x2800  }
.Ltmp1:
0xd2: {  	[sflag:s1] =	ssyncset.done $0x0;
	(pc) =	sbr.rel @p0 .LBB2_1-.Ltmp1, $4  }
0xd3: {  	[sflag:s1] =	ssyncadd.s32 $0xFFFFD800  }
0xd4: {  	_ =	swait.ge [sflag:s1], $0x2800  }
0xd5: {  	[sflag:s1] =	ssyncset.done $0x0  }
0xd6: {  	[sflag:s1] =	ssyncadd.s32 $0xFFFFD800  }
0xd7: {  	_ =	sfence.sel $0x180000  }
0xd8: {  	[bflag:$0x0] =	sbarrier.arrive $0xFFFF  }
0xd9: {  	_ =	strace $0x9000004D  }
0xda: {  	s0 =	stileid.u32;
	[bflag:$0x2] =	sbarrier.arrive $0xFFFF  }
0xdb: {  	p0 =	sne.s32 s0, $0x0;
	s0 =	rddreg [dreg:$0x2]  }
0xdc: {  	s0 =	sadd.s32 @!p0 $0x100000, s0  }
0xdd: {  	[sflag:s0] =	ssyncadd.tile.s32 @!p0 $0x1;
	_ =	shalt  }
.Lfunc_end2:
_tile_overlayer_lowered:
.L_overlay_start_2:
0xde: {  	(tag) =	ssettag $0x2  }
0xdf: {  	s0 =	rddreg [dreg:$0x0];
	s2 =	stileid.u32  }
0xe0: {  	s1 =	rddreg [dreg:$0x1];
	p0 =	sne.s32 s2, $0x0  }
0xe1: {  	s3 =	rddreg [dreg:$0x2];
	[bflag:$0x3] =	sbarrier.arrive $0xFFFF;
	s2 =	simm.s32 @!p0 $0x1C04  }
0xe2: {  	[timem:s3], [sflag:s2] =	dma.local @!p0 [hbm:s0], s1  }
0xe3: {  	s0 =	simm.s32 @!p0 $0x4  }
0xe4: {  	_ =	swait.ge @!p0 [sflag:s0], s1  }
0xe5: {  	s1 =	ssub.s32 @!p0 $0x0, s1;
	[sflag:s0] =	ssyncset.done @!p0 $0x0  }
0xe6: {  	[sflag:s0] =	ssyncadd.s32 @!p0 s1  }
0xe7: {  	[bflag:$0x3] =	sbarrier.arrive $0xFFFF  }
0xe8: {  	_ =	shalt  }

// kernel: kernel.24.cloned.1.call-start
scs
__scs_entry_jumppad:
0x0: {  	(pc) =	sbr.rel $0x88, $3  }
0x1: {  	(tag) =	ssettag $0x0;
	lr =	simm.s32 $0x1  }
0x2: {  	[smem:$0x3F95] =	sst lr;
	_ =	strace $0xD0000000  }
0x3: {  	_ = 	snop  }
0x4: {  	_ = 	snop  }
0x5: {  	_ = 	snop  }
0x6: {  	_ = 	snop  }
0x7: {  	_ = 	snop  }
__scs_overlays_trampoline_lowered:
0x8: {  	[smem:$0x3FA4] =	sst s0  }
0x9: {  	[smem:$0x3FA5] =	sst s1  }
0xa: {  	[smem:$0x3FA6] =	sst s2  }
0xb: {  	[smem:$0x3FA7] =	sst s3  }
0xc: {  	[smem:$0x3FA8] =	sst s4  }
0xd: {  	[smem:$0x3FA9] =	sst s5  }
0xe: {  	[smem:$0x3FAA] =	sst s6  }
0xf: {  	[smem:$0x3FAB] =	sst s7  }
0x10: {  	[smem:$0x3FAC] =	sst s8  }
0x11: {  	[smem:$0x3FAD] =	sst s9;
	s0 =	simm.s32 @!p0 $0x0  }
0x12: {  	s1 =	sld [smem:$0x3F93];
	s0 =	simm.s32 @p0 $0x1  }
0x13: {  	[smem:$0x3FAE] =	sst s0;
	s0 =	simm.s32 @!p1 $0x0  }
0x14: {  	s2 =	sld [smem:$0x3F92];
	s0 =	simm.s32 @p1 $0x1  }
0x15: {  	[smem:$0x3FAF] =	sst s0;
	s0 =	simm.s32 @!p2 $0x0  }
0x16: {  	s3 =	sld [smem:$0x3FDB];
	s0 =	simm.s32 @p2 $0x1  }
0x17: {  	s4 =	simm.s32 $0x1BF5;
	[smem:$0x3FB1] =	sst s0  }
0x18: {  	s0 =	sld [smem:$0x3F94];
	_ =	swait.ge [sflag:s4], $0x0  }
0x19: {  	s7 =	sld [smem:$0x3F95]  }
0x1a: {  	s8 =	sadd.s32 $0xFFFFE003, lr  }
0x1b: {  	s9 =	sadd.s32 $0xFFFFFEF7, lr;
	s5 =	simm.s32 $0xFFFFFFFF;
	p2 =	slt.u32 s8, $0xFFFFF086  }
0x1c: {  	p1 =	slt.u32 s9, $0xF7A;
	s5 =	simm.s32 @!p2 $0x0  }
0x1d: {  	s5 =	simm.s32 @p1 $0x1;
	p0 =	seq.s32 s7, s2  }
0x1e: {  	s7 =	smul.u32 @!p0 $0xF7A, s2;
	p2 =	seq.s32 @!p0 s5, $0x0  }
0x1f: {  	s9 =	smul.u32 $0xF7A, s1;
	s8 =	simm.s32 @!p0 $0x1BF5;
	p2 =	por !p2, p0  }
0x20: {  	[sflag:s8] =	ssyncset.s32 @!p0 $0xFFFFF086;
	s6 =	sadd.s32 @!p0 s3, s7;
	s7 =	simm.s32 @!p0 $0x108  }
0x21: {  	s3 =	sadd.s32 s3, s9;
	s6 =	sadd.s32 @!p0 $0x88, s6;
	s7 =	simm.s32 @p2 $0x1082  }
0x22: {  	[simem:s7], [sflag:s8] =	dma.local @!p0 [hbm:s6], $0xF7A  }
0x23: {  	s9 =	sor.u32 $0xD0000000, s2;
	s6 =	simm.s32 $0x108;
	_ =	swait.ge @!p0 [sflag:s8], $0x0  }
0x24: {  	s3 =	sadd.s32 $0x88, s3;
	s6 =	simm.s32 @!p1 $0x1082;
	[sflag:s4] =	ssyncset.s32 $0xFFFFF086  }
0x25: {  	[simem:s6], [sflag:s4] =	dma.local [hbm:s3], $0xF7A  }
0x26: {  	[smem:$0x3F95] =	sst s1;
	(tag) =	ssettag s2;
	_ =	strace s9  }
0x27: {  	s1 =	sld [smem:$0x3FA5]  }
0x28: {  	s2 =	sld [smem:$0x3FA6]  }
0x29: {  	s4 =	sld [smem:$0x3FA8]  }
0x2a: {  	p0 =	seq.s32 s5, $0x0;
	s5 =	sld [smem:$0x3FA9]  }
0x2b: {  	s6 =	sld [smem:$0x3FAA]  }
0x2c: {  	s7 =	sld [smem:$0x3FAB]  }
0x2d: {  	s3 =	simm.s32 $0x108;
	s8 =	sld [smem:$0x3FAC]  }
0x2e: {  	s3 =	simm.s32 @!p0 $0x1082;
	s9 =	sld [smem:$0x3FAD]  }
0x2f: {  	lr =	sadd.s32 s0, s3;
	s0 =	sld [smem:$0x3FA4]  }
0x30: {  	s3 =	sld [smem:$0x3FA7]  }
0x31: {  	[smem:$0x3FB0] =	sst s10  }
0x32: {  	s10 =	sld [smem:$0x3FAE];
	_ =	sdelay $0x3  }
0x33: {  	p0 =	seq.s32 s10, $0x1;
	s10 =	sld [smem:$0x3FB0];
	_ =	sdelay $0x3  }
0x34: {  	[smem:$0x3FB0] =	sst s10  }
0x35: {  	s10 =	sld [smem:$0x3FAF];
	_ =	sdelay $0x3  }
0x36: {  	p1 =	seq.s32 s10, $0x1;
	s10 =	sld [smem:$0x3FB0];
	_ =	sdelay $0x3  }
0x37: {  	[smem:$0x3FB0] =	sst s10  }
0x38: {  	s10 =	sld [smem:$0x3FB1]  }
0x39: {  	_ = 	snop;
	(pc) =	sbr.ind lr, $3  }
0x3a: {  	_ = 	snop  }
0x3b: {  	_ = 	snop  }
0x3c: {  	p2 =	seq.s32 s10, $0x1;
	s10 =	sld [smem:$0x3FB0]  }
0x3d: {  	_ =	shalt  }
0x3e: {  	_ =	shalt  }
0x3f: {  	_ =	shalt  }
0x40: {  	_ =	shalt  }
0x41: {  	_ =	shalt  }
0x42: {  	_ =	shalt  }
0x43: {  	_ =	shalt  }
0x44: {  	_ =	shalt  }
0x45: {  	_ =	shalt  }
0x46: {  	_ =	shalt  }
0x47: {  	_ =	shalt  }
0x48: {  	_ =	shalt  }
0x49: {  	_ =	shalt  }
0x4a: {  	_ =	shalt  }
0x4b: {  	_ =	shalt  }
0x4c: {  	_ =	shalt  }
0x4d: {  	_ =	shalt  }
0x4e: {  	_ =	shalt  }
0x4f: {  	_ =	shalt  }
0x50: {  	_ =	shalt  }
0x51: {  	_ =	shalt  }
0x52: {  	_ =	shalt  }
0x53: {  	_ =	shalt  }
0x54: {  	_ =	shalt  }
0x55: {  	_ =	shalt  }
0x56: {  	_ =	shalt  }
0x57: {  	_ =	shalt  }
0x58: {  	_ =	shalt  }
0x59: {  	_ =	shalt  }
0x5a: {  	_ =	shalt  }
0x5b: {  	_ =	shalt  }
0x5c: {  	_ =	shalt  }
0x5d: {  	_ =	shalt  }
0x5e: {  	_ =	shalt  }
0x5f: {  	_ =	shalt  }
0x60: {  	_ =	shalt  }
0x61: {  	_ =	shalt  }
0x62: {  	_ =	shalt  }
0x63: {  	_ =	shalt  }
0x64: {  	_ =	shalt  }
0x65: {  	_ =	shalt  }
0x66: {  	_ =	shalt  }
0x67: {  	_ =	shalt  }
0x68: {  	_ =	shalt  }
0x69: {  	_ =	shalt  }
0x6a: {  	_ =	shalt  }
0x6b: {  	_ =	shalt  }
0x6c: {  	_ =	shalt  }
0x6d: {  	_ =	shalt  }
0x6e: {  	_ =	shalt  }
0x6f: {  	_ =	shalt  }
0x70: {  	_ =	shalt  }
0x71: {  	_ =	shalt  }
0x72: {  	_ =	shalt  }
0x73: {  	_ =	shalt  }
0x74: {  	_ =	shalt  }
0x75: {  	_ =	shalt  }
0x76: {  	_ =	shalt  }
0x77: {  	_ =	shalt  }
0x78: {  	_ =	shalt  }
0x79: {  	_ =	shalt  }
0x7a: {  	_ =	shalt  }
0x7b: {  	_ =	shalt  }
0x7c: {  	_ =	shalt  }
0x7d: {  	_ =	shalt  }
0x7e: {  	_ =	shalt  }
0x7f: {  	_ =	shalt  }
0x80: {  	_ =	shalt  }
0x81: {  	_ =	shalt  }
0x82: {  	_ =	shalt  }
0x83: {  	_ =	shalt  }
0x84: {  	_ =	shalt  }
0x85: {  	_ =	shalt  }
0x86: {  	_ =	shalt  }
0x87: {  	_ =	shalt  }
.Lfunc_end0:
.L_simem_size_0:
called_computation.4_lowered:
.L_overlay_start_0:
0x88: {  	s2 =	sld [smem:$0x3FD9]  }
0x89: {  	s3 =	sld [smem:$0x3FFE];
	_ =	sdelay $0x1  }
0x8a: {  	s1 =	srdreg.scid  }
0x8b: {  	s0 =	sand.u32 $0x1, s1  }
0x8c: {  	s17 =	sshll.u32 s0, $0xA;
	s2 =	sadd.s32 s3, s2  }
0x8d: {  	s2 =	sadd.s32 s2, s17  }
0x8e: {  	[smem:$0x3FBC] =	sst s2  }
0x8f: {  	_ = 	snop  }
0x90: {  	(tm) =	ssettm $0x1  }
0x91: {  	s18 =	sld [smem:$0x3FFB];
	_ =	sdelay $0x3  }
0x92: {  	_ =	strace s18  }
0x93: {  	s2 =	sld [smem:$0x3FFC];
	_ =	sdelay $0x3  }
0x94: {  	_ =	strace s2  }
0x95: {  	s2 =	sld [smem:$0x3FFD];
	_ =	sdelay $0x3  }
0x96: {  	_ =	strace s2  }
0x97: {  	_ =	strace $0x8FFFFFFF  }
0x98: {  	s19 =	sld [smem:$0x3FDB];
	_ =	sdelay $0x1  }
0x99: {  	s20 =	simm.s32 $_scs_section_size  }
0x9a: {  	s4 =	simm.s32 $_size__tile_overlayer_lowered;
	s5 =	simm.s32 $_tile_overlayer_lowered  }
0x9b: {  	s6 =	simm.s32 $0x1BFF;
	s21 =	sshll.u32 s5, $0x1;
	s3 =	sadd.s32 s20, s19  }
0x9c: {  	s22 =	simm.s32 $0x0;
	s4 =	sshll.u32 s4, $0x1;
	s5 =	sadd.s32 s21, s3  }
0x9d: {  	[timem:s22], [sflag:s6] =	dma.local [hbm:s5], s4  }
0x9e: {  	_ =	swait.ge [sflag:s6], s4  }
0x9f: {  	s4 =	ssub.s32 $0x0, s4;
	[sflag:s6] =	ssyncset.done $0x0  }
0xa0: {  	[sflag:s6] =	ssyncadd.s32 s4;
	_ =	sdelay $0x1  }
0xa1: {  	s23 =	simm.s32 $0x1B8B  }
0xa2: {  	_ =	swait.ge [sflag:s23], $0x1  }
0xa3: {  	[sflag:s23] =	ssyncset.done $0x0  }
0xa4: {  	[sflag:s23] =	ssyncadd.s32 $0xFFFFFFFF  }
0xa5: {  	s4 =	sld [smem:$0x0]  }
0xa6: {  	s5 =	sand.u32 $0xFFFFFFFE, s1  }
0xa7: {  	p0 =	sne.s32 s1, s5  }
0xa8: {  	s5 =	sshll.u32 @p0 s5, $0xE  }
0xa9: {  	s5 =	sadd.s32 @p0 $0x11B8D, s5;
	s6 =	sshll.u32 @p0 s4, $0x11  }
0xaa: {  	s5 =	sor.u32 @p0 s6, s5  }
0xab: {  	[sflag:s5] =	ssyncadd.remote.s32 @p0 $0x1;
	_ =	sdelay $0x1  }
0xac: {  	s5 =	simm.s32 @p0 $0x1B8D  }
0xad: {  	_ =	swait.eq @p0 [sflag:s5], $0x1  }
0xae: {  	[sflag:s5] =	ssyncadd.s32 @p0 $0xFFFFFFFF  }
0xaf: {  	s6 =	sshll.u32 @!p0 s1, $0xE  }
0xb0: {  	s6 =	sor.u32 @!p0 $0x4000, s6;
	s5 =	simm.s32 @!p0 $0x1B8D  }
0xb1: {  	s4 =	sshll.u32 @!p0 s4, $0x11;
	s6 =	sadd.s32 @!p0 $0x11B8D, s6;
	_ =	swait.eq @!p0 [sflag:s5], $0x1  }
0xb2: {  	s4 =	sor.u32 @!p0 s4, s6;
	[sflag:s5] =	ssyncadd.s32 @!p0 $0xFFFFFFFF  }
0xb3: {  	s25 =	simm.s32 $0x1B8E;
	s24 =	sld [smem:$0x3FFE];
	[sflag:s4] =	ssyncadd.remote.s32 @!p0 $0x1  }
0xb4: {  	s26 =	simm.s32 $execute0_lowered;
	[smem:$0x3FD2] =	sst s25  }
0xb5: {  	s5 =	sshll.u32 s26, $0x1;
	_ =	strace $0x80000052;
	[dreg:$0x1] =	wrdreg $0xFFFFFFFF  }
0xb6: {  	s28 =	simm.s32 $_size_execute0_lowered;
	s3 =	sadd.s32 s3, s5;
	[dreg:$0x0] =	wrdreg $0x0  }
0xb7: {  	s5 =	sshll.u32 s28, $0x1;
	[dreg:$0x2] =	wrdreg s3  }
0xb8: {  	[dreg:$0x3] =	wrdreg s5  }
0xb9: {  	[dreg:$0x4] =	wrdreg $0xC0  }
0xba: {  	_ =	task [dreg:s22], $0x5FFFF  }
0xbb: {  	[dreg:$0x1] =	wrdreg $0xFFFFFFFF  }
0xbc: {  	[dreg:$0x0] =	wrdreg $0x60  }
0xbd: {  	[dreg:$0x2] =	wrdreg s24  }
0xbe: {  	[dreg:$0x3] =	wrdreg $0x0  }
0xbf: {  	[dreg:$0x4] =	wrdreg $0xA  }
0xc0: {  	_ =	task.clear_ibuf [dreg:s22], $0x5FFFF;
	_ =	strace $0x90000052  }
0xc1: {  	s29 =	simm.s32 $0xA;
	_ =	strace $0x80000054  }
0xc2: {  	_ =	swait.ge [sflag:s29], $0x1  }
0xc3: {  	[sflag:s29] =	ssyncadd.s32 $0xFFFFFFFF  }
0xc4: {  	_ =	strace $0x90000054  }
0xc5: {  	_ =	sfence  }
0xc6: {  	s30 =	sld [smem:$0x0];
	_ =	sdelay $0x2  }
0xc7: {  	s31 =	sshll.u32 s1, $0xD;
	s1 =	sshrl.u32 s1, $0x2  }
0xc8: {  	s4 =	sand.u32 $0x4000, s31;
	s1 =	sadd.s32 s1, s30  }
0xc9: {  	s0 =	sor.u32 s4, s0;
	s1 =	sshll.u32 s1, $0x11  }
0xca: {  	s0 =	sor.u32 s1, s0  }
0xcb: {  	s0 =	sadd.s32 $0x8F2B, s0  }
0xcc: {  	[sflag:s0] =	ssyncadd.remote.s32 $0x1  }
0xcd: {  	_ =	sfence.sel $0xFFFF  }
0xce: {  	[dreg:$0x0] =	wrdreg $0xFFFFFFFF;
	(pc) =	sbr.abs _section_cstart, $3  }
0xcf: {  	[dreg:$0x1] =	wrdreg $0xFFFFFFFF  }
0xd0: {  	_ =	task.clear_ibuf [dreg:s22], $0x2FFFF;
	_ =	strace $0x9FFFFFFF  }
0xd1: {  	(tm) =	ssettm $0x7FFFFFFF  }
tec
execute0_lowered:
.L_overlay_start_1:
0x0: {  	(tag) =	ssettag $0x1  }
0x1: {  	s0 =	srdreg.scid;
	s5 =	rddreg [dreg:$0x0]  }
0x2: {  	s7 =	stileid.u32;
	s2 =	rddreg [dreg:$0x1]  }
0x3: {  	s30 =	simm.s32 $0x14000;
	s29 =	simm.s32 $0x1CF80;
	s31 =	simm.s32 $0x1  }
0x4: {  	s0 =	sand.u32 $0x1, s0;
	s1 =	sshll.u32 s7, $0x1;
	s11 =	smul.u32 $0x280, s7  }
0x5: {  	s3 =	sshrl.u32 s7, $0x2;
	s17 =	sadd.s32 $0x45400, s5;
	s18 =	smul.u32 $0x50000, s7  }
0x6: {  	s1 =	sor.u32 s0, s1;
	s4 =	smul.u32 $0x13C00, s3;
	s3 =	simm.s32 $0x0  }
0x7: {  	s19 =	ssub.s32 $0x2, s0;
	s0 =	smul.u32 $0x2800, s0;
	s6 =	sshll.u32 s1, $0x7  }
0x8: {  	[smem:$0x7FF] =	sst s3;
	s1 =	sshll.u32 s1, $0xB;
	s12 =	sor.u32 $0x50, s11  }
0x9: {  	s8 =	sshrl.u32 s19, $0x1;
	s13 =	sadd.s32 $0xA0, s11;
	s16 =	sadd.s32 $0xF0, s11  }
0xa: {  	s22 =	sadd.s32 $0x230, s11;
	s6 =	sand.u32 $0x380, s6;
	_ =	strace $0x80000053  }
0xb: {  	s1 =	sadd.s32 s1, s5;
	[dreg:$0x3] =	wrdreg s17;
	s9 =	sshll.u32 s12, $0x7  }
0xc: {  	s15 =	ssub.s32 s19, s8;
	s17 =	sadd.s32 $0x140, s11;
	s20 =	sshll.u32 s13, $0x7  }
0xd: {  	s21 =	sshll.u32 s16, $0x7;
	s19 =	sadd.s32 $0x1E0, s11;
	s23 =	sadd.s32 s11, s0  }
0xe: {  	s24 =	sadd.s32 s0, s12;
	s25 =	sadd.s32 s0, s13;
	s16 =	sadd.s32 s0, s16  }
0xf: {  	s6 =	sor.u32 s4, s6;
	s4 =	sadd.s32 $0x2E00, s5;
	s7 =	sadd.s32 s9, s2  }
0x10: {  	s10 =	sshll.u32 s17, $0x7;
	s8 =	sadd.s32 s20, s2;
	s9 =	sadd.s32 s21, s2  }
0x11: {  	s21 =	sshll.u32 s19, $0x7;
	s17 =	sadd.s32 s0, s17;
	s28 =	sadd.s32 s0, s19  }
0x12: {  	s19 =	sshll.u32 s24, $0x4;
	s1 =	sadd.s32 $0x35400, s1;
	s6 =	sshrl.u32 s6, $0x3  }
0x13: {  	s10 =	sadd.s32 s10, s2;
	s12 =	sadd.s32 s21, s2;
	[dreg:$0x5] =	wrdreg s1  }
0x14: {  	s24 =	sshll.u32 s17, $0x4;
	s14 =	sadd.s32 s6, s5;
	s6 =	sshrl.u32 s18, $0x2  }
0x15: {  	s5 =	sadd.s32 $0x6CC00, s5;
	s18 =	sadd.s32 $0x190, s11;
	s6 =	sadd.s32 s6, s2  }
0x16: {  	s20 =	sshll.u32 s18, $0x7;
	s26 =	sadd.s32 s0, s18;
	s0 =	sadd.s32 s0, s22  }
0x17: {  	s22 =	sshll.u32 s22, $0x7;
	s14 =	sadd.s32 $0x2B600, s14;
	s18 =	sshll.u32 s23, $0x4  }
0x18: {  	s21 =	sadd.s32 s5, s19;
	s23 =	sshll.u32 s16, $0x4;
	s11 =	sadd.s32 s20, s2  }
0x19: {  	s13 =	sadd.s32 s22, s2;
	[dreg:$0x4] =	wrdreg s14;
	s20 =	sadd.s32 s5, s18  }
0x1a: {  	[dreg:$0x7] =	wrdreg s21;
	s22 =	sshll.u32 s25, $0x4;
	s19 =	sadd.s32 s5, s23  }
0x1b: {  	s25 =	sshll.u32 s26, $0x4;
	s26 =	sshll.u32 s28, $0x4;
	s0 =	sshll.u32 s0, $0x4  }
0x1c: {  	s28 =	simm.s32 $0x2;
	s14 =	simm.s32 $0x0;
	[dreg:$0x6] =	wrdreg s20  }
0x1d: {  	s1 =	sadd.s32 s5, s22;
	s20 =	sadd.s32 s5, s24;
	s21 =	sadd.s32 s5, s25  }
0x1e: {  	s22 =	sadd.s32 s5, s26;
	s23 =	sadd.s32 s5, s0;
	s24 =	smax.u32 s15, $0x1  }
0x1f: {  	s25 =	simm.s32 $0x1A780;
	s26 =	simm.s32 $0x4;
	s0 =	simm.s32 $0x50  }
0x20: {  	s5 =	simm.s32 $0x166C0;
	[dreg:$0x8] =	wrdreg s1;
	s1 =	simm.s32 $0x3  }
.LBB2_1:
0x21: {  	s15 =	rddreg [dreg:$0x3]  }
0x22: {  	[tilespmem:s25], [sflag:$0x4] =	stream.linear.gather [hbm4b:s15+s3], $0x2800, $0x38;
	[tilespmem:$0x1F780] =	vst v63  }
0x23: {  	_ =	swait.ge [sflag:s26], $0x2800  }
0x24: {  	[sflag:s26] =	ssyncset.done $0x0  }
0x25: {  	[sflag:s26] =	ssyncadd.s32 $0xFFFFD800  }
0x26: {  	[spmem:s6] =	stream.linear.scatter [tilespmem:s25], [sflag:$0x3], $0x2800, $0x38;
	[tilespmem:$0x1F780] =	vst v63  }
0x27: {  	_ = 	snop  }
0x28: {  	[spmem:s7] =	stream.linear.scatter [tilespmem:s25], [sflag:$0x3], $0x2800, $0x38;
	[tilespmem:$0x1F780] =	vst v63  }
0x29: {  	_ = 	snop  }
0x2a: {  	[spmem:s8] =	stream.linear.scatter [tilespmem:s25], [sflag:$0x3], $0x2800, $0x38;
	[tilespmem:$0x1F780] =	vst v63  }
0x2b: {  	_ = 	snop  }
0x2c: {  	[spmem:s9] =	stream.linear.scatter [tilespmem:s25], [sflag:$0x3], $0x2800, $0x38;
	[tilespmem:$0x1F780] =	vst v63  }
0x2d: {  	_ = 	snop  }
0x2e: {  	[spmem:s10] =	stream.linear.scatter [tilespmem:s25], [sflag:$0x3], $0x2800, $0x38;
	[tilespmem:$0x1F780] =	vst v63  }
0x2f: {  	_ = 	snop  }
0x30: {  	[spmem:s11] =	stream.linear.scatter [tilespmem:s25], [sflag:$0x3], $0x2800, $0x38;
	[tilespmem:$0x1F780] =	vst v63  }
0x31: {  	_ = 	snop  }
0x32: {  	[spmem:s12] =	stream.linear.scatter [tilespmem:s25], [sflag:$0x3], $0x2800, $0x38;
	[tilespmem:$0x1F780] =	vst v63  }
0x33: {  	_ = 	snop  }
0x34: {  	[spmem:s13] =	stream.linear.scatter [tilespmem:s25], [sflag:$0x3], $0x2800, $0x38;
	[tilespmem:$0x1F780] =	vst v63  }
0x35: {  	s16 =	simm.s32 $0x80;
	s17 =	simm.s32 $0x400;
	s18 =	rddreg [dreg:$0x4]  }
0x36: {  	[tilespmem:s30], [sflag:$0x4] =	stream.strided.gather [hbm4b:s18+s16], $0x2780, s17, s16, $0x38;
	[tilespmem:$0x1F780] =	vst v63  }
0x37: {  	_ =	swait.ge [sflag:s26], $0x2780  }
0x38: {  	[sflag:s26] =	ssyncset.done $0x0  }
0x39: {  	s17 =	simm.s32 $0x16780;
	s16 =	rddreg [dreg:$0x5];
	[sflag:s26] =	ssyncadd.s32 $0xFFFFD880  }
0x3a: {  	[tilespmem:s17], [sflag:$0x4] =	stream.linear.gather [hbm4b:s16+s3], $0x3E80, $0x38;
	[tilespmem:$0x1F780] =	vst v63  }
0x3b: {  	_ =	swait.ge [sflag:s26], $0x3E80  }
0x3c: {  	[sflag:s26] =	ssyncset.done $0x0  }
0x3d: {  	[sflag:s26] =	ssyncadd.s32 $0xFFFFC180  }
0x3e: {  	_ =	swait.ge [sflag:s1], $0x2800  }
0x3f: {  	[sflag:s1] =	ssyncset.done $0x0  }
0x40: {  	[sflag:s1] =	ssyncadd.s32 $0xFFFFD800  }
0x41: {  	_ =	swait.ge [sflag:s1], $0x2800  }
0x42: {  	[sflag:s1] =	ssyncset.done $0x0  }
0x43: {  	[sflag:s1] =	ssyncadd.s32 $0xFFFFD800  }
0x44: {  	_ =	swait.ge [sflag:s1], $0x2800  }
0x45: {  	[sflag:s1] =	ssyncset.done $0x0  }
0x46: {  	[sflag:s1] =	ssyncadd.s32 $0xFFFFD800  }
0x47: {  	_ =	swait.ge [sflag:s1], $0x2800  }
0x48: {  	[sflag:s1] =	ssyncset.done $0x0  }
0x49: {  	[sflag:s1] =	ssyncadd.s32 $0xFFFFD800  }
0x4a: {  	_ =	swait.ge [sflag:s1], $0x2800  }
0x4b: {  	[sflag:s1] =	ssyncset.done $0x0  }
0x4c: {  	[sflag:s1] =	ssyncadd.s32 $0xFFFFD800  }
0x4d: {  	_ =	swait.ge [sflag:s1], $0x2800  }
0x4e: {  	[sflag:s1] =	ssyncset.done $0x0  }
0x4f: {  	[sflag:s1] =	ssyncadd.s32 $0xFFFFD800  }
0x50: {  	_ =	swait.ge [sflag:s1], $0x2800  }
0x51: {  	[sflag:s1] =	ssyncset.done $0x0  }
0x52: {  	[sflag:s1] =	ssyncadd.s32 $0xFFFFD800  }
0x53: {  	_ =	swait.ge [sflag:s1], $0x2800  }
0x54: {  	[sflag:s1] =	ssyncset.done $0x0  }
0x55: {  	[sflag:s1] =	ssyncadd.s32 $0xFFFFD800  }
0x56: {  	[bflag:$0x0] =	sbarrier.arrive $0xFFFF  }
0x57: {  	[tilespmem:s25], [sflag:$0x1] =	stream.indirect.gather [hbm4b:s4+s0], $0x80, s30, s0, $0xb8;
	[tilespmem:$0x1F780] =	vst v63  }
0x58: {  	s18 =	simm.s32 $0x14050  }
0x59: {  	[tilespmem:s29], [sflag:$0x2] =	stream.indirect.gather [hbm4b:s4+s0], $0x80, s18, s0, $0xb8;
	[tilespmem:$0x1F780] =	vst v63  }
0x5a: {  	_ =	swait.ge [sflag:s31], $0x2800  }
0x5b: {  	[sflag:s31] =	ssyncset.done $0x0  }
0x5c: {  	s16 =	simm.s32 $0x16780;
	[sflag:s31] =	ssyncadd.s32 $0xFFFFD800  }
0x5d: {  	[spmem:s2] =	stream.indirect.scatter.add.f32 [tilespmem:s25], [sflag:$0x4], $0x80, s16, s0, $0xb8;
	[tilespmem:$0x1F780] =	vst v63  }
0x5e: {  	_ =	swait.ge [sflag:s26], $0x2800  }
0x5f: {  	[sflag:s26] =	ssyncset.done $0x0  }
0x60: {  	s17 =	simm.s32 $0x140A0;
	[sflag:s26] =	ssyncadd.s32 $0xFFFFD800  }
0x61: {  	[tilespmem:s25], [sflag:$0x1] =	stream.indirect.gather [hbm4b:s4+s0], $0x80, s17, s0, $0xb8;
	[tilespmem:$0x1F780] =	vst v63  }
0x62: {  	_ =	swait.ge [sflag:s28], $0x2800  }
0x63: {  	[sflag:s28] =	ssyncset.done $0x0  }
0x64: {  	s18 =	simm.s32 $0x16800;
	[sflag:s28] =	ssyncadd.s32 $0xFFFFD800  }
0x65: {  	[spmem:s2] =	stream.indirect.scatter.add.f32 [tilespmem:s29], [sflag:$0x4], $0x80, s18, s0, $0xb8;
	[tilespmem:$0x1F780] =	vst v63  }
0x66: {  	_ =	swait.ge [sflag:s26], $0x2800  }
0x67: {  	s15 =	simm.s32 $0x400;
	[sflag:s26] =	ssyncset.done $0x0  }
0x68: {  	s16 =	simm.s32 $0x14140;
	s17 =	simm.s32 $0x140F0;
	[sflag:s26] =	ssyncadd.s32 $0xFFFFD800  }
.LBB2_2:
0x69: {  	[tilespmem:s29], [sflag:$0x2] =	stream.indirect.gather [hbm4b:s4+s0], $0x80, s17, s0, $0xb8;
	[tilespmem:$0x1F780] =	vst v63  }
0x6a: {  	s17 =	smov.u32 s15  }
0x6b: {  	p0 =	sne.s32 s15, $0xF000;
	s15 =	sadd.s32 $0x400, s15;
	_ =	swait.ge [sflag:s31], $0x2800  }
0x6c: {  	s17 =	sshra.s32 s17, $0x2;
	[sflag:s31] =	ssyncset.done $0x0  }
0x6d: {  	s18 =	sadd.s32 $0x16780, s17;
	[sflag:s31] =	ssyncadd.s32 $0xFFFFD800  }
0x6e: {  	[spmem:s2] =	stream.indirect.scatter.add.f32 [tilespmem:s25], [sflag:$0x4], $0x80, s18, s0, $0xb8;
	[tilespmem:$0x1F780] =	vst v63  }
0x6f: {  	_ =	swait.ge [sflag:s26], $0x2800  }
0x70: {  	[sflag:s26] =	ssyncset.done $0x0  }
0x71: {  	[sflag:s26] =	ssyncadd.s32 $0xFFFFD800  }
0x72: {  	[tilespmem:s25], [sflag:$0x1] =	stream.indirect.gather [hbm4b:s4+s0], $0x80, s16, s0, $0xb8;
	[tilespmem:$0x1F780] =	vst v63  }
0x73: {  	_ =	swait.ge [sflag:s28], $0x2800  }
0x74: {  	[sflag:s28] =	ssyncset.done $0x0  }
.Ltmp0:
0x75: {  	s17 =	sadd.s32 $0x16800, s17;
	[sflag:s28] =	ssyncadd.s32 $0xFFFFD800;
	(pc) =	sbr.rel @p0 .LBB2_2-.Ltmp0, $4  }
0x76: {  	[spmem:s2] =	stream.indirect.scatter.add.f32 [tilespmem:s29], [sflag:$0x4], $0x80, s17, s0, $0xb8;
	[tilespmem:$0x1F780] =	vst v63  }
0x77: {  	_ =	swait.ge [sflag:s26], $0x2800  }
0x78: {  	[sflag:s26] =	ssyncset.done $0x0  }
0x79: {  	s17 =	sadd.s32 $0x50, s16;
	s16 =	sadd.s32 $0xA0, s16;
	[sflag:s26] =	ssyncadd.s32 $0xFFFFD800  }
0x7a: {  	[tilespmem:s29], [sflag:$0x2] =	stream.indirect.gather [hbm4b:s4+s0], $0x80, s17, s0, $0xb8;
	[tilespmem:$0x1F780] =	vst v63  }
0x7b: {  	_ =	swait.ge [sflag:s31], $0x2800  }
0x7c: {  	[sflag:s31] =	ssyncset.done $0x0  }
0x7d: {  	s15 =	simm.s32 $0x1A480;
	[sflag:s31] =	ssyncadd.s32 $0xFFFFD800  }
0x7e: {  	[spmem:s2] =	stream.indirect.scatter.add.f32 [tilespmem:s25], [sflag:$0x4], $0x80, s15, s0, $0xb8;
	[tilespmem:$0x1F780] =	vst v63  }
0x7f: {  	_ =	swait.ge [sflag:s26], $0x2800  }
0x80: {  	[sflag:s26] =	ssyncset.done $0x0  }
0x81: {  	[sflag:s26] =	ssyncadd.s32 $0xFFFFD800  }
0x82: {  	[tilespmem:s25], [sflag:$0x1] =	stream.indirect.gather [hbm4b:s4+s0], $0x80, s5, s0, $0xb8;
	[tilespmem:$0x1F780] =	vst v63  }
0x83: {  	_ =	swait.ge [sflag:s28], $0x2800  }
0x84: {  	[sflag:s28] =	ssyncset.done $0x0  }
0x85: {  	s17 =	simm.s32 $0x1A500;
	[sflag:s28] =	ssyncadd.s32 $0xFFFFD800  }
0x86: {  	[spmem:s2] =	stream.indirect.scatter.add.f32 [tilespmem:s29], [sflag:$0x4], $0x80, s17, s0, $0xb8;
	[tilespmem:$0x1F780] =	vst v63  }
0x87: {  	_ =	swait.ge [sflag:s26], $0x2800  }
0x88: {  	[sflag:s26] =	ssyncset.done $0x0  }
0x89: {  	[sflag:s26] =	ssyncadd.s32 $0xFFFFD800  }
0x8a: {  	[tilespmem:s29], [sflag:$0x2] =	stream.indirect.gather [hbm4b:s4+s0], $0x80, s5, s0, $0xb8;
	[tilespmem:$0x1F780] =	vst v63  }
0x8b: {  	_ =	swait.ge [sflag:s31], $0x2800  }
0x8c: {  	[sflag:s31] =	ssyncset.done $0x0  }
0x8d: {  	s18 =	simm.s32 $0x1A580;
	[sflag:s31] =	ssyncadd.s32 $0xFFFFD800  }
0x8e: {  	[spmem:s2] =	stream.indirect.scatter.add.f32 [tilespmem:s25], [sflag:$0x4], $0x80, s18, s0, $0xb8;
	[tilespmem:$0x1F780] =	vst v63  }
0x8f: {  	_ =	swait.ge [sflag:s26], $0x2800  }
0x90: {  	[sflag:s26] =	ssyncset.done $0x0  }
0x91: {  	[sflag:s26] =	ssyncadd.s32 $0xFFFFD800  }
0x92: {  	_ =	swait.ge [sflag:s28], $0x2800  }
0x93: {  	[sflag:s28] =	ssyncset.done $0x0  }
0x94: {  	[sflag:s28] =	ssyncadd.s32 $0xFFFFD800  }
0x95: {  	[bflag:$0x0] =	sbarrier.arrive $0xFFFF  }
0x96: {  	[tilespmem:s25], [sflag:$0x4] =	stream.linear.gather [spmem:s6], $0x2800, $0x38;
	[tilespmem:$0x1F780] =	vst v63  }
0x97: {  	_ =	swait.ge [sflag:s26], $0x2800  }
0x98: {  	[sflag:s26] =	ssyncset.done $0x0  }
0x99: {  	s16 =	rddreg [dreg:$0x6];
	[sflag:s26] =	ssyncadd.s32 $0xFFFFD800  }
0x9a: {  	[hbm4b:s16+s3] =	stream.linear.scatter [tilespmem:s25], [sflag:$0x3], $0x2800, $0x38;
	[tilespmem:$0x1F780] =	vst v63  }
0x9b: {  	_ = 	snop  }
0x9c: {  	[tilespmem:s29], [sflag:$0x4] =	stream.linear.gather [spmem:s7], $0x2800, $0x38;
	[tilespmem:$0x1F780] =	vst v63  }
0x9d: {  	_ =	swait.ge [sflag:s26], $0x2800  }
0x9e: {  	[sflag:s26] =	ssyncset.done $0x0  }
0x9f: {  	s17 =	rddreg [dreg:$0x7];
	[sflag:s26] =	ssyncadd.s32 $0xFFFFD800  }
0xa0: {  	[hbm4b:s17+s3] =	stream.linear.scatter [tilespmem:s29], [sflag:$0x3], $0x2800, $0x38;
	[tilespmem:$0x1F780] =	vst v63  }
0xa1: {  	_ =	swait.ge [sflag:s1], $0x2800  }
0xa2: {  	[sflag:s1] =	ssyncset.done $0x0  }
0xa3: {  	[sflag:s1] =	ssyncadd.s32 $0xFFFFD800  }
0xa4: {  	[tilespmem:s25], [sflag:$0x4] =	stream.linear.gather [spmem:s8], $0x2800, $0x38;
	[tilespmem:$0x1F780] =	vst v63  }
0xa5: {  	_ =	swait.ge [sflag:s26], $0x2800  }
0xa6: {  	[sflag:s26] =	ssyncset.done $0x0  }
0xa7: {  	s18 =	rddreg [dreg:$0x8];
	[sflag:s26] =	ssyncadd.s32 $0xFFFFD800  }
0xa8: {  	[hbm4b:s18+s3] =	stream.linear.scatter [tilespmem:s25], [sflag:$0x3], $0x2800, $0x38;
	[tilespmem:$0x1F780] =	vst v63  }
0xa9: {  	_ =	swait.ge [sflag:s1], $0x2800  }
0xaa: {  	[sflag:s1] =	ssyncset.done $0x0  }
0xab: {  	[sflag:s1] =	ssyncadd.s32 $0xFFFFD800  }
0xac: {  	[tilespmem:s29], [sflag:$0x4] =	stream.linear.gather [spmem:s9], $0x2800, $0x38;
	[tilespmem:$0x1F780] =	vst v63  }
0xad: {  	_ =	swait.ge [sflag:s26], $0x2800  }
0xae: {  	[sflag:s26] =	ssyncset.done $0x0  }
0xaf: {  	[sflag:s26] =	ssyncadd.s32 $0xFFFFD800  }
0xb0: {  	[hbm4b:s19+s3] =	stream.linear.scatter [tilespmem:s29], [sflag:$0x3], $0x2800, $0x38;
	[tilespmem:$0x1F780] =	vst v63  }
0xb1: {  	_ =	swait.ge [sflag:s1], $0x2800  }
0xb2: {  	[sflag:s1] =	ssyncset.done $0x0  }
0xb3: {  	[sflag:s1] =	ssyncadd.s32 $0xFFFFD800  }
0xb4: {  	[tilespmem:s25], [sflag:$0x4] =	stream.linear.gather [spmem:s10], $0x2800, $0x38;
	[tilespmem:$0x1F780] =	vst v63  }
0xb5: {  	_ =	swait.ge [sflag:s26], $0x2800  }
0xb6: {  	[sflag:s26] =	ssyncset.done $0x0  }
0xb7: {  	[sflag:s26] =	ssyncadd.s32 $0xFFFFD800  }
0xb8: {  	[hbm4b:s20+s3] =	stream.linear.scatter [tilespmem:s25], [sflag:$0x3], $0x2800, $0x38;
	[tilespmem:$0x1F780] =	vst v63  }
0xb9: {  	_ =	swait.ge [sflag:s1], $0x2800  }
0xba: {  	[sflag:s1] =	ssyncset.done $0x0  }
0xbb: {  	[sflag:s1] =	ssyncadd.s32 $0xFFFFD800  }
0xbc: {  	[tilespmem:s29], [sflag:$0x4] =	stream.linear.gather [spmem:s11], $0x2800, $0x38;
	[tilespmem:$0x1F780] =	vst v63  }
0xbd: {  	_ =	swait.ge [sflag:s26], $0x2800  }
0xbe: {  	[sflag:s26] =	ssyncset.done $0x0  }
0xbf: {  	[sflag:s26] =	ssyncadd.s32 $0xFFFFD800  }
0xc0: {  	[hbm4b:s21+s3] =	stream.linear.scatter [tilespmem:s29], [sflag:$0x3], $0x2800, $0x38;
	[tilespmem:$0x1F780] =	vst v63  }
0xc1: {  	_ =	swait.ge [sflag:s1], $0x2800  }
0xc2: {  	[sflag:s1] =	ssyncset.done $0x0  }
0xc3: {  	[sflag:s1] =	ssyncadd.s32 $0xFFFFD800  }
0xc4: {  	[tilespmem:s25], [sflag:$0x4] =	stream.linear.gather [spmem:s12], $0x2800, $0x38;
	[tilespmem:$0x1F780] =	vst v63  }
0xc5: {  	_ =	swait.ge [sflag:s26], $0x2800  }
0xc6: {  	[sflag:s26] =	ssyncset.done $0x0  }
0xc7: {  	[sflag:s26] =	ssyncadd.s32 $0xFFFFD800  }
0xc8: {  	[hbm4b:s22+s3] =	stream.linear.scatter [tilespmem:s25], [sflag:$0x3], $0x2800, $0x38;
	[tilespmem:$0x1F780] =	vst v63  }
0xc9: {  	_ =	swait.ge [sflag:s1], $0x2800  }
0xca: {  	[sflag:s1] =	ssyncset.done $0x0  }
0xcb: {  	[sflag:s1] =	ssyncadd.s32 $0xFFFFD800  }
0xcc: {  	[tilespmem:s29], [sflag:$0x4] =	stream.linear.gather [spmem:s13], $0x2800, $0x38;
	[tilespmem:$0x1F780] =	vst v63  }
0xcd: {  	_ =	swait.ge [sflag:s26], $0x2800  }
0xce: {  	[sflag:s26] =	ssyncset.done $0x0  }
0xcf: {  	s14 =	sadd.s32 $0x1, s14;
	[sflag:s26] =	ssyncadd.s32 $0xFFFFD800  }
0xd0: {  	[hbm4b:s23+s3] =	stream.linear.scatter [tilespmem:s29], [sflag:$0x3], $0x2800, $0x38;
	[tilespmem:$0x1F780] =	vst v63  }
0xd1: {  	p0 =	sne.s32 s14, s24;
	_ =	swait.ge [sflag:s1], $0x2800  }
.Ltmp1:
0xd2: {  	[sflag:s1] =	ssyncset.done $0x0;
	(pc) =	sbr.rel @p0 .LBB2_1-.Ltmp1, $4  }
0xd3: {  	[sflag:s1] =	ssyncadd.s32 $0xFFFFD800  }
0xd4: {  	_ =	swait.ge [sflag:s1], $0x2800  }
0xd5: {  	[sflag:s1] =	ssyncset.done $0x0  }
0xd6: {  	[sflag:s1] =	ssyncadd.s32 $0xFFFFD800  }
0xd7: {  	_ =	sfence.sel $0x180000  }
0xd8: {  	[bflag:$0x0] =	sbarrier.arrive $0xFFFF  }
0xd9: {  	_ =	strace $0x90000053  }
0xda: {  	s0 =	stileid.u32;
	[bflag:$0x2] =	sbarrier.arrive $0xFFFF  }
0xdb: {  	p0 =	sne.s32 s0, $0x0;
	s0 =	rddreg [dreg:$0x2]  }
0xdc: {  	s0 =	sadd.s32 @!p0 $0x100000, s0  }
0xdd: {  	[sflag:s0] =	ssyncadd.tile.s32 @!p0 $0x1;
	_ =	shalt  }
.Lfunc_end2:
_tile_overlayer_lowered:
.L_overlay_start_2:
0xde: {  	(tag) =	ssettag $0x2  }
0xdf: {  	s0 =	rddreg [dreg:$0x0];
	s2 =	stileid.u32  }
0xe0: {  	s1 =	rddreg [dreg:$0x1];
	p0 =	sne.s32 s2, $0x0  }
0xe1: {  	s3 =	rddreg [dreg:$0x2];
	[bflag:$0x3] =	sbarrier.arrive $0xFFFF;
	s2 =	simm.s32 @!p0 $0x1C04  }
0xe2: {  	[timem:s3], [sflag:s2] =	dma.local @!p0 [hbm:s0], s1  }
0xe3: {  	s0 =	simm.s32 @!p0 $0x4  }
0xe4: {  	_ =	swait.ge @!p0 [sflag:s0], s1  }
0xe5: {  	s1 =	ssub.s32 @!p0 $0x0, s1;
	[sflag:s0] =	ssyncset.done @!p0 $0x0  }
0xe6: {  	[sflag:s0] =	ssyncadd.s32 @!p0 s1  }
0xe7: {  	[bflag:$0x3] =	sbarrier.arrive $0xFFFF  }
0xe8: {  	_ =	shalt  }

</sc_bundles>
